<compile_context>
chip_gen: v7x
topology: tpu7x:2x2x1
jax: 0.10.2.dev20260603
libtpu: 0.0.44.dev20260713+nightly
codegen_flags: <defaults>
</compile_context>

<pallas_src>
import functools

import jax
import jax.numpy as jnp
from jax import lax
from jax.experimental import pallas as pl
from jax.experimental.pallas import tpu as pltpu
from jax.experimental.pallas import tpu_sc as plsc

NC = 2
NS = 16
NW = NC * NS
D = 64
TB = 128
NBUF = 4


def _gather_kernel(S, T):
    n_tb = T // TB
    B = S * T
    bw = B // NW
    n_ch = bw // TB
    assert bw % TB == 0 and n_ch % NBUF == 0
    mesh = plsc.VectorSubcoreMesh(
        core_axis_name="c", subcore_axis_name="s",
        num_cores=NC, num_subcores=NS)

    @functools.partial(
        pl.kernel,
        out_type=jax.ShapeDtypeStruct((S, D // 8, n_tb, 8, TB), jnp.float32),
        mesh=mesh,
        compiler_params=pltpu.CompilerParams(
            use_tc_tiling_on_sc=False, needs_layout_passes=False),
        scratch_types=(
            [pltpu.VMEM((n_ch * TB,), jnp.int32)]
            + [pltpu.VMEM((TB, D), jnp.float32) for _ in range(NBUF)]
            + [pltpu.VMEM((D, TB + 1), jnp.float32) for _ in range(NBUF)]
            + [pltpu.SemaphoreType.DMA for _ in range(2 * NBUF)]
        ),
    )
    def body(idx_hbm, table_hbm, out_hbm, idx_all, *bufs):
        rows = bufs[0:NBUF]
        tbufs = bufs[NBUF:2 * NBUF]
        gsems = bufs[2 * NBUF:3 * NBUF]
        wsems = bufs[3 * NBUF:4 * NBUF]
        wid = lax.axis_index("s") * NC + lax.axis_index("c")
        base_q = wid * n_ch

        iot = lax.iota(jnp.int32, 16)
        fidx = [fb * 16 + iot for fb in range(D // 16)]

        pltpu.sync_copy(idx_hbm.at[pl.ds(base_q * TB, n_ch * TB)], idx_all)

        for b in range(NBUF):
            pltpu.async_copy(
                table_hbm.at[idx_all.at[pl.ds(b * TB, TB)]],
                rows[b], gsems[b])

        def step(grp, _):
            for b in range(NBUF):
                i = grp * NBUF + b
                q = base_q + i
                j = q // n_tb
                t = q % n_tb
                pltpu.make_async_copy(
                    table_hbm.at[idx_all.at[pl.ds(i * TB, TB)]],
                    rows[b], gsems[b]).wait()

                @pl.when(i >= NBUF)
                def _():
                    for g in range(D // 8):
                        pltpu.make_async_copy(
                            tbufs[b].at[pl.ds(g * 8, 8), pl.ds(0, TB)],
                            out_hbm.at[j, g, t], wsems[b]).wait()

                def tloop(c, _c):
                    csp = iot * 0 + c
                    for fb in range(D // 16):
                        v = rows[b][c, pl.ds(fb * 16, 16)]
                        plsc.store_scatter(tbufs[b], [fidx[fb], csp], v)
                    return _c

                lax.fori_loop(0, TB, tloop, None, unroll=8)

                for g in range(D // 8):
                    pltpu.async_copy(
                        tbufs[b].at[pl.ds(g * 8, 8), pl.ds(0, TB)],
                        out_hbm.at[j, g, t], wsems[b])

                @pl.when(i + NBUF < n_ch)
                def _():
                    pltpu.async_copy(
                        table_hbm.at[idx_all.at[pl.ds((i + NBUF) * TB, TB)]],
                        rows[b], gsems[b])
            return _

        lax.fori_loop(0, n_ch // NBUF, step, None)

        for b in range(NBUF):
            q = base_q + n_ch - NBUF + b
            j = q // n_tb
            t = q % n_tb
            for g in range(D // 8):
                pltpu.make_async_copy(
                    tbufs[b].at[pl.ds(g * 8, 8), pl.ds(0, TB)],
                    out_hbm.at[j, g, t], wsems[b]).wait()

    return body


def kernel(token_ids, embedding):
    T, S = token_ids.shape
    B = T * S
    idx = jnp.reshape(token_ids.T, (B,)).astype(jnp.int32)
    out5 = _gather_kernel(S, T)(idx, embedding)
    return jnp.reshape(jnp.transpose(out5, (2, 4, 0, 1, 3)), (T, S, D))

# --- scband reference (transcript-rebuilt; emitter-appended) ---
"""Pipeline reference for scband-embedding-59742995087745 (READ-ONLY COPY).

The authoritative reference and input builder live on the scoring server;
editing this copy changes nothing except your own understanding.
"""

import jax, jax.numpy as jnp
import numpy as np

NUM_EMBEDDINGS = 1000000
EMBEDDING_DIM = 64

def setup_inputs(seed: int = 0) -> dict:
    key = jax.random.key(seed)
    k_idx, k_emb = jax.random.split(key)
    token_ids = jax.random.randint(k_idx, (16384, 100), 0, NUM_EMBEDDINGS, dtype=jnp.int64 if jax.config.jax_enable_x64 else jnp.int32)
    # truncated normal init with std=0.02, matching nn.init.trunc_normal_
    embedding = 0.02 * jax.random.truncated_normal(k_emb, -2.0, 2.0, (NUM_EMBEDDINGS, EMBEDDING_DIM), dtype=jnp.float32)
    return {"token_ids": token_ids, "embedding": embedding}

def reference(token_ids, embedding):
    # Faithful translation of: return self.embedding[token_ids]
    return jnp.take(embedding, token_ids, axis=0)

if __name__ == "__main__":
    import jax
    _d = setup_inputs()
    print(jax.jit(kernel)(*tuple(_d.values())))

</pallas_src>

<mosaic_0001>
#map = affine_map<(d0, d1) -> (0)>
#map1 = affine_map<(d0, d1) -> (0, 0)>
#map2 = affine_map<(d0, d1) -> (0, 0, 0, 0, 0)>
module attributes {stable_mosaic.version = 14 : i64} {
  func.func @body(%arg0: i32, %arg1: i32, %arg2: memref<1638400xi32, #tpu.memory_space<hbm>>, %arg3: memref<1000000x64xf32, #tpu.memory_space<hbm>>, %arg4: memref<100x8x128x8x128xf32, #tpu.memory_space<hbm>>, %arg5: memref<51200xi32, #tpu.memory_space<vmem>>, %arg6: memref<128x64xf32, #tpu.memory_space<vmem>>, %arg7: memref<128x64xf32, #tpu.memory_space<vmem>>, %arg8: memref<128x64xf32, #tpu.memory_space<vmem>>, %arg9: memref<128x64xf32, #tpu.memory_space<vmem>>, %arg10: memref<64x129xf32, #tpu.memory_space<vmem>>, %arg11: memref<64x129xf32, #tpu.memory_space<vmem>>, %arg12: memref<64x129xf32, #tpu.memory_space<vmem>>, %arg13: memref<64x129xf32, #tpu.memory_space<vmem>>, %arg14: memref<!tpu.dma_semaphore, #tpu.memory_space<semaphore_mem>>, %arg15: memref<!tpu.dma_semaphore, #tpu.memory_space<semaphore_mem>>, %arg16: memref<!tpu.dma_semaphore, #tpu.memory_space<semaphore_mem>>, %arg17: memref<!tpu.dma_semaphore, #tpu.memory_space<semaphore_mem>>, %arg18: memref<!tpu.dma_semaphore, #tpu.memory_space<semaphore_mem>>, %arg19: memref<!tpu.dma_semaphore, #tpu.memory_space<semaphore_mem>>, %arg20: memref<!tpu.dma_semaphore, #tpu.memory_space<semaphore_mem>>, %arg21: memref<!tpu.dma_semaphore, #tpu.memory_space<semaphore_mem>>) attributes {dimension_semantics = [#tpu.dimension_semantics<core_parallel>, #tpu.dimension_semantics<subcore_parallel>], iteration_bounds = array<i64: 2, 16>, scalar_prefetch = 0 : i64, scratch_operands = 17 : i64, tpu.core_type = #tpu.core_type<sc_vector_subcore>, window_params = [{transform_indices = #map}, {transform_indices = #map1}, {transform_indices = #map2}]} {
    %mul3A = arith.constant 2 : i32
    %mul3A_0 = arith.muli %arg1, %mul3A : i32
    %add3A = arith.addi %mul3A_0, %arg0 : i32
    %mul3A_1 = arith.constant 400 : i32
    %mul3A_2 = arith.muli %add3A, %mul3A_1 : i32
    %iota3A = tpu.iota {dimensions = array<i32: 0>} : vector<16xi32>
    %add3A_3 = arith.constant 0 : i32
    %add3A_4 = vector.broadcast %add3A_3 : i32 to vector<16xi32>
    %add3A_5 = arith.addi %add3A_4, %iota3A : vector<16xi32>
    %add3A_6 = arith.constant 16 : i32
    %add3A_7 = vector.broadcast %add3A_6 : i32 to vector<16xi32>
    %add3A_8 = arith.addi %add3A_7, %iota3A : vector<16xi32>
    %add3A_9 = arith.constant 32 : i32
    %add3A_10 = vector.broadcast %add3A_9 : i32 to vector<16xi32>
    %add3A_11 = arith.addi %add3A_10, %iota3A : vector<16xi32>
    %add3A_12 = arith.constant 48 : i32
    %add3A_13 = vector.broadcast %add3A_12 : i32 to vector<16xi32>
    %add3A_14 = arith.addi %add3A_13, %iota3A : vector<16xi32>
    %mul3A_15 = arith.constant 128 : i32
    %mul3A_16 = arith.muli %mul3A_2, %mul3A_15 : i32
    "tpu.region"() ({
      %run_scoped3A = tpu.sem_alloc : memref<!tpu.dma_semaphore, #tpu.memory_space<semaphore_mem>>
      %dma_start3A_693 = tpu.memref_slice %arg2[%mul3A_16] : memref<1638400xi32, #tpu.memory_space<hbm>> -> memref<51200xi32, #tpu.memory_space<hbm>>
      %dma_start3A_694 = tpu.memref_slice %arg2[%mul3A_16] : memref<1638400xi32, #tpu.memory_space<hbm>> -> memref<51200xi32, #tpu.memory_space<hbm>>
      tpu.enqueue_dma source(%dma_start3A_694 : memref<51200xi32, #tpu.memory_space<hbm>>) target(%arg5 : memref<51200xi32, #tpu.memory_space<vmem>>) target_semaphore(%run_scoped3A : memref<!tpu.dma_semaphore, #tpu.memory_space<semaphore_mem>>)
      %dma_wait3A_695 = tpu.memref_slice %arg2[%mul3A_16] : memref<1638400xi32, #tpu.memory_space<hbm>> -> memref<51200xi32, #tpu.memory_space<hbm>>
      %dma_wait3A_696 = tpu.memref_slice %arg2[%mul3A_16] : memref<1638400xi32, #tpu.memory_space<hbm>> -> memref<51200xi32, #tpu.memory_space<hbm>>
      tpu.wait_dma2 semaphore(%run_scoped3A : memref<!tpu.dma_semaphore, #tpu.memory_space<semaphore_mem>>) src(%dma_wait3A_696 : memref<51200xi32, #tpu.memory_space<hbm>>) dst(%arg5 : memref<51200xi32, #tpu.memory_space<vmem>>)
      tpu.yield
    }) : () -> ()
    %dma_start3A = arith.constant 0 : i32
    %dma_start3A_17 = tpu.memref_slice %arg5[%dma_start3A] : memref<51200xi32, #tpu.memory_space<vmem>> -> memref<128xi32, #tpu.memory_space<vmem>>
    %dma_start3A_18 = arith.constant 0 : i32
    %dma_start3A_19 = arith.constant 0 : i32
    %dma_start3A_20 = tpu.memref_slice %arg3[%dma_start3A_18, %dma_start3A_19] : memref<1000000x64xf32, #tpu.memory_space<hbm>> -> memref<1000000x64xf32, #tpu.memory_space<hbm>>
    tpu.enqueue_indirect_dma source(%dma_start3A_20 : memref<1000000x64xf32, #tpu.memory_space<hbm>>) target(%arg6 : memref<128x64xf32, #tpu.memory_space<vmem>>) offsets(%dma_start3A_17 : memref<128xi32, #tpu.memory_space<vmem>>) semaphore(%arg14 : memref<!tpu.dma_semaphore, #tpu.memory_space<semaphore_mem>>)
    %dma_start3A_21 = arith.constant 128 : i32
    %dma_start3A_22 = tpu.memref_slice %arg5[%dma_start3A_21] : memref<51200xi32, #tpu.memory_space<vmem>> -> memref<128xi32, #tpu.memory_space<vmem>>
    %dma_start3A_23 = arith.constant 0 : i32
    %dma_start3A_24 = arith.constant 0 : i32
    %dma_start3A_25 = tpu.memref_slice %arg3[%dma_start3A_23, %dma_start3A_24] : memref<1000000x64xf32, #tpu.memory_space<hbm>> -> memref<1000000x64xf32, #tpu.memory_space<hbm>>
    tpu.enqueue_indirect_dma source(%dma_start3A_25 : memref<1000000x64xf32, #tpu.memory_space<hbm>>) target(%arg7 : memref<128x64xf32, #tpu.memory_space<vmem>>) offsets(%dma_start3A_22 : memref<128xi32, #tpu.memory_space<vmem>>) semaphore(%arg15 : memref<!tpu.dma_semaphore, #tpu.memory_space<semaphore_mem>>)
    %dma_start3A_26 = arith.constant 256 : i32
    %dma_start3A_27 = tpu.memref_slice %arg5[%dma_start3A_26] : memref<51200xi32, #tpu.memory_space<vmem>> -> memref<128xi32, #tpu.memory_space<vmem>>
    %dma_start3A_28 = arith.constant 0 : i32
    %dma_start3A_29 = arith.constant 0 : i32
    %dma_start3A_30 = tpu.memref_slice %arg3[%dma_start3A_28, %dma_start3A_29] : memref<1000000x64xf32, #tpu.memory_space<hbm>> -> memref<1000000x64xf32, #tpu.memory_space<hbm>>
    tpu.enqueue_indirect_dma source(%dma_start3A_30 : memref<1000000x64xf32, #tpu.memory_space<hbm>>) target(%arg8 : memref<128x64xf32, #tpu.memory_space<vmem>>) offsets(%dma_start3A_27 : memref<128xi32, #tpu.memory_space<vmem>>) semaphore(%arg16 : memref<!tpu.dma_semaphore, #tpu.memory_space<semaphore_mem>>)
    %dma_start3A_31 = arith.constant 384 : i32
    %dma_start3A_32 = tpu.memref_slice %arg5[%dma_start3A_31] : memref<51200xi32, #tpu.memory_space<vmem>> -> memref<128xi32, #tpu.memory_space<vmem>>
    %dma_start3A_33 = arith.constant 0 : i32
    %dma_start3A_34 = arith.constant 0 : i32
    %dma_start3A_35 = tpu.memref_slice %arg3[%dma_start3A_33, %dma_start3A_34] : memref<1000000x64xf32, #tpu.memory_space<hbm>> -> memref<1000000x64xf32, #tpu.memory_space<hbm>>
    tpu.enqueue_indirect_dma source(%dma_start3A_35 : memref<1000000x64xf32, #tpu.memory_space<hbm>>) target(%arg9 : memref<128x64xf32, #tpu.memory_space<vmem>>) offsets(%dma_start3A_32 : memref<128xi32, #tpu.memory_space<vmem>>) semaphore(%arg17 : memref<!tpu.dma_semaphore, #tpu.memory_space<semaphore_mem>>)
    %scan3A = arith.constant 0 : i32
    %scan3A_36 = arith.constant 100 : i32
    %scan3A_37 = arith.addi %scan3A, %scan3A_36 : i32
    %scan3A_38 = arith.constant 1 : i32
    scf.for %scan3A_693 = %scan3A to %scan3A_37 step %scan3A_38  : i32 {
      %mul3A_694 = arith.constant 4 : i32
      %mul3A_695 = arith.muli %scan3A_693, %mul3A_694 : i32
      %add3A_696 = arith.constant 0 : i32
      %add3A_697 = arith.addi %mul3A_695, %add3A_696 : i32
      %add3A_698 = arith.addi %mul3A_2, %add3A_697 : i32
      %jit3A_699 = arith.constant 128 : i32
      %div3A_700 = arith.divsi %add3A_698, %jit3A_699 : i32
      %sign3A_701 = arith.constant 0 : i32
      %sign3A_702 = arith.cmpi sgt, %add3A_698, %sign3A_701 : i32
      %sign3A_703 = arith.extui %sign3A_702 : i1 to i32
      %sign3A_704 = arith.constant 0 : i32
      %sign3A_705 = arith.cmpi slt, %add3A_698, %sign3A_704 : i32
      %sign3A_706 = arith.extui %sign3A_705 : i1 to i32
      %sign3A_707 = arith.subi %sign3A_703, %sign3A_706 : i32
      %sign3A_708 = arith.constant 0 : i32
      %sign3A_709 = arith.cmpi sgt, %jit3A_699, %sign3A_708 : i32
      %sign3A_710 = arith.extui %sign3A_709 : i1 to i32
      %sign3A_711 = arith.constant 0 : i32
      %sign3A_712 = arith.cmpi slt, %jit3A_699, %sign3A_711 : i32
      %sign3A_713 = arith.extui %sign3A_712 : i1 to i32
      %sign3A_714 = arith.subi %sign3A_710, %sign3A_713 : i32
      %ne3A_715 = arith.cmpi ne, %sign3A_707, %sign3A_714 : i32
      %rem3A_716 = arith.remsi %add3A_698, %jit3A_699 : i32
      %ne3A_717 = arith.constant 0 : i32
      %ne3A_718 = arith.cmpi ne, %rem3A_716, %ne3A_717 : i32
      %and3A_719 = arith.andi %ne3A_715, %ne3A_718 : i1
      %sub3A_720 = arith.constant 1 : i32
      %sub3A_721 = arith.subi %div3A_700, %sub3A_720 : i32
      %select_n3A_722 = arith.select %and3A_719, %sub3A_721, %div3A_700 : i32
      %jit3A_723 = arith.constant 128 : i32
      %eq3A_724 = arith.constant 0 : i32
      %eq3A_725 = arith.cmpi eq, %jit3A_723, %eq3A_724 : i32
      %jit3A_726 = arith.constant 1 : i32
      %select_n3A_727 = arith.select %eq3A_725, %jit3A_726, %jit3A_723 : i32
      %rem3A_728 = arith.remsi %add3A_698, %select_n3A_727 : i32
      %ne3A_729 = arith.constant 0 : i32
      %ne3A_730 = arith.cmpi ne, %rem3A_728, %ne3A_729 : i32
      %lt3A_731 = arith.constant 0 : i32
      %lt3A_732 = arith.cmpi slt, %rem3A_728, %lt3A_731 : i32
      %lt3A_733 = arith.constant 0 : i32
      %lt3A_734 = arith.cmpi slt, %select_n3A_727, %lt3A_733 : i32
      %ne3A_735 = arith.xori %lt3A_732, %lt3A_734 : i1
      %and3A_736 = arith.andi %ne3A_735, %ne3A_730 : i1
      %add3A_737 = arith.addi %rem3A_728, %select_n3A_727 : i32
      %select_n3A_738 = arith.select %and3A_736, %add3A_737, %rem3A_728 : i32
      %mul3A_739 = arith.constant 128 : i32
      %mul3A_740 = arith.muli %add3A_697, %mul3A_739 : i32
      %dma_wait3A_741 = tpu.memref_slice %arg5[%mul3A_740] : memref<51200xi32, #tpu.memory_space<vmem>> -> memref<128xi32, #tpu.memory_space<vmem>>
      %dma_wait3A_742 = arith.constant 0 : i32
      %dma_wait3A_743 = arith.constant 0 : i32
      %dma_wait3A_744 = tpu.memref_slice %arg3[%dma_wait3A_742, %dma_wait3A_743] : memref<1000000x64xf32, #tpu.memory_space<hbm>> -> memref<1000000x64xf32, #tpu.memory_space<hbm>>
      tpu.wait_indirect_dma semaphore(%arg14 : memref<!tpu.dma_semaphore, #tpu.memory_space<semaphore_mem>>) src(%dma_wait3A_744 : memref<1000000x64xf32, #tpu.memory_space<hbm>>) dst(%arg6 : memref<128x64xf32, #tpu.memory_space<vmem>>)
      %ge3A = arith.constant 4 : i32
      %ge3A_745 = arith.cmpi sge, %add3A_697, %ge3A : i32
      %convert_element_type3A = arith.extui %ge3A_745 : i1 to i32
      %cond3A = arith.constant 0 : i32
      %cond3A_746 = arith.cmpi ne, %convert_element_type3A, %cond3A : i32
      scf.if %cond3A_746 {
        %dma_wait3A_1443 = arith.constant 0 : i32
        %dma_wait3A_1444 = arith.constant 0 : i32
        %dma_wait3A_1445 = arith.constant 0 : i32
        %dma_wait3A_1446 = tpu.memref_slice %arg10[%dma_wait3A_1444, %dma_wait3A_1445] : memref<64x129xf32, #tpu.memory_space<vmem>> -> memref<8x128xf32, #tpu.memory_space<vmem>>
        %dma_wait3A_1447 = arith.constant 0 : i32
        %dma_wait3A_1448 = arith.constant 0 : i32
        %dma_wait3A_1449 = tpu.memref_slice %arg4[%select_n3A_722, %dma_wait3A_1443, %select_n3A_738, %dma_wait3A_1447, %dma_wait3A_1448] : memref<100x8x128x8x128xf32, #tpu.memory_space<hbm>> -> memref<1x1x1x8x128xf32, #tpu.memory_space<hbm>>
        %dma_wait3A_1450 = tpu.memref_squeeze %dma_wait3A_1449 : memref<1x1x1x8x128xf32, #tpu.memory_space<hbm>> -> memref<8x128xf32, #tpu.memory_space<hbm>>
        %dma_wait3A_1451 = arith.constant 0 : i32
        %dma_wait3A_1452 = arith.constant 0 : i32
        %dma_wait3A_1453 = tpu.memref_slice %arg4[%select_n3A_722, %dma_wait3A_1443, %select_n3A_738, %dma_wait3A_1451, %dma_wait3A_1452] : memref<100x8x128x8x128xf32, #tpu.memory_space<hbm>> -> memref<1x1x1x8x128xf32, #tpu.memory_space<hbm>>
        %dma_wait3A_1454 = tpu.memref_squeeze %dma_wait3A_1453 : memref<1x1x1x8x128xf32, #tpu.memory_space<hbm>> -> memref<8x128xf32, #tpu.memory_space<hbm>>
        %dma_wait3A_1455 = arith.constant 0 : i32
        %dma_wait3A_1456 = arith.constant 0 : i32
        %dma_wait3A_1457 = tpu.memref_slice %arg10[%dma_wait3A_1455, %dma_wait3A_1456] : memref<64x129xf32, #tpu.memory_space<vmem>> -> memref<8x128xf32, #tpu.memory_space<vmem>>
        tpu.wait_dma2 semaphore(%arg18 : memref<!tpu.dma_semaphore, #tpu.memory_space<semaphore_mem>>) src(%dma_wait3A_1457 : memref<8x128xf32, #tpu.memory_space<vmem>>) dst(%dma_wait3A_1454 : memref<8x128xf32, #tpu.memory_space<hbm>>)
        %dma_wait3A_1458 = arith.constant 1 : i32
        %dma_wait3A_1459 = arith.constant 8 : i32
        %dma_wait3A_1460 = arith.constant 0 : i32
        %dma_wait3A_1461 = tpu.memref_slice %arg10[%dma_wait3A_1459, %dma_wait3A_1460] : memref<64x129xf32, #tpu.memory_space<vmem>> -> memref<8x128xf32, #tpu.memory_space<vmem>>
        %dma_wait3A_1462 = arith.constant 0 : i32
        %dma_wait3A_1463 = arith.constant 0 : i32
        %dma_wait3A_1464 = tpu.memref_slice %arg4[%select_n3A_722, %dma_wait3A_1458, %select_n3A_738, %dma_wait3A_1462, %dma_wait3A_1463] : memref<100x8x128x8x128xf32, #tpu.memory_space<hbm>> -> memref<1x1x1x8x128xf32, #tpu.memory_space<hbm>>
        %dma_wait3A_1465 = tpu.memref_squeeze %dma_wait3A_1464 : memref<1x1x1x8x128xf32, #tpu.memory_space<hbm>> -> memref<8x128xf32, #tpu.memory_space<hbm>>
        %dma_wait3A_1466 = arith.constant 0 : i32
        %dma_wait3A_1467 = arith.constant 0 : i32
        %dma_wait3A_1468 = tpu.memref_slice %arg4[%select_n3A_722, %dma_wait3A_1458, %select_n3A_738, %dma_wait3A_1466, %dma_wait3A_1467] : memref<100x8x128x8x128xf32, #tpu.memory_space<hbm>> -> memref<1x1x1x8x128xf32, #tpu.memory_space<hbm>>
        %dma_wait3A_1469 = tpu.memref_squeeze %dma_wait3A_1468 : memref<1x1x1x8x128xf32, #tpu.memory_space<hbm>> -> memref<8x128xf32, #tpu.memory_space<hbm>>
        %dma_wait3A_1470 = arith.constant 8 : i32
        %dma_wait3A_1471 = arith.constant 0 : i32
        %dma_wait3A_1472 = tpu.memref_slice %arg10[%dma_wait3A_1470, %dma_wait3A_1471] : memref<64x129xf32, #tpu.memory_space<vmem>> -> memref<8x128xf32, #tpu.memory_space<vmem>>
        tpu.wait_dma2 semaphore(%arg18 : memref<!tpu.dma_semaphore, #tpu.memory_space<semaphore_mem>>) src(%dma_wait3A_1472 : memref<8x128xf32, #tpu.memory_space<vmem>>) dst(%dma_wait3A_1469 : memref<8x128xf32, #tpu.memory_space<hbm>>)
        %dma_wait3A_1473 = arith.constant 2 : i32
        %dma_wait3A_1474 = arith.constant 16 : i32
        %dma_wait3A_1475 = arith.constant 0 : i32
        %dma_wait3A_1476 = tpu.memref_slice %arg10[%dma_wait3A_1474, %dma_wait3A_1475] : memref<64x129xf32, #tpu.memory_space<vmem>> -> memref<8x128xf32, #tpu.memory_space<vmem>>
        %dma_wait3A_1477 = arith.constant 0 : i32
        %dma_wait3A_1478 = arith.constant 0 : i32
        %dma_wait3A_1479 = tpu.memref_slice %arg4[%select_n3A_722, %dma_wait3A_1473, %select_n3A_738, %dma_wait3A_1477, %dma_wait3A_1478] : memref<100x8x128x8x128xf32, #tpu.memory_space<hbm>> -> memref<1x1x1x8x128xf32, #tpu.memory_space<hbm>>
        %dma_wait3A_1480 = tpu.memref_squeeze %dma_wait3A_1479 : memref<1x1x1x8x128xf32, #tpu.memory_space<hbm>> -> memref<8x128xf32, #tpu.memory_space<hbm>>
        %dma_wait3A_1481 = arith.constant 0 : i32
        %dma_wait3A_1482 = arith.constant 0 : i32
        %dma_wait3A_1483 = tpu.memref_slice %arg4[%select_n3A_722, %dma_wait3A_1473, %select_n3A_738, %dma_wait3A_1481, %dma_wait3A_1482] : memref<100x8x128x8x128xf32, #tpu.memory_space<hbm>> -> memref<1x1x1x8x128xf32, #tpu.memory_space<hbm>>
        %dma_wait3A_1484 = tpu.memref_squeeze %dma_wait3A_1483 : memref<1x1x1x8x128xf32, #tpu.memory_space<hbm>> -> memref<8x128xf32, #tpu.memory_space<hbm>>
        %dma_wait3A_1485 = arith.constant 16 : i32
        %dma_wait3A_1486 = arith.constant 0 : i32
        %dma_wait3A_1487 = tpu.memref_slice %arg10[%dma_wait3A_1485, %dma_wait3A_1486] : memref<64x129xf32, #tpu.memory_space<vmem>> -> memref<8x128xf32, #tpu.memory_space<vmem>>
        tpu.wait_dma2 semaphore(%arg18 : memref<!tpu.dma_semaphore, #tpu.memory_space<semaphore_mem>>) src(%dma_wait3A_1487 : memref<8x128xf32, #tpu.memory_space<vmem>>) dst(%dma_wait3A_1484 : memref<8x128xf32, #tpu.memory_space<hbm>>)
        %dma_wait3A_1488 = arith.constant 3 : i32
        %dma_wait3A_1489 = arith.constant 24 : i32
        %dma_wait3A_1490 = arith.constant 0 : i32
        %dma_wait3A_1491 = tpu.memref_slice %arg10[%dma_wait3A_1489, %dma_wait3A_1490] : memref<64x129xf32, #tpu.memory_space<vmem>> -> memref<8x128xf32, #tpu.memory_space<vmem>>
        %dma_wait3A_1492 = arith.constant 0 : i32
        %dma_wait3A_1493 = arith.constant 0 : i32
        %dma_wait3A_1494 = tpu.memref_slice %arg4[%select_n3A_722, %dma_wait3A_1488, %select_n3A_738, %dma_wait3A_1492, %dma_wait3A_1493] : memref<100x8x128x8x128xf32, #tpu.memory_space<hbm>> -> memref<1x1x1x8x128xf32, #tpu.memory_space<hbm>>
        %dma_wait3A_1495 = tpu.memref_squeeze %dma_wait3A_1494 : memref<1x1x1x8x128xf32, #tpu.memory_space<hbm>> -> memref<8x128xf32, #tpu.memory_space<hbm>>
        %dma_wait3A_1496 = arith.constant 0 : i32
        %dma_wait3A_1497 = arith.constant 0 : i32
        %dma_wait3A_1498 = tpu.memref_slice %arg4[%select_n3A_722, %dma_wait3A_1488, %select_n3A_738, %dma_wait3A_1496, %dma_wait3A_1497] : memref<100x8x128x8x128xf32, #tpu.memory_space<hbm>> -> memref<1x1x1x8x128xf32, #tpu.memory_space<hbm>>
        %dma_wait3A_1499 = tpu.memref_squeeze %dma_wait3A_1498 : memref<1x1x1x8x128xf32, #tpu.memory_space<hbm>> -> memref<8x128xf32, #tpu.memory_space<hbm>>
        %dma_wait3A_1500 = arith.constant 24 : i32
        %dma_wait3A_1501 = arith.constant 0 : i32
        %dma_wait3A_1502 = tpu.memref_slice %arg10[%dma_wait3A_1500, %dma_wait3A_1501] : memref<64x129xf32, #tpu.memory_space<vmem>> -> memref<8x128xf32, #tpu.memory_space<vmem>>
        tpu.wait_dma2 semaphore(%arg18 : memref<!tpu.dma_semaphore, #tpu.memory_space<semaphore_mem>>) src(%dma_wait3A_1502 : memref<8x128xf32, #tpu.memory_space<vmem>>) dst(%dma_wait3A_1499 : memref<8x128xf32, #tpu.memory_space<hbm>>)
        %dma_wait3A_1503 = arith.constant 4 : i32
        %dma_wait3A_1504 = arith.constant 32 : i32
        %dma_wait3A_1505 = arith.constant 0 : i32
        %dma_wait3A_1506 = tpu.memref_slice %arg10[%dma_wait3A_1504, %dma_wait3A_1505] : memref<64x129xf32, #tpu.memory_space<vmem>> -> memref<8x128xf32, #tpu.memory_space<vmem>>
        %dma_wait3A_1507 = arith.constant 0 : i32
        %dma_wait3A_1508 = arith.constant 0 : i32
        %dma_wait3A_1509 = tpu.memref_slice %arg4[%select_n3A_722, %dma_wait3A_1503, %select_n3A_738, %dma_wait3A_1507, %dma_wait3A_1508] : memref<100x8x128x8x128xf32, #tpu.memory_space<hbm>> -> memref<1x1x1x8x128xf32, #tpu.memory_space<hbm>>
        %dma_wait3A_1510 = tpu.memref_squeeze %dma_wait3A_1509 : memref<1x1x1x8x128xf32, #tpu.memory_space<hbm>> -> memref<8x128xf32, #tpu.memory_space<hbm>>
        %dma_wait3A_1511 = arith.constant 0 : i32
        %dma_wait3A_1512 = arith.constant 0 : i32
        %dma_wait3A_1513 = tpu.memref_slice %arg4[%select_n3A_722, %dma_wait3A_1503, %select_n3A_738, %dma_wait3A_1511, %dma_wait3A_1512] : memref<100x8x128x8x128xf32, #tpu.memory_space<hbm>> -> memref<1x1x1x8x128xf32, #tpu.memory_space<hbm>>
        %dma_wait3A_1514 = tpu.memref_squeeze %dma_wait3A_1513 : memref<1x1x1x8x128xf32, #tpu.memory_space<hbm>> -> memref<8x128xf32, #tpu.memory_space<hbm>>
        %dma_wait3A_1515 = arith.constant 32 : i32
        %dma_wait3A_1516 = arith.constant 0 : i32
        %dma_wait3A_1517 = tpu.memref_slice %arg10[%dma_wait3A_1515, %dma_wait3A_1516] : memref<64x129xf32, #tpu.memory_space<vmem>> -> memref<8x128xf32, #tpu.memory_space<vmem>>
        tpu.wait_dma2 semaphore(%arg18 : memref<!tpu.dma_semaphore, #tpu.memory_space<semaphore_mem>>) src(%dma_wait3A_1517 : memref<8x128xf32, #tpu.memory_space<vmem>>) dst(%dma_wait3A_1514 : memref<8x128xf32, #tpu.memory_space<hbm>>)
        %dma_wait3A_1518 = arith.constant 5 : i32
        %dma_wait3A_1519 = arith.constant 40 : i32
        %dma_wait3A_1520 = arith.constant 0 : i32
        %dma_wait3A_1521 = tpu.memref_slice %arg10[%dma_wait3A_1519, %dma_wait3A_1520] : memref<64x129xf32, #tpu.memory_space<vmem>> -> memref<8x128xf32, #tpu.memory_space<vmem>>
        %dma_wait3A_1522 = arith.constant 0 : i32
        %dma_wait3A_1523 = arith.constant 0 : i32
        %dma_wait3A_1524 = tpu.memref_slice %arg4[%select_n3A_722, %dma_wait3A_1518, %select_n3A_738, %dma_wait3A_1522, %dma_wait3A_1523] : memref<100x8x128x8x128xf32, #tpu.memory_space<hbm>> -> memref<1x1x1x8x128xf32, #tpu.memory_space<hbm>>
        %dma_wait3A_1525 = tpu.memref_squeeze %dma_wait3A_1524 : memref<1x1x1x8x128xf32, #tpu.memory_space<hbm>> -> memref<8x128xf32, #tpu.memory_space<hbm>>
        %dma_wait3A_1526 = arith.constant 0 : i32
        %dma_wait3A_1527 = arith.constant 0 : i32
        %dma_wait3A_1528 = tpu.memref_slice %arg4[%select_n3A_722, %dma_wait3A_1518, %select_n3A_738, %dma_wait3A_1526, %dma_wait3A_1527] : memref<100x8x128x8x128xf32, #tpu.memory_space<hbm>> -> memref<1x1x1x8x128xf32, #tpu.memory_space<hbm>>
        %dma_wait3A_1529 = tpu.memref_squeeze %dma_wait3A_1528 : memref<1x1x1x8x128xf32, #tpu.memory_space<hbm>> -> memref<8x128xf32, #tpu.memory_space<hbm>>
        %dma_wait3A_1530 = arith.constant 40 : i32
        %dma_wait3A_1531 = arith.constant 0 : i32
        %dma_wait3A_1532 = tpu.memref_slice %arg10[%dma_wait3A_1530, %dma_wait3A_1531] : memref<64x129xf32, #tpu.memory_space<vmem>> -> memref<8x128xf32, #tpu.memory_space<vmem>>
        tpu.wait_dma2 semaphore(%arg18 : memref<!tpu.dma_semaphore, #tpu.memory_space<semaphore_mem>>) src(%dma_wait3A_1532 : memref<8x128xf32, #tpu.memory_space<vmem>>) dst(%dma_wait3A_1529 : memref<8x128xf32, #tpu.memory_space<hbm>>)
        %dma_wait3A_1533 = arith.constant 6 : i32
        %dma_wait3A_1534 = arith.constant 48 : i32
        %dma_wait3A_1535 = arith.constant 0 : i32
        %dma_wait3A_1536 = tpu.memref_slice %arg10[%dma_wait3A_1534, %dma_wait3A_1535] : memref<64x129xf32, #tpu.memory_space<vmem>> -> memref<8x128xf32, #tpu.memory_space<vmem>>
        %dma_wait3A_1537 = arith.constant 0 : i32
        %dma_wait3A_1538 = arith.constant 0 : i32
        %dma_wait3A_1539 = tpu.memref_slice %arg4[%select_n3A_722, %dma_wait3A_1533, %select_n3A_738, %dma_wait3A_1537, %dma_wait3A_1538] : memref<100x8x128x8x128xf32, #tpu.memory_space<hbm>> -> memref<1x1x1x8x128xf32, #tpu.memory_space<hbm>>
        %dma_wait3A_1540 = tpu.memref_squeeze %dma_wait3A_1539 : memref<1x1x1x8x128xf32, #tpu.memory_space<hbm>> -> memref<8x128xf32, #tpu.memory_space<hbm>>
        %dma_wait3A_1541 = arith.constant 0 : i32
        %dma_wait3A_1542 = arith.constant 0 : i32
        %dma_wait3A_1543 = tpu.memref_slice %arg4[%select_n3A_722, %dma_wait3A_1533, %select_n3A_738, %dma_wait3A_1541, %dma_wait3A_1542] : memref<100x8x128x8x128xf32, #tpu.memory_space<hbm>> -> memref<1x1x1x8x128xf32, #tpu.memory_space<hbm>>
        %dma_wait3A_1544 = tpu.memref_squeeze %dma_wait3A_1543 : memref<1x1x1x8x128xf32, #tpu.memory_space<hbm>> -> memref<8x128xf32, #tpu.memory_space<hbm>>
        %dma_wait3A_1545 = arith.constant 48 : i32
        %dma_wait3A_1546 = arith.constant 0 : i32
        %dma_wait3A_1547 = tpu.memref_slice %arg10[%dma_wait3A_1545, %dma_wait3A_1546] : memref<64x129xf32, #tpu.memory_space<vmem>> -> memref<8x128xf32, #tpu.memory_space<vmem>>
        tpu.wait_dma2 semaphore(%arg18 : memref<!tpu.dma_semaphore, #tpu.memory_space<semaphore_mem>>) src(%dma_wait3A_1547 : memref<8x128xf32, #tpu.memory_space<vmem>>) dst(%dma_wait3A_1544 : memref<8x128xf32, #tpu.memory_space<hbm>>)
        %dma_wait3A_1548 = arith.constant 7 : i32
        %dma_wait3A_1549 = arith.constant 56 : i32
        %dma_wait3A_1550 = arith.constant 0 : i32
        %dma_wait3A_1551 = tpu.memref_slice %arg10[%dma_wait3A_1549, %dma_wait3A_1550] : memref<64x129xf32, #tpu.memory_space<vmem>> -> memref<8x128xf32, #tpu.memory_space<vmem>>
        %dma_wait3A_1552 = arith.constant 0 : i32
        %dma_wait3A_1553 = arith.constant 0 : i32
        %dma_wait3A_1554 = tpu.memref_slice %arg4[%select_n3A_722, %dma_wait3A_1548, %select_n3A_738, %dma_wait3A_1552, %dma_wait3A_1553] : memref<100x8x128x8x128xf32, #tpu.memory_space<hbm>> -> memref<1x1x1x8x128xf32, #tpu.memory_space<hbm>>
        %dma_wait3A_1555 = tpu.memref_squeeze %dma_wait3A_1554 : memref<1x1x1x8x128xf32, #tpu.memory_space<hbm>> -> memref<8x128xf32, #tpu.memory_space<hbm>>
        %dma_wait3A_1556 = arith.constant 0 : i32
        %dma_wait3A_1557 = arith.constant 0 : i32
        %dma_wait3A_1558 = tpu.memref_slice %arg4[%select_n3A_722, %dma_wait3A_1548, %select_n3A_738, %dma_wait3A_1556, %dma_wait3A_1557] : memref<100x8x128x8x128xf32, #tpu.memory_space<hbm>> -> memref<1x1x1x8x128xf32, #tpu.memory_space<hbm>>
        %dma_wait3A_1559 = tpu.memref_squeeze %dma_wait3A_1558 : memref<1x1x1x8x128xf32, #tpu.memory_space<hbm>> -> memref<8x128xf32, #tpu.memory_space<hbm>>
        %dma_wait3A_1560 = arith.constant 56 : i32
        %dma_wait3A_1561 = arith.constant 0 : i32
        %dma_wait3A_1562 = tpu.memref_slice %arg10[%dma_wait3A_1560, %dma_wait3A_1561] : memref<64x129xf32, #tpu.memory_space<vmem>> -> memref<8x128xf32, #tpu.memory_space<vmem>>
        tpu.wait_dma2 semaphore(%arg18 : memref<!tpu.dma_semaphore, #tpu.memory_space<semaphore_mem>>) src(%dma_wait3A_1562 : memref<8x128xf32, #tpu.memory_space<vmem>>) dst(%dma_wait3A_1559 : memref<8x128xf32, #tpu.memory_space<hbm>>)
      } else {
      }
      %scan3A_747 = arith.constant 0 : i32
      %scan3A_748 = arith.constant 128 : i32
      %scan3A_749 = arith.addi %scan3A_747, %scan3A_748 : i32
      %scan3A_750 = arith.constant 8 : i32
      scf.for %scan3A_1443 = %scan3A_747 to %scan3A_749 step %scan3A_750  : i32 {
        %mul3A_1444 = arith.constant 0 : i32
        %mul3A_1445 = vector.broadcast %mul3A_1444 : i32 to vector<16xi32>
        %mul3A_1446 = arith.muli %iota3A, %mul3A_1445 : vector<16xi32>
        %add3A_1447 = vector.broadcast %scan3A_1443 : i32 to vector<16xi32>
        %add3A_1448 = arith.addi %mul3A_1446, %add3A_1447 : vector<16xi32>
        %get3A = arith.index_cast %scan3A_1443 : i32 to index
        %get3A_1449 = arith.constant 0 : index
        %get3A_1450 = tpu.vector_load %arg6[%get3A, %get3A_1449] {strides = array<i32>} : memref<128x64xf32, #tpu.memory_space<vmem>>, vector<16xf32>,
        tpu.vector_store_idx %arg10[%add3A_5, %add3A_1448], %get3A_1450 : memref<64x129xf32, #tpu.memory_space<vmem>>[vector<16xi32>, vector<16xi32>], vector<16xf32>,
        %get3A_1451 = arith.index_cast %scan3A_1443 : i32 to index
        %get3A_1452 = arith.constant 16 : index
        %get3A_1453 = tpu.vector_load %arg6[%get3A_1451, %get3A_1452] {strides = array<i32>} : memref<128x64xf32, #tpu.memory_space<vmem>>, vector<16xf32>,
        tpu.vector_store_idx %arg10[%add3A_8, %add3A_1448], %get3A_1453 : memref<64x129xf32, #tpu.memory_space<vmem>>[vector<16xi32>, vector<16xi32>], vector<16xf32>,
        %get3A_1454 = arith.index_cast %scan3A_1443 : i32 to index
        %get3A_1455 = arith.constant 32 : index
        %get3A_1456 = tpu.vector_load %arg6[%get3A_1454, %get3A_1455] {strides = array<i32>} : memref<128x64xf32, #tpu.memory_space<vmem>>, vector<16xf32>,
        tpu.vector_store_idx %arg10[%add3A_11, %add3A_1448], %get3A_1456 : memref<64x129xf32, #tpu.memory_space<vmem>>[vector<16xi32>, vector<16xi32>], vector<16xf32>,
        %get3A_1457 = arith.index_cast %scan3A_1443 : i32 to index
        %get3A_1458 = arith.constant 48 : index
        %get3A_1459 = tpu.vector_load %arg6[%get3A_1457, %get3A_1458] {strides = array<i32>} : memref<128x64xf32, #tpu.memory_space<vmem>>, vector<16xf32>,
        tpu.vector_store_idx %arg10[%add3A_14, %add3A_1448], %get3A_1459 : memref<64x129xf32, #tpu.memory_space<vmem>>[vector<16xi32>, vector<16xi32>], vector<16xf32>,
        %scan3A_1460 = arith.constant 1 : i32
        %scan3A_1461 = arith.addi %scan3A_1443, %scan3A_1460 : i32
        %mul3A_1462 = arith.constant 0 : i32
        %mul3A_1463 = vector.broadcast %mul3A_1462 : i32 to vector<16xi32>
        %mul3A_1464 = arith.muli %iota3A, %mul3A_1463 : vector<16xi32>
        %add3A_1465 = vector.broadcast %scan3A_1461 : i32 to vector<16xi32>
        %add3A_1466 = arith.addi %mul3A_1464, %add3A_1465 : vector<16xi32>
        %get3A_1467 = arith.index_cast %scan3A_1461 : i32 to index
        %get3A_1468 = arith.constant 0 : index
        %get3A_1469 = tpu.vector_load %arg6[%get3A_1467, %get3A_1468] {strides = array<i32>} : memref<128x64xf32, #tpu.memory_space<vmem>>, vector<16xf32>,
        tpu.vector_store_idx %arg10[%add3A_5, %add3A_1466], %get3A_1469 : memref<64x129xf32, #tpu.memory_space<vmem>>[vector<16xi32>, vector<16xi32>], vector<16xf32>,
        %get3A_1470 = arith.index_cast %scan3A_1461 : i32 to index
        %get3A_1471 = arith.constant 16 : index
        %get3A_1472 = tpu.vector_load %arg6[%get3A_1470, %get3A_1471] {strides = array<i32>} : memref<128x64xf32, #tpu.memory_space<vmem>>, vector<16xf32>,
        tpu.vector_store_idx %arg10[%add3A_8, %add3A_1466], %get3A_1472 : memref<64x129xf32, #tpu.memory_space<vmem>>[vector<16xi32>, vector<16xi32>], vector<16xf32>,
        %get3A_1473 = arith.index_cast %scan3A_1461 : i32 to index
        %get3A_1474 = arith.constant 32 : index
        %get3A_1475 = tpu.vector_load %arg6[%get3A_1473, %get3A_1474] {strides = array<i32>} : memref<128x64xf32, #tpu.memory_space<vmem>>, vector<16xf32>,
        tpu.vector_store_idx %arg10[%add3A_11, %add3A_1466], %get3A_1475 : memref<64x129xf32, #tpu.memory_space<vmem>>[vector<16xi32>, vector<16xi32>], vector<16xf32>,
        %get3A_1476 = arith.index_cast %scan3A_1461 : i32 to index
        %get3A_1477 = arith.constant 48 : index
        %get3A_1478 = tpu.vector_load %arg6[%get3A_1476, %get3A_1477] {strides = array<i32>} : memref<128x64xf32, #tpu.memory_space<vmem>>, vector<16xf32>,
        tpu.vector_store_idx %arg10[%add3A_14, %add3A_1466], %get3A_1478 : memref<64x129xf32, #tpu.memory_space<vmem>>[vector<16xi32>, vector<16xi32>], vector<16xf32>,
        %scan3A_1479 = arith.constant 2 : i32
        %scan3A_1480 = arith.addi %scan3A_1443, %scan3A_1479 : i32
        %mul3A_1481 = arith.constant 0 : i32
        %mul3A_1482 = vector.broadcast %mul3A_1481 : i32 to vector<16xi32>
        %mul3A_1483 = arith.muli %iota3A, %mul3A_1482 : vector<16xi32>
        %add3A_1484 = vector.broadcast %scan3A_1480 : i32 to vector<16xi32>
        %add3A_1485 = arith.addi %mul3A_1483, %add3A_1484 : vector<16xi32>
        %get3A_1486 = arith.index_cast %scan3A_1480 : i32 to index
        %get3A_1487 = arith.constant 0 : index
        %get3A_1488 = tpu.vector_load %arg6[%get3A_1486, %get3A_1487] {strides = array<i32>} : memref<128x64xf32, #tpu.memory_space<vmem>>, vector<16xf32>,
        tpu.vector_store_idx %arg10[%add3A_5, %add3A_1485], %get3A_1488 : memref<64x129xf32, #tpu.memory_space<vmem>>[vector<16xi32>, vector<16xi32>], vector<16xf32>,
        %get3A_1489 = arith.index_cast %scan3A_1480 : i32 to index
        %get3A_1490 = arith.constant 16 : index
        %get3A_1491 = tpu.vector_load %arg6[%get3A_1489, %get3A_1490] {strides = array<i32>} : memref<128x64xf32, #tpu.memory_space<vmem>>, vector<16xf32>,
        tpu.vector_store_idx %arg10[%add3A_8, %add3A_1485], %get3A_1491 : memref<64x129xf32, #tpu.memory_space<vmem>>[vector<16xi32>, vector<16xi32>], vector<16xf32>,
        %get3A_1492 = arith.index_cast %scan3A_1480 : i32 to index
        %get3A_1493 = arith.constant 32 : index
        %get3A_1494 = tpu.vector_load %arg6[%get3A_1492, %get3A_1493] {strides = array<i32>} : memref<128x64xf32, #tpu.memory_space<vmem>>, vector<16xf32>,
        tpu.vector_store_idx %arg10[%add3A_11, %add3A_1485], %get3A_1494 : memref<64x129xf32, #tpu.memory_space<vmem>>[vector<16xi32>, vector<16xi32>], vector<16xf32>,
        %get3A_1495 = arith.index_cast %scan3A_1480 : i32 to index
        %get3A_1496 = arith.constant 48 : index
        %get3A_1497 = tpu.vector_load %arg6[%get3A_1495, %get3A_1496] {strides = array<i32>} : memref<128x64xf32, #tpu.memory_space<vmem>>, vector<16xf32>,
        tpu.vector_store_idx %arg10[%add3A_14, %add3A_1485], %get3A_1497 : memref<64x129xf32, #tpu.memory_space<vmem>>[vector<16xi32>, vector<16xi32>], vector<16xf32>,
        %scan3A_1498 = arith.constant 3 : i32
        %scan3A_1499 = arith.addi %scan3A_1443, %scan3A_1498 : i32
        %mul3A_1500 = arith.constant 0 : i32
        %mul3A_1501 = vector.broadcast %mul3A_1500 : i32 to vector<16xi32>
        %mul3A_1502 = arith.muli %iota3A, %mul3A_1501 : vector<16xi32>
        %add3A_1503 = vector.broadcast %scan3A_1499 : i32 to vector<16xi32>
        %add3A_1504 = arith.addi %mul3A_1502, %add3A_1503 : vector<16xi32>
        %get3A_1505 = arith.index_cast %scan3A_1499 : i32 to index
        %get3A_1506 = arith.constant 0 : index
        %get3A_1507 = tpu.vector_load %arg6[%get3A_1505, %get3A_1506] {strides = array<i32>} : memref<128x64xf32, #tpu.memory_space<vmem>>, vector<16xf32>,
        tpu.vector_store_idx %arg10[%add3A_5, %add3A_1504], %get3A_1507 : memref<64x129xf32, #tpu.memory_space<vmem>>[vector<16xi32>, vector<16xi32>], vector<16xf32>,
        %get3A_1508 = arith.index_cast %scan3A_1499 : i32 to index
        %get3A_1509 = arith.constant 16 : index
        %get3A_1510 = tpu.vector_load %arg6[%get3A_1508, %get3A_1509] {strides = array<i32>} : memref<128x64xf32, #tpu.memory_space<vmem>>, vector<16xf32>,
        tpu.vector_store_idx %arg10[%add3A_8, %add3A_1504], %get3A_1510 : memref<64x129xf32, #tpu.memory_space<vmem>>[vector<16xi32>, vector<16xi32>], vector<16xf32>,
        %get3A_1511 = arith.index_cast %scan3A_1499 : i32 to index
        %get3A_1512 = arith.constant 32 : index
        %get3A_1513 = tpu.vector_load %arg6[%get3A_1511, %get3A_1512] {strides = array<i32>} : memref<128x64xf32, #tpu.memory_space<vmem>>, vector<16xf32>,
        tpu.vector_store_idx %arg10[%add3A_11, %add3A_1504], %get3A_1513 : memref<64x129xf32, #tpu.memory_space<vmem>>[vector<16xi32>, vector<16xi32>], vector<16xf32>,
        %get3A_1514 = arith.index_cast %scan3A_1499 : i32 to index
        %get3A_1515 = arith.constant 48 : index
        %get3A_1516 = tpu.vector_load %arg6[%get3A_1514, %get3A_1515] {strides = array<i32>} : memref<128x64xf32, #tpu.memory_space<vmem>>, vector<16xf32>,
        tpu.vector_store_idx %arg10[%add3A_14, %add3A_1504], %get3A_1516 : memref<64x129xf32, #tpu.memory_space<vmem>>[vector<16xi32>, vector<16xi32>], vector<16xf32>,
        %scan3A_1517 = arith.constant 4 : i32
        %scan3A_1518 = arith.addi %scan3A_1443, %scan3A_1517 : i32
        %mul3A_1519 = arith.constant 0 : i32
        %mul3A_1520 = vector.broadcast %mul3A_1519 : i32 to vector<16xi32>
        %mul3A_1521 = arith.muli %iota3A, %mul3A_1520 : vector<16xi32>
        %add3A_1522 = vector.broadcast %scan3A_1518 : i32 to vector<16xi32>
        %add3A_1523 = arith.addi %mul3A_1521, %add3A_1522 : vector<16xi32>
        %get3A_1524 = arith.index_cast %scan3A_1518 : i32 to index
        %get3A_1525 = arith.constant 0 : index
        %get3A_1526 = tpu.vector_load %arg6[%get3A_1524, %get3A_1525] {strides = array<i32>} : memref<128x64xf32, #tpu.memory_space<vmem>>, vector<16xf32>,
        tpu.vector_store_idx %arg10[%add3A_5, %add3A_1523], %get3A_1526 : memref<64x129xf32, #tpu.memory_space<vmem>>[vector<16xi32>, vector<16xi32>], vector<16xf32>,
        %get3A_1527 = arith.index_cast %scan3A_1518 : i32 to index
        %get3A_1528 = arith.constant 16 : index
        %get3A_1529 = tpu.vector_load %arg6[%get3A_1527, %get3A_1528] {strides = array<i32>} : memref<128x64xf32, #tpu.memory_space<vmem>>, vector<16xf32>,
        tpu.vector_store_idx %arg10[%add3A_8, %add3A_1523], %get3A_1529 : memref<64x129xf32, #tpu.memory_space<vmem>>[vector<16xi32>, vector<16xi32>], vector<16xf32>,
        %get3A_1530 = arith.index_cast %scan3A_1518 : i32 to index
        %get3A_1531 = arith.constant 32 : index
        %get3A_1532 = tpu.vector_load %arg6[%get3A_1530, %get3A_1531] {strides = array<i32>} : memref<128x64xf32, #tpu.memory_space<vmem>>, vector<16xf32>,
        tpu.vector_store_idx %arg10[%add3A_11, %add3A_1523], %get3A_1532 : memref<64x129xf32, #tpu.memory_space<vmem>>[vector<16xi32>, vector<16xi32>], vector<16xf32>,
        %get3A_1533 = arith.index_cast %scan3A_1518 : i32 to index
        %get3A_1534 = arith.constant 48 : index
        %get3A_1535 = tpu.vector_load %arg6[%get3A_1533, %get3A_1534] {strides = array<i32>} : memref<128x64xf32, #tpu.memory_space<vmem>>, vector<16xf32>,
        tpu.vector_store_idx %arg10[%add3A_14, %add3A_1523], %get3A_1535 : memref<64x129xf32, #tpu.memory_space<vmem>>[vector<16xi32>, vector<16xi32>], vector<16xf32>,
        %scan3A_1536 = arith.constant 5 : i32
        %scan3A_1537 = arith.addi %scan3A_1443, %scan3A_1536 : i32
        %mul3A_1538 = arith.constant 0 : i32
        %mul3A_1539 = vector.broadcast %mul3A_1538 : i32 to vector<16xi32>
        %mul3A_1540 = arith.muli %iota3A, %mul3A_1539 : vector<16xi32>
        %add3A_1541 = vector.broadcast %scan3A_1537 : i32 to vector<16xi32>
        %add3A_1542 = arith.addi %mul3A_1540, %add3A_1541 : vector<16xi32>
        %get3A_1543 = arith.index_cast %scan3A_1537 : i32 to index
        %get3A_1544 = arith.constant 0 : index
        %get3A_1545 = tpu.vector_load %arg6[%get3A_1543, %get3A_1544] {strides = array<i32>} : memref<128x64xf32, #tpu.memory_space<vmem>>, vector<16xf32>,
        tpu.vector_store_idx %arg10[%add3A_5, %add3A_1542], %get3A_1545 : memref<64x129xf32, #tpu.memory_space<vmem>>[vector<16xi32>, vector<16xi32>], vector<16xf32>,
        %get3A_1546 = arith.index_cast %scan3A_1537 : i32 to index
        %get3A_1547 = arith.constant 16 : index
        %get3A_1548 = tpu.vector_load %arg6[%get3A_1546, %get3A_1547] {strides = array<i32>} : memref<128x64xf32, #tpu.memory_space<vmem>>, vector<16xf32>,
        tpu.vector_store_idx %arg10[%add3A_8, %add3A_1542], %get3A_1548 : memref<64x129xf32, #tpu.memory_space<vmem>>[vector<16xi32>, vector<16xi32>], vector<16xf32>,
        %get3A_1549 = arith.index_cast %scan3A_1537 : i32 to index
        %get3A_1550 = arith.constant 32 : index
        %get3A_1551 = tpu.vector_load %arg6[%get3A_1549, %get3A_1550] {strides = array<i32>} : memref<128x64xf32, #tpu.memory_space<vmem>>, vector<16xf32>,
        tpu.vector_store_idx %arg10[%add3A_11, %add3A_1542], %get3A_1551 : memref<64x129xf32, #tpu.memory_space<vmem>>[vector<16xi32>, vector<16xi32>], vector<16xf32>,
        %get3A_1552 = arith.index_cast %scan3A_1537 : i32 to index
        %get3A_1553 = arith.constant 48 : index
        %get3A_1554 = tpu.vector_load %arg6[%get3A_1552, %get3A_1553] {strides = array<i32>} : memref<128x64xf32, #tpu.memory_space<vmem>>, vector<16xf32>,
        tpu.vector_store_idx %arg10[%add3A_14, %add3A_1542], %get3A_1554 : memref<64x129xf32, #tpu.memory_space<vmem>>[vector<16xi32>, vector<16xi32>], vector<16xf32>,
        %scan3A_1555 = arith.constant 6 : i32
        %scan3A_1556 = arith.addi %scan3A_1443, %scan3A_1555 : i32
        %mul3A_1557 = arith.constant 0 : i32
        %mul3A_1558 = vector.broadcast %mul3A_1557 : i32 to vector<16xi32>
        %mul3A_1559 = arith.muli %iota3A, %mul3A_1558 : vector<16xi32>
        %add3A_1560 = vector.broadcast %scan3A_1556 : i32 to vector<16xi32>
        %add3A_1561 = arith.addi %mul3A_1559, %add3A_1560 : vector<16xi32>
        %get3A_1562 = arith.index_cast %scan3A_1556 : i32 to index
        %get3A_1563 = arith.constant 0 : index
        %get3A_1564 = tpu.vector_load %arg6[%get3A_1562, %get3A_1563] {strides = array<i32>} : memref<128x64xf32, #tpu.memory_space<vmem>>, vector<16xf32>,
        tpu.vector_store_idx %arg10[%add3A_5, %add3A_1561], %get3A_1564 : memref<64x129xf32, #tpu.memory_space<vmem>>[vector<16xi32>, vector<16xi32>], vector<16xf32>,
        %get3A_1565 = arith.index_cast %scan3A_1556 : i32 to index
        %get3A_1566 = arith.constant 16 : index
        %get3A_1567 = tpu.vector_load %arg6[%get3A_1565, %get3A_1566] {strides = array<i32>} : memref<128x64xf32, #tpu.memory_space<vmem>>, vector<16xf32>,
        tpu.vector_store_idx %arg10[%add3A_8, %add3A_1561], %get3A_1567 : memref<64x129xf32, #tpu.memory_space<vmem>>[vector<16xi32>, vector<16xi32>], vector<16xf32>,
        %get3A_1568 = arith.index_cast %scan3A_1556 : i32 to index
        %get3A_1569 = arith.constant 32 : index
        %get3A_1570 = tpu.vector_load %arg6[%get3A_1568, %get3A_1569] {strides = array<i32>} : memref<128x64xf32, #tpu.memory_space<vmem>>, vector<16xf32>,
        tpu.vector_store_idx %arg10[%add3A_11, %add3A_1561], %get3A_1570 : memref<64x129xf32, #tpu.memory_space<vmem>>[vector<16xi32>, vector<16xi32>], vector<16xf32>,
        %get3A_1571 = arith.index_cast %scan3A_1556 : i32 to index
        %get3A_1572 = arith.constant 48 : index
        %get3A_1573 = tpu.vector_load %arg6[%get3A_1571, %get3A_1572] {strides = array<i32>} : memref<128x64xf32, #tpu.memory_space<vmem>>, vector<16xf32>,
        tpu.vector_store_idx %arg10[%add3A_14, %add3A_1561], %get3A_1573 : memref<64x129xf32, #tpu.memory_space<vmem>>[vector<16xi32>, vector<16xi32>], vector<16xf32>,
        %scan3A_1574 = arith.constant 7 : i32
        %scan3A_1575 = arith.addi %scan3A_1443, %scan3A_1574 : i32
        %mul3A_1576 = arith.constant 0 : i32
        %mul3A_1577 = vector.broadcast %mul3A_1576 : i32 to vector<16xi32>
        %mul3A_1578 = arith.muli %iota3A, %mul3A_1577 : vector<16xi32>
        %add3A_1579 = vector.broadcast %scan3A_1575 : i32 to vector<16xi32>
        %add3A_1580 = arith.addi %mul3A_1578, %add3A_1579 : vector<16xi32>
        %get3A_1581 = arith.index_cast %scan3A_1575 : i32 to index
        %get3A_1582 = arith.constant 0 : index
        %get3A_1583 = tpu.vector_load %arg6[%get3A_1581, %get3A_1582] {strides = array<i32>} : memref<128x64xf32, #tpu.memory_space<vmem>>, vector<16xf32>,
        tpu.vector_store_idx %arg10[%add3A_5, %add3A_1580], %get3A_1583 : memref<64x129xf32, #tpu.memory_space<vmem>>[vector<16xi32>, vector<16xi32>], vector<16xf32>,
        %get3A_1584 = arith.index_cast %scan3A_1575 : i32 to index
        %get3A_1585 = arith.constant 16 : index
        %get3A_1586 = tpu.vector_load %arg6[%get3A_1584, %get3A_1585] {strides = array<i32>} : memref<128x64xf32, #tpu.memory_space<vmem>>, vector<16xf32>,
        tpu.vector_store_idx %arg10[%add3A_8, %add3A_1580], %get3A_1586 : memref<64x129xf32, #tpu.memory_space<vmem>>[vector<16xi32>, vector<16xi32>], vector<16xf32>,
        %get3A_1587 = arith.index_cast %scan3A_1575 : i32 to index
        %get3A_1588 = arith.constant 32 : index
        %get3A_1589 = tpu.vector_load %arg6[%get3A_1587, %get3A_1588] {strides = array<i32>} : memref<128x64xf32, #tpu.memory_space<vmem>>, vector<16xf32>,
        tpu.vector_store_idx %arg10[%add3A_11, %add3A_1580], %get3A_1589 : memref<64x129xf32, #tpu.memory_space<vmem>>[vector<16xi32>, vector<16xi32>], vector<16xf32>,
        %get3A_1590 = arith.index_cast %scan3A_1575 : i32 to index
        %get3A_1591 = arith.constant 48 : index
        %get3A_1592 = tpu.vector_load %arg6[%get3A_1590, %get3A_1591] {strides = array<i32>} : memref<128x64xf32, #tpu.memory_space<vmem>>, vector<16xf32>,
        tpu.vector_store_idx %arg10[%add3A_14, %add3A_1580], %get3A_1592 : memref<64x129xf32, #tpu.memory_space<vmem>>[vector<16xi32>, vector<16xi32>], vector<16xf32>,
      }
      %scan3A_751 = arith.constant 128 : i32
      %dma_start3A_752 = arith.constant 0 : i32
      %dma_start3A_753 = arith.constant 0 : i32
      %dma_start3A_754 = arith.constant 0 : i32
      %dma_start3A_755 = tpu.memref_slice %arg10[%dma_start3A_753, %dma_start3A_754] : memref<64x129xf32, #tpu.memory_space<vmem>> -> memref<8x128xf32, #tpu.memory_space<vmem>>
      %dma_start3A_756 = arith.constant 0 : i32
      %dma_start3A_757 = arith.constant 0 : i32
      %dma_start3A_758 = tpu.memref_slice %arg4[%select_n3A_722, %dma_start3A_752, %select_n3A_738, %dma_start3A_756, %dma_start3A_757] : memref<100x8x128x8x128xf32, #tpu.memory_space<hbm>> -> memref<1x1x1x8x128xf32, #tpu.memory_space<hbm>>
      %dma_start3A_759 = tpu.memref_squeeze %dma_start3A_758 : memref<1x1x1x8x128xf32, #tpu.memory_space<hbm>> -> memref<8x128xf32, #tpu.memory_space<hbm>>
      %dma_start3A_760 = arith.constant 0 : i32
      %dma_start3A_761 = arith.constant 0 : i32
      %dma_start3A_762 = tpu.memref_slice %arg4[%select_n3A_722, %dma_start3A_752, %select_n3A_738, %dma_start3A_760, %dma_start3A_761] : memref<100x8x128x8x128xf32, #tpu.memory_space<hbm>> -> memref<1x1x1x8x128xf32, #tpu.memory_space<hbm>>
      %dma_start3A_763 = tpu.memref_squeeze %dma_start3A_762 : memref<1x1x1x8x128xf32, #tpu.memory_space<hbm>> -> memref<8x128xf32, #tpu.memory_space<hbm>>
      %dma_start3A_764 = arith.constant 0 : i32
      %dma_start3A_765 = arith.constant 0 : i32
      %dma_start3A_766 = tpu.memref_slice %arg10[%dma_start3A_764, %dma_start3A_765] : memref<64x129xf32, #tpu.memory_space<vmem>> -> memref<8x128xf32, #tpu.memory_space<vmem>>
      tpu.enqueue_dma source(%dma_start3A_766 : memref<8x128xf32, #tpu.memory_space<vmem>>) target(%dma_start3A_763 : memref<8x128xf32, #tpu.memory_space<hbm>>) target_semaphore(%arg18 : memref<!tpu.dma_semaphore, #tpu.memory_space<semaphore_mem>>)
      %dma_start3A_767 = arith.constant 1 : i32
      %dma_start3A_768 = arith.constant 8 : i32
      %dma_start3A_769 = arith.constant 0 : i32
      %dma_start3A_770 = tpu.memref_slice %arg10[%dma_start3A_768, %dma_start3A_769] : memref<64x129xf32, #tpu.memory_space<vmem>> -> memref<8x128xf32, #tpu.memory_space<vmem>>
      %dma_start3A_771 = arith.constant 0 : i32
      %dma_start3A_772 = arith.constant 0 : i32
      %dma_start3A_773 = tpu.memref_slice %arg4[%select_n3A_722, %dma_start3A_767, %select_n3A_738, %dma_start3A_771, %dma_start3A_772] : memref<100x8x128x8x128xf32, #tpu.memory_space<hbm>> -> memref<1x1x1x8x128xf32, #tpu.memory_space<hbm>>
      %dma_start3A_774 = tpu.memref_squeeze %dma_start3A_773 : memref<1x1x1x8x128xf32, #tpu.memory_space<hbm>> -> memref<8x128xf32, #tpu.memory_space<hbm>>
      %dma_start3A_775 = arith.constant 0 : i32
      %dma_start3A_776 = arith.constant 0 : i32
      %dma_start3A_777 = tpu.memref_slice %arg4[%select_n3A_722, %dma_start3A_767, %select_n3A_738, %dma_start3A_775, %dma_start3A_776] : memref<100x8x128x8x128xf32, #tpu.memory_space<hbm>> -> memref<1x1x1x8x128xf32, #tpu.memory_space<hbm>>
      %dma_start3A_778 = tpu.memref_squeeze %dma_start3A_777 : memref<1x1x1x8x128xf32, #tpu.memory_space<hbm>> -> memref<8x128xf32, #tpu.memory_space<hbm>>
      %dma_start3A_779 = arith.constant 8 : i32
      %dma_start3A_780 = arith.constant 0 : i32
      %dma_start3A_781 = tpu.memref_slice %arg10[%dma_start3A_779, %dma_start3A_780] : memref<64x129xf32, #tpu.memory_space<vmem>> -> memref<8x128xf32, #tpu.memory_space<vmem>>
      tpu.enqueue_dma source(%dma_start3A_781 : memref<8x128xf32, #tpu.memory_space<vmem>>) target(%dma_start3A_778 : memref<8x128xf32, #tpu.memory_space<hbm>>) target_semaphore(%arg18 : memref<!tpu.dma_semaphore, #tpu.memory_space<semaphore_mem>>)
      %dma_start3A_782 = arith.constant 2 : i32
      %dma_start3A_783 = arith.constant 16 : i32
      %dma_start3A_784 = arith.constant 0 : i32
      %dma_start3A_785 = tpu.memref_slice %arg10[%dma_start3A_783, %dma_start3A_784] : memref<64x129xf32, #tpu.memory_space<vmem>> -> memref<8x128xf32, #tpu.memory_space<vmem>>
      %dma_start3A_786 = arith.constant 0 : i32
      %dma_start3A_787 = arith.constant 0 : i32
      %dma_start3A_788 = tpu.memref_slice %arg4[%select_n3A_722, %dma_start3A_782, %select_n3A_738, %dma_start3A_786, %dma_start3A_787] : memref<100x8x128x8x128xf32, #tpu.memory_space<hbm>> -> memref<1x1x1x8x128xf32, #tpu.memory_space<hbm>>
      %dma_start3A_789 = tpu.memref_squeeze %dma_start3A_788 : memref<1x1x1x8x128xf32, #tpu.memory_space<hbm>> -> memref<8x128xf32, #tpu.memory_space<hbm>>
      %dma_start3A_790 = arith.constant 0 : i32
      %dma_start3A_791 = arith.constant 0 : i32
      %dma_start3A_792 = tpu.memref_slice %arg4[%select_n3A_722, %dma_start3A_782, %select_n3A_738, %dma_start3A_790, %dma_start3A_791] : memref<100x8x128x8x128xf32, #tpu.memory_space<hbm>> -> memref<1x1x1x8x128xf32, #tpu.memory_space<hbm>>
      %dma_start3A_793 = tpu.memref_squeeze %dma_start3A_792 : memref<1x1x1x8x128xf32, #tpu.memory_space<hbm>> -> memref<8x128xf32, #tpu.memory_space<hbm>>
      %dma_start3A_794 = arith.constant 16 : i32
      %dma_start3A_795 = arith.constant 0 : i32
      %dma_start3A_796 = tpu.memref_slice %arg10[%dma_start3A_794, %dma_start3A_795] : memref<64x129xf32, #tpu.memory_space<vmem>> -> memref<8x128xf32, #tpu.memory_space<vmem>>
      tpu.enqueue_dma source(%dma_start3A_796 : memref<8x128xf32, #tpu.memory_space<vmem>>) target(%dma_start3A_793 : memref<8x128xf32, #tpu.memory_space<hbm>>) target_semaphore(%arg18 : memref<!tpu.dma_semaphore, #tpu.memory_space<semaphore_mem>>)
      %dma_start3A_797 = arith.constant 3 : i32
      %dma_start3A_798 = arith.constant 24 : i32
      %dma_start3A_799 = arith.constant 0 : i32
      %dma_start3A_800 = tpu.memref_slice %arg10[%dma_start3A_798, %dma_start3A_799] : memref<64x129xf32, #tpu.memory_space<vmem>> -> memref<8x128xf32, #tpu.memory_space<vmem>>
      %dma_start3A_801 = arith.constant 0 : i32
      %dma_start3A_802 = arith.constant 0 : i32
      %dma_start3A_803 = tpu.memref_slice %arg4[%select_n3A_722, %dma_start3A_797, %select_n3A_738, %dma_start3A_801, %dma_start3A_802] : memref<100x8x128x8x128xf32, #tpu.memory_space<hbm>> -> memref<1x1x1x8x128xf32, #tpu.memory_space<hbm>>
      %dma_start3A_804 = tpu.memref_squeeze %dma_start3A_803 : memref<1x1x1x8x128xf32, #tpu.memory_space<hbm>> -> memref<8x128xf32, #tpu.memory_space<hbm>>
      %dma_start3A_805 = arith.constant 0 : i32
      %dma_start3A_806 = arith.constant 0 : i32
      %dma_start3A_807 = tpu.memref_slice %arg4[%select_n3A_722, %dma_start3A_797, %select_n3A_738, %dma_start3A_805, %dma_start3A_806] : memref<100x8x128x8x128xf32, #tpu.memory_space<hbm>> -> memref<1x1x1x8x128xf32, #tpu.memory_space<hbm>>
      %dma_start3A_808 = tpu.memref_squeeze %dma_start3A_807 : memref<1x1x1x8x128xf32, #tpu.memory_space<hbm>> -> memref<8x128xf32, #tpu.memory_space<hbm>>
      %dma_start3A_809 = arith.constant 24 : i32
      %dma_start3A_810 = arith.constant 0 : i32
      %dma_start3A_811 = tpu.memref_slice %arg10[%dma_start3A_809, %dma_start3A_810] : memref<64x129xf32, #tpu.memory_space<vmem>> -> memref<8x128xf32, #tpu.memory_space<vmem>>
      tpu.enqueue_dma source(%dma_start3A_811 : memref<8x128xf32, #tpu.memory_space<vmem>>) target(%dma_start3A_808 : memref<8x128xf32, #tpu.memory_space<hbm>>) target_semaphore(%arg18 : memref<!tpu.dma_semaphore, #tpu.memory_space<semaphore_mem>>)
      %dma_start3A_812 = arith.constant 4 : i32
      %dma_start3A_813 = arith.constant 32 : i32
      %dma_start3A_814 = arith.constant 0 : i32
      %dma_start3A_815 = tpu.memref_slice %arg10[%dma_start3A_813, %dma_start3A_814] : memref<64x129xf32, #tpu.memory_space<vmem>> -> memref<8x128xf32, #tpu.memory_space<vmem>>
      %dma_start3A_816 = arith.constant 0 : i32
      %dma_start3A_817 = arith.constant 0 : i32
      %dma_start3A_818 = tpu.memref_slice %arg4[%select_n3A_722, %dma_start3A_812, %select_n3A_738, %dma_start3A_816, %dma_start3A_817] : memref<100x8x128x8x128xf32, #tpu.memory_space<hbm>> -> memref<1x1x1x8x128xf32, #tpu.memory_space<hbm>>
      %dma_start3A_819 = tpu.memref_squeeze %dma_start3A_818 : memref<1x1x1x8x128xf32, #tpu.memory_space<hbm>> -> memref<8x128xf32, #tpu.memory_space<hbm>>
      %dma_start3A_820 = arith.constant 0 : i32
      %dma_start3A_821 = arith.constant 0 : i32
      %dma_start3A_822 = tpu.memref_slice %arg4[%select_n3A_722, %dma_start3A_812, %select_n3A_738, %dma_start3A_820, %dma_start3A_821] : memref<100x8x128x8x128xf32, #tpu.memory_space<hbm>> -> memref<1x1x1x8x128xf32, #tpu.memory_space<hbm>>
      %dma_start3A_823 = tpu.memref_squeeze %dma_start3A_822 : memref<1x1x1x8x128xf32, #tpu.memory_space<hbm>> -> memref<8x128xf32, #tpu.memory_space<hbm>>
      %dma_start3A_824 = arith.constant 32 : i32
      %dma_start3A_825 = arith.constant 0 : i32
      %dma_start3A_826 = tpu.memref_slice %arg10[%dma_start3A_824, %dma_start3A_825] : memref<64x129xf32, #tpu.memory_space<vmem>> -> memref<8x128xf32, #tpu.memory_space<vmem>>
      tpu.enqueue_dma source(%dma_start3A_826 : memref<8x128xf32, #tpu.memory_space<vmem>>) target(%dma_start3A_823 : memref<8x128xf32, #tpu.memory_space<hbm>>) target_semaphore(%arg18 : memref<!tpu.dma_semaphore, #tpu.memory_space<semaphore_mem>>)
      %dma_start3A_827 = arith.constant 5 : i32
      %dma_start3A_828 = arith.constant 40 : i32
      %dma_start3A_829 = arith.constant 0 : i32
      %dma_start3A_830 = tpu.memref_slice %arg10[%dma_start3A_828, %dma_start3A_829] : memref<64x129xf32, #tpu.memory_space<vmem>> -> memref<8x128xf32, #tpu.memory_space<vmem>>
      %dma_start3A_831 = arith.constant 0 : i32
      %dma_start3A_832 = arith.constant 0 : i32
      %dma_start3A_833 = tpu.memref_slice %arg4[%select_n3A_722, %dma_start3A_827, %select_n3A_738, %dma_start3A_831, %dma_start3A_832] : memref<100x8x128x8x128xf32, #tpu.memory_space<hbm>> -> memref<1x1x1x8x128xf32, #tpu.memory_space<hbm>>
      %dma_start3A_834 = tpu.memref_squeeze %dma_start3A_833 : memref<1x1x1x8x128xf32, #tpu.memory_space<hbm>> -> memref<8x128xf32, #tpu.memory_space<hbm>>
      %dma_start3A_835 = arith.constant 0 : i32
      %dma_start3A_836 = arith.constant 0 : i32
      %dma_start3A_837 = tpu.memref_slice %arg4[%select_n3A_722, %dma_start3A_827, %select_n3A_738, %dma_start3A_835, %dma_start3A_836] : memref<100x8x128x8x128xf32, #tpu.memory_space<hbm>> -> memref<1x1x1x8x128xf32, #tpu.memory_space<hbm>>
      %dma_start3A_838 = tpu.memref_squeeze %dma_start3A_837 : memref<1x1x1x8x128xf32, #tpu.memory_space<hbm>> -> memref<8x128xf32, #tpu.memory_space<hbm>>
      %dma_start3A_839 = arith.constant 40 : i32
      %dma_start3A_840 = arith.constant 0 : i32
      %dma_start3A_841 = tpu.memref_slice %arg10[%dma_start3A_839, %dma_start3A_840] : memref<64x129xf32, #tpu.memory_space<vmem>> -> memref<8x128xf32, #tpu.memory_space<vmem>>
      tpu.enqueue_dma source(%dma_start3A_841 : memref<8x128xf32, #tpu.memory_space<vmem>>) target(%dma_start3A_838 : memref<8x128xf32, #tpu.memory_space<hbm>>) target_semaphore(%arg18 : memref<!tpu.dma_semaphore, #tpu.memory_space<semaphore_mem>>)
      %dma_start3A_842 = arith.constant 6 : i32
      %dma_start3A_843 = arith.constant 48 : i32
      %dma_start3A_844 = arith.constant 0 : i32
      %dma_start3A_845 = tpu.memref_slice %arg10[%dma_start3A_843, %dma_start3A_844] : memref<64x129xf32, #tpu.memory_space<vmem>> -> memref<8x128xf32, #tpu.memory_space<vmem>>
      %dma_start3A_846 = arith.constant 0 : i32
      %dma_start3A_847 = arith.constant 0 : i32
      %dma_start3A_848 = tpu.memref_slice %arg4[%select_n3A_722, %dma_start3A_842, %select_n3A_738, %dma_start3A_846, %dma_start3A_847] : memref<100x8x128x8x128xf32, #tpu.memory_space<hbm>> -> memref<1x1x1x8x128xf32, #tpu.memory_space<hbm>>
      %dma_start3A_849 = tpu.memref_squeeze %dma_start3A_848 : memref<1x1x1x8x128xf32, #tpu.memory_space<hbm>> -> memref<8x128xf32, #tpu.memory_space<hbm>>
      %dma_start3A_850 = arith.constant 0 : i32
      %dma_start3A_851 = arith.constant 0 : i32
      %dma_start3A_852 = tpu.memref_slice %arg4[%select_n3A_722, %dma_start3A_842, %select_n3A_738, %dma_start3A_850, %dma_start3A_851] : memref<100x8x128x8x128xf32, #tpu.memory_space<hbm>> -> memref<1x1x1x8x128xf32, #tpu.memory_space<hbm>>
      %dma_start3A_853 = tpu.memref_squeeze %dma_start3A_852 : memref<1x1x1x8x128xf32, #tpu.memory_space<hbm>> -> memref<8x128xf32, #tpu.memory_space<hbm>>
      %dma_start3A_854 = arith.constant 48 : i32
      %dma_start3A_855 = arith.constant 0 : i32
      %dma_start3A_856 = tpu.memref_slice %arg10[%dma_start3A_854, %dma_start3A_855] : memref<64x129xf32, #tpu.memory_space<vmem>> -> memref<8x128xf32, #tpu.memory_space<vmem>>
      tpu.enqueue_dma source(%dma_start3A_856 : memref<8x128xf32, #tpu.memory_space<vmem>>) target(%dma_start3A_853 : memref<8x128xf32, #tpu.memory_space<hbm>>) target_semaphore(%arg18 : memref<!tpu.dma_semaphore, #tpu.memory_space<semaphore_mem>>)
      %dma_start3A_857 = arith.constant 7 : i32
      %dma_start3A_858 = arith.constant 56 : i32
      %dma_start3A_859 = arith.constant 0 : i32
      %dma_start3A_860 = tpu.memref_slice %arg10[%dma_start3A_858, %dma_start3A_859] : memref<64x129xf32, #tpu.memory_space<vmem>> -> memref<8x128xf32, #tpu.memory_space<vmem>>
      %dma_start3A_861 = arith.constant 0 : i32
      %dma_start3A_862 = arith.constant 0 : i32
      %dma_start3A_863 = tpu.memref_slice %arg4[%select_n3A_722, %dma_start3A_857, %select_n3A_738, %dma_start3A_861, %dma_start3A_862] : memref<100x8x128x8x128xf32, #tpu.memory_space<hbm>> -> memref<1x1x1x8x128xf32, #tpu.memory_space<hbm>>
      %dma_start3A_864 = tpu.memref_squeeze %dma_start3A_863 : memref<1x1x1x8x128xf32, #tpu.memory_space<hbm>> -> memref<8x128xf32, #tpu.memory_space<hbm>>
      %dma_start3A_865 = arith.constant 0 : i32
      %dma_start3A_866 = arith.constant 0 : i32
      %dma_start3A_867 = tpu.memref_slice %arg4[%select_n3A_722, %dma_start3A_857, %select_n3A_738, %dma_start3A_865, %dma_start3A_866] : memref<100x8x128x8x128xf32, #tpu.memory_space<hbm>> -> memref<1x1x1x8x128xf32, #tpu.memory_space<hbm>>
      %dma_start3A_868 = tpu.memref_squeeze %dma_start3A_867 : memref<1x1x1x8x128xf32, #tpu.memory_space<hbm>> -> memref<8x128xf32, #tpu.memory_space<hbm>>
      %dma_start3A_869 = arith.constant 56 : i32
      %dma_start3A_870 = arith.constant 0 : i32
      %dma_start3A_871 = tpu.memref_slice %arg10[%dma_start3A_869, %dma_start3A_870] : memref<64x129xf32, #tpu.memory_space<vmem>> -> memref<8x128xf32, #tpu.memory_space<vmem>>
      tpu.enqueue_dma source(%dma_start3A_871 : memref<8x128xf32, #tpu.memory_space<vmem>>) target(%dma_start3A_868 : memref<8x128xf32, #tpu.memory_space<hbm>>) target_semaphore(%arg18 : memref<!tpu.dma_semaphore, #tpu.memory_space<semaphore_mem>>)
      %add3A_872 = arith.constant 4 : i32
      %add3A_873 = arith.addi %add3A_697, %add3A_872 : i32
      %lt3A_874 = arith.constant 400 : i32
      %lt3A_875 = arith.cmpi slt, %add3A_873, %lt3A_874 : i32
      %convert_element_type3A_876 = arith.extui %lt3A_875 : i1 to i32
      %cond3A_877 = arith.constant 0 : i32
      %cond3A_878 = arith.cmpi ne, %convert_element_type3A_876, %cond3A_877 : i32
      scf.if %cond3A_878 {
        %add3A_1443 = arith.constant 4 : i32
        %add3A_1444 = arith.addi %add3A_697, %add3A_1443 : i32
        %mul3A_1445 = arith.constant 128 : i32
        %mul3A_1446 = arith.muli %add3A_1444, %mul3A_1445 : i32
        %dma_start3A_1447 = tpu.memref_slice %arg5[%mul3A_1446] : memref<51200xi32, #tpu.memory_space<vmem>> -> memref<128xi32, #tpu.memory_space<vmem>>
        %dma_start3A_1448 = arith.constant 0 : i32
        %dma_start3A_1449 = arith.constant 0 : i32
        %dma_start3A_1450 = tpu.memref_slice %arg3[%dma_start3A_1448, %dma_start3A_1449] : memref<1000000x64xf32, #tpu.memory_space<hbm>> -> memref<1000000x64xf32, #tpu.memory_space<hbm>>
        tpu.enqueue_indirect_dma source(%dma_start3A_1450 : memref<1000000x64xf32, #tpu.memory_space<hbm>>) target(%arg6 : memref<128x64xf32, #tpu.memory_space<vmem>>) offsets(%dma_start3A_1447 : memref<128xi32, #tpu.memory_space<vmem>>) semaphore(%arg14 : memref<!tpu.dma_semaphore, #tpu.memory_space<semaphore_mem>>)
      } else {
      }
      %mul3A_879 = arith.constant 4 : i32
      %mul3A_880 = arith.muli %scan3A_693, %mul3A_879 : i32
      %add3A_881 = arith.constant 1 : i32
      %add3A_882 = arith.addi %mul3A_880, %add3A_881 : i32
      %add3A_883 = arith.addi %mul3A_2, %add3A_882 : i32
      %jit3A_884 = arith.constant 128 : i32
      %div3A_885 = arith.divsi %add3A_883, %jit3A_884 : i32
      %sign3A_886 = arith.constant 0 : i32
      %sign3A_887 = arith.cmpi sgt, %add3A_883, %sign3A_886 : i32
      %sign3A_888 = arith.extui %sign3A_887 : i1 to i32
      %sign3A_889 = arith.constant 0 : i32
      %sign3A_890 = arith.cmpi slt, %add3A_883, %sign3A_889 : i32
      %sign3A_891 = arith.extui %sign3A_890 : i1 to i32
      %sign3A_892 = arith.subi %sign3A_888, %sign3A_891 : i32
      %sign3A_893 = arith.constant 0 : i32
      %sign3A_894 = arith.cmpi sgt, %jit3A_884, %sign3A_893 : i32
      %sign3A_895 = arith.extui %sign3A_894 : i1 to i32
      %sign3A_896 = arith.constant 0 : i32
      %sign3A_897 = arith.cmpi slt, %jit3A_884, %sign3A_896 : i32
      %sign3A_898 = arith.extui %sign3A_897 : i1 to i32
      %sign3A_899 = arith.subi %sign3A_895, %sign3A_898 : i32
      %ne3A_900 = arith.cmpi ne, %sign3A_892, %sign3A_899 : i32
      %rem3A_901 = arith.remsi %add3A_883, %jit3A_884 : i32
      %ne3A_902 = arith.constant 0 : i32
      %ne3A_903 = arith.cmpi ne, %rem3A_901, %ne3A_902 : i32
      %and3A_904 = arith.andi %ne3A_900, %ne3A_903 : i1
      %sub3A_905 = arith.constant 1 : i32
      %sub3A_906 = arith.subi %div3A_885, %sub3A_905 : i32
      %select_n3A_907 = arith.select %and3A_904, %sub3A_906, %div3A_885 : i32
      %jit3A_908 = arith.constant 128 : i32
      %eq3A_909 = arith.constant 0 : i32
      %eq3A_910 = arith.cmpi eq, %jit3A_908, %eq3A_909 : i32
      %jit3A_911 = arith.constant 1 : i32
      %select_n3A_912 = arith.select %eq3A_910, %jit3A_911, %jit3A_908 : i32
      %rem3A_913 = arith.remsi %add3A_883, %select_n3A_912 : i32
      %ne3A_914 = arith.constant 0 : i32
      %ne3A_915 = arith.cmpi ne, %rem3A_913, %ne3A_914 : i32
      %lt3A_916 = arith.constant 0 : i32
      %lt3A_917 = arith.cmpi slt, %rem3A_913, %lt3A_916 : i32
      %lt3A_918 = arith.constant 0 : i32
      %lt3A_919 = arith.cmpi slt, %select_n3A_912, %lt3A_918 : i32
      %ne3A_920 = arith.xori %lt3A_917, %lt3A_919 : i1
      %and3A_921 = arith.andi %ne3A_920, %ne3A_915 : i1
      %add3A_922 = arith.addi %rem3A_913, %select_n3A_912 : i32
      %select_n3A_923 = arith.select %and3A_921, %add3A_922, %rem3A_913 : i32
      %mul3A_924 = arith.constant 128 : i32
      %mul3A_925 = arith.muli %add3A_882, %mul3A_924 : i32
      %dma_wait3A_926 = tpu.memref_slice %arg5[%mul3A_925] : memref<51200xi32, #tpu.memory_space<vmem>> -> memref<128xi32, #tpu.memory_space<vmem>>
      %dma_wait3A_927 = arith.constant 0 : i32
      %dma_wait3A_928 = arith.constant 0 : i32
      %dma_wait3A_929 = tpu.memref_slice %arg3[%dma_wait3A_927, %dma_wait3A_928] : memref<1000000x64xf32, #tpu.memory_space<hbm>> -> memref<1000000x64xf32, #tpu.memory_space<hbm>>
      tpu.wait_indirect_dma semaphore(%arg15 : memref<!tpu.dma_semaphore, #tpu.memory_space<semaphore_mem>>) src(%dma_wait3A_929 : memref<1000000x64xf32, #tpu.memory_space<hbm>>) dst(%arg7 : memref<128x64xf32, #tpu.memory_space<vmem>>)
      %ge3A_930 = arith.constant 4 : i32
      %ge3A_931 = arith.cmpi sge, %add3A_882, %ge3A_930 : i32
      %convert_element_type3A_932 = arith.extui %ge3A_931 : i1 to i32
      %cond3A_933 = arith.constant 0 : i32
      %cond3A_934 = arith.cmpi ne, %convert_element_type3A_932, %cond3A_933 : i32
      scf.if %cond3A_934 {
        %dma_wait3A_1443 = arith.constant 0 : i32
        %dma_wait3A_1444 = arith.constant 0 : i32
        %dma_wait3A_1445 = arith.constant 0 : i32
        %dma_wait3A_1446 = tpu.memref_slice %arg11[%dma_wait3A_1444, %dma_wait3A_1445] : memref<64x129xf32, #tpu.memory_space<vmem>> -> memref<8x128xf32, #tpu.memory_space<vmem>>
        %dma_wait3A_1447 = arith.constant 0 : i32
        %dma_wait3A_1448 = arith.constant 0 : i32
        %dma_wait3A_1449 = tpu.memref_slice %arg4[%select_n3A_907, %dma_wait3A_1443, %select_n3A_923, %dma_wait3A_1447, %dma_wait3A_1448] : memref<100x8x128x8x128xf32, #tpu.memory_space<hbm>> -> memref<1x1x1x8x128xf32, #tpu.memory_space<hbm>>
        %dma_wait3A_1450 = tpu.memref_squeeze %dma_wait3A_1449 : memref<1x1x1x8x128xf32, #tpu.memory_space<hbm>> -> memref<8x128xf32, #tpu.memory_space<hbm>>
        %dma_wait3A_1451 = arith.constant 0 : i32
        %dma_wait3A_1452 = arith.constant 0 : i32
        %dma_wait3A_1453 = tpu.memref_slice %arg4[%select_n3A_907, %dma_wait3A_1443, %select_n3A_923, %dma_wait3A_1451, %dma_wait3A_1452] : memref<100x8x128x8x128xf32, #tpu.memory_space<hbm>> -> memref<1x1x1x8x128xf32, #tpu.memory_space<hbm>>
        %dma_wait3A_1454 = tpu.memref_squeeze %dma_wait3A_1453 : memref<1x1x1x8x128xf32, #tpu.memory_space<hbm>> -> memref<8x128xf32, #tpu.memory_space<hbm>>
        %dma_wait3A_1455 = arith.constant 0 : i32
        %dma_wait3A_1456 = arith.constant 0 : i32
        %dma_wait3A_1457 = tpu.memref_slice %arg11[%dma_wait3A_1455, %dma_wait3A_1456] : memref<64x129xf32, #tpu.memory_space<vmem>> -> memref<8x128xf32, #tpu.memory_space<vmem>>
        tpu.wait_dma2 semaphore(%arg19 : memref<!tpu.dma_semaphore, #tpu.memory_space<semaphore_mem>>) src(%dma_wait3A_1457 : memref<8x128xf32, #tpu.memory_space<vmem>>) dst(%dma_wait3A_1454 : memref<8x128xf32, #tpu.memory_space<hbm>>)
        %dma_wait3A_1458 = arith.constant 1 : i32
        %dma_wait3A_1459 = arith.constant 8 : i32
        %dma_wait3A_1460 = arith.constant 0 : i32
        %dma_wait3A_1461 = tpu.memref_slice %arg11[%dma_wait3A_1459, %dma_wait3A_1460] : memref<64x129xf32, #tpu.memory_space<vmem>> -> memref<8x128xf32, #tpu.memory_space<vmem>>
        %dma_wait3A_1462 = arith.constant 0 : i32
        %dma_wait3A_1463 = arith.constant 0 : i32
        %dma_wait3A_1464 = tpu.memref_slice %arg4[%select_n3A_907, %dma_wait3A_1458, %select_n3A_923, %dma_wait3A_1462, %dma_wait3A_1463] : memref<100x8x128x8x128xf32, #tpu.memory_space<hbm>> -> memref<1x1x1x8x128xf32, #tpu.memory_space<hbm>>
        %dma_wait3A_1465 = tpu.memref_squeeze %dma_wait3A_1464 : memref<1x1x1x8x128xf32, #tpu.memory_space<hbm>> -> memref<8x128xf32, #tpu.memory_space<hbm>>
        %dma_wait3A_1466 = arith.constant 0 : i32
        %dma_wait3A_1467 = arith.constant 0 : i32
        %dma_wait3A_1468 = tpu.memref_slice %arg4[%select_n3A_907, %dma_wait3A_1458, %select_n3A_923, %dma_wait3A_1466, %dma_wait3A_1467] : memref<100x8x128x8x128xf32, #tpu.memory_space<hbm>> -> memref<1x1x1x8x128xf32, #tpu.memory_space<hbm>>
        %dma_wait3A_1469 = tpu.memref_squeeze %dma_wait3A_1468 : memref<1x1x1x8x128xf32, #tpu.memory_space<hbm>> -> memref<8x128xf32, #tpu.memory_space<hbm>>
        %dma_wait3A_1470 = arith.constant 8 : i32
        %dma_wait3A_1471 = arith.constant 0 : i32
        %dma_wait3A_1472 = tpu.memref_slice %arg11[%dma_wait3A_1470, %dma_wait3A_1471] : memref<64x129xf32, #tpu.memory_space<vmem>> -> memref<8x128xf32, #tpu.memory_space<vmem>>
        tpu.wait_dma2 semaphore(%arg19 : memref<!tpu.dma_semaphore, #tpu.memory_space<semaphore_mem>>) src(%dma_wait3A_1472 : memref<8x128xf32, #tpu.memory_space<vmem>>) dst(%dma_wait3A_1469 : memref<8x128xf32, #tpu.memory_space<hbm>>)
        %dma_wait3A_1473 = arith.constant 2 : i32
        %dma_wait3A_1474 = arith.constant 16 : i32
        %dma_wait3A_1475 = arith.constant 0 : i32
        %dma_wait3A_1476 = tpu.memref_slice %arg11[%dma_wait3A_1474, %dma_wait3A_1475] : memref<64x129xf32, #tpu.memory_space<vmem>> -> memref<8x128xf32, #tpu.memory_space<vmem>>
        %dma_wait3A_1477 = arith.constant 0 : i32
        %dma_wait3A_1478 = arith.constant 0 : i32
        %dma_wait3A_1479 = tpu.memref_slice %arg4[%select_n3A_907, %dma_wait3A_1473, %select_n3A_923, %dma_wait3A_1477, %dma_wait3A_1478] : memref<100x8x128x8x128xf32, #tpu.memory_space<hbm>> -> memref<1x1x1x8x128xf32, #tpu.memory_space<hbm>>
        %dma_wait3A_1480 = tpu.memref_squeeze %dma_wait3A_1479 : memref<1x1x1x8x128xf32, #tpu.memory_space<hbm>> -> memref<8x128xf32, #tpu.memory_space<hbm>>
        %dma_wait3A_1481 = arith.constant 0 : i32
        %dma_wait3A_1482 = arith.constant 0 : i32
        %dma_wait3A_1483 = tpu.memref_slice %arg4[%select_n3A_907, %dma_wait3A_1473, %select_n3A_923, %dma_wait3A_1481, %dma_wait3A_1482] : memref<100x8x128x8x128xf32, #tpu.memory_space<hbm>> -> memref<1x1x1x8x128xf32, #tpu.memory_space<hbm>>
        %dma_wait3A_1484 = tpu.memref_squeeze %dma_wait3A_1483 : memref<1x1x1x8x128xf32, #tpu.memory_space<hbm>> -> memref<8x128xf32, #tpu.memory_space<hbm>>
        %dma_wait3A_1485 = arith.constant 16 : i32
        %dma_wait3A_1486 = arith.constant 0 : i32
        %dma_wait3A_1487 = tpu.memref_slice %arg11[%dma_wait3A_1485, %dma_wait3A_1486] : memref<64x129xf32, #tpu.memory_space<vmem>> -> memref<8x128xf32, #tpu.memory_space<vmem>>
        tpu.wait_dma2 semaphore(%arg19 : memref<!tpu.dma_semaphore, #tpu.memory_space<semaphore_mem>>) src(%dma_wait3A_1487 : memref<8x128xf32, #tpu.memory_space<vmem>>) dst(%dma_wait3A_1484 : memref<8x128xf32, #tpu.memory_space<hbm>>)
        %dma_wait3A_1488 = arith.constant 3 : i32
        %dma_wait3A_1489 = arith.constant 24 : i32
        %dma_wait3A_1490 = arith.constant 0 : i32
        %dma_wait3A_1491 = tpu.memref_slice %arg11[%dma_wait3A_1489, %dma_wait3A_1490] : memref<64x129xf32, #tpu.memory_space<vmem>> -> memref<8x128xf32, #tpu.memory_space<vmem>>
        %dma_wait3A_1492 = arith.constant 0 : i32
        %dma_wait3A_1493 = arith.constant 0 : i32
        %dma_wait3A_1494 = tpu.memref_slice %arg4[%select_n3A_907, %dma_wait3A_1488, %select_n3A_923, %dma_wait3A_1492, %dma_wait3A_1493] : memref<100x8x128x8x128xf32, #tpu.memory_space<hbm>> -> memref<1x1x1x8x128xf32, #tpu.memory_space<hbm>>
        %dma_wait3A_1495 = tpu.memref_squeeze %dma_wait3A_1494 : memref<1x1x1x8x128xf32, #tpu.memory_space<hbm>> -> memref<8x128xf32, #tpu.memory_space<hbm>>
        %dma_wait3A_1496 = arith.constant 0 : i32
        %dma_wait3A_1497 = arith.constant 0 : i32
        %dma_wait3A_1498 = tpu.memref_slice %arg4[%select_n3A_907, %dma_wait3A_1488, %select_n3A_923, %dma_wait3A_1496, %dma_wait3A_1497] : memref<100x8x128x8x128xf32, #tpu.memory_space<hbm>> -> memref<1x1x1x8x128xf32, #tpu.memory_space<hbm>>
        %dma_wait3A_1499 = tpu.memref_squeeze %dma_wait3A_1498 : memref<1x1x1x8x128xf32, #tpu.memory_space<hbm>> -> memref<8x128xf32, #tpu.memory_space<hbm>>
        %dma_wait3A_1500 = arith.constant 24 : i32
        %dma_wait3A_1501 = arith.constant 0 : i32
        %dma_wait3A_1502 = tpu.memref_slice %arg11[%dma_wait3A_1500, %dma_wait3A_1501] : memref<64x129xf32, #tpu.memory_space<vmem>> -> memref<8x128xf32, #tpu.memory_space<vmem>>
        tpu.wait_dma2 semaphore(%arg19 : memref<!tpu.dma_semaphore, #tpu.memory_space<semaphore_mem>>) src(%dma_wait3A_1502 : memref<8x128xf32, #tpu.memory_space<vmem>>) dst(%dma_wait3A_1499 : memref<8x128xf32, #tpu.memory_space<hbm>>)
        %dma_wait3A_1503 = arith.constant 4 : i32
        %dma_wait3A_1504 = arith.constant 32 : i32
        %dma_wait3A_1505 = arith.constant 0 : i32
        %dma_wait3A_1506 = tpu.memref_slice %arg11[%dma_wait3A_1504, %dma_wait3A_1505] : memref<64x129xf32, #tpu.memory_space<vmem>> -> memref<8x128xf32, #tpu.memory_space<vmem>>
        %dma_wait3A_1507 = arith.constant 0 : i32
        %dma_wait3A_1508 = arith.constant 0 : i32
        %dma_wait3A_1509 = tpu.memref_slice %arg4[%select_n3A_907, %dma_wait3A_1503, %select_n3A_923, %dma_wait3A_1507, %dma_wait3A_1508] : memref<100x8x128x8x128xf32, #tpu.memory_space<hbm>> -> memref<1x1x1x8x128xf32, #tpu.memory_space<hbm>>
        %dma_wait3A_1510 = tpu.memref_squeeze %dma_wait3A_1509 : memref<1x1x1x8x128xf32, #tpu.memory_space<hbm>> -> memref<8x128xf32, #tpu.memory_space<hbm>>
        %dma_wait3A_1511 = arith.constant 0 : i32
        %dma_wait3A_1512 = arith.constant 0 : i32
        %dma_wait3A_1513 = tpu.memref_slice %arg4[%select_n3A_907, %dma_wait3A_1503, %select_n3A_923, %dma_wait3A_1511, %dma_wait3A_1512] : memref<100x8x128x8x128xf32, #tpu.memory_space<hbm>> -> memref<1x1x1x8x128xf32, #tpu.memory_space<hbm>>
        %dma_wait3A_1514 = tpu.memref_squeeze %dma_wait3A_1513 : memref<1x1x1x8x128xf32, #tpu.memory_space<hbm>> -> memref<8x128xf32, #tpu.memory_space<hbm>>
        %dma_wait3A_1515 = arith.constant 32 : i32
        %dma_wait3A_1516 = arith.constant 0 : i32
        %dma_wait3A_1517 = tpu.memref_slice %arg11[%dma_wait3A_1515, %dma_wait3A_1516] : memref<64x129xf32, #tpu.memory_space<vmem>> -> memref<8x128xf32, #tpu.memory_space<vmem>>
        tpu.wait_dma2 semaphore(%arg19 : memref<!tpu.dma_semaphore, #tpu.memory_space<semaphore_mem>>) src(%dma_wait3A_1517 : memref<8x128xf32, #tpu.memory_space<vmem>>) dst(%dma_wait3A_1514 : memref<8x128xf32, #tpu.memory_space<hbm>>)
        %dma_wait3A_1518 = arith.constant 5 : i32
        %dma_wait3A_1519 = arith.constant 40 : i32
        %dma_wait3A_1520 = arith.constant 0 : i32
        %dma_wait3A_1521 = tpu.memref_slice %arg11[%dma_wait3A_1519, %dma_wait3A_1520] : memref<64x129xf32, #tpu.memory_space<vmem>> -> memref<8x128xf32, #tpu.memory_space<vmem>>
        %dma_wait3A_1522 = arith.constant 0 : i32
        %dma_wait3A_1523 = arith.constant 0 : i32
        %dma_wait3A_1524 = tpu.memref_slice %arg4[%select_n3A_907, %dma_wait3A_1518, %select_n3A_923, %dma_wait3A_1522, %dma_wait3A_1523] : memref<100x8x128x8x128xf32, #tpu.memory_space<hbm>> -> memref<1x1x1x8x128xf32, #tpu.memory_space<hbm>>
        %dma_wait3A_1525 = tpu.memref_squeeze %dma_wait3A_1524 : memref<1x1x1x8x128xf32, #tpu.memory_space<hbm>> -> memref<8x128xf32, #tpu.memory_space<hbm>>
        %dma_wait3A_1526 = arith.constant 0 : i32
        %dma_wait3A_1527 = arith.constant 0 : i32
        %dma_wait3A_1528 = tpu.memref_slice %arg4[%select_n3A_907, %dma_wait3A_1518, %select_n3A_923, %dma_wait3A_1526, %dma_wait3A_1527] : memref<100x8x128x8x128xf32, #tpu.memory_space<hbm>> -> memref<1x1x1x8x128xf32, #tpu.memory_space<hbm>>
        %dma_wait3A_1529 = tpu.memref_squeeze %dma_wait3A_1528 : memref<1x1x1x8x128xf32, #tpu.memory_space<hbm>> -> memref<8x128xf32, #tpu.memory_space<hbm>>
        %dma_wait3A_1530 = arith.constant 40 : i32
        %dma_wait3A_1531 = arith.constant 0 : i32
        %dma_wait3A_1532 = tpu.memref_slice %arg11[%dma_wait3A_1530, %dma_wait3A_1531] : memref<64x129xf32, #tpu.memory_space<vmem>> -> memref<8x128xf32, #tpu.memory_space<vmem>>
        tpu.wait_dma2 semaphore(%arg19 : memref<!tpu.dma_semaphore, #tpu.memory_space<semaphore_mem>>) src(%dma_wait3A_1532 : memref<8x128xf32, #tpu.memory_space<vmem>>) dst(%dma_wait3A_1529 : memref<8x128xf32, #tpu.memory_space<hbm>>)
        %dma_wait3A_1533 = arith.constant 6 : i32
        %dma_wait3A_1534 = arith.constant 48 : i32
        %dma_wait3A_1535 = arith.constant 0 : i32
        %dma_wait3A_1536 = tpu.memref_slice %arg11[%dma_wait3A_1534, %dma_wait3A_1535] : memref<64x129xf32, #tpu.memory_space<vmem>> -> memref<8x128xf32, #tpu.memory_space<vmem>>
        %dma_wait3A_1537 = arith.constant 0 : i32
        %dma_wait3A_1538 = arith.constant 0 : i32
        %dma_wait3A_1539 = tpu.memref_slice %arg4[%select_n3A_907, %dma_wait3A_1533, %select_n3A_923, %dma_wait3A_1537, %dma_wait3A_1538] : memref<100x8x128x8x128xf32, #tpu.memory_space<hbm>> -> memref<1x1x1x8x128xf32, #tpu.memory_space<hbm>>
        %dma_wait3A_1540 = tpu.memref_squeeze %dma_wait3A_1539 : memref<1x1x1x8x128xf32, #tpu.memory_space<hbm>> -> memref<8x128xf32, #tpu.memory_space<hbm>>
        %dma_wait3A_1541 = arith.constant 0 : i32
        %dma_wait3A_1542 = arith.constant 0 : i32
        %dma_wait3A_1543 = tpu.memref_slice %arg4[%select_n3A_907, %dma_wait3A_1533, %select_n3A_923, %dma_wait3A_1541, %dma_wait3A_1542] : memref<100x8x128x8x128xf32, #tpu.memory_space<hbm>> -> memref<1x1x1x8x128xf32, #tpu.memory_space<hbm>>
        %dma_wait3A_1544 = tpu.memref_squeeze %dma_wait3A_1543 : memref<1x1x1x8x128xf32, #tpu.memory_space<hbm>> -> memref<8x128xf32, #tpu.memory_space<hbm>>
        %dma_wait3A_1545 = arith.constant 48 : i32
        %dma_wait3A_1546 = arith.constant 0 : i32
        %dma_wait3A_1547 = tpu.memref_slice %arg11[%dma_wait3A_1545, %dma_wait3A_1546] : memref<64x129xf32, #tpu.memory_space<vmem>> -> memref<8x128xf32, #tpu.memory_space<vmem>>
        tpu.wait_dma2 semaphore(%arg19 : memref<!tpu.dma_semaphore, #tpu.memory_space<semaphore_mem>>) src(%dma_wait3A_1547 : memref<8x128xf32, #tpu.memory_space<vmem>>) dst(%dma_wait3A_1544 : memref<8x128xf32, #tpu.memory_space<hbm>>)
        %dma_wait3A_1548 = arith.constant 7 : i32
        %dma_wait3A_1549 = arith.constant 56 : i32
        %dma_wait3A_1550 = arith.constant 0 : i32
        %dma_wait3A_1551 = tpu.memref_slice %arg11[%dma_wait3A_1549, %dma_wait3A_1550] : memref<64x129xf32, #tpu.memory_space<vmem>> -> memref<8x128xf32, #tpu.memory_space<vmem>>
        %dma_wait3A_1552 = arith.constant 0 : i32
        %dma_wait3A_1553 = arith.constant 0 : i32
        %dma_wait3A_1554 = tpu.memref_slice %arg4[%select_n3A_907, %dma_wait3A_1548, %select_n3A_923, %dma_wait3A_1552, %dma_wait3A_1553] : memref<100x8x128x8x128xf32, #tpu.memory_space<hbm>> -> memref<1x1x1x8x128xf32, #tpu.memory_space<hbm>>
        %dma_wait3A_1555 = tpu.memref_squeeze %dma_wait3A_1554 : memref<1x1x1x8x128xf32, #tpu.memory_space<hbm>> -> memref<8x128xf32, #tpu.memory_space<hbm>>
        %dma_wait3A_1556 = arith.constant 0 : i32
        %dma_wait3A_1557 = arith.constant 0 : i32
        %dma_wait3A_1558 = tpu.memref_slice %arg4[%select_n3A_907, %dma_wait3A_1548, %select_n3A_923, %dma_wait3A_1556, %dma_wait3A_1557] : memref<100x8x128x8x128xf32, #tpu.memory_space<hbm>> -> memref<1x1x1x8x128xf32, #tpu.memory_space<hbm>>
        %dma_wait3A_1559 = tpu.memref_squeeze %dma_wait3A_1558 : memref<1x1x1x8x128xf32, #tpu.memory_space<hbm>> -> memref<8x128xf32, #tpu.memory_space<hbm>>
        %dma_wait3A_1560 = arith.constant 56 : i32
        %dma_wait3A_1561 = arith.constant 0 : i32
        %dma_wait3A_1562 = tpu.memref_slice %arg11[%dma_wait3A_1560, %dma_wait3A_1561] : memref<64x129xf32, #tpu.memory_space<vmem>> -> memref<8x128xf32, #tpu.memory_space<vmem>>
        tpu.wait_dma2 semaphore(%arg19 : memref<!tpu.dma_semaphore, #tpu.memory_space<semaphore_mem>>) src(%dma_wait3A_1562 : memref<8x128xf32, #tpu.memory_space<vmem>>) dst(%dma_wait3A_1559 : memref<8x128xf32, #tpu.memory_space<hbm>>)
      } else {
      }
      %scan3A_935 = arith.constant 0 : i32
      %scan3A_936 = arith.constant 128 : i32
      %scan3A_937 = arith.addi %scan3A_935, %scan3A_936 : i32
      %scan3A_938 = arith.constant 8 : i32
      scf.for %scan3A_1443 = %scan3A_935 to %scan3A_937 step %scan3A_938  : i32 {
        %mul3A_1444 = arith.constant 0 : i32
        %mul3A_1445 = vector.broadcast %mul3A_1444 : i32 to vector<16xi32>
        %mul3A_1446 = arith.muli %iota3A, %mul3A_1445 : vector<16xi32>
        %add3A_1447 = vector.broadcast %scan3A_1443 : i32 to vector<16xi32>
        %add3A_1448 = arith.addi %mul3A_1446, %add3A_1447 : vector<16xi32>
        %get3A = arith.index_cast %scan3A_1443 : i32 to index
        %get3A_1449 = arith.constant 0 : index
        %get3A_1450 = tpu.vector_load %arg7[%get3A, %get3A_1449] {strides = array<i32>} : memref<128x64xf32, #tpu.memory_space<vmem>>, vector<16xf32>,
        tpu.vector_store_idx %arg11[%add3A_5, %add3A_1448], %get3A_1450 : memref<64x129xf32, #tpu.memory_space<vmem>>[vector<16xi32>, vector<16xi32>], vector<16xf32>,
        %get3A_1451 = arith.index_cast %scan3A_1443 : i32 to index
        %get3A_1452 = arith.constant 16 : index
        %get3A_1453 = tpu.vector_load %arg7[%get3A_1451, %get3A_1452] {strides = array<i32>} : memref<128x64xf32, #tpu.memory_space<vmem>>, vector<16xf32>,
        tpu.vector_store_idx %arg11[%add3A_8, %add3A_1448], %get3A_1453 : memref<64x129xf32, #tpu.memory_space<vmem>>[vector<16xi32>, vector<16xi32>], vector<16xf32>,
        %get3A_1454 = arith.index_cast %scan3A_1443 : i32 to index
        %get3A_1455 = arith.constant 32 : index
        %get3A_1456 = tpu.vector_load %arg7[%get3A_1454, %get3A_1455] {strides = array<i32>} : memref<128x64xf32, #tpu.memory_space<vmem>>, vector<16xf32>,
        tpu.vector_store_idx %arg11[%add3A_11, %add3A_1448], %get3A_1456 : memref<64x129xf32, #tpu.memory_space<vmem>>[vector<16xi32>, vector<16xi32>], vector<16xf32>,
        %get3A_1457 = arith.index_cast %scan3A_1443 : i32 to index
        %get3A_1458 = arith.constant 48 : index
        %get3A_1459 = tpu.vector_load %arg7[%get3A_1457, %get3A_1458] {strides = array<i32>} : memref<128x64xf32, #tpu.memory_space<vmem>>, vector<16xf32>,
        tpu.vector_store_idx %arg11[%add3A_14, %add3A_1448], %get3A_1459 : memref<64x129xf32, #tpu.memory_space<vmem>>[vector<16xi32>, vector<16xi32>], vector<16xf32>,
        %scan3A_1460 = arith.constant 1 : i32
        %scan3A_1461 = arith.addi %scan3A_1443, %scan3A_1460 : i32
        %mul3A_1462 = arith.constant 0 : i32
        %mul3A_1463 = vector.broadcast %mul3A_1462 : i32 to vector<16xi32>
        %mul3A_1464 = arith.muli %iota3A, %mul3A_1463 : vector<16xi32>
        %add3A_1465 = vector.broadcast %scan3A_1461 : i32 to vector<16xi32>
        %add3A_1466 = arith.addi %mul3A_1464, %add3A_1465 : vector<16xi32>
        %get3A_1467 = arith.index_cast %scan3A_1461 : i32 to index
        %get3A_1468 = arith.constant 0 : index
        %get3A_1469 = tpu.vector_load %arg7[%get3A_1467, %get3A_1468] {strides = array<i32>} : memref<128x64xf32, #tpu.memory_space<vmem>>, vector<16xf32>,
        tpu.vector_store_idx %arg11[%add3A_5, %add3A_1466], %get3A_1469 : memref<64x129xf32, #tpu.memory_space<vmem>>[vector<16xi32>, vector<16xi32>], vector<16xf32>,
        %get3A_1470 = arith.index_cast %scan3A_1461 : i32 to index
        %get3A_1471 = arith.constant 16 : index
        %get3A_1472 = tpu.vector_load %arg7[%get3A_1470, %get3A_1471] {strides = array<i32>} : memref<128x64xf32, #tpu.memory_space<vmem>>, vector<16xf32>,
        tpu.vector_store_idx %arg11[%add3A_8, %add3A_1466], %get3A_1472 : memref<64x129xf32, #tpu.memory_space<vmem>>[vector<16xi32>, vector<16xi32>], vector<16xf32>,
        %get3A_1473 = arith.index_cast %scan3A_1461 : i32 to index
        %get3A_1474 = arith.constant 32 : index
        %get3A_1475 = tpu.vector_load %arg7[%get3A_1473, %get3A_1474] {strides = array<i32>} : memref<128x64xf32, #tpu.memory_space<vmem>>, vector<16xf32>,
        tpu.vector_store_idx %arg11[%add3A_11, %add3A_1466], %get3A_1475 : memref<64x129xf32, #tpu.memory_space<vmem>>[vector<16xi32>, vector<16xi32>], vector<16xf32>,
        %get3A_1476 = arith.index_cast %scan3A_1461 : i32 to index
        %get3A_1477 = arith.constant 48 : index
        %get3A_1478 = tpu.vector_load %arg7[%get3A_1476, %get3A_1477] {strides = array<i32>} : memref<128x64xf32, #tpu.memory_space<vmem>>, vector<16xf32>,
        tpu.vector_store_idx %arg11[%add3A_14, %add3A_1466], %get3A_1478 : memref<64x129xf32, #tpu.memory_space<vmem>>[vector<16xi32>, vector<16xi32>], vector<16xf32>,
        %scan3A_1479 = arith.constant 2 : i32
        %scan3A_1480 = arith.addi %scan3A_1443, %scan3A_1479 : i32
        %mul3A_1481 = arith.constant 0 : i32
        %mul3A_1482 = vector.broadcast %mul3A_1481 : i32 to vector<16xi32>
        %mul3A_1483 = arith.muli %iota3A, %mul3A_1482 : vector<16xi32>
        %add3A_1484 = vector.broadcast %scan3A_1480 : i32 to vector<16xi32>
        %add3A_1485 = arith.addi %mul3A_1483, %add3A_1484 : vector<16xi32>
        %get3A_1486 = arith.index_cast %scan3A_1480 : i32 to index
        %get3A_1487 = arith.constant 0 : index
        %get3A_1488 = tpu.vector_load %arg7[%get3A_1486, %get3A_1487] {strides = array<i32>} : memref<128x64xf32, #tpu.memory_space<vmem>>, vector<16xf32>,
        tpu.vector_store_idx %arg11[%add3A_5, %add3A_1485], %get3A_1488 : memref<64x129xf32, #tpu.memory_space<vmem>>[vector<16xi32>, vector<16xi32>], vector<16xf32>,
        %get3A_1489 = arith.index_cast %scan3A_1480 : i32 to index
        %get3A_1490 = arith.constant 16 : index
        %get3A_1491 = tpu.vector_load %arg7[%get3A_1489, %get3A_1490] {strides = array<i32>} : memref<128x64xf32, #tpu.memory_space<vmem>>, vector<16xf32>,
        tpu.vector_store_idx %arg11[%add3A_8, %add3A_1485], %get3A_1491 : memref<64x129xf32, #tpu.memory_space<vmem>>[vector<16xi32>, vector<16xi32>], vector<16xf32>,
        %get3A_1492 = arith.index_cast %scan3A_1480 : i32 to index
        %get3A_1493 = arith.constant 32 : index
        %get3A_1494 = tpu.vector_load %arg7[%get3A_1492, %get3A_1493] {strides = array<i32>} : memref<128x64xf32, #tpu.memory_space<vmem>>, vector<16xf32>,
        tpu.vector_store_idx %arg11[%add3A_11, %add3A_1485], %get3A_1494 : memref<64x129xf32, #tpu.memory_space<vmem>>[vector<16xi32>, vector<16xi32>], vector<16xf32>,
        %get3A_1495 = arith.index_cast %scan3A_1480 : i32 to index
        %get3A_1496 = arith.constant 48 : index
        %get3A_1497 = tpu.vector_load %arg7[%get3A_1495, %get3A_1496] {strides = array<i32>} : memref<128x64xf32, #tpu.memory_space<vmem>>, vector<16xf32>,
        tpu.vector_store_idx %arg11[%add3A_14, %add3A_1485], %get3A_1497 : memref<64x129xf32, #tpu.memory_space<vmem>>[vector<16xi32>, vector<16xi32>], vector<16xf32>,
        %scan3A_1498 = arith.constant 3 : i32
        %scan3A_1499 = arith.addi %scan3A_1443, %scan3A_1498 : i32
        %mul3A_1500 = arith.constant 0 : i32
        %mul3A_1501 = vector.broadcast %mul3A_1500 : i32 to vector<16xi32>
        %mul3A_1502 = arith.muli %iota3A, %mul3A_1501 : vector<16xi32>
        %add3A_1503 = vector.broadcast %scan3A_1499 : i32 to vector<16xi32>
        %add3A_1504 = arith.addi %mul3A_1502, %add3A_1503 : vector<16xi32>
        %get3A_1505 = arith.index_cast %scan3A_1499 : i32 to index
        %get3A_1506 = arith.constant 0 : index
        %get3A_1507 = tpu.vector_load %arg7[%get3A_1505, %get3A_1506] {strides = array<i32>} : memref<128x64xf32, #tpu.memory_space<vmem>>, vector<16xf32>,
        tpu.vector_store_idx %arg11[%add3A_5, %add3A_1504], %get3A_1507 : memref<64x129xf32, #tpu.memory_space<vmem>>[vector<16xi32>, vector<16xi32>], vector<16xf32>,
        %get3A_1508 = arith.index_cast %scan3A_1499 : i32 to index
        %get3A_1509 = arith.constant 16 : index
        %get3A_1510 = tpu.vector_load %arg7[%get3A_1508, %get3A_1509] {strides = array<i32>} : memref<128x64xf32, #tpu.memory_space<vmem>>, vector<16xf32>,
        tpu.vector_store_idx %arg11[%add3A_8, %add3A_1504], %get3A_1510 : memref<64x129xf32, #tpu.memory_space<vmem>>[vector<16xi32>, vector<16xi32>], vector<16xf32>,
        %get3A_1511 = arith.index_cast %scan3A_1499 : i32 to index
        %get3A_1512 = arith.constant 32 : index
        %get3A_1513 = tpu.vector_load %arg7[%get3A_1511, %get3A_1512] {strides = array<i32>} : memref<128x64xf32, #tpu.memory_space<vmem>>, vector<16xf32>,
        tpu.vector_store_idx %arg11[%add3A_11, %add3A_1504], %get3A_1513 : memref<64x129xf32, #tpu.memory_space<vmem>>[vector<16xi32>, vector<16xi32>], vector<16xf32>,
        %get3A_1514 = arith.index_cast %scan3A_1499 : i32 to index
        %get3A_1515 = arith.constant 48 : index
        %get3A_1516 = tpu.vector_load %arg7[%get3A_1514, %get3A_1515] {strides = array<i32>} : memref<128x64xf32, #tpu.memory_space<vmem>>, vector<16xf32>,
        tpu.vector_store_idx %arg11[%add3A_14, %add3A_1504], %get3A_1516 : memref<64x129xf32, #tpu.memory_space<vmem>>[vector<16xi32>, vector<16xi32>], vector<16xf32>,
        %scan3A_1517 = arith.constant 4 : i32
        %scan3A_1518 = arith.addi %scan3A_1443, %scan3A_1517 : i32
        %mul3A_1519 = arith.constant 0 : i32
        %mul3A_1520 = vector.broadcast %mul3A_1519 : i32 to vector<16xi32>
        %mul3A_1521 = arith.muli %iota3A, %mul3A_1520 : vector<16xi32>
        %add3A_1522 = vector.broadcast %scan3A_1518 : i32 to vector<16xi32>
        %add3A_1523 = arith.addi %mul3A_1521, %add3A_1522 : vector<16xi32>
        %get3A_1524 = arith.index_cast %scan3A_1518 : i32 to index
        %get3A_1525 = arith.constant 0 : index
        %get3A_1526 = tpu.vector_load %arg7[%get3A_1524, %get3A_1525] {strides = array<i32>} : memref<128x64xf32, #tpu.memory_space<vmem>>, vector<16xf32>,
        tpu.vector_store_idx %arg11[%add3A_5, %add3A_1523], %get3A_1526 : memref<64x129xf32, #tpu.memory_space<vmem>>[vector<16xi32>, vector<16xi32>], vector<16xf32>,
        %get3A_1527 = arith.index_cast %scan3A_1518 : i32 to index
        %get3A_1528 = arith.constant 16 : index
        %get3A_1529 = tpu.vector_load %arg7[%get3A_1527, %get3A_1528] {strides = array<i32>} : memref<128x64xf32, #tpu.memory_space<vmem>>, vector<16xf32>,
        tpu.vector_store_idx %arg11[%add3A_8, %add3A_1523], %get3A_1529 : memref<64x129xf32, #tpu.memory_space<vmem>>[vector<16xi32>, vector<16xi32>], vector<16xf32>,
        %get3A_1530 = arith.index_cast %scan3A_1518 : i32 to index
        %get3A_1531 = arith.constant 32 : index
        %get3A_1532 = tpu.vector_load %arg7[%get3A_1530, %get3A_1531] {strides = array<i32>} : memref<128x64xf32, #tpu.memory_space<vmem>>, vector<16xf32>,
        tpu.vector_store_idx %arg11[%add3A_11, %add3A_1523], %get3A_1532 : memref<64x129xf32, #tpu.memory_space<vmem>>[vector<16xi32>, vector<16xi32>], vector<16xf32>,
        %get3A_1533 = arith.index_cast %scan3A_1518 : i32 to index
        %get3A_1534 = arith.constant 48 : index
        %get3A_1535 = tpu.vector_load %arg7[%get3A_1533, %get3A_1534] {strides = array<i32>} : memref<128x64xf32, #tpu.memory_space<vmem>>, vector<16xf32>,
        tpu.vector_store_idx %arg11[%add3A_14, %add3A_1523], %get3A_1535 : memref<64x129xf32, #tpu.memory_space<vmem>>[vector<16xi32>, vector<16xi32>], vector<16xf32>,
        %scan3A_1536 = arith.constant 5 : i32
        %scan3A_1537 = arith.addi %scan3A_1443, %scan3A_1536 : i32
        %mul3A_1538 = arith.constant 0 : i32
        %mul3A_1539 = vector.broadcast %mul3A_1538 : i32 to vector<16xi32>
        %mul3A_1540 = arith.muli %iota3A, %mul3A_1539 : vector<16xi32>
        %add3A_1541 = vector.broadcast %scan3A_1537 : i32 to vector<16xi32>
        %add3A_1542 = arith.addi %mul3A_1540, %add3A_1541 : vector<16xi32>
        %get3A_1543 = arith.index_cast %scan3A_1537 : i32 to index
        %get3A_1544 = arith.constant 0 : index
        %get3A_1545 = tpu.vector_load %arg7[%get3A_1543, %get3A_1544] {strides = array<i32>} : memref<128x64xf32, #tpu.memory_space<vmem>>, vector<16xf32>,
        tpu.vector_store_idx %arg11[%add3A_5, %add3A_1542], %get3A_1545 : memref<64x129xf32, #tpu.memory_space<vmem>>[vector<16xi32>, vector<16xi32>], vector<16xf32>,
        %get3A_1546 = arith.index_cast %scan3A_1537 : i32 to index
        %get3A_1547 = arith.constant 16 : index
        %get3A_1548 = tpu.vector_load %arg7[%get3A_1546, %get3A_1547] {strides = array<i32>} : memref<128x64xf32, #tpu.memory_space<vmem>>, vector<16xf32>,
        tpu.vector_store_idx %arg11[%add3A_8, %add3A_1542], %get3A_1548 : memref<64x129xf32, #tpu.memory_space<vmem>>[vector<16xi32>, vector<16xi32>], vector<16xf32>,
        %get3A_1549 = arith.index_cast %scan3A_1537 : i32 to index
        %get3A_1550 = arith.constant 32 : index
        %get3A_1551 = tpu.vector_load %arg7[%get3A_1549, %get3A_1550] {strides = array<i32>} : memref<128x64xf32, #tpu.memory_space<vmem>>, vector<16xf32>,
        tpu.vector_store_idx %arg11[%add3A_11, %add3A_1542], %get3A_1551 : memref<64x129xf32, #tpu.memory_space<vmem>>[vector<16xi32>, vector<16xi32>], vector<16xf32>,
        %get3A_1552 = arith.index_cast %scan3A_1537 : i32 to index
        %get3A_1553 = arith.constant 48 : index
        %get3A_1554 = tpu.vector_load %arg7[%get3A_1552, %get3A_1553] {strides = array<i32>} : memref<128x64xf32, #tpu.memory_space<vmem>>, vector<16xf32>,
        tpu.vector_store_idx %arg11[%add3A_14, %add3A_1542], %get3A_1554 : memref<64x129xf32, #tpu.memory_space<vmem>>[vector<16xi32>, vector<16xi32>], vector<16xf32>,
        %scan3A_1555 = arith.constant 6 : i32
        %scan3A_1556 = arith.addi %scan3A_1443, %scan3A_1555 : i32
        %mul3A_1557 = arith.constant 0 : i32
        %mul3A_1558 = vector.broadcast %mul3A_1557 : i32 to vector<16xi32>
        %mul3A_1559 = arith.muli %iota3A, %mul3A_1558 : vector<16xi32>
        %add3A_1560 = vector.broadcast %scan3A_1556 : i32 to vector<16xi32>
        %add3A_1561 = arith.addi %mul3A_1559, %add3A_1560 : vector<16xi32>
        %get3A_1562 = arith.index_cast %scan3A_1556 : i32 to index
        %get3A_1563 = arith.constant 0 : index
        %get3A_1564 = tpu.vector_load %arg7[%get3A_1562, %get3A_1563] {strides = array<i32>} : memref<128x64xf32, #tpu.memory_space<vmem>>, vector<16xf32>,
        tpu.vector_store_idx %arg11[%add3A_5, %add3A_1561], %get3A_1564 : memref<64x129xf32, #tpu.memory_space<vmem>>[vector<16xi32>, vector<16xi32>], vector<16xf32>,
        %get3A_1565 = arith.index_cast %scan3A_1556 : i32 to index
        %get3A_1566 = arith.constant 16 : index
        %get3A_1567 = tpu.vector_load %arg7[%get3A_1565, %get3A_1566] {strides = array<i32>} : memref<128x64xf32, #tpu.memory_space<vmem>>, vector<16xf32>,
        tpu.vector_store_idx %arg11[%add3A_8, %add3A_1561], %get3A_1567 : memref<64x129xf32, #tpu.memory_space<vmem>>[vector<16xi32>, vector<16xi32>], vector<16xf32>,
        %get3A_1568 = arith.index_cast %scan3A_1556 : i32 to index
        %get3A_1569 = arith.constant 32 : index
        %get3A_1570 = tpu.vector_load %arg7[%get3A_1568, %get3A_1569] {strides = array<i32>} : memref<128x64xf32, #tpu.memory_space<vmem>>, vector<16xf32>,
        tpu.vector_store_idx %arg11[%add3A_11, %add3A_1561], %get3A_1570 : memref<64x129xf32, #tpu.memory_space<vmem>>[vector<16xi32>, vector<16xi32>], vector<16xf32>,
        %get3A_1571 = arith.index_cast %scan3A_1556 : i32 to index
        %get3A_1572 = arith.constant 48 : index
        %get3A_1573 = tpu.vector_load %arg7[%get3A_1571, %get3A_1572] {strides = array<i32>} : memref<128x64xf32, #tpu.memory_space<vmem>>, vector<16xf32>,
        tpu.vector_store_idx %arg11[%add3A_14, %add3A_1561], %get3A_1573 : memref<64x129xf32, #tpu.memory_space<vmem>>[vector<16xi32>, vector<16xi32>], vector<16xf32>,
        %scan3A_1574 = arith.constant 7 : i32
        %scan3A_1575 = arith.addi %scan3A_1443, %scan3A_1574 : i32
        %mul3A_1576 = arith.constant 0 : i32
        %mul3A_1577 = vector.broadcast %mul3A_1576 : i32 to vector<16xi32>
        %mul3A_1578 = arith.muli %iota3A, %mul3A_1577 : vector<16xi32>
        %add3A_1579 = vector.broadcast %scan3A_1575 : i32 to vector<16xi32>
        %add3A_1580 = arith.addi %mul3A_1578, %add3A_1579 : vector<16xi32>
        %get3A_1581 = arith.index_cast %scan3A_1575 : i32 to index
        %get3A_1582 = arith.constant 0 : index
        %get3A_1583 = tpu.vector_load %arg7[%get3A_1581, %get3A_1582] {strides = array<i32>} : memref<128x64xf32, #tpu.memory_space<vmem>>, vector<16xf32>,
        tpu.vector_store_idx %arg11[%add3A_5, %add3A_1580], %get3A_1583 : memref<64x129xf32, #tpu.memory_space<vmem>>[vector<16xi32>, vector<16xi32>], vector<16xf32>,
        %get3A_1584 = arith.index_cast %scan3A_1575 : i32 to index
        %get3A_1585 = arith.constant 16 : index
        %get3A_1586 = tpu.vector_load %arg7[%get3A_1584, %get3A_1585] {strides = array<i32>} : memref<128x64xf32, #tpu.memory_space<vmem>>, vector<16xf32>,
        tpu.vector_store_idx %arg11[%add3A_8, %add3A_1580], %get3A_1586 : memref<64x129xf32, #tpu.memory_space<vmem>>[vector<16xi32>, vector<16xi32>], vector<16xf32>,
        %get3A_1587 = arith.index_cast %scan3A_1575 : i32 to index
        %get3A_1588 = arith.constant 32 : index
        %get3A_1589 = tpu.vector_load %arg7[%get3A_1587, %get3A_1588] {strides = array<i32>} : memref<128x64xf32, #tpu.memory_space<vmem>>, vector<16xf32>,
        tpu.vector_store_idx %arg11[%add3A_11, %add3A_1580], %get3A_1589 : memref<64x129xf32, #tpu.memory_space<vmem>>[vector<16xi32>, vector<16xi32>], vector<16xf32>,
        %get3A_1590 = arith.index_cast %scan3A_1575 : i32 to index
        %get3A_1591 = arith.constant 48 : index
        %get3A_1592 = tpu.vector_load %arg7[%get3A_1590, %get3A_1591] {strides = array<i32>} : memref<128x64xf32, #tpu.memory_space<vmem>>, vector<16xf32>,
        tpu.vector_store_idx %arg11[%add3A_14, %add3A_1580], %get3A_1592 : memref<64x129xf32, #tpu.memory_space<vmem>>[vector<16xi32>, vector<16xi32>], vector<16xf32>,
      }
      %scan3A_939 = arith.constant 128 : i32
      %dma_start3A_940 = arith.constant 0 : i32
      %dma_start3A_941 = arith.constant 0 : i32
      %dma_start3A_942 = arith.constant 0 : i32
      %dma_start3A_943 = tpu.memref_slice %arg11[%dma_start3A_941, %dma_start3A_942] : memref<64x129xf32, #tpu.memory_space<vmem>> -> memref<8x128xf32, #tpu.memory_space<vmem>>
      %dma_start3A_944 = arith.constant 0 : i32
      %dma_start3A_945 = arith.constant 0 : i32
      %dma_start3A_946 = tpu.memref_slice %arg4[%select_n3A_907, %dma_start3A_940, %select_n3A_923, %dma_start3A_944, %dma_start3A_945] : memref<100x8x128x8x128xf32, #tpu.memory_space<hbm>> -> memref<1x1x1x8x128xf32, #tpu.memory_space<hbm>>
      %dma_start3A_947 = tpu.memref_squeeze %dma_start3A_946 : memref<1x1x1x8x128xf32, #tpu.memory_space<hbm>> -> memref<8x128xf32, #tpu.memory_space<hbm>>
      %dma_start3A_948 = arith.constant 0 : i32
      %dma_start3A_949 = arith.constant 0 : i32
      %dma_start3A_950 = tpu.memref_slice %arg4[%select_n3A_907, %dma_start3A_940, %select_n3A_923, %dma_start3A_948, %dma_start3A_949] : memref<100x8x128x8x128xf32, #tpu.memory_space<hbm>> -> memref<1x1x1x8x128xf32, #tpu.memory_space<hbm>>
      %dma_start3A_951 = tpu.memref_squeeze %dma_start3A_950 : memref<1x1x1x8x128xf32, #tpu.memory_space<hbm>> -> memref<8x128xf32, #tpu.memory_space<hbm>>
      %dma_start3A_952 = arith.constant 0 : i32
      %dma_start3A_953 = arith.constant 0 : i32
      %dma_start3A_954 = tpu.memref_slice %arg11[%dma_start3A_952, %dma_start3A_953] : memref<64x129xf32, #tpu.memory_space<vmem>> -> memref<8x128xf32, #tpu.memory_space<vmem>>
      tpu.enqueue_dma source(%dma_start3A_954 : memref<8x128xf32, #tpu.memory_space<vmem>>) target(%dma_start3A_951 : memref<8x128xf32, #tpu.memory_space<hbm>>) target_semaphore(%arg19 : memref<!tpu.dma_semaphore, #tpu.memory_space<semaphore_mem>>)
      %dma_start3A_955 = arith.constant 1 : i32
      %dma_start3A_956 = arith.constant 8 : i32
      %dma_start3A_957 = arith.constant 0 : i32
      %dma_start3A_958 = tpu.memref_slice %arg11[%dma_start3A_956, %dma_start3A_957] : memref<64x129xf32, #tpu.memory_space<vmem>> -> memref<8x128xf32, #tpu.memory_space<vmem>>
      %dma_start3A_959 = arith.constant 0 : i32
      %dma_start3A_960 = arith.constant 0 : i32
      %dma_start3A_961 = tpu.memref_slice %arg4[%select_n3A_907, %dma_start3A_955, %select_n3A_923, %dma_start3A_959, %dma_start3A_960] : memref<100x8x128x8x128xf32, #tpu.memory_space<hbm>> -> memref<1x1x1x8x128xf32, #tpu.memory_space<hbm>>
      %dma_start3A_962 = tpu.memref_squeeze %dma_start3A_961 : memref<1x1x1x8x128xf32, #tpu.memory_space<hbm>> -> memref<8x128xf32, #tpu.memory_space<hbm>>
      %dma_start3A_963 = arith.constant 0 : i32
      %dma_start3A_964 = arith.constant 0 : i32
      %dma_start3A_965 = tpu.memref_slice %arg4[%select_n3A_907, %dma_start3A_955, %select_n3A_923, %dma_start3A_963, %dma_start3A_964] : memref<100x8x128x8x128xf32, #tpu.memory_space<hbm>> -> memref<1x1x1x8x128xf32, #tpu.memory_space<hbm>>
      %dma_start3A_966 = tpu.memref_squeeze %dma_start3A_965 : memref<1x1x1x8x128xf32, #tpu.memory_space<hbm>> -> memref<8x128xf32, #tpu.memory_space<hbm>>
      %dma_start3A_967 = arith.constant 8 : i32
      %dma_start3A_968 = arith.constant 0 : i32
      %dma_start3A_969 = tpu.memref_slice %arg11[%dma_start3A_967, %dma_start3A_968] : memref<64x129xf32, #tpu.memory_space<vmem>> -> memref<8x128xf32, #tpu.memory_space<vmem>>
      tpu.enqueue_dma source(%dma_start3A_969 : memref<8x128xf32, #tpu.memory_space<vmem>>) target(%dma_start3A_966 : memref<8x128xf32, #tpu.memory_space<hbm>>) target_semaphore(%arg19 : memref<!tpu.dma_semaphore, #tpu.memory_space<semaphore_mem>>)
      %dma_start3A_970 = arith.constant 2 : i32
      %dma_start3A_971 = arith.constant 16 : i32
      %dma_start3A_972 = arith.constant 0 : i32
      %dma_start3A_973 = tpu.memref_slice %arg11[%dma_start3A_971, %dma_start3A_972] : memref<64x129xf32, #tpu.memory_space<vmem>> -> memref<8x128xf32, #tpu.memory_space<vmem>>
      %dma_start3A_974 = arith.constant 0 : i32
      %dma_start3A_975 = arith.constant 0 : i32
      %dma_start3A_976 = tpu.memref_slice %arg4[%select_n3A_907, %dma_start3A_970, %select_n3A_923, %dma_start3A_974, %dma_start3A_975] : memref<100x8x128x8x128xf32, #tpu.memory_space<hbm>> -> memref<1x1x1x8x128xf32, #tpu.memory_space<hbm>>
      %dma_start3A_977 = tpu.memref_squeeze %dma_start3A_976 : memref<1x1x1x8x128xf32, #tpu.memory_space<hbm>> -> memref<8x128xf32, #tpu.memory_space<hbm>>
      %dma_start3A_978 = arith.constant 0 : i32
      %dma_start3A_979 = arith.constant 0 : i32
      %dma_start3A_980 = tpu.memref_slice %arg4[%select_n3A_907, %dma_start3A_970, %select_n3A_923, %dma_start3A_978, %dma_start3A_979] : memref<100x8x128x8x128xf32, #tpu.memory_space<hbm>> -> memref<1x1x1x8x128xf32, #tpu.memory_space<hbm>>
      %dma_start3A_981 = tpu.memref_squeeze %dma_start3A_980 : memref<1x1x1x8x128xf32, #tpu.memory_space<hbm>> -> memref<8x128xf32, #tpu.memory_space<hbm>>
      %dma_start3A_982 = arith.constant 16 : i32
      %dma_start3A_983 = arith.constant 0 : i32
      %dma_start3A_984 = tpu.memref_slice %arg11[%dma_start3A_982, %dma_start3A_983] : memref<64x129xf32, #tpu.memory_space<vmem>> -> memref<8x128xf32, #tpu.memory_space<vmem>>
      tpu.enqueue_dma source(%dma_start3A_984 : memref<8x128xf32, #tpu.memory_space<vmem>>) target(%dma_start3A_981 : memref<8x128xf32, #tpu.memory_space<hbm>>) target_semaphore(%arg19 : memref<!tpu.dma_semaphore, #tpu.memory_space<semaphore_mem>>)
      %dma_start3A_985 = arith.constant 3 : i32
      %dma_start3A_986 = arith.constant 24 : i32
      %dma_start3A_987 = arith.constant 0 : i32
      %dma_start3A_988 = tpu.memref_slice %arg11[%dma_start3A_986, %dma_start3A_987] : memref<64x129xf32, #tpu.memory_space<vmem>> -> memref<8x128xf32, #tpu.memory_space<vmem>>
      %dma_start3A_989 = arith.constant 0 : i32
      %dma_start3A_990 = arith.constant 0 : i32
      %dma_start3A_991 = tpu.memref_slice %arg4[%select_n3A_907, %dma_start3A_985, %select_n3A_923, %dma_start3A_989, %dma_start3A_990] : memref<100x8x128x8x128xf32, #tpu.memory_space<hbm>> -> memref<1x1x1x8x128xf32, #tpu.memory_space<hbm>>
      %dma_start3A_992 = tpu.memref_squeeze %dma_start3A_991 : memref<1x1x1x8x128xf32, #tpu.memory_space<hbm>> -> memref<8x128xf32, #tpu.memory_space<hbm>>
      %dma_start3A_993 = arith.constant 0 : i32
      %dma_start3A_994 = arith.constant 0 : i32
      %dma_start3A_995 = tpu.memref_slice %arg4[%select_n3A_907, %dma_start3A_985, %select_n3A_923, %dma_start3A_993, %dma_start3A_994] : memref<100x8x128x8x128xf32, #tpu.memory_space<hbm>> -> memref<1x1x1x8x128xf32, #tpu.memory_space<hbm>>
      %dma_start3A_996 = tpu.memref_squeeze %dma_start3A_995 : memref<1x1x1x8x128xf32, #tpu.memory_space<hbm>> -> memref<8x128xf32, #tpu.memory_space<hbm>>
      %dma_start3A_997 = arith.constant 24 : i32
      %dma_start3A_998 = arith.constant 0 : i32
      %dma_start3A_999 = tpu.memref_slice %arg11[%dma_start3A_997, %dma_start3A_998] : memref<64x129xf32, #tpu.memory_space<vmem>> -> memref<8x128xf32, #tpu.memory_space<vmem>>
      tpu.enqueue_dma source(%dma_start3A_999 : memref<8x128xf32, #tpu.memory_space<vmem>>) target(%dma_start3A_996 : memref<8x128xf32, #tpu.memory_space<hbm>>) target_semaphore(%arg19 : memref<!tpu.dma_semaphore, #tpu.memory_space<semaphore_mem>>)
      %dma_start3A_1000 = arith.constant 4 : i32
      %dma_start3A_1001 = arith.constant 32 : i32
      %dma_start3A_1002 = arith.constant 0 : i32
      %dma_start3A_1003 = tpu.memref_slice %arg11[%dma_start3A_1001, %dma_start3A_1002] : memref<64x129xf32, #tpu.memory_space<vmem>> -> memref<8x128xf32, #tpu.memory_space<vmem>>
      %dma_start3A_1004 = arith.constant 0 : i32
      %dma_start3A_1005 = arith.constant 0 : i32
      %dma_start3A_1006 = tpu.memref_slice %arg4[%select_n3A_907, %dma_start3A_1000, %select_n3A_923, %dma_start3A_1004, %dma_start3A_1005] : memref<100x8x128x8x128xf32, #tpu.memory_space<hbm>> -> memref<1x1x1x8x128xf32, #tpu.memory_space<hbm>>
      %dma_start3A_1007 = tpu.memref_squeeze %dma_start3A_1006 : memref<1x1x1x8x128xf32, #tpu.memory_space<hbm>> -> memref<8x128xf32, #tpu.memory_space<hbm>>
      %dma_start3A_1008 = arith.constant 0 : i32
      %dma_start3A_1009 = arith.constant 0 : i32
      %dma_start3A_1010 = tpu.memref_slice %arg4[%select_n3A_907, %dma_start3A_1000, %select_n3A_923, %dma_start3A_1008, %dma_start3A_1009] : memref<100x8x128x8x128xf32, #tpu.memory_space<hbm>> -> memref<1x1x1x8x128xf32, #tpu.memory_space<hbm>>
      %dma_start3A_1011 = tpu.memref_squeeze %dma_start3A_1010 : memref<1x1x1x8x128xf32, #tpu.memory_space<hbm>> -> memref<8x128xf32, #tpu.memory_space<hbm>>
      %dma_start3A_1012 = arith.constant 32 : i32
      %dma_start3A_1013 = arith.constant 0 : i32
      %dma_start3A_1014 = tpu.memref_slice %arg11[%dma_start3A_1012, %dma_start3A_1013] : memref<64x129xf32, #tpu.memory_space<vmem>> -> memref<8x128xf32, #tpu.memory_space<vmem>>
      tpu.enqueue_dma source(%dma_start3A_1014 : memref<8x128xf32, #tpu.memory_space<vmem>>) target(%dma_start3A_1011 : memref<8x128xf32, #tpu.memory_space<hbm>>) target_semaphore(%arg19 : memref<!tpu.dma_semaphore, #tpu.memory_space<semaphore_mem>>)
      %dma_start3A_1015 = arith.constant 5 : i32
      %dma_start3A_1016 = arith.constant 40 : i32
      %dma_start3A_1017 = arith.constant 0 : i32
      %dma_start3A_1018 = tpu.memref_slice %arg11[%dma_start3A_1016, %dma_start3A_1017] : memref<64x129xf32, #tpu.memory_space<vmem>> -> memref<8x128xf32, #tpu.memory_space<vmem>>
      %dma_start3A_1019 = arith.constant 0 : i32
      %dma_start3A_1020 = arith.constant 0 : i32
      %dma_start3A_1021 = tpu.memref_slice %arg4[%select_n3A_907, %dma_start3A_1015, %select_n3A_923, %dma_start3A_1019, %dma_start3A_1020] : memref<100x8x128x8x128xf32, #tpu.memory_space<hbm>> -> memref<1x1x1x8x128xf32, #tpu.memory_space<hbm>>
      %dma_start3A_1022 = tpu.memref_squeeze %dma_start3A_1021 : memref<1x1x1x8x128xf32, #tpu.memory_space<hbm>> -> memref<8x128xf32, #tpu.memory_space<hbm>>
      %dma_start3A_1023 = arith.constant 0 : i32
      %dma_start3A_1024 = arith.constant 0 : i32
      %dma_start3A_1025 = tpu.memref_slice %arg4[%select_n3A_907, %dma_start3A_1015, %select_n3A_923, %dma_start3A_1023, %dma_start3A_1024] : memref<100x8x128x8x128xf32, #tpu.memory_space<hbm>> -> memref<1x1x1x8x128xf32, #tpu.memory_space<hbm>>
      %dma_start3A_1026 = tpu.memref_squeeze %dma_start3A_1025 : memref<1x1x1x8x128xf32, #tpu.memory_space<hbm>> -> memref<8x128xf32, #tpu.memory_space<hbm>>
      %dma_start3A_1027 = arith.constant 40 : i32
      %dma_start3A_1028 = arith.constant 0 : i32
      %dma_start3A_1029 = tpu.memref_slice %arg11[%dma_start3A_1027, %dma_start3A_1028] : memref<64x129xf32, #tpu.memory_space<vmem>> -> memref<8x128xf32, #tpu.memory_space<vmem>>
      tpu.enqueue_dma source(%dma_start3A_1029 : memref<8x128xf32, #tpu.memory_space<vmem>>) target(%dma_start3A_1026 : memref<8x128xf32, #tpu.memory_space<hbm>>) target_semaphore(%arg19 : memref<!tpu.dma_semaphore, #tpu.memory_space<semaphore_mem>>)
      %dma_start3A_1030 = arith.constant 6 : i32
      %dma_start3A_1031 = arith.constant 48 : i32
      %dma_start3A_1032 = arith.constant 0 : i32
      %dma_start3A_1033 = tpu.memref_slice %arg11[%dma_start3A_1031, %dma_start3A_1032] : memref<64x129xf32, #tpu.memory_space<vmem>> -> memref<8x128xf32, #tpu.memory_space<vmem>>
      %dma_start3A_1034 = arith.constant 0 : i32
      %dma_start3A_1035 = arith.constant 0 : i32
      %dma_start3A_1036 = tpu.memref_slice %arg4[%select_n3A_907, %dma_start3A_1030, %select_n3A_923, %dma_start3A_1034, %dma_start3A_1035] : memref<100x8x128x8x128xf32, #tpu.memory_space<hbm>> -> memref<1x1x1x8x128xf32, #tpu.memory_space<hbm>>
      %dma_start3A_1037 = tpu.memref_squeeze %dma_start3A_1036 : memref<1x1x1x8x128xf32, #tpu.memory_space<hbm>> -> memref<8x128xf32, #tpu.memory_space<hbm>>
      %dma_start3A_1038 = arith.constant 0 : i32
      %dma_start3A_1039 = arith.constant 0 : i32
      %dma_start3A_1040 = tpu.memref_slice %arg4[%select_n3A_907, %dma_start3A_1030, %select_n3A_923, %dma_start3A_1038, %dma_start3A_1039] : memref<100x8x128x8x128xf32, #tpu.memory_space<hbm>> -> memref<1x1x1x8x128xf32, #tpu.memory_space<hbm>>
      %dma_start3A_1041 = tpu.memref_squeeze %dma_start3A_1040 : memref<1x1x1x8x128xf32, #tpu.memory_space<hbm>> -> memref<8x128xf32, #tpu.memory_space<hbm>>
      %dma_start3A_1042 = arith.constant 48 : i32
      %dma_start3A_1043 = arith.constant 0 : i32
      %dma_start3A_1044 = tpu.memref_slice %arg11[%dma_start3A_1042, %dma_start3A_1043] : memref<64x129xf32, #tpu.memory_space<vmem>> -> memref<8x128xf32, #tpu.memory_space<vmem>>
      tpu.enqueue_dma source(%dma_start3A_1044 : memref<8x128xf32, #tpu.memory_space<vmem>>) target(%dma_start3A_1041 : memref<8x128xf32, #tpu.memory_space<hbm>>) target_semaphore(%arg19 : memref<!tpu.dma_semaphore, #tpu.memory_space<semaphore_mem>>)
      %dma_start3A_1045 = arith.constant 7 : i32
      %dma_start3A_1046 = arith.constant 56 : i32
      %dma_start3A_1047 = arith.constant 0 : i32
      %dma_start3A_1048 = tpu.memref_slice %arg11[%dma_start3A_1046, %dma_start3A_1047] : memref<64x129xf32, #tpu.memory_space<vmem>> -> memref<8x128xf32, #tpu.memory_space<vmem>>
      %dma_start3A_1049 = arith.constant 0 : i32
      %dma_start3A_1050 = arith.constant 0 : i32
      %dma_start3A_1051 = tpu.memref_slice %arg4[%select_n3A_907, %dma_start3A_1045, %select_n3A_923, %dma_start3A_1049, %dma_start3A_1050] : memref<100x8x128x8x128xf32, #tpu.memory_space<hbm>> -> memref<1x1x1x8x128xf32, #tpu.memory_space<hbm>>
      %dma_start3A_1052 = tpu.memref_squeeze %dma_start3A_1051 : memref<1x1x1x8x128xf32, #tpu.memory_space<hbm>> -> memref<8x128xf32, #tpu.memory_space<hbm>>
      %dma_start3A_1053 = arith.constant 0 : i32
      %dma_start3A_1054 = arith.constant 0 : i32
      %dma_start3A_1055 = tpu.memref_slice %arg4[%select_n3A_907, %dma_start3A_1045, %select_n3A_923, %dma_start3A_1053, %dma_start3A_1054] : memref<100x8x128x8x128xf32, #tpu.memory_space<hbm>> -> memref<1x1x1x8x128xf32, #tpu.memory_space<hbm>>
      %dma_start3A_1056 = tpu.memref_squeeze %dma_start3A_1055 : memref<1x1x1x8x128xf32, #tpu.memory_space<hbm>> -> memref<8x128xf32, #tpu.memory_space<hbm>>
      %dma_start3A_1057 = arith.constant 56 : i32
      %dma_start3A_1058 = arith.constant 0 : i32
      %dma_start3A_1059 = tpu.memref_slice %arg11[%dma_start3A_1057, %dma_start3A_1058] : memref<64x129xf32, #tpu.memory_space<vmem>> -> memref<8x128xf32, #tpu.memory_space<vmem>>
      tpu.enqueue_dma source(%dma_start3A_1059 : memref<8x128xf32, #tpu.memory_space<vmem>>) target(%dma_start3A_1056 : memref<8x128xf32, #tpu.memory_space<hbm>>) target_semaphore(%arg19 : memref<!tpu.dma_semaphore, #tpu.memory_space<semaphore_mem>>)
      %add3A_1060 = arith.constant 4 : i32
      %add3A_1061 = arith.addi %add3A_882, %add3A_1060 : i32
      %lt3A_1062 = arith.constant 400 : i32
      %lt3A_1063 = arith.cmpi slt, %add3A_1061, %lt3A_1062 : i32
      %convert_element_type3A_1064 = arith.extui %lt3A_1063 : i1 to i32
      %cond3A_1065 = arith.constant 0 : i32
      %cond3A_1066 = arith.cmpi ne, %convert_element_type3A_1064, %cond3A_1065 : i32
      scf.if %cond3A_1066 {
        %add3A_1443 = arith.constant 4 : i32
        %add3A_1444 = arith.addi %add3A_882, %add3A_1443 : i32
        %mul3A_1445 = arith.constant 128 : i32
        %mul3A_1446 = arith.muli %add3A_1444, %mul3A_1445 : i32
        %dma_start3A_1447 = tpu.memref_slice %arg5[%mul3A_1446] : memref<51200xi32, #tpu.memory_space<vmem>> -> memref<128xi32, #tpu.memory_space<vmem>>
        %dma_start3A_1448 = arith.constant 0 : i32
        %dma_start3A_1449 = arith.constant 0 : i32
        %dma_start3A_1450 = tpu.memref_slice %arg3[%dma_start3A_1448, %dma_start3A_1449] : memref<1000000x64xf32, #tpu.memory_space<hbm>> -> memref<1000000x64xf32, #tpu.memory_space<hbm>>
        tpu.enqueue_indirect_dma source(%dma_start3A_1450 : memref<1000000x64xf32, #tpu.memory_space<hbm>>) target(%arg7 : memref<128x64xf32, #tpu.memory_space<vmem>>) offsets(%dma_start3A_1447 : memref<128xi32, #tpu.memory_space<vmem>>) semaphore(%arg15 : memref<!tpu.dma_semaphore, #tpu.memory_space<semaphore_mem>>)
      } else {
      }
      %mul3A_1067 = arith.constant 4 : i32
      %mul3A_1068 = arith.muli %scan3A_693, %mul3A_1067 : i32
      %add3A_1069 = arith.constant 2 : i32
      %add3A_1070 = arith.addi %mul3A_1068, %add3A_1069 : i32
      %add3A_1071 = arith.addi %mul3A_2, %add3A_1070 : i32
      %jit3A_1072 = arith.constant 128 : i32
      %div3A_1073 = arith.divsi %add3A_1071, %jit3A_1072 : i32
      %sign3A_1074 = arith.constant 0 : i32
      %sign3A_1075 = arith.cmpi sgt, %add3A_1071, %sign3A_1074 : i32
      %sign3A_1076 = arith.extui %sign3A_1075 : i1 to i32
      %sign3A_1077 = arith.constant 0 : i32
      %sign3A_1078 = arith.cmpi slt, %add3A_1071, %sign3A_1077 : i32
      %sign3A_1079 = arith.extui %sign3A_1078 : i1 to i32
      %sign3A_1080 = arith.subi %sign3A_1076, %sign3A_1079 : i32
      %sign3A_1081 = arith.constant 0 : i32
      %sign3A_1082 = arith.cmpi sgt, %jit3A_1072, %sign3A_1081 : i32
      %sign3A_1083 = arith.extui %sign3A_1082 : i1 to i32
      %sign3A_1084 = arith.constant 0 : i32
      %sign3A_1085 = arith.cmpi slt, %jit3A_1072, %sign3A_1084 : i32
      %sign3A_1086 = arith.extui %sign3A_1085 : i1 to i32
      %sign3A_1087 = arith.subi %sign3A_1083, %sign3A_1086 : i32
      %ne3A_1088 = arith.cmpi ne, %sign3A_1080, %sign3A_1087 : i32
      %rem3A_1089 = arith.remsi %add3A_1071, %jit3A_1072 : i32
      %ne3A_1090 = arith.constant 0 : i32
      %ne3A_1091 = arith.cmpi ne, %rem3A_1089, %ne3A_1090 : i32
      %and3A_1092 = arith.andi %ne3A_1088, %ne3A_1091 : i1
      %sub3A_1093 = arith.constant 1 : i32
      %sub3A_1094 = arith.subi %div3A_1073, %sub3A_1093 : i32
      %select_n3A_1095 = arith.select %and3A_1092, %sub3A_1094, %div3A_1073 : i32
      %jit3A_1096 = arith.constant 128 : i32
      %eq3A_1097 = arith.constant 0 : i32
      %eq3A_1098 = arith.cmpi eq, %jit3A_1096, %eq3A_1097 : i32
      %jit3A_1099 = arith.constant 1 : i32
      %select_n3A_1100 = arith.select %eq3A_1098, %jit3A_1099, %jit3A_1096 : i32
      %rem3A_1101 = arith.remsi %add3A_1071, %select_n3A_1100 : i32
      %ne3A_1102 = arith.constant 0 : i32
      %ne3A_1103 = arith.cmpi ne, %rem3A_1101, %ne3A_1102 : i32
      %lt3A_1104 = arith.constant 0 : i32
      %lt3A_1105 = arith.cmpi slt, %rem3A_1101, %lt3A_1104 : i32
      %lt3A_1106 = arith.constant 0 : i32
      %lt3A_1107 = arith.cmpi slt, %select_n3A_1100, %lt3A_1106 : i32
      %ne3A_1108 = arith.xori %lt3A_1105, %lt3A_1107 : i1
      %and3A_1109 = arith.andi %ne3A_1108, %ne3A_1103 : i1
      %add3A_1110 = arith.addi %rem3A_1101, %select_n3A_1100 : i32
      %select_n3A_1111 = arith.select %and3A_1109, %add3A_1110, %rem3A_1101 : i32
      %mul3A_1112 = arith.constant 128 : i32
      %mul3A_1113 = arith.muli %add3A_1070, %mul3A_1112 : i32
      %dma_wait3A_1114 = tpu.memref_slice %arg5[%mul3A_1113] : memref<51200xi32, #tpu.memory_space<vmem>> -> memref<128xi32, #tpu.memory_space<vmem>>
      %dma_wait3A_1115 = arith.constant 0 : i32
      %dma_wait3A_1116 = arith.constant 0 : i32
      %dma_wait3A_1117 = tpu.memref_slice %arg3[%dma_wait3A_1115, %dma_wait3A_1116] : memref<1000000x64xf32, #tpu.memory_space<hbm>> -> memref<1000000x64xf32, #tpu.memory_space<hbm>>
      tpu.wait_indirect_dma semaphore(%arg16 : memref<!tpu.dma_semaphore, #tpu.memory_space<semaphore_mem>>) src(%dma_wait3A_1117 : memref<1000000x64xf32, #tpu.memory_space<hbm>>) dst(%arg8 : memref<128x64xf32, #tpu.memory_space<vmem>>)
      %ge3A_1118 = arith.constant 4 : i32
      %ge3A_1119 = arith.cmpi sge, %add3A_1070, %ge3A_1118 : i32
      %convert_element_type3A_1120 = arith.extui %ge3A_1119 : i1 to i32
      %cond3A_1121 = arith.constant 0 : i32
      %cond3A_1122 = arith.cmpi ne, %convert_element_type3A_1120, %cond3A_1121 : i32
      scf.if %cond3A_1122 {
        %dma_wait3A_1443 = arith.constant 0 : i32
        %dma_wait3A_1444 = arith.constant 0 : i32
        %dma_wait3A_1445 = arith.constant 0 : i32
        %dma_wait3A_1446 = tpu.memref_slice %arg12[%dma_wait3A_1444, %dma_wait3A_1445] : memref<64x129xf32, #tpu.memory_space<vmem>> -> memref<8x128xf32, #tpu.memory_space<vmem>>
        %dma_wait3A_1447 = arith.constant 0 : i32
        %dma_wait3A_1448 = arith.constant 0 : i32
        %dma_wait3A_1449 = tpu.memref_slice %arg4[%select_n3A_1095, %dma_wait3A_1443, %select_n3A_1111, %dma_wait3A_1447, %dma_wait3A_1448] : memref<100x8x128x8x128xf32, #tpu.memory_space<hbm>> -> memref<1x1x1x8x128xf32, #tpu.memory_space<hbm>>
        %dma_wait3A_1450 = tpu.memref_squeeze %dma_wait3A_1449 : memref<1x1x1x8x128xf32, #tpu.memory_space<hbm>> -> memref<8x128xf32, #tpu.memory_space<hbm>>
        %dma_wait3A_1451 = arith.constant 0 : i32
        %dma_wait3A_1452 = arith.constant 0 : i32
        %dma_wait3A_1453 = tpu.memref_slice %arg4[%select_n3A_1095, %dma_wait3A_1443, %select_n3A_1111, %dma_wait3A_1451, %dma_wait3A_1452] : memref<100x8x128x8x128xf32, #tpu.memory_space<hbm>> -> memref<1x1x1x8x128xf32, #tpu.memory_space<hbm>>
        %dma_wait3A_1454 = tpu.memref_squeeze %dma_wait3A_1453 : memref<1x1x1x8x128xf32, #tpu.memory_space<hbm>> -> memref<8x128xf32, #tpu.memory_space<hbm>>
        %dma_wait3A_1455 = arith.constant 0 : i32
        %dma_wait3A_1456 = arith.constant 0 : i32
        %dma_wait3A_1457 = tpu.memref_slice %arg12[%dma_wait3A_1455, %dma_wait3A_1456] : memref<64x129xf32, #tpu.memory_space<vmem>> -> memref<8x128xf32, #tpu.memory_space<vmem>>
        tpu.wait_dma2 semaphore(%arg20 : memref<!tpu.dma_semaphore, #tpu.memory_space<semaphore_mem>>) src(%dma_wait3A_1457 : memref<8x128xf32, #tpu.memory_space<vmem>>) dst(%dma_wait3A_1454 : memref<8x128xf32, #tpu.memory_space<hbm>>)
        %dma_wait3A_1458 = arith.constant 1 : i32
        %dma_wait3A_1459 = arith.constant 8 : i32
        %dma_wait3A_1460 = arith.constant 0 : i32
        %dma_wait3A_1461 = tpu.memref_slice %arg12[%dma_wait3A_1459, %dma_wait3A_1460] : memref<64x129xf32, #tpu.memory_space<vmem>> -> memref<8x128xf32, #tpu.memory_space<vmem>>
        %dma_wait3A_1462 = arith.constant 0 : i32
        %dma_wait3A_1463 = arith.constant 0 : i32
        %dma_wait3A_1464 = tpu.memref_slice %arg4[%select_n3A_1095, %dma_wait3A_1458, %select_n3A_1111, %dma_wait3A_1462, %dma_wait3A_1463] : memref<100x8x128x8x128xf32, #tpu.memory_space<hbm>> -> memref<1x1x1x8x128xf32, #tpu.memory_space<hbm>>
        %dma_wait3A_1465 = tpu.memref_squeeze %dma_wait3A_1464 : memref<1x1x1x8x128xf32, #tpu.memory_space<hbm>> -> memref<8x128xf32, #tpu.memory_space<hbm>>
        %dma_wait3A_1466 = arith.constant 0 : i32
        %dma_wait3A_1467 = arith.constant 0 : i32
        %dma_wait3A_1468 = tpu.memref_slice %arg4[%select_n3A_1095, %dma_wait3A_1458, %select_n3A_1111, %dma_wait3A_1466, %dma_wait3A_1467] : memref<100x8x128x8x128xf32, #tpu.memory_space<hbm>> -> memref<1x1x1x8x128xf32, #tpu.memory_space<hbm>>
        %dma_wait3A_1469 = tpu.memref_squeeze %dma_wait3A_1468 : memref<1x1x1x8x128xf32, #tpu.memory_space<hbm>> -> memref<8x128xf32, #tpu.memory_space<hbm>>
        %dma_wait3A_1470 = arith.constant 8 : i32
        %dma_wait3A_1471 = arith.constant 0 : i32
        %dma_wait3A_1472 = tpu.memref_slice %arg12[%dma_wait3A_1470, %dma_wait3A_1471] : memref<64x129xf32, #tpu.memory_space<vmem>> -> memref<8x128xf32, #tpu.memory_space<vmem>>
        tpu.wait_dma2 semaphore(%arg20 : memref<!tpu.dma_semaphore, #tpu.memory_space<semaphore_mem>>) src(%dma_wait3A_1472 : memref<8x128xf32, #tpu.memory_space<vmem>>) dst(%dma_wait3A_1469 : memref<8x128xf32, #tpu.memory_space<hbm>>)
        %dma_wait3A_1473 = arith.constant 2 : i32
        %dma_wait3A_1474 = arith.constant 16 : i32
        %dma_wait3A_1475 = arith.constant 0 : i32
        %dma_wait3A_1476 = tpu.memref_slice %arg12[%dma_wait3A_1474, %dma_wait3A_1475] : memref<64x129xf32, #tpu.memory_space<vmem>> -> memref<8x128xf32, #tpu.memory_space<vmem>>
        %dma_wait3A_1477 = arith.constant 0 : i32
        %dma_wait3A_1478 = arith.constant 0 : i32
        %dma_wait3A_1479 = tpu.memref_slice %arg4[%select_n3A_1095, %dma_wait3A_1473, %select_n3A_1111, %dma_wait3A_1477, %dma_wait3A_1478] : memref<100x8x128x8x128xf32, #tpu.memory_space<hbm>> -> memref<1x1x1x8x128xf32, #tpu.memory_space<hbm>>
        %dma_wait3A_1480 = tpu.memref_squeeze %dma_wait3A_1479 : memref<1x1x1x8x128xf32, #tpu.memory_space<hbm>> -> memref<8x128xf32, #tpu.memory_space<hbm>>
        %dma_wait3A_1481 = arith.constant 0 : i32
        %dma_wait3A_1482 = arith.constant 0 : i32
        %dma_wait3A_1483 = tpu.memref_slice %arg4[%select_n3A_1095, %dma_wait3A_1473, %select_n3A_1111, %dma_wait3A_1481, %dma_wait3A_1482] : memref<100x8x128x8x128xf32, #tpu.memory_space<hbm>> -> memref<1x1x1x8x128xf32, #tpu.memory_space<hbm>>
        %dma_wait3A_1484 = tpu.memref_squeeze %dma_wait3A_1483 : memref<1x1x1x8x128xf32, #tpu.memory_space<hbm>> -> memref<8x128xf32, #tpu.memory_space<hbm>>
        %dma_wait3A_1485 = arith.constant 16 : i32
        %dma_wait3A_1486 = arith.constant 0 : i32
        %dma_wait3A_1487 = tpu.memref_slice %arg12[%dma_wait3A_1485, %dma_wait3A_1486] : memref<64x129xf32, #tpu.memory_space<vmem>> -> memref<8x128xf32, #tpu.memory_space<vmem>>
        tpu.wait_dma2 semaphore(%arg20 : memref<!tpu.dma_semaphore, #tpu.memory_space<semaphore_mem>>) src(%dma_wait3A_1487 : memref<8x128xf32, #tpu.memory_space<vmem>>) dst(%dma_wait3A_1484 : memref<8x128xf32, #tpu.memory_space<hbm>>)
        %dma_wait3A_1488 = arith.constant 3 : i32
        %dma_wait3A_1489 = arith.constant 24 : i32
        %dma_wait3A_1490 = arith.constant 0 : i32
        %dma_wait3A_1491 = tpu.memref_slice %arg12[%dma_wait3A_1489, %dma_wait3A_1490] : memref<64x129xf32, #tpu.memory_space<vmem>> -> memref<8x128xf32, #tpu.memory_space<vmem>>
        %dma_wait3A_1492 = arith.constant 0 : i32
        %dma_wait3A_1493 = arith.constant 0 : i32
        %dma_wait3A_1494 = tpu.memref_slice %arg4[%select_n3A_1095, %dma_wait3A_1488, %select_n3A_1111, %dma_wait3A_1492, %dma_wait3A_1493] : memref<100x8x128x8x128xf32, #tpu.memory_space<hbm>> -> memref<1x1x1x8x128xf32, #tpu.memory_space<hbm>>
        %dma_wait3A_1495 = tpu.memref_squeeze %dma_wait3A_1494 : memref<1x1x1x8x128xf32, #tpu.memory_space<hbm>> -> memref<8x128xf32, #tpu.memory_space<hbm>>
        %dma_wait3A_1496 = arith.constant 0 : i32
        %dma_wait3A_1497 = arith.constant 0 : i32
        %dma_wait3A_1498 = tpu.memref_slice %arg4[%select_n3A_1095, %dma_wait3A_1488, %select_n3A_1111, %dma_wait3A_1496, %dma_wait3A_1497] : memref<100x8x128x8x128xf32, #tpu.memory_space<hbm>> -> memref<1x1x1x8x128xf32, #tpu.memory_space<hbm>>
        %dma_wait3A_1499 = tpu.memref_squeeze %dma_wait3A_1498 : memref<1x1x1x8x128xf32, #tpu.memory_space<hbm>> -> memref<8x128xf32, #tpu.memory_space<hbm>>
        %dma_wait3A_1500 = arith.constant 24 : i32
        %dma_wait3A_1501 = arith.constant 0 : i32
        %dma_wait3A_1502 = tpu.memref_slice %arg12[%dma_wait3A_1500, %dma_wait3A_1501] : memref<64x129xf32, #tpu.memory_space<vmem>> -> memref<8x128xf32, #tpu.memory_space<vmem>>
        tpu.wait_dma2 semaphore(%arg20 : memref<!tpu.dma_semaphore, #tpu.memory_space<semaphore_mem>>) src(%dma_wait3A_1502 : memref<8x128xf32, #tpu.memory_space<vmem>>) dst(%dma_wait3A_1499 : memref<8x128xf32, #tpu.memory_space<hbm>>)
        %dma_wait3A_1503 = arith.constant 4 : i32
        %dma_wait3A_1504 = arith.constant 32 : i32
        %dma_wait3A_1505 = arith.constant 0 : i32
        %dma_wait3A_1506 = tpu.memref_slice %arg12[%dma_wait3A_1504, %dma_wait3A_1505] : memref<64x129xf32, #tpu.memory_space<vmem>> -> memref<8x128xf32, #tpu.memory_space<vmem>>
        %dma_wait3A_1507 = arith.constant 0 : i32
        %dma_wait3A_1508 = arith.constant 0 : i32
        %dma_wait3A_1509 = tpu.memref_slice %arg4[%select_n3A_1095, %dma_wait3A_1503, %select_n3A_1111, %dma_wait3A_1507, %dma_wait3A_1508] : memref<100x8x128x8x128xf32, #tpu.memory_space<hbm>> -> memref<1x1x1x8x128xf32, #tpu.memory_space<hbm>>
        %dma_wait3A_1510 = tpu.memref_squeeze %dma_wait3A_1509 : memref<1x1x1x8x128xf32, #tpu.memory_space<hbm>> -> memref<8x128xf32, #tpu.memory_space<hbm>>
        %dma_wait3A_1511 = arith.constant 0 : i32
        %dma_wait3A_1512 = arith.constant 0 : i32
        %dma_wait3A_1513 = tpu.memref_slice %arg4[%select_n3A_1095, %dma_wait3A_1503, %select_n3A_1111, %dma_wait3A_1511, %dma_wait3A_1512] : memref<100x8x128x8x128xf32, #tpu.memory_space<hbm>> -> memref<1x1x1x8x128xf32, #tpu.memory_space<hbm>>
        %dma_wait3A_1514 = tpu.memref_squeeze %dma_wait3A_1513 : memref<1x1x1x8x128xf32, #tpu.memory_space<hbm>> -> memref<8x128xf32, #tpu.memory_space<hbm>>
        %dma_wait3A_1515 = arith.constant 32 : i32
        %dma_wait3A_1516 = arith.constant 0 : i32
        %dma_wait3A_1517 = tpu.memref_slice %arg12[%dma_wait3A_1515, %dma_wait3A_1516] : memref<64x129xf32, #tpu.memory_space<vmem>> -> memref<8x128xf32, #tpu.memory_space<vmem>>
        tpu.wait_dma2 semaphore(%arg20 : memref<!tpu.dma_semaphore, #tpu.memory_space<semaphore_mem>>) src(%dma_wait3A_1517 : memref<8x128xf32, #tpu.memory_space<vmem>>) dst(%dma_wait3A_1514 : memref<8x128xf32, #tpu.memory_space<hbm>>)
        %dma_wait3A_1518 = arith.constant 5 : i32
        %dma_wait3A_1519 = arith.constant 40 : i32
        %dma_wait3A_1520 = arith.constant 0 : i32
        %dma_wait3A_1521 = tpu.memref_slice %arg12[%dma_wait3A_1519, %dma_wait3A_1520] : memref<64x129xf32, #tpu.memory_space<vmem>> -> memref<8x128xf32, #tpu.memory_space<vmem>>
        %dma_wait3A_1522 = arith.constant 0 : i32
        %dma_wait3A_1523 = arith.constant 0 : i32
        %dma_wait3A_1524 = tpu.memref_slice %arg4[%select_n3A_1095, %dma_wait3A_1518, %select_n3A_1111, %dma_wait3A_1522, %dma_wait3A_1523] : memref<100x8x128x8x128xf32, #tpu.memory_space<hbm>> -> memref<1x1x1x8x128xf32, #tpu.memory_space<hbm>>
        %dma_wait3A_1525 = tpu.memref_squeeze %dma_wait3A_1524 : memref<1x1x1x8x128xf32, #tpu.memory_space<hbm>> -> memref<8x128xf32, #tpu.memory_space<hbm>>
        %dma_wait3A_1526 = arith.constant 0 : i32
        %dma_wait3A_1527 = arith.constant 0 : i32
        %dma_wait3A_1528 = tpu.memref_slice %arg4[%select_n3A_1095, %dma_wait3A_1518, %select_n3A_1111, %dma_wait3A_1526, %dma_wait3A_1527] : memref<100x8x128x8x128xf32, #tpu.memory_space<hbm>> -> memref<1x1x1x8x128xf32, #tpu.memory_space<hbm>>
        %dma_wait3A_1529 = tpu.memref_squeeze %dma_wait3A_1528 : memref<1x1x1x8x128xf32, #tpu.memory_space<hbm>> -> memref<8x128xf32, #tpu.memory_space<hbm>>
        %dma_wait3A_1530 = arith.constant 40 : i32
        %dma_wait3A_1531 = arith.constant 0 : i32
        %dma_wait3A_1532 = tpu.memref_slice %arg12[%dma_wait3A_1530, %dma_wait3A_1531] : memref<64x129xf32, #tpu.memory_space<vmem>> -> memref<8x128xf32, #tpu.memory_space<vmem>>
        tpu.wait_dma2 semaphore(%arg20 : memref<!tpu.dma_semaphore, #tpu.memory_space<semaphore_mem>>) src(%dma_wait3A_1532 : memref<8x128xf32, #tpu.memory_space<vmem>>) dst(%dma_wait3A_1529 : memref<8x128xf32, #tpu.memory_space<hbm>>)
        %dma_wait3A_1533 = arith.constant 6 : i32
        %dma_wait3A_1534 = arith.constant 48 : i32
        %dma_wait3A_1535 = arith.constant 0 : i32
        %dma_wait3A_1536 = tpu.memref_slice %arg12[%dma_wait3A_1534, %dma_wait3A_1535] : memref<64x129xf32, #tpu.memory_space<vmem>> -> memref<8x128xf32, #tpu.memory_space<vmem>>
        %dma_wait3A_1537 = arith.constant 0 : i32
        %dma_wait3A_1538 = arith.constant 0 : i32
        %dma_wait3A_1539 = tpu.memref_slice %arg4[%select_n3A_1095, %dma_wait3A_1533, %select_n3A_1111, %dma_wait3A_1537, %dma_wait3A_1538] : memref<100x8x128x8x128xf32, #tpu.memory_space<hbm>> -> memref<1x1x1x8x128xf32, #tpu.memory_space<hbm>>
        %dma_wait3A_1540 = tpu.memref_squeeze %dma_wait3A_1539 : memref<1x1x1x8x128xf32, #tpu.memory_space<hbm>> -> memref<8x128xf32, #tpu.memory_space<hbm>>
        %dma_wait3A_1541 = arith.constant 0 : i32
        %dma_wait3A_1542 = arith.constant 0 : i32
        %dma_wait3A_1543 = tpu.memref_slice %arg4[%select_n3A_1095, %dma_wait3A_1533, %select_n3A_1111, %dma_wait3A_1541, %dma_wait3A_1542] : memref<100x8x128x8x128xf32, #tpu.memory_space<hbm>> -> memref<1x1x1x8x128xf32, #tpu.memory_space<hbm>>
        %dma_wait3A_1544 = tpu.memref_squeeze %dma_wait3A_1543 : memref<1x1x1x8x128xf32, #tpu.memory_space<hbm>> -> memref<8x128xf32, #tpu.memory_space<hbm>>
        %dma_wait3A_1545 = arith.constant 48 : i32
        %dma_wait3A_1546 = arith.constant 0 : i32
        %dma_wait3A_1547 = tpu.memref_slice %arg12[%dma_wait3A_1545, %dma_wait3A_1546] : memref<64x129xf32, #tpu.memory_space<vmem>> -> memref<8x128xf32, #tpu.memory_space<vmem>>
        tpu.wait_dma2 semaphore(%arg20 : memref<!tpu.dma_semaphore, #tpu.memory_space<semaphore_mem>>) src(%dma_wait3A_1547 : memref<8x128xf32, #tpu.memory_space<vmem>>) dst(%dma_wait3A_1544 : memref<8x128xf32, #tpu.memory_space<hbm>>)
        %dma_wait3A_1548 = arith.constant 7 : i32
        %dma_wait3A_1549 = arith.constant 56 : i32
        %dma_wait3A_1550 = arith.constant 0 : i32
        %dma_wait3A_1551 = tpu.memref_slice %arg12[%dma_wait3A_1549, %dma_wait3A_1550] : memref<64x129xf32, #tpu.memory_space<vmem>> -> memref<8x128xf32, #tpu.memory_space<vmem>>
        %dma_wait3A_1552 = arith.constant 0 : i32
        %dma_wait3A_1553 = arith.constant 0 : i32
        %dma_wait3A_1554 = tpu.memref_slice %arg4[%select_n3A_1095, %dma_wait3A_1548, %select_n3A_1111, %dma_wait3A_1552, %dma_wait3A_1553] : memref<100x8x128x8x128xf32, #tpu.memory_space<hbm>> -> memref<1x1x1x8x128xf32, #tpu.memory_space<hbm>>
        %dma_wait3A_1555 = tpu.memref_squeeze %dma_wait3A_1554 : memref<1x1x1x8x128xf32, #tpu.memory_space<hbm>> -> memref<8x128xf32, #tpu.memory_space<hbm>>
        %dma_wait3A_1556 = arith.constant 0 : i32
        %dma_wait3A_1557 = arith.constant 0 : i32
        %dma_wait3A_1558 = tpu.memref_slice %arg4[%select_n3A_1095, %dma_wait3A_1548, %select_n3A_1111, %dma_wait3A_1556, %dma_wait3A_1557] : memref<100x8x128x8x128xf32, #tpu.memory_space<hbm>> -> memref<1x1x1x8x128xf32, #tpu.memory_space<hbm>>
        %dma_wait3A_1559 = tpu.memref_squeeze %dma_wait3A_1558 : memref<1x1x1x8x128xf32, #tpu.memory_space<hbm>> -> memref<8x128xf32, #tpu.memory_space<hbm>>
        %dma_wait3A_1560 = arith.constant 56 : i32
        %dma_wait3A_1561 = arith.constant 0 : i32
        %dma_wait3A_1562 = tpu.memref_slice %arg12[%dma_wait3A_1560, %dma_wait3A_1561] : memref<64x129xf32, #tpu.memory_space<vmem>> -> memref<8x128xf32, #tpu.memory_space<vmem>>
        tpu.wait_dma2 semaphore(%arg20 : memref<!tpu.dma_semaphore, #tpu.memory_space<semaphore_mem>>) src(%dma_wait3A_1562 : memref<8x128xf32, #tpu.memory_space<vmem>>) dst(%dma_wait3A_1559 : memref<8x128xf32, #tpu.memory_space<hbm>>)
      } else {
      }
      %scan3A_1123 = arith.constant 0 : i32
      %scan3A_1124 = arith.constant 128 : i32
      %scan3A_1125 = arith.addi %scan3A_1123, %scan3A_1124 : i32
      %scan3A_1126 = arith.constant 8 : i32
      scf.for %scan3A_1443 = %scan3A_1123 to %scan3A_1125 step %scan3A_1126  : i32 {
        %mul3A_1444 = arith.constant 0 : i32
        %mul3A_1445 = vector.broadcast %mul3A_1444 : i32 to vector<16xi32>
        %mul3A_1446 = arith.muli %iota3A, %mul3A_1445 : vector<16xi32>
        %add3A_1447 = vector.broadcast %scan3A_1443 : i32 to vector<16xi32>
        %add3A_1448 = arith.addi %mul3A_1446, %add3A_1447 : vector<16xi32>
        %get3A = arith.index_cast %scan3A_1443 : i32 to index
        %get3A_1449 = arith.constant 0 : index
        %get3A_1450 = tpu.vector_load %arg8[%get3A, %get3A_1449] {strides = array<i32>} : memref<128x64xf32, #tpu.memory_space<vmem>>, vector<16xf32>,
        tpu.vector_store_idx %arg12[%add3A_5, %add3A_1448], %get3A_1450 : memref<64x129xf32, #tpu.memory_space<vmem>>[vector<16xi32>, vector<16xi32>], vector<16xf32>,
        %get3A_1451 = arith.index_cast %scan3A_1443 : i32 to index
        %get3A_1452 = arith.constant 16 : index
        %get3A_1453 = tpu.vector_load %arg8[%get3A_1451, %get3A_1452] {strides = array<i32>} : memref<128x64xf32, #tpu.memory_space<vmem>>, vector<16xf32>,
        tpu.vector_store_idx %arg12[%add3A_8, %add3A_1448], %get3A_1453 : memref<64x129xf32, #tpu.memory_space<vmem>>[vector<16xi32>, vector<16xi32>], vector<16xf32>,
        %get3A_1454 = arith.index_cast %scan3A_1443 : i32 to index
        %get3A_1455 = arith.constant 32 : index
        %get3A_1456 = tpu.vector_load %arg8[%get3A_1454, %get3A_1455] {strides = array<i32>} : memref<128x64xf32, #tpu.memory_space<vmem>>, vector<16xf32>,
        tpu.vector_store_idx %arg12[%add3A_11, %add3A_1448], %get3A_1456 : memref<64x129xf32, #tpu.memory_space<vmem>>[vector<16xi32>, vector<16xi32>], vector<16xf32>,
        %get3A_1457 = arith.index_cast %scan3A_1443 : i32 to index
        %get3A_1458 = arith.constant 48 : index
        %get3A_1459 = tpu.vector_load %arg8[%get3A_1457, %get3A_1458] {strides = array<i32>} : memref<128x64xf32, #tpu.memory_space<vmem>>, vector<16xf32>,
        tpu.vector_store_idx %arg12[%add3A_14, %add3A_1448], %get3A_1459 : memref<64x129xf32, #tpu.memory_space<vmem>>[vector<16xi32>, vector<16xi32>], vector<16xf32>,
        %scan3A_1460 = arith.constant 1 : i32
        %scan3A_1461 = arith.addi %scan3A_1443, %scan3A_1460 : i32
        %mul3A_1462 = arith.constant 0 : i32
        %mul3A_1463 = vector.broadcast %mul3A_1462 : i32 to vector<16xi32>
        %mul3A_1464 = arith.muli %iota3A, %mul3A_1463 : vector<16xi32>
        %add3A_1465 = vector.broadcast %scan3A_1461 : i32 to vector<16xi32>
        %add3A_1466 = arith.addi %mul3A_1464, %add3A_1465 : vector<16xi32>
        %get3A_1467 = arith.index_cast %scan3A_1461 : i32 to index
        %get3A_1468 = arith.constant 0 : index
        %get3A_1469 = tpu.vector_load %arg8[%get3A_1467, %get3A_1468] {strides = array<i32>} : memref<128x64xf32, #tpu.memory_space<vmem>>, vector<16xf32>,
        tpu.vector_store_idx %arg12[%add3A_5, %add3A_1466], %get3A_1469 : memref<64x129xf32, #tpu.memory_space<vmem>>[vector<16xi32>, vector<16xi32>], vector<16xf32>,
        %get3A_1470 = arith.index_cast %scan3A_1461 : i32 to index
        %get3A_1471 = arith.constant 16 : index
        %get3A_1472 = tpu.vector_load %arg8[%get3A_1470, %get3A_1471] {strides = array<i32>} : memref<128x64xf32, #tpu.memory_space<vmem>>, vector<16xf32>,
        tpu.vector_store_idx %arg12[%add3A_8, %add3A_1466], %get3A_1472 : memref<64x129xf32, #tpu.memory_space<vmem>>[vector<16xi32>, vector<16xi32>], vector<16xf32>,
        %get3A_1473 = arith.index_cast %scan3A_1461 : i32 to index
        %get3A_1474 = arith.constant 32 : index
        %get3A_1475 = tpu.vector_load %arg8[%get3A_1473, %get3A_1474] {strides = array<i32>} : memref<128x64xf32, #tpu.memory_space<vmem>>, vector<16xf32>,
        tpu.vector_store_idx %arg12[%add3A_11, %add3A_1466], %get3A_1475 : memref<64x129xf32, #tpu.memory_space<vmem>>[vector<16xi32>, vector<16xi32>], vector<16xf32>,
        %get3A_1476 = arith.index_cast %scan3A_1461 : i32 to index
        %get3A_1477 = arith.constant 48 : index
        %get3A_1478 = tpu.vector_load %arg8[%get3A_1476, %get3A_1477] {strides = array<i32>} : memref<128x64xf32, #tpu.memory_space<vmem>>, vector<16xf32>,
        tpu.vector_store_idx %arg12[%add3A_14, %add3A_1466], %get3A_1478 : memref<64x129xf32, #tpu.memory_space<vmem>>[vector<16xi32>, vector<16xi32>], vector<16xf32>,
        %scan3A_1479 = arith.constant 2 : i32
        %scan3A_1480 = arith.addi %scan3A_1443, %scan3A_1479 : i32
        %mul3A_1481 = arith.constant 0 : i32
        %mul3A_1482 = vector.broadcast %mul3A_1481 : i32 to vector<16xi32>
        %mul3A_1483 = arith.muli %iota3A, %mul3A_1482 : vector<16xi32>
        %add3A_1484 = vector.broadcast %scan3A_1480 : i32 to vector<16xi32>
        %add3A_1485 = arith.addi %mul3A_1483, %add3A_1484 : vector<16xi32>
        %get3A_1486 = arith.index_cast %scan3A_1480 : i32 to index
        %get3A_1487 = arith.constant 0 : index
        %get3A_1488 = tpu.vector_load %arg8[%get3A_1486, %get3A_1487] {strides = array<i32>} : memref<128x64xf32, #tpu.memory_space<vmem>>, vector<16xf32>,
        tpu.vector_store_idx %arg12[%add3A_5, %add3A_1485], %get3A_1488 : memref<64x129xf32, #tpu.memory_space<vmem>>[vector<16xi32>, vector<16xi32>], vector<16xf32>,
        %get3A_1489 = arith.index_cast %scan3A_1480 : i32 to index
        %get3A_1490 = arith.constant 16 : index
        %get3A_1491 = tpu.vector_load %arg8[%get3A_1489, %get3A_1490] {strides = array<i32>} : memref<128x64xf32, #tpu.memory_space<vmem>>, vector<16xf32>,
        tpu.vector_store_idx %arg12[%add3A_8, %add3A_1485], %get3A_1491 : memref<64x129xf32, #tpu.memory_space<vmem>>[vector<16xi32>, vector<16xi32>], vector<16xf32>,
        %get3A_1492 = arith.index_cast %scan3A_1480 : i32 to index
        %get3A_1493 = arith.constant 32 : index
        %get3A_1494 = tpu.vector_load %arg8[%get3A_1492, %get3A_1493] {strides = array<i32>} : memref<128x64xf32, #tpu.memory_space<vmem>>, vector<16xf32>,
        tpu.vector_store_idx %arg12[%add3A_11, %add3A_1485], %get3A_1494 : memref<64x129xf32, #tpu.memory_space<vmem>>[vector<16xi32>, vector<16xi32>], vector<16xf32>,
        %get3A_1495 = arith.index_cast %scan3A_1480 : i32 to index
        %get3A_1496 = arith.constant 48 : index
        %get3A_1497 = tpu.vector_load %arg8[%get3A_1495, %get3A_1496] {strides = array<i32>} : memref<128x64xf32, #tpu.memory_space<vmem>>, vector<16xf32>,
        tpu.vector_store_idx %arg12[%add3A_14, %add3A_1485], %get3A_1497 : memref<64x129xf32, #tpu.memory_space<vmem>>[vector<16xi32>, vector<16xi32>], vector<16xf32>,
        %scan3A_1498 = arith.constant 3 : i32
        %scan3A_1499 = arith.addi %scan3A_1443, %scan3A_1498 : i32
        %mul3A_1500 = arith.constant 0 : i32
        %mul3A_1501 = vector.broadcast %mul3A_1500 : i32 to vector<16xi32>
        %mul3A_1502 = arith.muli %iota3A, %mul3A_1501 : vector<16xi32>
        %add3A_1503 = vector.broadcast %scan3A_1499 : i32 to vector<16xi32>
        %add3A_1504 = arith.addi %mul3A_1502, %add3A_1503 : vector<16xi32>
        %get3A_1505 = arith.index_cast %scan3A_1499 : i32 to index
        %get3A_1506 = arith.constant 0 : index
        %get3A_1507 = tpu.vector_load %arg8[%get3A_1505, %get3A_1506] {strides = array<i32>} : memref<128x64xf32, #tpu.memory_space<vmem>>, vector<16xf32>,
        tpu.vector_store_idx %arg12[%add3A_5, %add3A_1504], %get3A_1507 : memref<64x129xf32, #tpu.memory_space<vmem>>[vector<16xi32>, vector<16xi32>], vector<16xf32>,
        %get3A_1508 = arith.index_cast %scan3A_1499 : i32 to index
        %get3A_1509 = arith.constant 16 : index
        %get3A_1510 = tpu.vector_load %arg8[%get3A_1508, %get3A_1509] {strides = array<i32>} : memref<128x64xf32, #tpu.memory_space<vmem>>, vector<16xf32>,
        tpu.vector_store_idx %arg12[%add3A_8, %add3A_1504], %get3A_1510 : memref<64x129xf32, #tpu.memory_space<vmem>>[vector<16xi32>, vector<16xi32>], vector<16xf32>,
        %get3A_1511 = arith.index_cast %scan3A_1499 : i32 to index
        %get3A_1512 = arith.constant 32 : index
        %get3A_1513 = tpu.vector_load %arg8[%get3A_1511, %get3A_1512] {strides = array<i32>} : memref<128x64xf32, #tpu.memory_space<vmem>>, vector<16xf32>,
        tpu.vector_store_idx %arg12[%add3A_11, %add3A_1504], %get3A_1513 : memref<64x129xf32, #tpu.memory_space<vmem>>[vector<16xi32>, vector<16xi32>], vector<16xf32>,
        %get3A_1514 = arith.index_cast %scan3A_1499 : i32 to index
        %get3A_1515 = arith.constant 48 : index
        %get3A_1516 = tpu.vector_load %arg8[%get3A_1514, %get3A_1515] {strides = array<i32>} : memref<128x64xf32, #tpu.memory_space<vmem>>, vector<16xf32>,
        tpu.vector_store_idx %arg12[%add3A_14, %add3A_1504], %get3A_1516 : memref<64x129xf32, #tpu.memory_space<vmem>>[vector<16xi32>, vector<16xi32>], vector<16xf32>,
        %scan3A_1517 = arith.constant 4 : i32
        %scan3A_1518 = arith.addi %scan3A_1443, %scan3A_1517 : i32
        %mul3A_1519 = arith.constant 0 : i32
        %mul3A_1520 = vector.broadcast %mul3A_1519 : i32 to vector<16xi32>
        %mul3A_1521 = arith.muli %iota3A, %mul3A_1520 : vector<16xi32>
        %add3A_1522 = vector.broadcast %scan3A_1518 : i32 to vector<16xi32>
        %add3A_1523 = arith.addi %mul3A_1521, %add3A_1522 : vector<16xi32>
        %get3A_1524 = arith.index_cast %scan3A_1518 : i32 to index
        %get3A_1525 = arith.constant 0 : index
        %get3A_1526 = tpu.vector_load %arg8[%get3A_1524, %get3A_1525] {strides = array<i32>} : memref<128x64xf32, #tpu.memory_space<vmem>>, vector<16xf32>,
        tpu.vector_store_idx %arg12[%add3A_5, %add3A_1523], %get3A_1526 : memref<64x129xf32, #tpu.memory_space<vmem>>[vector<16xi32>, vector<16xi32>], vector<16xf32>,
        %get3A_1527 = arith.index_cast %scan3A_1518 : i32 to index
        %get3A_1528 = arith.constant 16 : index
        %get3A_1529 = tpu.vector_load %arg8[%get3A_1527, %get3A_1528] {strides = array<i32>} : memref<128x64xf32, #tpu.memory_space<vmem>>, vector<16xf32>,
        tpu.vector_store_idx %arg12[%add3A_8, %add3A_1523], %get3A_1529 : memref<64x129xf32, #tpu.memory_space<vmem>>[vector<16xi32>, vector<16xi32>], vector<16xf32>,
        %get3A_1530 = arith.index_cast %scan3A_1518 : i32 to index
        %get3A_1531 = arith.constant 32 : index
        %get3A_1532 = tpu.vector_load %arg8[%get3A_1530, %get3A_1531] {strides = array<i32>} : memref<128x64xf32, #tpu.memory_space<vmem>>, vector<16xf32>,
        tpu.vector_store_idx %arg12[%add3A_11, %add3A_1523], %get3A_1532 : memref<64x129xf32, #tpu.memory_space<vmem>>[vector<16xi32>, vector<16xi32>], vector<16xf32>,
        %get3A_1533 = arith.index_cast %scan3A_1518 : i32 to index
        %get3A_1534 = arith.constant 48 : index
        %get3A_1535 = tpu.vector_load %arg8[%get3A_1533, %get3A_1534] {strides = array<i32>} : memref<128x64xf32, #tpu.memory_space<vmem>>, vector<16xf32>,
        tpu.vector_store_idx %arg12[%add3A_14, %add3A_1523], %get3A_1535 : memref<64x129xf32, #tpu.memory_space<vmem>>[vector<16xi32>, vector<16xi32>], vector<16xf32>,
        %scan3A_1536 = arith.constant 5 : i32
        %scan3A_1537 = arith.addi %scan3A_1443, %scan3A_1536 : i32
        %mul3A_1538 = arith.constant 0 : i32
        %mul3A_1539 = vector.broadcast %mul3A_1538 : i32 to vector<16xi32>
        %mul3A_1540 = arith.muli %iota3A, %mul3A_1539 : vector<16xi32>
        %add3A_1541 = vector.broadcast %scan3A_1537 : i32 to vector<16xi32>
        %add3A_1542 = arith.addi %mul3A_1540, %add3A_1541 : vector<16xi32>
        %get3A_1543 = arith.index_cast %scan3A_1537 : i32 to index
        %get3A_1544 = arith.constant 0 : index
        %get3A_1545 = tpu.vector_load %arg8[%get3A_1543, %get3A_1544] {strides = array<i32>} : memref<128x64xf32, #tpu.memory_space<vmem>>, vector<16xf32>,
        tpu.vector_store_idx %arg12[%add3A_5, %add3A_1542], %get3A_1545 : memref<64x129xf32, #tpu.memory_space<vmem>>[vector<16xi32>, vector<16xi32>], vector<16xf32>,
        %get3A_1546 = arith.index_cast %scan3A_1537 : i32 to index
        %get3A_1547 = arith.constant 16 : index
        %get3A_1548 = tpu.vector_load %arg8[%get3A_1546, %get3A_1547] {strides = array<i32>} : memref<128x64xf32, #tpu.memory_space<vmem>>, vector<16xf32>,
        tpu.vector_store_idx %arg12[%add3A_8, %add3A_1542], %get3A_1548 : memref<64x129xf32, #tpu.memory_space<vmem>>[vector<16xi32>, vector<16xi32>], vector<16xf32>,
        %get3A_1549 = arith.index_cast %scan3A_1537 : i32 to index
        %get3A_1550 = arith.constant 32 : index
        %get3A_1551 = tpu.vector_load %arg8[%get3A_1549, %get3A_1550] {strides = array<i32>} : memref<128x64xf32, #tpu.memory_space<vmem>>, vector<16xf32>,
        tpu.vector_store_idx %arg12[%add3A_11, %add3A_1542], %get3A_1551 : memref<64x129xf32, #tpu.memory_space<vmem>>[vector<16xi32>, vector<16xi32>], vector<16xf32>,
        %get3A_1552 = arith.index_cast %scan3A_1537 : i32 to index
        %get3A_1553 = arith.constant 48 : index
        %get3A_1554 = tpu.vector_load %arg8[%get3A_1552, %get3A_1553] {strides = array<i32>} : memref<128x64xf32, #tpu.memory_space<vmem>>, vector<16xf32>,
        tpu.vector_store_idx %arg12[%add3A_14, %add3A_1542], %get3A_1554 : memref<64x129xf32, #tpu.memory_space<vmem>>[vector<16xi32>, vector<16xi32>], vector<16xf32>,
        %scan3A_1555 = arith.constant 6 : i32
        %scan3A_1556 = arith.addi %scan3A_1443, %scan3A_1555 : i32
        %mul3A_1557 = arith.constant 0 : i32
        %mul3A_1558 = vector.broadcast %mul3A_1557 : i32 to vector<16xi32>
        %mul3A_1559 = arith.muli %iota3A, %mul3A_1558 : vector<16xi32>
        %add3A_1560 = vector.broadcast %scan3A_1556 : i32 to vector<16xi32>
        %add3A_1561 = arith.addi %mul3A_1559, %add3A_1560 : vector<16xi32>
        %get3A_1562 = arith.index_cast %scan3A_1556 : i32 to index
        %get3A_1563 = arith.constant 0 : index
        %get3A_1564 = tpu.vector_load %arg8[%get3A_1562, %get3A_1563] {strides = array<i32>} : memref<128x64xf32, #tpu.memory_space<vmem>>, vector<16xf32>,
        tpu.vector_store_idx %arg12[%add3A_5, %add3A_1561], %get3A_1564 : memref<64x129xf32, #tpu.memory_space<vmem>>[vector<16xi32>, vector<16xi32>], vector<16xf32>,
        %get3A_1565 = arith.index_cast %scan3A_1556 : i32 to index
        %get3A_1566 = arith.constant 16 : index
        %get3A_1567 = tpu.vector_load %arg8[%get3A_1565, %get3A_1566] {strides = array<i32>} : memref<128x64xf32, #tpu.memory_space<vmem>>, vector<16xf32>,
        tpu.vector_store_idx %arg12[%add3A_8, %add3A_1561], %get3A_1567 : memref<64x129xf32, #tpu.memory_space<vmem>>[vector<16xi32>, vector<16xi32>], vector<16xf32>,
        %get3A_1568 = arith.index_cast %scan3A_1556 : i32 to index
        %get3A_1569 = arith.constant 32 : index
        %get3A_1570 = tpu.vector_load %arg8[%get3A_1568, %get3A_1569] {strides = array<i32>} : memref<128x64xf32, #tpu.memory_space<vmem>>, vector<16xf32>,
        tpu.vector_store_idx %arg12[%add3A_11, %add3A_1561], %get3A_1570 : memref<64x129xf32, #tpu.memory_space<vmem>>[vector<16xi32>, vector<16xi32>], vector<16xf32>,
        %get3A_1571 = arith.index_cast %scan3A_1556 : i32 to index
        %get3A_1572 = arith.constant 48 : index
        %get3A_1573 = tpu.vector_load %arg8[%get3A_1571, %get3A_1572] {strides = array<i32>} : memref<128x64xf32, #tpu.memory_space<vmem>>, vector<16xf32>,
        tpu.vector_store_idx %arg12[%add3A_14, %add3A_1561], %get3A_1573 : memref<64x129xf32, #tpu.memory_space<vmem>>[vector<16xi32>, vector<16xi32>], vector<16xf32>,
        %scan3A_1574 = arith.constant 7 : i32
        %scan3A_1575 = arith.addi %scan3A_1443, %scan3A_1574 : i32
        %mul3A_1576 = arith.constant 0 : i32
        %mul3A_1577 = vector.broadcast %mul3A_1576 : i32 to vector<16xi32>
        %mul3A_1578 = arith.muli %iota3A, %mul3A_1577 : vector<16xi32>
        %add3A_1579 = vector.broadcast %scan3A_1575 : i32 to vector<16xi32>
        %add3A_1580 = arith.addi %mul3A_1578, %add3A_1579 : vector<16xi32>
        %get3A_1581 = arith.index_cast %scan3A_1575 : i32 to index
        %get3A_1582 = arith.constant 0 : index
        %get3A_1583 = tpu.vector_load %arg8[%get3A_1581, %get3A_1582] {strides = array<i32>} : memref<128x64xf32, #tpu.memory_space<vmem>>, vector<16xf32>,
        tpu.vector_store_idx %arg12[%add3A_5, %add3A_1580], %get3A_1583 : memref<64x129xf32, #tpu.memory_space<vmem>>[vector<16xi32>, vector<16xi32>], vector<16xf32>,
        %get3A_1584 = arith.index_cast %scan3A_1575 : i32 to index
        %get3A_1585 = arith.constant 16 : index
        %get3A_1586 = tpu.vector_load %arg8[%get3A_1584, %get3A_1585] {strides = array<i32>} : memref<128x64xf32, #tpu.memory_space<vmem>>, vector<16xf32>,
        tpu.vector_store_idx %arg12[%add3A_8, %add3A_1580], %get3A_1586 : memref<64x129xf32, #tpu.memory_space<vmem>>[vector<16xi32>, vector<16xi32>], vector<16xf32>,
        %get3A_1587 = arith.index_cast %scan3A_1575 : i32 to index
        %get3A_1588 = arith.constant 32 : index
        %get3A_1589 = tpu.vector_load %arg8[%get3A_1587, %get3A_1588] {strides = array<i32>} : memref<128x64xf32, #tpu.memory_space<vmem>>, vector<16xf32>,
        tpu.vector_store_idx %arg12[%add3A_11, %add3A_1580], %get3A_1589 : memref<64x129xf32, #tpu.memory_space<vmem>>[vector<16xi32>, vector<16xi32>], vector<16xf32>,
        %get3A_1590 = arith.index_cast %scan3A_1575 : i32 to index
        %get3A_1591 = arith.constant 48 : index
        %get3A_1592 = tpu.vector_load %arg8[%get3A_1590, %get3A_1591] {strides = array<i32>} : memref<128x64xf32, #tpu.memory_space<vmem>>, vector<16xf32>,
        tpu.vector_store_idx %arg12[%add3A_14, %add3A_1580], %get3A_1592 : memref<64x129xf32, #tpu.memory_space<vmem>>[vector<16xi32>, vector<16xi32>], vector<16xf32>,
      }
      %scan3A_1127 = arith.constant 128 : i32
      %dma_start3A_1128 = arith.constant 0 : i32
      %dma_start3A_1129 = arith.constant 0 : i32
      %dma_start3A_1130 = arith.constant 0 : i32
      %dma_start3A_1131 = tpu.memref_slice %arg12[%dma_start3A_1129, %dma_start3A_1130] : memref<64x129xf32, #tpu.memory_space<vmem>> -> memref<8x128xf32, #tpu.memory_space<vmem>>
      %dma_start3A_1132 = arith.constant 0 : i32
      %dma_start3A_1133 = arith.constant 0 : i32
      %dma_start3A_1134 = tpu.memref_slice %arg4[%select_n3A_1095, %dma_start3A_1128, %select_n3A_1111, %dma_start3A_1132, %dma_start3A_1133] : memref<100x8x128x8x128xf32, #tpu.memory_space<hbm>> -> memref<1x1x1x8x128xf32, #tpu.memory_space<hbm>>
      %dma_start3A_1135 = tpu.memref_squeeze %dma_start3A_1134 : memref<1x1x1x8x128xf32, #tpu.memory_space<hbm>> -> memref<8x128xf32, #tpu.memory_space<hbm>>
      %dma_start3A_1136 = arith.constant 0 : i32
      %dma_start3A_1137 = arith.constant 0 : i32
      %dma_start3A_1138 = tpu.memref_slice %arg4[%select_n3A_1095, %dma_start3A_1128, %select_n3A_1111, %dma_start3A_1136, %dma_start3A_1137] : memref<100x8x128x8x128xf32, #tpu.memory_space<hbm>> -> memref<1x1x1x8x128xf32, #tpu.memory_space<hbm>>
      %dma_start3A_1139 = tpu.memref_squeeze %dma_start3A_1138 : memref<1x1x1x8x128xf32, #tpu.memory_space<hbm>> -> memref<8x128xf32, #tpu.memory_space<hbm>>
      %dma_start3A_1140 = arith.constant 0 : i32
      %dma_start3A_1141 = arith.constant 0 : i32
      %dma_start3A_1142 = tpu.memref_slice %arg12[%dma_start3A_1140, %dma_start3A_1141] : memref<64x129xf32, #tpu.memory_space<vmem>> -> memref<8x128xf32, #tpu.memory_space<vmem>>
      tpu.enqueue_dma source(%dma_start3A_1142 : memref<8x128xf32, #tpu.memory_space<vmem>>) target(%dma_start3A_1139 : memref<8x128xf32, #tpu.memory_space<hbm>>) target_semaphore(%arg20 : memref<!tpu.dma_semaphore, #tpu.memory_space<semaphore_mem>>)
      %dma_start3A_1143 = arith.constant 1 : i32
      %dma_start3A_1144 = arith.constant 8 : i32
      %dma_start3A_1145 = arith.constant 0 : i32
      %dma_start3A_1146 = tpu.memref_slice %arg12[%dma_start3A_1144, %dma_start3A_1145] : memref<64x129xf32, #tpu.memory_space<vmem>> -> memref<8x128xf32, #tpu.memory_space<vmem>>
      %dma_start3A_1147 = arith.constant 0 : i32
      %dma_start3A_1148 = arith.constant 0 : i32
      %dma_start3A_1149 = tpu.memref_slice %arg4[%select_n3A_1095, %dma_start3A_1143, %select_n3A_1111, %dma_start3A_1147, %dma_start3A_1148] : memref<100x8x128x8x128xf32, #tpu.memory_space<hbm>> -> memref<1x1x1x8x128xf32, #tpu.memory_space<hbm>>
      %dma_start3A_1150 = tpu.memref_squeeze %dma_start3A_1149 : memref<1x1x1x8x128xf32, #tpu.memory_space<hbm>> -> memref<8x128xf32, #tpu.memory_space<hbm>>
      %dma_start3A_1151 = arith.constant 0 : i32
      %dma_start3A_1152 = arith.constant 0 : i32
      %dma_start3A_1153 = tpu.memref_slice %arg4[%select_n3A_1095, %dma_start3A_1143, %select_n3A_1111, %dma_start3A_1151, %dma_start3A_1152] : memref<100x8x128x8x128xf32, #tpu.memory_space<hbm>> -> memref<1x1x1x8x128xf32, #tpu.memory_space<hbm>>
      %dma_start3A_1154 = tpu.memref_squeeze %dma_start3A_1153 : memref<1x1x1x8x128xf32, #tpu.memory_space<hbm>> -> memref<8x128xf32, #tpu.memory_space<hbm>>
      %dma_start3A_1155 = arith.constant 8 : i32
      %dma_start3A_1156 = arith.constant 0 : i32
      %dma_start3A_1157 = tpu.memref_slice %arg12[%dma_start3A_1155, %dma_start3A_1156] : memref<64x129xf32, #tpu.memory_space<vmem>> -> memref<8x128xf32, #tpu.memory_space<vmem>>
      tpu.enqueue_dma source(%dma_start3A_1157 : memref<8x128xf32, #tpu.memory_space<vmem>>) target(%dma_start3A_1154 : memref<8x128xf32, #tpu.memory_space<hbm>>) target_semaphore(%arg20 : memref<!tpu.dma_semaphore, #tpu.memory_space<semaphore_mem>>)
      %dma_start3A_1158 = arith.constant 2 : i32
      %dma_start3A_1159 = arith.constant 16 : i32
      %dma_start3A_1160 = arith.constant 0 : i32
      %dma_start3A_1161 = tpu.memref_slice %arg12[%dma_start3A_1159, %dma_start3A_1160] : memref<64x129xf32, #tpu.memory_space<vmem>> -> memref<8x128xf32, #tpu.memory_space<vmem>>
      %dma_start3A_1162 = arith.constant 0 : i32
      %dma_start3A_1163 = arith.constant 0 : i32
      %dma_start3A_1164 = tpu.memref_slice %arg4[%select_n3A_1095, %dma_start3A_1158, %select_n3A_1111, %dma_start3A_1162, %dma_start3A_1163] : memref<100x8x128x8x128xf32, #tpu.memory_space<hbm>> -> memref<1x1x1x8x128xf32, #tpu.memory_space<hbm>>
      %dma_start3A_1165 = tpu.memref_squeeze %dma_start3A_1164 : memref<1x1x1x8x128xf32, #tpu.memory_space<hbm>> -> memref<8x128xf32, #tpu.memory_space<hbm>>
      %dma_start3A_1166 = arith.constant 0 : i32
      %dma_start3A_1167 = arith.constant 0 : i32
      %dma_start3A_1168 = tpu.memref_slice %arg4[%select_n3A_1095, %dma_start3A_1158, %select_n3A_1111, %dma_start3A_1166, %dma_start3A_1167] : memref<100x8x128x8x128xf32, #tpu.memory_space<hbm>> -> memref<1x1x1x8x128xf32, #tpu.memory_space<hbm>>
      %dma_start3A_1169 = tpu.memref_squeeze %dma_start3A_1168 : memref<1x1x1x8x128xf32, #tpu.memory_space<hbm>> -> memref<8x128xf32, #tpu.memory_space<hbm>>
      %dma_start3A_1170 = arith.constant 16 : i32
      %dma_start3A_1171 = arith.constant 0 : i32
      %dma_start3A_1172 = tpu.memref_slice %arg12[%dma_start3A_1170, %dma_start3A_1171] : memref<64x129xf32, #tpu.memory_space<vmem>> -> memref<8x128xf32, #tpu.memory_space<vmem>>
      tpu.enqueue_dma source(%dma_start3A_1172 : memref<8x128xf32, #tpu.memory_space<vmem>>) target(%dma_start3A_1169 : memref<8x128xf32, #tpu.memory_space<hbm>>) target_semaphore(%arg20 : memref<!tpu.dma_semaphore, #tpu.memory_space<semaphore_mem>>)
      %dma_start3A_1173 = arith.constant 3 : i32
      %dma_start3A_1174 = arith.constant 24 : i32
      %dma_start3A_1175 = arith.constant 0 : i32
      %dma_start3A_1176 = tpu.memref_slice %arg12[%dma_start3A_1174, %dma_start3A_1175] : memref<64x129xf32, #tpu.memory_space<vmem>> -> memref<8x128xf32, #tpu.memory_space<vmem>>
      %dma_start3A_1177 = arith.constant 0 : i32
      %dma_start3A_1178 = arith.constant 0 : i32
      %dma_start3A_1179 = tpu.memref_slice %arg4[%select_n3A_1095, %dma_start3A_1173, %select_n3A_1111, %dma_start3A_1177, %dma_start3A_1178] : memref<100x8x128x8x128xf32, #tpu.memory_space<hbm>> -> memref<1x1x1x8x128xf32, #tpu.memory_space<hbm>>
      %dma_start3A_1180 = tpu.memref_squeeze %dma_start3A_1179 : memref<1x1x1x8x128xf32, #tpu.memory_space<hbm>> -> memref<8x128xf32, #tpu.memory_space<hbm>>
      %dma_start3A_1181 = arith.constant 0 : i32
      %dma_start3A_1182 = arith.constant 0 : i32
      %dma_start3A_1183 = tpu.memref_slice %arg4[%select_n3A_1095, %dma_start3A_1173, %select_n3A_1111, %dma_start3A_1181, %dma_start3A_1182] : memref<100x8x128x8x128xf32, #tpu.memory_space<hbm>> -> memref<1x1x1x8x128xf32, #tpu.memory_space<hbm>>
      %dma_start3A_1184 = tpu.memref_squeeze %dma_start3A_1183 : memref<1x1x1x8x128xf32, #tpu.memory_space<hbm>> -> memref<8x128xf32, #tpu.memory_space<hbm>>
      %dma_start3A_1185 = arith.constant 24 : i32
      %dma_start3A_1186 = arith.constant 0 : i32
      %dma_start3A_1187 = tpu.memref_slice %arg12[%dma_start3A_1185, %dma_start3A_1186] : memref<64x129xf32, #tpu.memory_space<vmem>> -> memref<8x128xf32, #tpu.memory_space<vmem>>
      tpu.enqueue_dma source(%dma_start3A_1187 : memref<8x128xf32, #tpu.memory_space<vmem>>) target(%dma_start3A_1184 : memref<8x128xf32, #tpu.memory_space<hbm>>) target_semaphore(%arg20 : memref<!tpu.dma_semaphore, #tpu.memory_space<semaphore_mem>>)
      %dma_start3A_1188 = arith.constant 4 : i32
      %dma_start3A_1189 = arith.constant 32 : i32
      %dma_start3A_1190 = arith.constant 0 : i32
      %dma_start3A_1191 = tpu.memref_slice %arg12[%dma_start3A_1189, %dma_start3A_1190] : memref<64x129xf32, #tpu.memory_space<vmem>> -> memref<8x128xf32, #tpu.memory_space<vmem>>
      %dma_start3A_1192 = arith.constant 0 : i32
      %dma_start3A_1193 = arith.constant 0 : i32
      %dma_start3A_1194 = tpu.memref_slice %arg4[%select_n3A_1095, %dma_start3A_1188, %select_n3A_1111, %dma_start3A_1192, %dma_start3A_1193] : memref<100x8x128x8x128xf32, #tpu.memory_space<hbm>> -> memref<1x1x1x8x128xf32, #tpu.memory_space<hbm>>
      %dma_start3A_1195 = tpu.memref_squeeze %dma_start3A_1194 : memref<1x1x1x8x128xf32, #tpu.memory_space<hbm>> -> memref<8x128xf32, #tpu.memory_space<hbm>>
      %dma_start3A_1196 = arith.constant 0 : i32
      %dma_start3A_1197 = arith.constant 0 : i32
      %dma_start3A_1198 = tpu.memref_slice %arg4[%select_n3A_1095, %dma_start3A_1188, %select_n3A_1111, %dma_start3A_1196, %dma_start3A_1197] : memref<100x8x128x8x128xf32, #tpu.memory_space<hbm>> -> memref<1x1x1x8x128xf32, #tpu.memory_space<hbm>>
      %dma_start3A_1199 = tpu.memref_squeeze %dma_start3A_1198 : memref<1x1x1x8x128xf32, #tpu.memory_space<hbm>> -> memref<8x128xf32, #tpu.memory_space<hbm>>
      %dma_start3A_1200 = arith.constant 32 : i32
      %dma_start3A_1201 = arith.constant 0 : i32
      %dma_start3A_1202 = tpu.memref_slice %arg12[%dma_start3A_1200, %dma_start3A_1201] : memref<64x129xf32, #tpu.memory_space<vmem>> -> memref<8x128xf32, #tpu.memory_space<vmem>>
      tpu.enqueue_dma source(%dma_start3A_1202 : memref<8x128xf32, #tpu.memory_space<vmem>>) target(%dma_start3A_1199 : memref<8x128xf32, #tpu.memory_space<hbm>>) target_semaphore(%arg20 : memref<!tpu.dma_semaphore, #tpu.memory_space<semaphore_mem>>)
      %dma_start3A_1203 = arith.constant 5 : i32
      %dma_start3A_1204 = arith.constant 40 : i32
      %dma_start3A_1205 = arith.constant 0 : i32
      %dma_start3A_1206 = tpu.memref_slice %arg12[%dma_start3A_1204, %dma_start3A_1205] : memref<64x129xf32, #tpu.memory_space<vmem>> -> memref<8x128xf32, #tpu.memory_space<vmem>>
      %dma_start3A_1207 = arith.constant 0 : i32
      %dma_start3A_1208 = arith.constant 0 : i32
      %dma_start3A_1209 = tpu.memref_slice %arg4[%select_n3A_1095, %dma_start3A_1203, %select_n3A_1111, %dma_start3A_1207, %dma_start3A_1208] : memref<100x8x128x8x128xf32, #tpu.memory_space<hbm>> -> memref<1x1x1x8x128xf32, #tpu.memory_space<hbm>>
      %dma_start3A_1210 = tpu.memref_squeeze %dma_start3A_1209 : memref<1x1x1x8x128xf32, #tpu.memory_space<hbm>> -> memref<8x128xf32, #tpu.memory_space<hbm>>
      %dma_start3A_1211 = arith.constant 0 : i32
      %dma_start3A_1212 = arith.constant 0 : i32
      %dma_start3A_1213 = tpu.memref_slice %arg4[%select_n3A_1095, %dma_start3A_1203, %select_n3A_1111, %dma_start3A_1211, %dma_start3A_1212] : memref<100x8x128x8x128xf32, #tpu.memory_space<hbm>> -> memref<1x1x1x8x128xf32, #tpu.memory_space<hbm>>
      %dma_start3A_1214 = tpu.memref_squeeze %dma_start3A_1213 : memref<1x1x1x8x128xf32, #tpu.memory_space<hbm>> -> memref<8x128xf32, #tpu.memory_space<hbm>>
      %dma_start3A_1215 = arith.constant 40 : i32
      %dma_start3A_1216 = arith.constant 0 : i32
      %dma_start3A_1217 = tpu.memref_slice %arg12[%dma_start3A_1215, %dma_start3A_1216] : memref<64x129xf32, #tpu.memory_space<vmem>> -> memref<8x128xf32, #tpu.memory_space<vmem>>
      tpu.enqueue_dma source(%dma_start3A_1217 : memref<8x128xf32, #tpu.memory_space<vmem>>) target(%dma_start3A_1214 : memref<8x128xf32, #tpu.memory_space<hbm>>) target_semaphore(%arg20 : memref<!tpu.dma_semaphore, #tpu.memory_space<semaphore_mem>>)
      %dma_start3A_1218 = arith.constant 6 : i32
      %dma_start3A_1219 = arith.constant 48 : i32
      %dma_start3A_1220 = arith.constant 0 : i32
      %dma_start3A_1221 = tpu.memref_slice %arg12[%dma_start3A_1219, %dma_start3A_1220] : memref<64x129xf32, #tpu.memory_space<vmem>> -> memref<8x128xf32, #tpu.memory_space<vmem>>
      %dma_start3A_1222 = arith.constant 0 : i32
      %dma_start3A_1223 = arith.constant 0 : i32
      %dma_start3A_1224 = tpu.memref_slice %arg4[%select_n3A_1095, %dma_start3A_1218, %select_n3A_1111, %dma_start3A_1222, %dma_start3A_1223] : memref<100x8x128x8x128xf32, #tpu.memory_space<hbm>> -> memref<1x1x1x8x128xf32, #tpu.memory_space<hbm>>
      %dma_start3A_1225 = tpu.memref_squeeze %dma_start3A_1224 : memref<1x1x1x8x128xf32, #tpu.memory_space<hbm>> -> memref<8x128xf32, #tpu.memory_space<hbm>>
      %dma_start3A_1226 = arith.constant 0 : i32
      %dma_start3A_1227 = arith.constant 0 : i32
      %dma_start3A_1228 = tpu.memref_slice %arg4[%select_n3A_1095, %dma_start3A_1218, %select_n3A_1111, %dma_start3A_1226, %dma_start3A_1227] : memref<100x8x128x8x128xf32, #tpu.memory_space<hbm>> -> memref<1x1x1x8x128xf32, #tpu.memory_space<hbm>>
      %dma_start3A_1229 = tpu.memref_squeeze %dma_start3A_1228 : memref<1x1x1x8x128xf32, #tpu.memory_space<hbm>> -> memref<8x128xf32, #tpu.memory_space<hbm>>
      %dma_start3A_1230 = arith.constant 48 : i32
      %dma_start3A_1231 = arith.constant 0 : i32
      %dma_start3A_1232 = tpu.memref_slice %arg12[%dma_start3A_1230, %dma_start3A_1231] : memref<64x129xf32, #tpu.memory_space<vmem>> -> memref<8x128xf32, #tpu.memory_space<vmem>>
      tpu.enqueue_dma source(%dma_start3A_1232 : memref<8x128xf32, #tpu.memory_space<vmem>>) target(%dma_start3A_1229 : memref<8x128xf32, #tpu.memory_space<hbm>>) target_semaphore(%arg20 : memref<!tpu.dma_semaphore, #tpu.memory_space<semaphore_mem>>)
      %dma_start3A_1233 = arith.constant 7 : i32
      %dma_start3A_1234 = arith.constant 56 : i32
      %dma_start3A_1235 = arith.constant 0 : i32
      %dma_start3A_1236 = tpu.memref_slice %arg12[%dma_start3A_1234, %dma_start3A_1235] : memref<64x129xf32, #tpu.memory_space<vmem>> -> memref<8x128xf32, #tpu.memory_space<vmem>>
      %dma_start3A_1237 = arith.constant 0 : i32
      %dma_start3A_1238 = arith.constant 0 : i32
      %dma_start3A_1239 = tpu.memref_slice %arg4[%select_n3A_1095, %dma_start3A_1233, %select_n3A_1111, %dma_start3A_1237, %dma_start3A_1238] : memref<100x8x128x8x128xf32, #tpu.memory_space<hbm>> -> memref<1x1x1x8x128xf32, #tpu.memory_space<hbm>>
      %dma_start3A_1240 = tpu.memref_squeeze %dma_start3A_1239 : memref<1x1x1x8x128xf32, #tpu.memory_space<hbm>> -> memref<8x128xf32, #tpu.memory_space<hbm>>
      %dma_start3A_1241 = arith.constant 0 : i32
      %dma_start3A_1242 = arith.constant 0 : i32
      %dma_start3A_1243 = tpu.memref_slice %arg4[%select_n3A_1095, %dma_start3A_1233, %select_n3A_1111, %dma_start3A_1241, %dma_start3A_1242] : memref<100x8x128x8x128xf32, #tpu.memory_space<hbm>> -> memref<1x1x1x8x128xf32, #tpu.memory_space<hbm>>
      %dma_start3A_1244 = tpu.memref_squeeze %dma_start3A_1243 : memref<1x1x1x8x128xf32, #tpu.memory_space<hbm>> -> memref<8x128xf32, #tpu.memory_space<hbm>>
      %dma_start3A_1245 = arith.constant 56 : i32
      %dma_start3A_1246 = arith.constant 0 : i32
      %dma_start3A_1247 = tpu.memref_slice %arg12[%dma_start3A_1245, %dma_start3A_1246] : memref<64x129xf32, #tpu.memory_space<vmem>> -> memref<8x128xf32, #tpu.memory_space<vmem>>
      tpu.enqueue_dma source(%dma_start3A_1247 : memref<8x128xf32, #tpu.memory_space<vmem>>) target(%dma_start3A_1244 : memref<8x128xf32, #tpu.memory_space<hbm>>) target_semaphore(%arg20 : memref<!tpu.dma_semaphore, #tpu.memory_space<semaphore_mem>>)
      %add3A_1248 = arith.constant 4 : i32
      %add3A_1249 = arith.addi %add3A_1070, %add3A_1248 : i32
      %lt3A_1250 = arith.constant 400 : i32
      %lt3A_1251 = arith.cmpi slt, %add3A_1249, %lt3A_1250 : i32
      %convert_element_type3A_1252 = arith.extui %lt3A_1251 : i1 to i32
      %cond3A_1253 = arith.constant 0 : i32
      %cond3A_1254 = arith.cmpi ne, %convert_element_type3A_1252, %cond3A_1253 : i32
      scf.if %cond3A_1254 {
        %add3A_1443 = arith.constant 4 : i32
        %add3A_1444 = arith.addi %add3A_1070, %add3A_1443 : i32
        %mul3A_1445 = arith.constant 128 : i32
        %mul3A_1446 = arith.muli %add3A_1444, %mul3A_1445 : i32
        %dma_start3A_1447 = tpu.memref_slice %arg5[%mul3A_1446] : memref<51200xi32, #tpu.memory_space<vmem>> -> memref<128xi32, #tpu.memory_space<vmem>>
        %dma_start3A_1448 = arith.constant 0 : i32
        %dma_start3A_1449 = arith.constant 0 : i32
        %dma_start3A_1450 = tpu.memref_slice %arg3[%dma_start3A_1448, %dma_start3A_1449] : memref<1000000x64xf32, #tpu.memory_space<hbm>> -> memref<1000000x64xf32, #tpu.memory_space<hbm>>
        tpu.enqueue_indirect_dma source(%dma_start3A_1450 : memref<1000000x64xf32, #tpu.memory_space<hbm>>) target(%arg8 : memref<128x64xf32, #tpu.memory_space<vmem>>) offsets(%dma_start3A_1447 : memref<128xi32, #tpu.memory_space<vmem>>) semaphore(%arg16 : memref<!tpu.dma_semaphore, #tpu.memory_space<semaphore_mem>>)
      } else {
      }
      %mul3A_1255 = arith.constant 4 : i32
      %mul3A_1256 = arith.muli %scan3A_693, %mul3A_1255 : i32
      %add3A_1257 = arith.constant 3 : i32
      %add3A_1258 = arith.addi %mul3A_1256, %add3A_1257 : i32
      %add3A_1259 = arith.addi %mul3A_2, %add3A_1258 : i32
      %jit3A_1260 = arith.constant 128 : i32
      %div3A_1261 = arith.divsi %add3A_1259, %jit3A_1260 : i32
      %sign3A_1262 = arith.constant 0 : i32
      %sign3A_1263 = arith.cmpi sgt, %add3A_1259, %sign3A_1262 : i32
      %sign3A_1264 = arith.extui %sign3A_1263 : i1 to i32
      %sign3A_1265 = arith.constant 0 : i32
      %sign3A_1266 = arith.cmpi slt, %add3A_1259, %sign3A_1265 : i32
      %sign3A_1267 = arith.extui %sign3A_1266 : i1 to i32
      %sign3A_1268 = arith.subi %sign3A_1264, %sign3A_1267 : i32
      %sign3A_1269 = arith.constant 0 : i32
      %sign3A_1270 = arith.cmpi sgt, %jit3A_1260, %sign3A_1269 : i32
      %sign3A_1271 = arith.extui %sign3A_1270 : i1 to i32
      %sign3A_1272 = arith.constant 0 : i32
      %sign3A_1273 = arith.cmpi slt, %jit3A_1260, %sign3A_1272 : i32
      %sign3A_1274 = arith.extui %sign3A_1273 : i1 to i32
      %sign3A_1275 = arith.subi %sign3A_1271, %sign3A_1274 : i32
      %ne3A_1276 = arith.cmpi ne, %sign3A_1268, %sign3A_1275 : i32
      %rem3A_1277 = arith.remsi %add3A_1259, %jit3A_1260 : i32
      %ne3A_1278 = arith.constant 0 : i32
      %ne3A_1279 = arith.cmpi ne, %rem3A_1277, %ne3A_1278 : i32
      %and3A_1280 = arith.andi %ne3A_1276, %ne3A_1279 : i1
      %sub3A_1281 = arith.constant 1 : i32
      %sub3A_1282 = arith.subi %div3A_1261, %sub3A_1281 : i32
      %select_n3A_1283 = arith.select %and3A_1280, %sub3A_1282, %div3A_1261 : i32
      %jit3A_1284 = arith.constant 128 : i32
      %eq3A_1285 = arith.constant 0 : i32
      %eq3A_1286 = arith.cmpi eq, %jit3A_1284, %eq3A_1285 : i32
      %jit3A_1287 = arith.constant 1 : i32
      %select_n3A_1288 = arith.select %eq3A_1286, %jit3A_1287, %jit3A_1284 : i32
      %rem3A_1289 = arith.remsi %add3A_1259, %select_n3A_1288 : i32
      %ne3A_1290 = arith.constant 0 : i32
      %ne3A_1291 = arith.cmpi ne, %rem3A_1289, %ne3A_1290 : i32
      %lt3A_1292 = arith.constant 0 : i32
      %lt3A_1293 = arith.cmpi slt, %rem3A_1289, %lt3A_1292 : i32
      %lt3A_1294 = arith.constant 0 : i32
      %lt3A_1295 = arith.cmpi slt, %select_n3A_1288, %lt3A_1294 : i32
      %ne3A_1296 = arith.xori %lt3A_1293, %lt3A_1295 : i1
      %and3A_1297 = arith.andi %ne3A_1296, %ne3A_1291 : i1
      %add3A_1298 = arith.addi %rem3A_1289, %select_n3A_1288 : i32
      %select_n3A_1299 = arith.select %and3A_1297, %add3A_1298, %rem3A_1289 : i32
      %mul3A_1300 = arith.constant 128 : i32
      %mul3A_1301 = arith.muli %add3A_1258, %mul3A_1300 : i32
      %dma_wait3A_1302 = tpu.memref_slice %arg5[%mul3A_1301] : memref<51200xi32, #tpu.memory_space<vmem>> -> memref<128xi32, #tpu.memory_space<vmem>>
      %dma_wait3A_1303 = arith.constant 0 : i32
      %dma_wait3A_1304 = arith.constant 0 : i32
      %dma_wait3A_1305 = tpu.memref_slice %arg3[%dma_wait3A_1303, %dma_wait3A_1304] : memref<1000000x64xf32, #tpu.memory_space<hbm>> -> memref<1000000x64xf32, #tpu.memory_space<hbm>>
      tpu.wait_indirect_dma semaphore(%arg17 : memref<!tpu.dma_semaphore, #tpu.memory_space<semaphore_mem>>) src(%dma_wait3A_1305 : memref<1000000x64xf32, #tpu.memory_space<hbm>>) dst(%arg9 : memref<128x64xf32, #tpu.memory_space<vmem>>)
      %ge3A_1306 = arith.constant 4 : i32
      %ge3A_1307 = arith.cmpi sge, %add3A_1258, %ge3A_1306 : i32
      %convert_element_type3A_1308 = arith.extui %ge3A_1307 : i1 to i32
      %cond3A_1309 = arith.constant 0 : i32
      %cond3A_1310 = arith.cmpi ne, %convert_element_type3A_1308, %cond3A_1309 : i32
      scf.if %cond3A_1310 {
        %dma_wait3A_1443 = arith.constant 0 : i32
        %dma_wait3A_1444 = arith.constant 0 : i32
        %dma_wait3A_1445 = arith.constant 0 : i32
        %dma_wait3A_1446 = tpu.memref_slice %arg13[%dma_wait3A_1444, %dma_wait3A_1445] : memref<64x129xf32, #tpu.memory_space<vmem>> -> memref<8x128xf32, #tpu.memory_space<vmem>>
        %dma_wait3A_1447 = arith.constant 0 : i32
        %dma_wait3A_1448 = arith.constant 0 : i32
        %dma_wait3A_1449 = tpu.memref_slice %arg4[%select_n3A_1283, %dma_wait3A_1443, %select_n3A_1299, %dma_wait3A_1447, %dma_wait3A_1448] : memref<100x8x128x8x128xf32, #tpu.memory_space<hbm>> -> memref<1x1x1x8x128xf32, #tpu.memory_space<hbm>>
        %dma_wait3A_1450 = tpu.memref_squeeze %dma_wait3A_1449 : memref<1x1x1x8x128xf32, #tpu.memory_space<hbm>> -> memref<8x128xf32, #tpu.memory_space<hbm>>
        %dma_wait3A_1451 = arith.constant 0 : i32
        %dma_wait3A_1452 = arith.constant 0 : i32
        %dma_wait3A_1453 = tpu.memref_slice %arg4[%select_n3A_1283, %dma_wait3A_1443, %select_n3A_1299, %dma_wait3A_1451, %dma_wait3A_1452] : memref<100x8x128x8x128xf32, #tpu.memory_space<hbm>> -> memref<1x1x1x8x128xf32, #tpu.memory_space<hbm>>
        %dma_wait3A_1454 = tpu.memref_squeeze %dma_wait3A_1453 : memref<1x1x1x8x128xf32, #tpu.memory_space<hbm>> -> memref<8x128xf32, #tpu.memory_space<hbm>>
        %dma_wait3A_1455 = arith.constant 0 : i32
        %dma_wait3A_1456 = arith.constant 0 : i32
        %dma_wait3A_1457 = tpu.memref_slice %arg13[%dma_wait3A_1455, %dma_wait3A_1456] : memref<64x129xf32, #tpu.memory_space<vmem>> -> memref<8x128xf32, #tpu.memory_space<vmem>>
        tpu.wait_dma2 semaphore(%arg21 : memref<!tpu.dma_semaphore, #tpu.memory_space<semaphore_mem>>) src(%dma_wait3A_1457 : memref<8x128xf32, #tpu.memory_space<vmem>>) dst(%dma_wait3A_1454 : memref<8x128xf32, #tpu.memory_space<hbm>>)
        %dma_wait3A_1458 = arith.constant 1 : i32
        %dma_wait3A_1459 = arith.constant 8 : i32
        %dma_wait3A_1460 = arith.constant 0 : i32
        %dma_wait3A_1461 = tpu.memref_slice %arg13[%dma_wait3A_1459, %dma_wait3A_1460] : memref<64x129xf32, #tpu.memory_space<vmem>> -> memref<8x128xf32, #tpu.memory_space<vmem>>
        %dma_wait3A_1462 = arith.constant 0 : i32
        %dma_wait3A_1463 = arith.constant 0 : i32
        %dma_wait3A_1464 = tpu.memref_slice %arg4[%select_n3A_1283, %dma_wait3A_1458, %select_n3A_1299, %dma_wait3A_1462, %dma_wait3A_1463] : memref<100x8x128x8x128xf32, #tpu.memory_space<hbm>> -> memref<1x1x1x8x128xf32, #tpu.memory_space<hbm>>
        %dma_wait3A_1465 = tpu.memref_squeeze %dma_wait3A_1464 : memref<1x1x1x8x128xf32, #tpu.memory_space<hbm>> -> memref<8x128xf32, #tpu.memory_space<hbm>>
        %dma_wait3A_1466 = arith.constant 0 : i32
        %dma_wait3A_1467 = arith.constant 0 : i32
        %dma_wait3A_1468 = tpu.memref_slice %arg4[%select_n3A_1283, %dma_wait3A_1458, %select_n3A_1299, %dma_wait3A_1466, %dma_wait3A_1467] : memref<100x8x128x8x128xf32, #tpu.memory_space<hbm>> -> memref<1x1x1x8x128xf32, #tpu.memory_space<hbm>>
        %dma_wait3A_1469 = tpu.memref_squeeze %dma_wait3A_1468 : memref<1x1x1x8x128xf32, #tpu.memory_space<hbm>> -> memref<8x128xf32, #tpu.memory_space<hbm>>
        %dma_wait3A_1470 = arith.constant 8 : i32
        %dma_wait3A_1471 = arith.constant 0 : i32
        %dma_wait3A_1472 = tpu.memref_slice %arg13[%dma_wait3A_1470, %dma_wait3A_1471] : memref<64x129xf32, #tpu.memory_space<vmem>> -> memref<8x128xf32, #tpu.memory_space<vmem>>
        tpu.wait_dma2 semaphore(%arg21 : memref<!tpu.dma_semaphore, #tpu.memory_space<semaphore_mem>>) src(%dma_wait3A_1472 : memref<8x128xf32, #tpu.memory_space<vmem>>) dst(%dma_wait3A_1469 : memref<8x128xf32, #tpu.memory_space<hbm>>)
        %dma_wait3A_1473 = arith.constant 2 : i32
        %dma_wait3A_1474 = arith.constant 16 : i32
        %dma_wait3A_1475 = arith.constant 0 : i32
        %dma_wait3A_1476 = tpu.memref_slice %arg13[%dma_wait3A_1474, %dma_wait3A_1475] : memref<64x129xf32, #tpu.memory_space<vmem>> -> memref<8x128xf32, #tpu.memory_space<vmem>>
        %dma_wait3A_1477 = arith.constant 0 : i32
        %dma_wait3A_1478 = arith.constant 0 : i32
        %dma_wait3A_1479 = tpu.memref_slice %arg4[%select_n3A_1283, %dma_wait3A_1473, %select_n3A_1299, %dma_wait3A_1477, %dma_wait3A_1478] : memref<100x8x128x8x128xf32, #tpu.memory_space<hbm>> -> memref<1x1x1x8x128xf32, #tpu.memory_space<hbm>>
        %dma_wait3A_1480 = tpu.memref_squeeze %dma_wait3A_1479 : memref<1x1x1x8x128xf32, #tpu.memory_space<hbm>> -> memref<8x128xf32, #tpu.memory_space<hbm>>
        %dma_wait3A_1481 = arith.constant 0 : i32
        %dma_wait3A_1482 = arith.constant 0 : i32
        %dma_wait3A_1483 = tpu.memref_slice %arg4[%select_n3A_1283, %dma_wait3A_1473, %select_n3A_1299, %dma_wait3A_1481, %dma_wait3A_1482] : memref<100x8x128x8x128xf32, #tpu.memory_space<hbm>> -> memref<1x1x1x8x128xf32, #tpu.memory_space<hbm>>
        %dma_wait3A_1484 = tpu.memref_squeeze %dma_wait3A_1483 : memref<1x1x1x8x128xf32, #tpu.memory_space<hbm>> -> memref<8x128xf32, #tpu.memory_space<hbm>>
        %dma_wait3A_1485 = arith.constant 16 : i32
        %dma_wait3A_1486 = arith.constant 0 : i32
        %dma_wait3A_1487 = tpu.memref_slice %arg13[%dma_wait3A_1485, %dma_wait3A_1486] : memref<64x129xf32, #tpu.memory_space<vmem>> -> memref<8x128xf32, #tpu.memory_space<vmem>>
        tpu.wait_dma2 semaphore(%arg21 : memref<!tpu.dma_semaphore, #tpu.memory_space<semaphore_mem>>) src(%dma_wait3A_1487 : memref<8x128xf32, #tpu.memory_space<vmem>>) dst(%dma_wait3A_1484 : memref<8x128xf32, #tpu.memory_space<hbm>>)
        %dma_wait3A_1488 = arith.constant 3 : i32
        %dma_wait3A_1489 = arith.constant 24 : i32
        %dma_wait3A_1490 = arith.constant 0 : i32
        %dma_wait3A_1491 = tpu.memref_slice %arg13[%dma_wait3A_1489, %dma_wait3A_1490] : memref<64x129xf32, #tpu.memory_space<vmem>> -> memref<8x128xf32, #tpu.memory_space<vmem>>
        %dma_wait3A_1492 = arith.constant 0 : i32
        %dma_wait3A_1493 = arith.constant 0 : i32
        %dma_wait3A_1494 = tpu.memref_slice %arg4[%select_n3A_1283, %dma_wait3A_1488, %select_n3A_1299, %dma_wait3A_1492, %dma_wait3A_1493] : memref<100x8x128x8x128xf32, #tpu.memory_space<hbm>> -> memref<1x1x1x8x128xf32, #tpu.memory_space<hbm>>
        %dma_wait3A_1495 = tpu.memref_squeeze %dma_wait3A_1494 : memref<1x1x1x8x128xf32, #tpu.memory_space<hbm>> -> memref<8x128xf32, #tpu.memory_space<hbm>>
        %dma_wait3A_1496 = arith.constant 0 : i32
        %dma_wait3A_1497 = arith.constant 0 : i32
        %dma_wait3A_1498 = tpu.memref_slice %arg4[%select_n3A_1283, %dma_wait3A_1488, %select_n3A_1299, %dma_wait3A_1496, %dma_wait3A_1497] : memref<100x8x128x8x128xf32, #tpu.memory_space<hbm>> -> memref<1x1x1x8x128xf32, #tpu.memory_space<hbm>>
        %dma_wait3A_1499 = tpu.memref_squeeze %dma_wait3A_1498 : memref<1x1x1x8x128xf32, #tpu.memory_space<hbm>> -> memref<8x128xf32, #tpu.memory_space<hbm>>
        %dma_wait3A_1500 = arith.constant 24 : i32
        %dma_wait3A_1501 = arith.constant 0 : i32
        %dma_wait3A_1502 = tpu.memref_slice %arg13[%dma_wait3A_1500, %dma_wait3A_1501] : memref<64x129xf32, #tpu.memory_space<vmem>> -> memref<8x128xf32, #tpu.memory_space<vmem>>
        tpu.wait_dma2 semaphore(%arg21 : memref<!tpu.dma_semaphore, #tpu.memory_space<semaphore_mem>>) src(%dma_wait3A_1502 : memref<8x128xf32, #tpu.memory_space<vmem>>) dst(%dma_wait3A_1499 : memref<8x128xf32, #tpu.memory_space<hbm>>)
        %dma_wait3A_1503 = arith.constant 4 : i32
        %dma_wait3A_1504 = arith.constant 32 : i32
        %dma_wait3A_1505 = arith.constant 0 : i32
        %dma_wait3A_1506 = tpu.memref_slice %arg13[%dma_wait3A_1504, %dma_wait3A_1505] : memref<64x129xf32, #tpu.memory_space<vmem>> -> memref<8x128xf32, #tpu.memory_space<vmem>>
        %dma_wait3A_1507 = arith.constant 0 : i32
        %dma_wait3A_1508 = arith.constant 0 : i32
        %dma_wait3A_1509 = tpu.memref_slice %arg4[%select_n3A_1283, %dma_wait3A_1503, %select_n3A_1299, %dma_wait3A_1507, %dma_wait3A_1508] : memref<100x8x128x8x128xf32, #tpu.memory_space<hbm>> -> memref<1x1x1x8x128xf32, #tpu.memory_space<hbm>>
        %dma_wait3A_1510 = tpu.memref_squeeze %dma_wait3A_1509 : memref<1x1x1x8x128xf32, #tpu.memory_space<hbm>> -> memref<8x128xf32, #tpu.memory_space<hbm>>
        %dma_wait3A_1511 = arith.constant 0 : i32
        %dma_wait3A_1512 = arith.constant 0 : i32
        %dma_wait3A_1513 = tpu.memref_slice %arg4[%select_n3A_1283, %dma_wait3A_1503, %select_n3A_1299, %dma_wait3A_1511, %dma_wait3A_1512] : memref<100x8x128x8x128xf32, #tpu.memory_space<hbm>> -> memref<1x1x1x8x128xf32, #tpu.memory_space<hbm>>
        %dma_wait3A_1514 = tpu.memref_squeeze %dma_wait3A_1513 : memref<1x1x1x8x128xf32, #tpu.memory_space<hbm>> -> memref<8x128xf32, #tpu.memory_space<hbm>>
        %dma_wait3A_1515 = arith.constant 32 : i32
        %dma_wait3A_1516 = arith.constant 0 : i32
        %dma_wait3A_1517 = tpu.memref_slice %arg13[%dma_wait3A_1515, %dma_wait3A_1516] : memref<64x129xf32, #tpu.memory_space<vmem>> -> memref<8x128xf32, #tpu.memory_space<vmem>>
        tpu.wait_dma2 semaphore(%arg21 : memref<!tpu.dma_semaphore, #tpu.memory_space<semaphore_mem>>) src(%dma_wait3A_1517 : memref<8x128xf32, #tpu.memory_space<vmem>>) dst(%dma_wait3A_1514 : memref<8x128xf32, #tpu.memory_space<hbm>>)
        %dma_wait3A_1518 = arith.constant 5 : i32
        %dma_wait3A_1519 = arith.constant 40 : i32
        %dma_wait3A_1520 = arith.constant 0 : i32
        %dma_wait3A_1521 = tpu.memref_slice %arg13[%dma_wait3A_1519, %dma_wait3A_1520] : memref<64x129xf32, #tpu.memory_space<vmem>> -> memref<8x128xf32, #tpu.memory_space<vmem>>
        %dma_wait3A_1522 = arith.constant 0 : i32
        %dma_wait3A_1523 = arith.constant 0 : i32
        %dma_wait3A_1524 = tpu.memref_slice %arg4[%select_n3A_1283, %dma_wait3A_1518, %select_n3A_1299, %dma_wait3A_1522, %dma_wait3A_1523] : memref<100x8x128x8x128xf32, #tpu.memory_space<hbm>> -> memref<1x1x1x8x128xf32, #tpu.memory_space<hbm>>
        %dma_wait3A_1525 = tpu.memref_squeeze %dma_wait3A_1524 : memref<1x1x1x8x128xf32, #tpu.memory_space<hbm>> -> memref<8x128xf32, #tpu.memory_space<hbm>>
        %dma_wait3A_1526 = arith.constant 0 : i32
        %dma_wait3A_1527 = arith.constant 0 : i32
        %dma_wait3A_1528 = tpu.memref_slice %arg4[%select_n3A_1283, %dma_wait3A_1518, %select_n3A_1299, %dma_wait3A_1526, %dma_wait3A_1527] : memref<100x8x128x8x128xf32, #tpu.memory_space<hbm>> -> memref<1x1x1x8x128xf32, #tpu.memory_space<hbm>>
        %dma_wait3A_1529 = tpu.memref_squeeze %dma_wait3A_1528 : memref<1x1x1x8x128xf32, #tpu.memory_space<hbm>> -> memref<8x128xf32, #tpu.memory_space<hbm>>
        %dma_wait3A_1530 = arith.constant 40 : i32
        %dma_wait3A_1531 = arith.constant 0 : i32
        %dma_wait3A_1532 = tpu.memref_slice %arg13[%dma_wait3A_1530, %dma_wait3A_1531] : memref<64x129xf32, #tpu.memory_space<vmem>> -> memref<8x128xf32, #tpu.memory_space<vmem>>
        tpu.wait_dma2 semaphore(%arg21 : memref<!tpu.dma_semaphore, #tpu.memory_space<semaphore_mem>>) src(%dma_wait3A_1532 : memref<8x128xf32, #tpu.memory_space<vmem>>) dst(%dma_wait3A_1529 : memref<8x128xf32, #tpu.memory_space<hbm>>)
        %dma_wait3A_1533 = arith.constant 6 : i32
        %dma_wait3A_1534 = arith.constant 48 : i32
        %dma_wait3A_1535 = arith.constant 0 : i32
        %dma_wait3A_1536 = tpu.memref_slice %arg13[%dma_wait3A_1534, %dma_wait3A_1535] : memref<64x129xf32, #tpu.memory_space<vmem>> -> memref<8x128xf32, #tpu.memory_space<vmem>>
        %dma_wait3A_1537 = arith.constant 0 : i32
        %dma_wait3A_1538 = arith.constant 0 : i32
        %dma_wait3A_1539 = tpu.memref_slice %arg4[%select_n3A_1283, %dma_wait3A_1533, %select_n3A_1299, %dma_wait3A_1537, %dma_wait3A_1538] : memref<100x8x128x8x128xf32, #tpu.memory_space<hbm>> -> memref<1x1x1x8x128xf32, #tpu.memory_space<hbm>>
        %dma_wait3A_1540 = tpu.memref_squeeze %dma_wait3A_1539 : memref<1x1x1x8x128xf32, #tpu.memory_space<hbm>> -> memref<8x128xf32, #tpu.memory_space<hbm>>
        %dma_wait3A_1541 = arith.constant 0 : i32
        %dma_wait3A_1542 = arith.constant 0 : i32
        %dma_wait3A_1543 = tpu.memref_slice %arg4[%select_n3A_1283, %dma_wait3A_1533, %select_n3A_1299, %dma_wait3A_1541, %dma_wait3A_1542] : memref<100x8x128x8x128xf32, #tpu.memory_space<hbm>> -> memref<1x1x1x8x128xf32, #tpu.memory_space<hbm>>
        %dma_wait3A_1544 = tpu.memref_squeeze %dma_wait3A_1543 : memref<1x1x1x8x128xf32, #tpu.memory_space<hbm>> -> memref<8x128xf32, #tpu.memory_space<hbm>>
        %dma_wait3A_1545 = arith.constant 48 : i32
        %dma_wait3A_1546 = arith.constant 0 : i32
        %dma_wait3A_1547 = tpu.memref_slice %arg13[%dma_wait3A_1545, %dma_wait3A_1546] : memref<64x129xf32, #tpu.memory_space<vmem>> -> memref<8x128xf32, #tpu.memory_space<vmem>>
        tpu.wait_dma2 semaphore(%arg21 : memref<!tpu.dma_semaphore, #tpu.memory_space<semaphore_mem>>) src(%dma_wait3A_1547 : memref<8x128xf32, #tpu.memory_space<vmem>>) dst(%dma_wait3A_1544 : memref<8x128xf32, #tpu.memory_space<hbm>>)
        %dma_wait3A_1548 = arith.constant 7 : i32
        %dma_wait3A_1549 = arith.constant 56 : i32
        %dma_wait3A_1550 = arith.constant 0 : i32
        %dma_wait3A_1551 = tpu.memref_slice %arg13[%dma_wait3A_1549, %dma_wait3A_1550] : memref<64x129xf32, #tpu.memory_space<vmem>> -> memref<8x128xf32, #tpu.memory_space<vmem>>
        %dma_wait3A_1552 = arith.constant 0 : i32
        %dma_wait3A_1553 = arith.constant 0 : i32
        %dma_wait3A_1554 = tpu.memref_slice %arg4[%select_n3A_1283, %dma_wait3A_1548, %select_n3A_1299, %dma_wait3A_1552, %dma_wait3A_1553] : memref<100x8x128x8x128xf32, #tpu.memory_space<hbm>> -> memref<1x1x1x8x128xf32, #tpu.memory_space<hbm>>
        %dma_wait3A_1555 = tpu.memref_squeeze %dma_wait3A_1554 : memref<1x1x1x8x128xf32, #tpu.memory_space<hbm>> -> memref<8x128xf32, #tpu.memory_space<hbm>>
        %dma_wait3A_1556 = arith.constant 0 : i32
        %dma_wait3A_1557 = arith.constant 0 : i32
        %dma_wait3A_1558 = tpu.memref_slice %arg4[%select_n3A_1283, %dma_wait3A_1548, %select_n3A_1299, %dma_wait3A_1556, %dma_wait3A_1557] : memref<100x8x128x8x128xf32, #tpu.memory_space<hbm>> -> memref<1x1x1x8x128xf32, #tpu.memory_space<hbm>>
        %dma_wait3A_1559 = tpu.memref_squeeze %dma_wait3A_1558 : memref<1x1x1x8x128xf32, #tpu.memory_space<hbm>> -> memref<8x128xf32, #tpu.memory_space<hbm>>
        %dma_wait3A_1560 = arith.constant 56 : i32
        %dma_wait3A_1561 = arith.constant 0 : i32
        %dma_wait3A_1562 = tpu.memref_slice %arg13[%dma_wait3A_1560, %dma_wait3A_1561] : memref<64x129xf32, #tpu.memory_space<vmem>> -> memref<8x128xf32, #tpu.memory_space<vmem>>
        tpu.wait_dma2 semaphore(%arg21 : memref<!tpu.dma_semaphore, #tpu.memory_space<semaphore_mem>>) src(%dma_wait3A_1562 : memref<8x128xf32, #tpu.memory_space<vmem>>) dst(%dma_wait3A_1559 : memref<8x128xf32, #tpu.memory_space<hbm>>)
      } else {
      }
      %scan3A_1311 = arith.constant 0 : i32
      %scan3A_1312 = arith.constant 128 : i32
      %scan3A_1313 = arith.addi %scan3A_1311, %scan3A_1312 : i32
      %scan3A_1314 = arith.constant 8 : i32
      scf.for %scan3A_1443 = %scan3A_1311 to %scan3A_1313 step %scan3A_1314  : i32 {
        %mul3A_1444 = arith.constant 0 : i32
        %mul3A_1445 = vector.broadcast %mul3A_1444 : i32 to vector<16xi32>
        %mul3A_1446 = arith.muli %iota3A, %mul3A_1445 : vector<16xi32>
        %add3A_1447 = vector.broadcast %scan3A_1443 : i32 to vector<16xi32>
        %add3A_1448 = arith.addi %mul3A_1446, %add3A_1447 : vector<16xi32>
        %get3A = arith.index_cast %scan3A_1443 : i32 to index
        %get3A_1449 = arith.constant 0 : index
        %get3A_1450 = tpu.vector_load %arg9[%get3A, %get3A_1449] {strides = array<i32>} : memref<128x64xf32, #tpu.memory_space<vmem>>, vector<16xf32>,
        tpu.vector_store_idx %arg13[%add3A_5, %add3A_1448], %get3A_1450 : memref<64x129xf32, #tpu.memory_space<vmem>>[vector<16xi32>, vector<16xi32>], vector<16xf32>,
        %get3A_1451 = arith.index_cast %scan3A_1443 : i32 to index
        %get3A_1452 = arith.constant 16 : index
        %get3A_1453 = tpu.vector_load %arg9[%get3A_1451, %get3A_1452] {strides = array<i32>} : memref<128x64xf32, #tpu.memory_space<vmem>>, vector<16xf32>,
        tpu.vector_store_idx %arg13[%add3A_8, %add3A_1448], %get3A_1453 : memref<64x129xf32, #tpu.memory_space<vmem>>[vector<16xi32>, vector<16xi32>], vector<16xf32>,
        %get3A_1454 = arith.index_cast %scan3A_1443 : i32 to index
        %get3A_1455 = arith.constant 32 : index
        %get3A_1456 = tpu.vector_load %arg9[%get3A_1454, %get3A_1455] {strides = array<i32>} : memref<128x64xf32, #tpu.memory_space<vmem>>, vector<16xf32>,
        tpu.vector_store_idx %arg13[%add3A_11, %add3A_1448], %get3A_1456 : memref<64x129xf32, #tpu.memory_space<vmem>>[vector<16xi32>, vector<16xi32>], vector<16xf32>,
        %get3A_1457 = arith.index_cast %scan3A_1443 : i32 to index
        %get3A_1458 = arith.constant 48 : index
        %get3A_1459 = tpu.vector_load %arg9[%get3A_1457, %get3A_1458] {strides = array<i32>} : memref<128x64xf32, #tpu.memory_space<vmem>>, vector<16xf32>,
        tpu.vector_store_idx %arg13[%add3A_14, %add3A_1448], %get3A_1459 : memref<64x129xf32, #tpu.memory_space<vmem>>[vector<16xi32>, vector<16xi32>], vector<16xf32>,
        %scan3A_1460 = arith.constant 1 : i32
        %scan3A_1461 = arith.addi %scan3A_1443, %scan3A_1460 : i32
        %mul3A_1462 = arith.constant 0 : i32
        %mul3A_1463 = vector.broadcast %mul3A_1462 : i32 to vector<16xi32>
        %mul3A_1464 = arith.muli %iota3A, %mul3A_1463 : vector<16xi32>
        %add3A_1465 = vector.broadcast %scan3A_1461 : i32 to vector<16xi32>
        %add3A_1466 = arith.addi %mul3A_1464, %add3A_1465 : vector<16xi32>
        %get3A_1467 = arith.index_cast %scan3A_1461 : i32 to index
        %get3A_1468 = arith.constant 0 : index
        %get3A_1469 = tpu.vector_load %arg9[%get3A_1467, %get3A_1468] {strides = array<i32>} : memref<128x64xf32, #tpu.memory_space<vmem>>, vector<16xf32>,
        tpu.vector_store_idx %arg13[%add3A_5, %add3A_1466], %get3A_1469 : memref<64x129xf32, #tpu.memory_space<vmem>>[vector<16xi32>, vector<16xi32>], vector<16xf32>,
        %get3A_1470 = arith.index_cast %scan3A_1461 : i32 to index
        %get3A_1471 = arith.constant 16 : index
        %get3A_1472 = tpu.vector_load %arg9[%get3A_1470, %get3A_1471] {strides = array<i32>} : memref<128x64xf32, #tpu.memory_space<vmem>>, vector<16xf32>,
        tpu.vector_store_idx %arg13[%add3A_8, %add3A_1466], %get3A_1472 : memref<64x129xf32, #tpu.memory_space<vmem>>[vector<16xi32>, vector<16xi32>], vector<16xf32>,
        %get3A_1473 = arith.index_cast %scan3A_1461 : i32 to index
        %get3A_1474 = arith.constant 32 : index
        %get3A_1475 = tpu.vector_load %arg9[%get3A_1473, %get3A_1474] {strides = array<i32>} : memref<128x64xf32, #tpu.memory_space<vmem>>, vector<16xf32>,
        tpu.vector_store_idx %arg13[%add3A_11, %add3A_1466], %get3A_1475 : memref<64x129xf32, #tpu.memory_space<vmem>>[vector<16xi32>, vector<16xi32>], vector<16xf32>,
        %get3A_1476 = arith.index_cast %scan3A_1461 : i32 to index
        %get3A_1477 = arith.constant 48 : index
        %get3A_1478 = tpu.vector_load %arg9[%get3A_1476, %get3A_1477] {strides = array<i32>} : memref<128x64xf32, #tpu.memory_space<vmem>>, vector<16xf32>,
        tpu.vector_store_idx %arg13[%add3A_14, %add3A_1466], %get3A_1478 : memref<64x129xf32, #tpu.memory_space<vmem>>[vector<16xi32>, vector<16xi32>], vector<16xf32>,
        %scan3A_1479 = arith.constant 2 : i32
        %scan3A_1480 = arith.addi %scan3A_1443, %scan3A_1479 : i32
        %mul3A_1481 = arith.constant 0 : i32
        %mul3A_1482 = vector.broadcast %mul3A_1481 : i32 to vector<16xi32>
        %mul3A_1483 = arith.muli %iota3A, %mul3A_1482 : vector<16xi32>
        %add3A_1484 = vector.broadcast %scan3A_1480 : i32 to vector<16xi32>
        %add3A_1485 = arith.addi %mul3A_1483, %add3A_1484 : vector<16xi32>
        %get3A_1486 = arith.index_cast %scan3A_1480 : i32 to index
        %get3A_1487 = arith.constant 0 : index
        %get3A_1488 = tpu.vector_load %arg9[%get3A_1486, %get3A_1487] {strides = array<i32>} : memref<128x64xf32, #tpu.memory_space<vmem>>, vector<16xf32>,
        tpu.vector_store_idx %arg13[%add3A_5, %add3A_1485], %get3A_1488 : memref<64x129xf32, #tpu.memory_space<vmem>>[vector<16xi32>, vector<16xi32>], vector<16xf32>,
        %get3A_1489 = arith.index_cast %scan3A_1480 : i32 to index
        %get3A_1490 = arith.constant 16 : index
        %get3A_1491 = tpu.vector_load %arg9[%get3A_1489, %get3A_1490] {strides = array<i32>} : memref<128x64xf32, #tpu.memory_space<vmem>>, vector<16xf32>,
        tpu.vector_store_idx %arg13[%add3A_8, %add3A_1485], %get3A_1491 : memref<64x129xf32, #tpu.memory_space<vmem>>[vector<16xi32>, vector<16xi32>], vector<16xf32>,
        %get3A_1492 = arith.index_cast %scan3A_1480 : i32 to index
        %get3A_1493 = arith.constant 32 : index
        %get3A_1494 = tpu.vector_load %arg9[%get3A_1492, %get3A_1493] {strides = array<i32>} : memref<128x64xf32, #tpu.memory_space<vmem>>, vector<16xf32>,
        tpu.vector_store_idx %arg13[%add3A_11, %add3A_1485], %get3A_1494 : memref<64x129xf32, #tpu.memory_space<vmem>>[vector<16xi32>, vector<16xi32>], vector<16xf32>,
        %get3A_1495 = arith.index_cast %scan3A_1480 : i32 to index
        %get3A_1496 = arith.constant 48 : index
        %get3A_1497 = tpu.vector_load %arg9[%get3A_1495, %get3A_1496] {strides = array<i32>} : memref<128x64xf32, #tpu.memory_space<vmem>>, vector<16xf32>,
        tpu.vector_store_idx %arg13[%add3A_14, %add3A_1485], %get3A_1497 : memref<64x129xf32, #tpu.memory_space<vmem>>[vector<16xi32>, vector<16xi32>], vector<16xf32>,
        %scan3A_1498 = arith.constant 3 : i32
        %scan3A_1499 = arith.addi %scan3A_1443, %scan3A_1498 : i32
        %mul3A_1500 = arith.constant 0 : i32
        %mul3A_1501 = vector.broadcast %mul3A_1500 : i32 to vector<16xi32>
        %mul3A_1502 = arith.muli %iota3A, %mul3A_1501 : vector<16xi32>
        %add3A_1503 = vector.broadcast %scan3A_1499 : i32 to vector<16xi32>
        %add3A_1504 = arith.addi %mul3A_1502, %add3A_1503 : vector<16xi32>
        %get3A_1505 = arith.index_cast %scan3A_1499 : i32 to index
        %get3A_1506 = arith.constant 0 : index
        %get3A_1507 = tpu.vector_load %arg9[%get3A_1505, %get3A_1506] {strides = array<i32>} : memref<128x64xf32, #tpu.memory_space<vmem>>, vector<16xf32>,
        tpu.vector_store_idx %arg13[%add3A_5, %add3A_1504], %get3A_1507 : memref<64x129xf32, #tpu.memory_space<vmem>>[vector<16xi32>, vector<16xi32>], vector<16xf32>,
        %get3A_1508 = arith.index_cast %scan3A_1499 : i32 to index
        %get3A_1509 = arith.constant 16 : index
        %get3A_1510 = tpu.vector_load %arg9[%get3A_1508, %get3A_1509] {strides = array<i32>} : memref<128x64xf32, #tpu.memory_space<vmem>>, vector<16xf32>,
        tpu.vector_store_idx %arg13[%add3A_8, %add3A_1504], %get3A_1510 : memref<64x129xf32, #tpu.memory_space<vmem>>[vector<16xi32>, vector<16xi32>], vector<16xf32>,
        %get3A_1511 = arith.index_cast %scan3A_1499 : i32 to index
        %get3A_1512 = arith.constant 32 : index
        %get3A_1513 = tpu.vector_load %arg9[%get3A_1511, %get3A_1512] {strides = array<i32>} : memref<128x64xf32, #tpu.memory_space<vmem>>, vector<16xf32>,
        tpu.vector_store_idx %arg13[%add3A_11, %add3A_1504], %get3A_1513 : memref<64x129xf32, #tpu.memory_space<vmem>>[vector<16xi32>, vector<16xi32>], vector<16xf32>,
        %get3A_1514 = arith.index_cast %scan3A_1499 : i32 to index
        %get3A_1515 = arith.constant 48 : index
        %get3A_1516 = tpu.vector_load %arg9[%get3A_1514, %get3A_1515] {strides = array<i32>} : memref<128x64xf32, #tpu.memory_space<vmem>>, vector<16xf32>,
        tpu.vector_store_idx %arg13[%add3A_14, %add3A_1504], %get3A_1516 : memref<64x129xf32, #tpu.memory_space<vmem>>[vector<16xi32>, vector<16xi32>], vector<16xf32>,
        %scan3A_1517 = arith.constant 4 : i32
        %scan3A_1518 = arith.addi %scan3A_1443, %scan3A_1517 : i32
        %mul3A_1519 = arith.constant 0 : i32
        %mul3A_1520 = vector.broadcast %mul3A_1519 : i32 to vector<16xi32>
        %mul3A_1521 = arith.muli %iota3A, %mul3A_1520 : vector<16xi32>
        %add3A_1522 = vector.broadcast %scan3A_1518 : i32 to vector<16xi32>
        %add3A_1523 = arith.addi %mul3A_1521, %add3A_1522 : vector<16xi32>
        %get3A_1524 = arith.index_cast %scan3A_1518 : i32 to index
        %get3A_1525 = arith.constant 0 : index
        %get3A_1526 = tpu.vector_load %arg9[%get3A_1524, %get3A_1525] {strides = array<i32>} : memref<128x64xf32, #tpu.memory_space<vmem>>, vector<16xf32>,
        tpu.vector_store_idx %arg13[%add3A_5, %add3A_1523], %get3A_1526 : memref<64x129xf32, #tpu.memory_space<vmem>>[vector<16xi32>, vector<16xi32>], vector<16xf32>,
        %get3A_1527 = arith.index_cast %scan3A_1518 : i32 to index
        %get3A_1528 = arith.constant 16 : index
        %get3A_1529 = tpu.vector_load %arg9[%get3A_1527, %get3A_1528] {strides = array<i32>} : memref<128x64xf32, #tpu.memory_space<vmem>>, vector<16xf32>,
        tpu.vector_store_idx %arg13[%add3A_8, %add3A_1523], %get3A_1529 : memref<64x129xf32, #tpu.memory_space<vmem>>[vector<16xi32>, vector<16xi32>], vector<16xf32>,
        %get3A_1530 = arith.index_cast %scan3A_1518 : i32 to index
        %get3A_1531 = arith.constant 32 : index
        %get3A_1532 = tpu.vector_load %arg9[%get3A_1530, %get3A_1531] {strides = array<i32>} : memref<128x64xf32, #tpu.memory_space<vmem>>, vector<16xf32>,
        tpu.vector_store_idx %arg13[%add3A_11, %add3A_1523], %get3A_1532 : memref<64x129xf32, #tpu.memory_space<vmem>>[vector<16xi32>, vector<16xi32>], vector<16xf32>,
        %get3A_1533 = arith.index_cast %scan3A_1518 : i32 to index
        %get3A_1534 = arith.constant 48 : index
        %get3A_1535 = tpu.vector_load %arg9[%get3A_1533, %get3A_1534] {strides = array<i32>} : memref<128x64xf32, #tpu.memory_space<vmem>>, vector<16xf32>,
        tpu.vector_store_idx %arg13[%add3A_14, %add3A_1523], %get3A_1535 : memref<64x129xf32, #tpu.memory_space<vmem>>[vector<16xi32>, vector<16xi32>], vector<16xf32>,
        %scan3A_1536 = arith.constant 5 : i32
        %scan3A_1537 = arith.addi %scan3A_1443, %scan3A_1536 : i32
        %mul3A_1538 = arith.constant 0 : i32
        %mul3A_1539 = vector.broadcast %mul3A_1538 : i32 to vector<16xi32>
        %mul3A_1540 = arith.muli %iota3A, %mul3A_1539 : vector<16xi32>
        %add3A_1541 = vector.broadcast %scan3A_1537 : i32 to vector<16xi32>
        %add3A_1542 = arith.addi %mul3A_1540, %add3A_1541 : vector<16xi32>
        %get3A_1543 = arith.index_cast %scan3A_1537 : i32 to index
        %get3A_1544 = arith.constant 0 : index
        %get3A_1545 = tpu.vector_load %arg9[%get3A_1543, %get3A_1544] {strides = array<i32>} : memref<128x64xf32, #tpu.memory_space<vmem>>, vector<16xf32>,
        tpu.vector_store_idx %arg13[%add3A_5, %add3A_1542], %get3A_1545 : memref<64x129xf32, #tpu.memory_space<vmem>>[vector<16xi32>, vector<16xi32>], vector<16xf32>,
        %get3A_1546 = arith.index_cast %scan3A_1537 : i32 to index
        %get3A_1547 = arith.constant 16 : index
        %get3A_1548 = tpu.vector_load %arg9[%get3A_1546, %get3A_1547] {strides = array<i32>} : memref<128x64xf32, #tpu.memory_space<vmem>>, vector<16xf32>,
        tpu.vector_store_idx %arg13[%add3A_8, %add3A_1542], %get3A_1548 : memref<64x129xf32, #tpu.memory_space<vmem>>[vector<16xi32>, vector<16xi32>], vector<16xf32>,
        %get3A_1549 = arith.index_cast %scan3A_1537 : i32 to index
        %get3A_1550 = arith.constant 32 : index
        %get3A_1551 = tpu.vector_load %arg9[%get3A_1549, %get3A_1550] {strides = array<i32>} : memref<128x64xf32, #tpu.memory_space<vmem>>, vector<16xf32>,
        tpu.vector_store_idx %arg13[%add3A_11, %add3A_1542], %get3A_1551 : memref<64x129xf32, #tpu.memory_space<vmem>>[vector<16xi32>, vector<16xi32>], vector<16xf32>,
        %get3A_1552 = arith.index_cast %scan3A_1537 : i32 to index
        %get3A_1553 = arith.constant 48 : index
        %get3A_1554 = tpu.vector_load %arg9[%get3A_1552, %get3A_1553] {strides = array<i32>} : memref<128x64xf32, #tpu.memory_space<vmem>>, vector<16xf32>,
        tpu.vector_store_idx %arg13[%add3A_14, %add3A_1542], %get3A_1554 : memref<64x129xf32, #tpu.memory_space<vmem>>[vector<16xi32>, vector<16xi32>], vector<16xf32>,
        %scan3A_1555 = arith.constant 6 : i32
        %scan3A_1556 = arith.addi %scan3A_1443, %scan3A_1555 : i32
        %mul3A_1557 = arith.constant 0 : i32
        %mul3A_1558 = vector.broadcast %mul3A_1557 : i32 to vector<16xi32>
        %mul3A_1559 = arith.muli %iota3A, %mul3A_1558 : vector<16xi32>
        %add3A_1560 = vector.broadcast %scan3A_1556 : i32 to vector<16xi32>
        %add3A_1561 = arith.addi %mul3A_1559, %add3A_1560 : vector<16xi32>
        %get3A_1562 = arith.index_cast %scan3A_1556 : i32 to index
        %get3A_1563 = arith.constant 0 : index
        %get3A_1564 = tpu.vector_load %arg9[%get3A_1562, %get3A_1563] {strides = array<i32>} : memref<128x64xf32, #tpu.memory_space<vmem>>, vector<16xf32>,
        tpu.vector_store_idx %arg13[%add3A_5, %add3A_1561], %get3A_1564 : memref<64x129xf32, #tpu.memory_space<vmem>>[vector<16xi32>, vector<16xi32>], vector<16xf32>,
        %get3A_1565 = arith.index_cast %scan3A_1556 : i32 to index
        %get3A_1566 = arith.constant 16 : index
        %get3A_1567 = tpu.vector_load %arg9[%get3A_1565, %get3A_1566] {strides = array<i32>} : memref<128x64xf32, #tpu.memory_space<vmem>>, vector<16xf32>,
        tpu.vector_store_idx %arg13[%add3A_8, %add3A_1561], %get3A_1567 : memref<64x129xf32, #tpu.memory_space<vmem>>[vector<16xi32>, vector<16xi32>], vector<16xf32>,
        %get3A_1568 = arith.index_cast %scan3A_1556 : i32 to index
        %get3A_1569 = arith.constant 32 : index
        %get3A_1570 = tpu.vector_load %arg9[%get3A_1568, %get3A_1569] {strides = array<i32>} : memref<128x64xf32, #tpu.memory_space<vmem>>, vector<16xf32>,
        tpu.vector_store_idx %arg13[%add3A_11, %add3A_1561], %get3A_1570 : memref<64x129xf32, #tpu.memory_space<vmem>>[vector<16xi32>, vector<16xi32>], vector<16xf32>,
        %get3A_1571 = arith.index_cast %scan3A_1556 : i32 to index
        %get3A_1572 = arith.constant 48 : index
        %get3A_1573 = tpu.vector_load %arg9[%get3A_1571, %get3A_1572] {strides = array<i32>} : memref<128x64xf32, #tpu.memory_space<vmem>>, vector<16xf32>,
        tpu.vector_store_idx %arg13[%add3A_14, %add3A_1561], %get3A_1573 : memref<64x129xf32, #tpu.memory_space<vmem>>[vector<16xi32>, vector<16xi32>], vector<16xf32>,
        %scan3A_1574 = arith.constant 7 : i32
        %scan3A_1575 = arith.addi %scan3A_1443, %scan3A_1574 : i32
        %mul3A_1576 = arith.constant 0 : i32
        %mul3A_1577 = vector.broadcast %mul3A_1576 : i32 to vector<16xi32>
        %mul3A_1578 = arith.muli %iota3A, %mul3A_1577 : vector<16xi32>
        %add3A_1579 = vector.broadcast %scan3A_1575 : i32 to vector<16xi32>
        %add3A_1580 = arith.addi %mul3A_1578, %add3A_1579 : vector<16xi32>
        %get3A_1581 = arith.index_cast %scan3A_1575 : i32 to index
        %get3A_1582 = arith.constant 0 : index
        %get3A_1583 = tpu.vector_load %arg9[%get3A_1581, %get3A_1582] {strides = array<i32>} : memref<128x64xf32, #tpu.memory_space<vmem>>, vector<16xf32>,
        tpu.vector_store_idx %arg13[%add3A_5, %add3A_1580], %get3A_1583 : memref<64x129xf32, #tpu.memory_space<vmem>>[vector<16xi32>, vector<16xi32>], vector<16xf32>,
        %get3A_1584 = arith.index_cast %scan3A_1575 : i32 to index
        %get3A_1585 = arith.constant 16 : index
        %get3A_1586 = tpu.vector_load %arg9[%get3A_1584, %get3A_1585] {strides = array<i32>} : memref<128x64xf32, #tpu.memory_space<vmem>>, vector<16xf32>,
        tpu.vector_store_idx %arg13[%add3A_8, %add3A_1580], %get3A_1586 : memref<64x129xf32, #tpu.memory_space<vmem>>[vector<16xi32>, vector<16xi32>], vector<16xf32>,
        %get3A_1587 = arith.index_cast %scan3A_1575 : i32 to index
        %get3A_1588 = arith.constant 32 : index
        %get3A_1589 = tpu.vector_load %arg9[%get3A_1587, %get3A_1588] {strides = array<i32>} : memref<128x64xf32, #tpu.memory_space<vmem>>, vector<16xf32>,
        tpu.vector_store_idx %arg13[%add3A_11, %add3A_1580], %get3A_1589 : memref<64x129xf32, #tpu.memory_space<vmem>>[vector<16xi32>, vector<16xi32>], vector<16xf32>,
        %get3A_1590 = arith.index_cast %scan3A_1575 : i32 to index
        %get3A_1591 = arith.constant 48 : index
        %get3A_1592 = tpu.vector_load %arg9[%get3A_1590, %get3A_1591] {strides = array<i32>} : memref<128x64xf32, #tpu.memory_space<vmem>>, vector<16xf32>,
        tpu.vector_store_idx %arg13[%add3A_14, %add3A_1580], %get3A_1592 : memref<64x129xf32, #tpu.memory_space<vmem>>[vector<16xi32>, vector<16xi32>], vector<16xf32>,
      }
      %scan3A_1315 = arith.constant 128 : i32
      %dma_start3A_1316 = arith.constant 0 : i32
      %dma_start3A_1317 = arith.constant 0 : i32
      %dma_start3A_1318 = arith.constant 0 : i32
      %dma_start3A_1319 = tpu.memref_slice %arg13[%dma_start3A_1317, %dma_start3A_1318] : memref<64x129xf32, #tpu.memory_space<vmem>> -> memref<8x128xf32, #tpu.memory_space<vmem>>
      %dma_start3A_1320 = arith.constant 0 : i32
      %dma_start3A_1321 = arith.constant 0 : i32
      %dma_start3A_1322 = tpu.memref_slice %arg4[%select_n3A_1283, %dma_start3A_1316, %select_n3A_1299, %dma_start3A_1320, %dma_start3A_1321] : memref<100x8x128x8x128xf32, #tpu.memory_space<hbm>> -> memref<1x1x1x8x128xf32, #tpu.memory_space<hbm>>
      %dma_start3A_1323 = tpu.memref_squeeze %dma_start3A_1322 : memref<1x1x1x8x128xf32, #tpu.memory_space<hbm>> -> memref<8x128xf32, #tpu.memory_space<hbm>>
      %dma_start3A_1324 = arith.constant 0 : i32
      %dma_start3A_1325 = arith.constant 0 : i32
      %dma_start3A_1326 = tpu.memref_slice %arg4[%select_n3A_1283, %dma_start3A_1316, %select_n3A_1299, %dma_start3A_1324, %dma_start3A_1325] : memref<100x8x128x8x128xf32, #tpu.memory_space<hbm>> -> memref<1x1x1x8x128xf32, #tpu.memory_space<hbm>>
      %dma_start3A_1327 = tpu.memref_squeeze %dma_start3A_1326 : memref<1x1x1x8x128xf32, #tpu.memory_space<hbm>> -> memref<8x128xf32, #tpu.memory_space<hbm>>
      %dma_start3A_1328 = arith.constant 0 : i32
      %dma_start3A_1329 = arith.constant 0 : i32
      %dma_start3A_1330 = tpu.memref_slice %arg13[%dma_start3A_1328, %dma_start3A_1329] : memref<64x129xf32, #tpu.memory_space<vmem>> -> memref<8x128xf32, #tpu.memory_space<vmem>>
      tpu.enqueue_dma source(%dma_start3A_1330 : memref<8x128xf32, #tpu.memory_space<vmem>>) target(%dma_start3A_1327 : memref<8x128xf32, #tpu.memory_space<hbm>>) target_semaphore(%arg21 : memref<!tpu.dma_semaphore, #tpu.memory_space<semaphore_mem>>)
      %dma_start3A_1331 = arith.constant 1 : i32
      %dma_start3A_1332 = arith.constant 8 : i32
      %dma_start3A_1333 = arith.constant 0 : i32
      %dma_start3A_1334 = tpu.memref_slice %arg13[%dma_start3A_1332, %dma_start3A_1333] : memref<64x129xf32, #tpu.memory_space<vmem>> -> memref<8x128xf32, #tpu.memory_space<vmem>>
      %dma_start3A_1335 = arith.constant 0 : i32
      %dma_start3A_1336 = arith.constant 0 : i32
      %dma_start3A_1337 = tpu.memref_slice %arg4[%select_n3A_1283, %dma_start3A_1331, %select_n3A_1299, %dma_start3A_1335, %dma_start3A_1336] : memref<100x8x128x8x128xf32, #tpu.memory_space<hbm>> -> memref<1x1x1x8x128xf32, #tpu.memory_space<hbm>>
      %dma_start3A_1338 = tpu.memref_squeeze %dma_start3A_1337 : memref<1x1x1x8x128xf32, #tpu.memory_space<hbm>> -> memref<8x128xf32, #tpu.memory_space<hbm>>
      %dma_start3A_1339 = arith.constant 0 : i32
      %dma_start3A_1340 = arith.constant 0 : i32
      %dma_start3A_1341 = tpu.memref_slice %arg4[%select_n3A_1283, %dma_start3A_1331, %select_n3A_1299, %dma_start3A_1339, %dma_start3A_1340] : memref<100x8x128x8x128xf32, #tpu.memory_space<hbm>> -> memref<1x1x1x8x128xf32, #tpu.memory_space<hbm>>
      %dma_start3A_1342 = tpu.memref_squeeze %dma_start3A_1341 : memref<1x1x1x8x128xf32, #tpu.memory_space<hbm>> -> memref<8x128xf32, #tpu.memory_space<hbm>>
      %dma_start3A_1343 = arith.constant 8 : i32
      %dma_start3A_1344 = arith.constant 0 : i32
      %dma_start3A_1345 = tpu.memref_slice %arg13[%dma_start3A_1343, %dma_start3A_1344] : memref<64x129xf32, #tpu.memory_space<vmem>> -> memref<8x128xf32, #tpu.memory_space<vmem>>
      tpu.enqueue_dma source(%dma_start3A_1345 : memref<8x128xf32, #tpu.memory_space<vmem>>) target(%dma_start3A_1342 : memref<8x128xf32, #tpu.memory_space<hbm>>) target_semaphore(%arg21 : memref<!tpu.dma_semaphore, #tpu.memory_space<semaphore_mem>>)
      %dma_start3A_1346 = arith.constant 2 : i32
      %dma_start3A_1347 = arith.constant 16 : i32
      %dma_start3A_1348 = arith.constant 0 : i32
      %dma_start3A_1349 = tpu.memref_slice %arg13[%dma_start3A_1347, %dma_start3A_1348] : memref<64x129xf32, #tpu.memory_space<vmem>> -> memref<8x128xf32, #tpu.memory_space<vmem>>
      %dma_start3A_1350 = arith.constant 0 : i32
      %dma_start3A_1351 = arith.constant 0 : i32
      %dma_start3A_1352 = tpu.memref_slice %arg4[%select_n3A_1283, %dma_start3A_1346, %select_n3A_1299, %dma_start3A_1350, %dma_start3A_1351] : memref<100x8x128x8x128xf32, #tpu.memory_space<hbm>> -> memref<1x1x1x8x128xf32, #tpu.memory_space<hbm>>
      %dma_start3A_1353 = tpu.memref_squeeze %dma_start3A_1352 : memref<1x1x1x8x128xf32, #tpu.memory_space<hbm>> -> memref<8x128xf32, #tpu.memory_space<hbm>>
      %dma_start3A_1354 = arith.constant 0 : i32
      %dma_start3A_1355 = arith.constant 0 : i32
      %dma_start3A_1356 = tpu.memref_slice %arg4[%select_n3A_1283, %dma_start3A_1346, %select_n3A_1299, %dma_start3A_1354, %dma_start3A_1355] : memref<100x8x128x8x128xf32, #tpu.memory_space<hbm>> -> memref<1x1x1x8x128xf32, #tpu.memory_space<hbm>>
      %dma_start3A_1357 = tpu.memref_squeeze %dma_start3A_1356 : memref<1x1x1x8x128xf32, #tpu.memory_space<hbm>> -> memref<8x128xf32, #tpu.memory_space<hbm>>
      %dma_start3A_1358 = arith.constant 16 : i32
      %dma_start3A_1359 = arith.constant 0 : i32
      %dma_start3A_1360 = tpu.memref_slice %arg13[%dma_start3A_1358, %dma_start3A_1359] : memref<64x129xf32, #tpu.memory_space<vmem>> -> memref<8x128xf32, #tpu.memory_space<vmem>>
      tpu.enqueue_dma source(%dma_start3A_1360 : memref<8x128xf32, #tpu.memory_space<vmem>>) target(%dma_start3A_1357 : memref<8x128xf32, #tpu.memory_space<hbm>>) target_semaphore(%arg21 : memref<!tpu.dma_semaphore, #tpu.memory_space<semaphore_mem>>)
      %dma_start3A_1361 = arith.constant 3 : i32
      %dma_start3A_1362 = arith.constant 24 : i32
      %dma_start3A_1363 = arith.constant 0 : i32
      %dma_start3A_1364 = tpu.memref_slice %arg13[%dma_start3A_1362, %dma_start3A_1363] : memref<64x129xf32, #tpu.memory_space<vmem>> -> memref<8x128xf32, #tpu.memory_space<vmem>>
      %dma_start3A_1365 = arith.constant 0 : i32
      %dma_start3A_1366 = arith.constant 0 : i32
      %dma_start3A_1367 = tpu.memref_slice %arg4[%select_n3A_1283, %dma_start3A_1361, %select_n3A_1299, %dma_start3A_1365, %dma_start3A_1366] : memref<100x8x128x8x128xf32, #tpu.memory_space<hbm>> -> memref<1x1x1x8x128xf32, #tpu.memory_space<hbm>>
      %dma_start3A_1368 = tpu.memref_squeeze %dma_start3A_1367 : memref<1x1x1x8x128xf32, #tpu.memory_space<hbm>> -> memref<8x128xf32, #tpu.memory_space<hbm>>
      %dma_start3A_1369 = arith.constant 0 : i32
      %dma_start3A_1370 = arith.constant 0 : i32
      %dma_start3A_1371 = tpu.memref_slice %arg4[%select_n3A_1283, %dma_start3A_1361, %select_n3A_1299, %dma_start3A_1369, %dma_start3A_1370] : memref<100x8x128x8x128xf32, #tpu.memory_space<hbm>> -> memref<1x1x1x8x128xf32, #tpu.memory_space<hbm>>
      %dma_start3A_1372 = tpu.memref_squeeze %dma_start3A_1371 : memref<1x1x1x8x128xf32, #tpu.memory_space<hbm>> -> memref<8x128xf32, #tpu.memory_space<hbm>>
      %dma_start3A_1373 = arith.constant 24 : i32
      %dma_start3A_1374 = arith.constant 0 : i32
      %dma_start3A_1375 = tpu.memref_slice %arg13[%dma_start3A_1373, %dma_start3A_1374] : memref<64x129xf32, #tpu.memory_space<vmem>> -> memref<8x128xf32, #tpu.memory_space<vmem>>
      tpu.enqueue_dma source(%dma_start3A_1375 : memref<8x128xf32, #tpu.memory_space<vmem>>) target(%dma_start3A_1372 : memref<8x128xf32, #tpu.memory_space<hbm>>) target_semaphore(%arg21 : memref<!tpu.dma_semaphore, #tpu.memory_space<semaphore_mem>>)
      %dma_start3A_1376 = arith.constant 4 : i32
      %dma_start3A_1377 = arith.constant 32 : i32
      %dma_start3A_1378 = arith.constant 0 : i32
      %dma_start3A_1379 = tpu.memref_slice %arg13[%dma_start3A_1377, %dma_start3A_1378] : memref<64x129xf32, #tpu.memory_space<vmem>> -> memref<8x128xf32, #tpu.memory_space<vmem>>
      %dma_start3A_1380 = arith.constant 0 : i32
      %dma_start3A_1381 = arith.constant 0 : i32
      %dma_start3A_1382 = tpu.memref_slice %arg4[%select_n3A_1283, %dma_start3A_1376, %select_n3A_1299, %dma_start3A_1380, %dma_start3A_1381] : memref<100x8x128x8x128xf32, #tpu.memory_space<hbm>> -> memref<1x1x1x8x128xf32, #tpu.memory_space<hbm>>
      %dma_start3A_1383 = tpu.memref_squeeze %dma_start3A_1382 : memref<1x1x1x8x128xf32, #tpu.memory_space<hbm>> -> memref<8x128xf32, #tpu.memory_space<hbm>>
      %dma_start3A_1384 = arith.constant 0 : i32
      %dma_start3A_1385 = arith.constant 0 : i32
      %dma_start3A_1386 = tpu.memref_slice %arg4[%select_n3A_1283, %dma_start3A_1376, %select_n3A_1299, %dma_start3A_1384, %dma_start3A_1385] : memref<100x8x128x8x128xf32, #tpu.memory_space<hbm>> -> memref<1x1x1x8x128xf32, #tpu.memory_space<hbm>>
      %dma_start3A_1387 = tpu.memref_squeeze %dma_start3A_1386 : memref<1x1x1x8x128xf32, #tpu.memory_space<hbm>> -> memref<8x128xf32, #tpu.memory_space<hbm>>
      %dma_start3A_1388 = arith.constant 32 : i32
      %dma_start3A_1389 = arith.constant 0 : i32
      %dma_start3A_1390 = tpu.memref_slice %arg13[%dma_start3A_1388, %dma_start3A_1389] : memref<64x129xf32, #tpu.memory_space<vmem>> -> memref<8x128xf32, #tpu.memory_space<vmem>>
      tpu.enqueue_dma source(%dma_start3A_1390 : memref<8x128xf32, #tpu.memory_space<vmem>>) target(%dma_start3A_1387 : memref<8x128xf32, #tpu.memory_space<hbm>>) target_semaphore(%arg21 : memref<!tpu.dma_semaphore, #tpu.memory_space<semaphore_mem>>)
      %dma_start3A_1391 = arith.constant 5 : i32
      %dma_start3A_1392 = arith.constant 40 : i32
      %dma_start3A_1393 = arith.constant 0 : i32
      %dma_start3A_1394 = tpu.memref_slice %arg13[%dma_start3A_1392, %dma_start3A_1393] : memref<64x129xf32, #tpu.memory_space<vmem>> -> memref<8x128xf32, #tpu.memory_space<vmem>>
      %dma_start3A_1395 = arith.constant 0 : i32
      %dma_start3A_1396 = arith.constant 0 : i32
      %dma_start3A_1397 = tpu.memref_slice %arg4[%select_n3A_1283, %dma_start3A_1391, %select_n3A_1299, %dma_start3A_1395, %dma_start3A_1396] : memref<100x8x128x8x128xf32, #tpu.memory_space<hbm>> -> memref<1x1x1x8x128xf32, #tpu.memory_space<hbm>>
      %dma_start3A_1398 = tpu.memref_squeeze %dma_start3A_1397 : memref<1x1x1x8x128xf32, #tpu.memory_space<hbm>> -> memref<8x128xf32, #tpu.memory_space<hbm>>
      %dma_start3A_1399 = arith.constant 0 : i32
      %dma_start3A_1400 = arith.constant 0 : i32
      %dma_start3A_1401 = tpu.memref_slice %arg4[%select_n3A_1283, %dma_start3A_1391, %select_n3A_1299, %dma_start3A_1399, %dma_start3A_1400] : memref<100x8x128x8x128xf32, #tpu.memory_space<hbm>> -> memref<1x1x1x8x128xf32, #tpu.memory_space<hbm>>
      %dma_start3A_1402 = tpu.memref_squeeze %dma_start3A_1401 : memref<1x1x1x8x128xf32, #tpu.memory_space<hbm>> -> memref<8x128xf32, #tpu.memory_space<hbm>>
      %dma_start3A_1403 = arith.constant 40 : i32
      %dma_start3A_1404 = arith.constant 0 : i32
      %dma_start3A_1405 = tpu.memref_slice %arg13[%dma_start3A_1403, %dma_start3A_1404] : memref<64x129xf32, #tpu.memory_space<vmem>> -> memref<8x128xf32, #tpu.memory_space<vmem>>
      tpu.enqueue_dma source(%dma_start3A_1405 : memref<8x128xf32, #tpu.memory_space<vmem>>) target(%dma_start3A_1402 : memref<8x128xf32, #tpu.memory_space<hbm>>) target_semaphore(%arg21 : memref<!tpu.dma_semaphore, #tpu.memory_space<semaphore_mem>>)
      %dma_start3A_1406 = arith.constant 6 : i32
      %dma_start3A_1407 = arith.constant 48 : i32
      %dma_start3A_1408 = arith.constant 0 : i32
      %dma_start3A_1409 = tpu.memref_slice %arg13[%dma_start3A_1407, %dma_start3A_1408] : memref<64x129xf32, #tpu.memory_space<vmem>> -> memref<8x128xf32, #tpu.memory_space<vmem>>
      %dma_start3A_1410 = arith.constant 0 : i32
      %dma_start3A_1411 = arith.constant 0 : i32
      %dma_start3A_1412 = tpu.memref_slice %arg4[%select_n3A_1283, %dma_start3A_1406, %select_n3A_1299, %dma_start3A_1410, %dma_start3A_1411] : memref<100x8x128x8x128xf32, #tpu.memory_space<hbm>> -> memref<1x1x1x8x128xf32, #tpu.memory_space<hbm>>
      %dma_start3A_1413 = tpu.memref_squeeze %dma_start3A_1412 : memref<1x1x1x8x128xf32, #tpu.memory_space<hbm>> -> memref<8x128xf32, #tpu.memory_space<hbm>>
      %dma_start3A_1414 = arith.constant 0 : i32
      %dma_start3A_1415 = arith.constant 0 : i32
      %dma_start3A_1416 = tpu.memref_slice %arg4[%select_n3A_1283, %dma_start3A_1406, %select_n3A_1299, %dma_start3A_1414, %dma_start3A_1415] : memref<100x8x128x8x128xf32, #tpu.memory_space<hbm>> -> memref<1x1x1x8x128xf32, #tpu.memory_space<hbm>>
      %dma_start3A_1417 = tpu.memref_squeeze %dma_start3A_1416 : memref<1x1x1x8x128xf32, #tpu.memory_space<hbm>> -> memref<8x128xf32, #tpu.memory_space<hbm>>
      %dma_start3A_1418 = arith.constant 48 : i32
      %dma_start3A_1419 = arith.constant 0 : i32
      %dma_start3A_1420 = tpu.memref_slice %arg13[%dma_start3A_1418, %dma_start3A_1419] : memref<64x129xf32, #tpu.memory_space<vmem>> -> memref<8x128xf32, #tpu.memory_space<vmem>>
      tpu.enqueue_dma source(%dma_start3A_1420 : memref<8x128xf32, #tpu.memory_space<vmem>>) target(%dma_start3A_1417 : memref<8x128xf32, #tpu.memory_space<hbm>>) target_semaphore(%arg21 : memref<!tpu.dma_semaphore, #tpu.memory_space<semaphore_mem>>)
      %dma_start3A_1421 = arith.constant 7 : i32
      %dma_start3A_1422 = arith.constant 56 : i32
      %dma_start3A_1423 = arith.constant 0 : i32
      %dma_start3A_1424 = tpu.memref_slice %arg13[%dma_start3A_1422, %dma_start3A_1423] : memref<64x129xf32, #tpu.memory_space<vmem>> -> memref<8x128xf32, #tpu.memory_space<vmem>>
      %dma_start3A_1425 = arith.constant 0 : i32
      %dma_start3A_1426 = arith.constant 0 : i32
      %dma_start3A_1427 = tpu.memref_slice %arg4[%select_n3A_1283, %dma_start3A_1421, %select_n3A_1299, %dma_start3A_1425, %dma_start3A_1426] : memref<100x8x128x8x128xf32, #tpu.memory_space<hbm>> -> memref<1x1x1x8x128xf32, #tpu.memory_space<hbm>>
      %dma_start3A_1428 = tpu.memref_squeeze %dma_start3A_1427 : memref<1x1x1x8x128xf32, #tpu.memory_space<hbm>> -> memref<8x128xf32, #tpu.memory_space<hbm>>
      %dma_start3A_1429 = arith.constant 0 : i32
      %dma_start3A_1430 = arith.constant 0 : i32
      %dma_start3A_1431 = tpu.memref_slice %arg4[%select_n3A_1283, %dma_start3A_1421, %select_n3A_1299, %dma_start3A_1429, %dma_start3A_1430] : memref<100x8x128x8x128xf32, #tpu.memory_space<hbm>> -> memref<1x1x1x8x128xf32, #tpu.memory_space<hbm>>
      %dma_start3A_1432 = tpu.memref_squeeze %dma_start3A_1431 : memref<1x1x1x8x128xf32, #tpu.memory_space<hbm>> -> memref<8x128xf32, #tpu.memory_space<hbm>>
      %dma_start3A_1433 = arith.constant 56 : i32
      %dma_start3A_1434 = arith.constant 0 : i32
      %dma_start3A_1435 = tpu.memref_slice %arg13[%dma_start3A_1433, %dma_start3A_1434] : memref<64x129xf32, #tpu.memory_space<vmem>> -> memref<8x128xf32, #tpu.memory_space<vmem>>
      tpu.enqueue_dma source(%dma_start3A_1435 : memref<8x128xf32, #tpu.memory_space<vmem>>) target(%dma_start3A_1432 : memref<8x128xf32, #tpu.memory_space<hbm>>) target_semaphore(%arg21 : memref<!tpu.dma_semaphore, #tpu.memory_space<semaphore_mem>>)
      %add3A_1436 = arith.constant 4 : i32
      %add3A_1437 = arith.addi %add3A_1258, %add3A_1436 : i32
      %lt3A_1438 = arith.constant 400 : i32
      %lt3A_1439 = arith.cmpi slt, %add3A_1437, %lt3A_1438 : i32
      %convert_element_type3A_1440 = arith.extui %lt3A_1439 : i1 to i32
      %cond3A_1441 = arith.constant 0 : i32
      %cond3A_1442 = arith.cmpi ne, %convert_element_type3A_1440, %cond3A_1441 : i32
      scf.if %cond3A_1442 {
        %add3A_1443 = arith.constant 4 : i32
        %add3A_1444 = arith.addi %add3A_1258, %add3A_1443 : i32
        %mul3A_1445 = arith.constant 128 : i32
        %mul3A_1446 = arith.muli %add3A_1444, %mul3A_1445 : i32
        %dma_start3A_1447 = tpu.memref_slice %arg5[%mul3A_1446] : memref<51200xi32, #tpu.memory_space<vmem>> -> memref<128xi32, #tpu.memory_space<vmem>>
        %dma_start3A_1448 = arith.constant 0 : i32
        %dma_start3A_1449 = arith.constant 0 : i32
        %dma_start3A_1450 = tpu.memref_slice %arg3[%dma_start3A_1448, %dma_start3A_1449] : memref<1000000x64xf32, #tpu.memory_space<hbm>> -> memref<1000000x64xf32, #tpu.memory_space<hbm>>
        tpu.enqueue_indirect_dma source(%dma_start3A_1450 : memref<1000000x64xf32, #tpu.memory_space<hbm>>) target(%arg9 : memref<128x64xf32, #tpu.memory_space<vmem>>) offsets(%dma_start3A_1447 : memref<128xi32, #tpu.memory_space<vmem>>) semaphore(%arg17 : memref<!tpu.dma_semaphore, #tpu.memory_space<semaphore_mem>>)
      } else {
      }
    }
    %scan3A_39 = arith.constant 100 : i32
    %add3A_40 = arith.constant 400 : i32
    %add3A_41 = arith.addi %mul3A_2, %add3A_40 : i32
    %sub3A = arith.constant 4 : i32
    %sub3A_42 = arith.subi %add3A_41, %sub3A : i32
    %add3A_43 = arith.constant 0 : i32
    %add3A_44 = arith.addi %sub3A_42, %add3A_43 : i32
    %jit3A = arith.constant 128 : i32
    %div3A = arith.divsi %add3A_44, %jit3A : i32
    %sign3A = arith.constant 0 : i32
    %sign3A_45 = arith.cmpi sgt, %add3A_44, %sign3A : i32
    %sign3A_46 = arith.extui %sign3A_45 : i1 to i32
    %sign3A_47 = arith.constant 0 : i32
    %sign3A_48 = arith.cmpi slt, %add3A_44, %sign3A_47 : i32
    %sign3A_49 = arith.extui %sign3A_48 : i1 to i32
    %sign3A_50 = arith.subi %sign3A_46, %sign3A_49 : i32
    %sign3A_51 = arith.constant 0 : i32
    %sign3A_52 = arith.cmpi sgt, %jit3A, %sign3A_51 : i32
    %sign3A_53 = arith.extui %sign3A_52 : i1 to i32
    %sign3A_54 = arith.constant 0 : i32
    %sign3A_55 = arith.cmpi slt, %jit3A, %sign3A_54 : i32
    %sign3A_56 = arith.extui %sign3A_55 : i1 to i32
    %sign3A_57 = arith.subi %sign3A_53, %sign3A_56 : i32
    %ne3A = arith.cmpi ne, %sign3A_50, %sign3A_57 : i32
    %rem3A = arith.remsi %add3A_44, %jit3A : i32
    %ne3A_58 = arith.constant 0 : i32
    %ne3A_59 = arith.cmpi ne, %rem3A, %ne3A_58 : i32
    %and3A = arith.andi %ne3A, %ne3A_59 : i1
    %sub3A_60 = arith.constant 1 : i32
    %sub3A_61 = arith.subi %div3A, %sub3A_60 : i32
    %select_n3A = arith.select %and3A, %sub3A_61, %div3A : i32
    %jit3A_62 = arith.constant 128 : i32
    %eq3A = arith.constant 0 : i32
    %eq3A_63 = arith.cmpi eq, %jit3A_62, %eq3A : i32
    %jit3A_64 = arith.constant 1 : i32
    %select_n3A_65 = arith.select %eq3A_63, %jit3A_64, %jit3A_62 : i32
    %rem3A_66 = arith.remsi %add3A_44, %select_n3A_65 : i32
    %ne3A_67 = arith.constant 0 : i32
    %ne3A_68 = arith.cmpi ne, %rem3A_66, %ne3A_67 : i32
    %lt3A = arith.constant 0 : i32
    %lt3A_69 = arith.cmpi slt, %rem3A_66, %lt3A : i32
    %lt3A_70 = arith.constant 0 : i32
    %lt3A_71 = arith.cmpi slt, %select_n3A_65, %lt3A_70 : i32
    %ne3A_72 = arith.xori %lt3A_69, %lt3A_71 : i1
    %and3A_73 = arith.andi %ne3A_72, %ne3A_68 : i1
    %add3A_74 = arith.addi %rem3A_66, %select_n3A_65 : i32
    %select_n3A_75 = arith.select %and3A_73, %add3A_74, %rem3A_66 : i32
    %dma_wait3A = arith.constant 0 : i32
    %dma_wait3A_76 = arith.constant 0 : i32
    %dma_wait3A_77 = arith.constant 0 : i32
    %dma_wait3A_78 = tpu.memref_slice %arg10[%dma_wait3A_76, %dma_wait3A_77] : memref<64x129xf32, #tpu.memory_space<vmem>> -> memref<8x128xf32, #tpu.memory_space<vmem>>
    %dma_wait3A_79 = arith.constant 0 : i32
    %dma_wait3A_80 = arith.constant 0 : i32
    %dma_wait3A_81 = tpu.memref_slice %arg4[%select_n3A, %dma_wait3A, %select_n3A_75, %dma_wait3A_79, %dma_wait3A_80] : memref<100x8x128x8x128xf32, #tpu.memory_space<hbm>> -> memref<1x1x1x8x128xf32, #tpu.memory_space<hbm>>
    %dma_wait3A_82 = tpu.memref_squeeze %dma_wait3A_81 : memref<1x1x1x8x128xf32, #tpu.memory_space<hbm>> -> memref<8x128xf32, #tpu.memory_space<hbm>>
    %dma_wait3A_83 = arith.constant 0 : i32
    %dma_wait3A_84 = arith.constant 0 : i32
    %dma_wait3A_85 = tpu.memref_slice %arg4[%select_n3A, %dma_wait3A, %select_n3A_75, %dma_wait3A_83, %dma_wait3A_84] : memref<100x8x128x8x128xf32, #tpu.memory_space<hbm>> -> memref<1x1x1x8x128xf32, #tpu.memory_space<hbm>>
    %dma_wait3A_86 = tpu.memref_squeeze %dma_wait3A_85 : memref<1x1x1x8x128xf32, #tpu.memory_space<hbm>> -> memref<8x128xf32, #tpu.memory_space<hbm>>
    %dma_wait3A_87 = arith.constant 0 : i32
    %dma_wait3A_88 = arith.constant 0 : i32
    %dma_wait3A_89 = tpu.memref_slice %arg10[%dma_wait3A_87, %dma_wait3A_88] : memref<64x129xf32, #tpu.memory_space<vmem>> -> memref<8x128xf32, #tpu.memory_space<vmem>>
    tpu.wait_dma2 semaphore(%arg18 : memref<!tpu.dma_semaphore, #tpu.memory_space<semaphore_mem>>) src(%dma_wait3A_89 : memref<8x128xf32, #tpu.memory_space<vmem>>) dst(%dma_wait3A_86 : memref<8x128xf32, #tpu.memory_space<hbm>>)
    %dma_wait3A_90 = arith.constant 1 : i32
    %dma_wait3A_91 = arith.constant 8 : i32
    %dma_wait3A_92 = arith.constant 0 : i32
    %dma_wait3A_93 = tpu.memref_slice %arg10[%dma_wait3A_91, %dma_wait3A_92] : memref<64x129xf32, #tpu.memory_space<vmem>> -> memref<8x128xf32, #tpu.memory_space<vmem>>
    %dma_wait3A_94 = arith.constant 0 : i32
    %dma_wait3A_95 = arith.constant 0 : i32
    %dma_wait3A_96 = tpu.memref_slice %arg4[%select_n3A, %dma_wait3A_90, %select_n3A_75, %dma_wait3A_94, %dma_wait3A_95] : memref<100x8x128x8x128xf32, #tpu.memory_space<hbm>> -> memref<1x1x1x8x128xf32, #tpu.memory_space<hbm>>
    %dma_wait3A_97 = tpu.memref_squeeze %dma_wait3A_96 : memref<1x1x1x8x128xf32, #tpu.memory_space<hbm>> -> memref<8x128xf32, #tpu.memory_space<hbm>>
    %dma_wait3A_98 = arith.constant 0 : i32
    %dma_wait3A_99 = arith.constant 0 : i32
    %dma_wait3A_100 = tpu.memref_slice %arg4[%select_n3A, %dma_wait3A_90, %select_n3A_75, %dma_wait3A_98, %dma_wait3A_99] : memref<100x8x128x8x128xf32, #tpu.memory_space<hbm>> -> memref<1x1x1x8x128xf32, #tpu.memory_space<hbm>>
    %dma_wait3A_101 = tpu.memref_squeeze %dma_wait3A_100 : memref<1x1x1x8x128xf32, #tpu.memory_space<hbm>> -> memref<8x128xf32, #tpu.memory_space<hbm>>
    %dma_wait3A_102 = arith.constant 8 : i32
    %dma_wait3A_103 = arith.constant 0 : i32
    %dma_wait3A_104 = tpu.memref_slice %arg10[%dma_wait3A_102, %dma_wait3A_103] : memref<64x129xf32, #tpu.memory_space<vmem>> -> memref<8x128xf32, #tpu.memory_space<vmem>>
    tpu.wait_dma2 semaphore(%arg18 : memref<!tpu.dma_semaphore, #tpu.memory_space<semaphore_mem>>) src(%dma_wait3A_104 : memref<8x128xf32, #tpu.memory_space<vmem>>) dst(%dma_wait3A_101 : memref<8x128xf32, #tpu.memory_space<hbm>>)
    %dma_wait3A_105 = arith.constant 2 : i32
    %dma_wait3A_106 = arith.constant 16 : i32
    %dma_wait3A_107 = arith.constant 0 : i32
    %dma_wait3A_108 = tpu.memref_slice %arg10[%dma_wait3A_106, %dma_wait3A_107] : memref<64x129xf32, #tpu.memory_space<vmem>> -> memref<8x128xf32, #tpu.memory_space<vmem>>
    %dma_wait3A_109 = arith.constant 0 : i32
    %dma_wait3A_110 = arith.constant 0 : i32
    %dma_wait3A_111 = tpu.memref_slice %arg4[%select_n3A, %dma_wait3A_105, %select_n3A_75, %dma_wait3A_109, %dma_wait3A_110] : memref<100x8x128x8x128xf32, #tpu.memory_space<hbm>> -> memref<1x1x1x8x128xf32, #tpu.memory_space<hbm>>
    %dma_wait3A_112 = tpu.memref_squeeze %dma_wait3A_111 : memref<1x1x1x8x128xf32, #tpu.memory_space<hbm>> -> memref<8x128xf32, #tpu.memory_space<hbm>>
    %dma_wait3A_113 = arith.constant 0 : i32
    %dma_wait3A_114 = arith.constant 0 : i32
    %dma_wait3A_115 = tpu.memref_slice %arg4[%select_n3A, %dma_wait3A_105, %select_n3A_75, %dma_wait3A_113, %dma_wait3A_114] : memref<100x8x128x8x128xf32, #tpu.memory_space<hbm>> -> memref<1x1x1x8x128xf32, #tpu.memory_space<hbm>>
    %dma_wait3A_116 = tpu.memref_squeeze %dma_wait3A_115 : memref<1x1x1x8x128xf32, #tpu.memory_space<hbm>> -> memref<8x128xf32, #tpu.memory_space<hbm>>
    %dma_wait3A_117 = arith.constant 16 : i32
    %dma_wait3A_118 = arith.constant 0 : i32
    %dma_wait3A_119 = tpu.memref_slice %arg10[%dma_wait3A_117, %dma_wait3A_118] : memref<64x129xf32, #tpu.memory_space<vmem>> -> memref<8x128xf32, #tpu.memory_space<vmem>>
    tpu.wait_dma2 semaphore(%arg18 : memref<!tpu.dma_semaphore, #tpu.memory_space<semaphore_mem>>) src(%dma_wait3A_119 : memref<8x128xf32, #tpu.memory_space<vmem>>) dst(%dma_wait3A_116 : memref<8x128xf32, #tpu.memory_space<hbm>>)
    %dma_wait3A_120 = arith.constant 3 : i32
    %dma_wait3A_121 = arith.constant 24 : i32
    %dma_wait3A_122 = arith.constant 0 : i32
    %dma_wait3A_123 = tpu.memref_slice %arg10[%dma_wait3A_121, %dma_wait3A_122] : memref<64x129xf32, #tpu.memory_space<vmem>> -> memref<8x128xf32, #tpu.memory_space<vmem>>
    %dma_wait3A_124 = arith.constant 0 : i32
    %dma_wait3A_125 = arith.constant 0 : i32
    %dma_wait3A_126 = tpu.memref_slice %arg4[%select_n3A, %dma_wait3A_120, %select_n3A_75, %dma_wait3A_124, %dma_wait3A_125] : memref<100x8x128x8x128xf32, #tpu.memory_space<hbm>> -> memref<1x1x1x8x128xf32, #tpu.memory_space<hbm>>
    %dma_wait3A_127 = tpu.memref_squeeze %dma_wait3A_126 : memref<1x1x1x8x128xf32, #tpu.memory_space<hbm>> -> memref<8x128xf32, #tpu.memory_space<hbm>>
    %dma_wait3A_128 = arith.constant 0 : i32
    %dma_wait3A_129 = arith.constant 0 : i32
    %dma_wait3A_130 = tpu.memref_slice %arg4[%select_n3A, %dma_wait3A_120, %select_n3A_75, %dma_wait3A_128, %dma_wait3A_129] : memref<100x8x128x8x128xf32, #tpu.memory_space<hbm>> -> memref<1x1x1x8x128xf32, #tpu.memory_space<hbm>>
    %dma_wait3A_131 = tpu.memref_squeeze %dma_wait3A_130 : memref<1x1x1x8x128xf32, #tpu.memory_space<hbm>> -> memref<8x128xf32, #tpu.memory_space<hbm>>
    %dma_wait3A_132 = arith.constant 24 : i32
    %dma_wait3A_133 = arith.constant 0 : i32
    %dma_wait3A_134 = tpu.memref_slice %arg10[%dma_wait3A_132, %dma_wait3A_133] : memref<64x129xf32, #tpu.memory_space<vmem>> -> memref<8x128xf32, #tpu.memory_space<vmem>>
    tpu.wait_dma2 semaphore(%arg18 : memref<!tpu.dma_semaphore, #tpu.memory_space<semaphore_mem>>) src(%dma_wait3A_134 : memref<8x128xf32, #tpu.memory_space<vmem>>) dst(%dma_wait3A_131 : memref<8x128xf32, #tpu.memory_space<hbm>>)
    %dma_wait3A_135 = arith.constant 4 : i32
    %dma_wait3A_136 = arith.constant 32 : i32
    %dma_wait3A_137 = arith.constant 0 : i32
    %dma_wait3A_138 = tpu.memref_slice %arg10[%dma_wait3A_136, %dma_wait3A_137] : memref<64x129xf32, #tpu.memory_space<vmem>> -> memref<8x128xf32, #tpu.memory_space<vmem>>
    %dma_wait3A_139 = arith.constant 0 : i32
    %dma_wait3A_140 = arith.constant 0 : i32
    %dma_wait3A_141 = tpu.memref_slice %arg4[%select_n3A, %dma_wait3A_135, %select_n3A_75, %dma_wait3A_139, %dma_wait3A_140] : memref<100x8x128x8x128xf32, #tpu.memory_space<hbm>> -> memref<1x1x1x8x128xf32, #tpu.memory_space<hbm>>
    %dma_wait3A_142 = tpu.memref_squeeze %dma_wait3A_141 : memref<1x1x1x8x128xf32, #tpu.memory_space<hbm>> -> memref<8x128xf32, #tpu.memory_space<hbm>>
    %dma_wait3A_143 = arith.constant 0 : i32
    %dma_wait3A_144 = arith.constant 0 : i32
    %dma_wait3A_145 = tpu.memref_slice %arg4[%select_n3A, %dma_wait3A_135, %select_n3A_75, %dma_wait3A_143, %dma_wait3A_144] : memref<100x8x128x8x128xf32, #tpu.memory_space<hbm>> -> memref<1x1x1x8x128xf32, #tpu.memory_space<hbm>>
    %dma_wait3A_146 = tpu.memref_squeeze %dma_wait3A_145 : memref<1x1x1x8x128xf32, #tpu.memory_space<hbm>> -> memref<8x128xf32, #tpu.memory_space<hbm>>
    %dma_wait3A_147 = arith.constant 32 : i32
    %dma_wait3A_148 = arith.constant 0 : i32
    %dma_wait3A_149 = tpu.memref_slice %arg10[%dma_wait3A_147, %dma_wait3A_148] : memref<64x129xf32, #tpu.memory_space<vmem>> -> memref<8x128xf32, #tpu.memory_space<vmem>>
    tpu.wait_dma2 semaphore(%arg18 : memref<!tpu.dma_semaphore, #tpu.memory_space<semaphore_mem>>) src(%dma_wait3A_149 : memref<8x128xf32, #tpu.memory_space<vmem>>) dst(%dma_wait3A_146 : memref<8x128xf32, #tpu.memory_space<hbm>>)
    %dma_wait3A_150 = arith.constant 5 : i32
    %dma_wait3A_151 = arith.constant 40 : i32
    %dma_wait3A_152 = arith.constant 0 : i32
    %dma_wait3A_153 = tpu.memref_slice %arg10[%dma_wait3A_151, %dma_wait3A_152] : memref<64x129xf32, #tpu.memory_space<vmem>> -> memref<8x128xf32, #tpu.memory_space<vmem>>
    %dma_wait3A_154 = arith.constant 0 : i32
    %dma_wait3A_155 = arith.constant 0 : i32
    %dma_wait3A_156 = tpu.memref_slice %arg4[%select_n3A, %dma_wait3A_150, %select_n3A_75, %dma_wait3A_154, %dma_wait3A_155] : memref<100x8x128x8x128xf32, #tpu.memory_space<hbm>> -> memref<1x1x1x8x128xf32, #tpu.memory_space<hbm>>
    %dma_wait3A_157 = tpu.memref_squeeze %dma_wait3A_156 : memref<1x1x1x8x128xf32, #tpu.memory_space<hbm>> -> memref<8x128xf32, #tpu.memory_space<hbm>>
    %dma_wait3A_158 = arith.constant 0 : i32
    %dma_wait3A_159 = arith.constant 0 : i32
    %dma_wait3A_160 = tpu.memref_slice %arg4[%select_n3A, %dma_wait3A_150, %select_n3A_75, %dma_wait3A_158, %dma_wait3A_159] : memref<100x8x128x8x128xf32, #tpu.memory_space<hbm>> -> memref<1x1x1x8x128xf32, #tpu.memory_space<hbm>>
    %dma_wait3A_161 = tpu.memref_squeeze %dma_wait3A_160 : memref<1x1x1x8x128xf32, #tpu.memory_space<hbm>> -> memref<8x128xf32, #tpu.memory_space<hbm>>
    %dma_wait3A_162 = arith.constant 40 : i32
    %dma_wait3A_163 = arith.constant 0 : i32
    %dma_wait3A_164 = tpu.memref_slice %arg10[%dma_wait3A_162, %dma_wait3A_163] : memref<64x129xf32, #tpu.memory_space<vmem>> -> memref<8x128xf32, #tpu.memory_space<vmem>>
    tpu.wait_dma2 semaphore(%arg18 : memref<!tpu.dma_semaphore, #tpu.memory_space<semaphore_mem>>) src(%dma_wait3A_164 : memref<8x128xf32, #tpu.memory_space<vmem>>) dst(%dma_wait3A_161 : memref<8x128xf32, #tpu.memory_space<hbm>>)
    %dma_wait3A_165 = arith.constant 6 : i32
    %dma_wait3A_166 = arith.constant 48 : i32
    %dma_wait3A_167 = arith.constant 0 : i32
    %dma_wait3A_168 = tpu.memref_slice %arg10[%dma_wait3A_166, %dma_wait3A_167] : memref<64x129xf32, #tpu.memory_space<vmem>> -> memref<8x128xf32, #tpu.memory_space<vmem>>
    %dma_wait3A_169 = arith.constant 0 : i32
    %dma_wait3A_170 = arith.constant 0 : i32
    %dma_wait3A_171 = tpu.memref_slice %arg4[%select_n3A, %dma_wait3A_165, %select_n3A_75, %dma_wait3A_169, %dma_wait3A_170] : memref<100x8x128x8x128xf32, #tpu.memory_space<hbm>> -> memref<1x1x1x8x128xf32, #tpu.memory_space<hbm>>
    %dma_wait3A_172 = tpu.memref_squeeze %dma_wait3A_171 : memref<1x1x1x8x128xf32, #tpu.memory_space<hbm>> -> memref<8x128xf32, #tpu.memory_space<hbm>>
    %dma_wait3A_173 = arith.constant 0 : i32
    %dma_wait3A_174 = arith.constant 0 : i32
    %dma_wait3A_175 = tpu.memref_slice %arg4[%select_n3A, %dma_wait3A_165, %select_n3A_75, %dma_wait3A_173, %dma_wait3A_174] : memref<100x8x128x8x128xf32, #tpu.memory_space<hbm>> -> memref<1x1x1x8x128xf32, #tpu.memory_space<hbm>>
    %dma_wait3A_176 = tpu.memref_squeeze %dma_wait3A_175 : memref<1x1x1x8x128xf32, #tpu.memory_space<hbm>> -> memref<8x128xf32, #tpu.memory_space<hbm>>
    %dma_wait3A_177 = arith.constant 48 : i32
    %dma_wait3A_178 = arith.constant 0 : i32
    %dma_wait3A_179 = tpu.memref_slice %arg10[%dma_wait3A_177, %dma_wait3A_178] : memref<64x129xf32, #tpu.memory_space<vmem>> -> memref<8x128xf32, #tpu.memory_space<vmem>>
    tpu.wait_dma2 semaphore(%arg18 : memref<!tpu.dma_semaphore, #tpu.memory_space<semaphore_mem>>) src(%dma_wait3A_179 : memref<8x128xf32, #tpu.memory_space<vmem>>) dst(%dma_wait3A_176 : memref<8x128xf32, #tpu.memory_space<hbm>>)
    %dma_wait3A_180 = arith.constant 7 : i32
    %dma_wait3A_181 = arith.constant 56 : i32
    %dma_wait3A_182 = arith.constant 0 : i32
    %dma_wait3A_183 = tpu.memref_slice %arg10[%dma_wait3A_181, %dma_wait3A_182] : memref<64x129xf32, #tpu.memory_space<vmem>> -> memref<8x128xf32, #tpu.memory_space<vmem>>
    %dma_wait3A_184 = arith.constant 0 : i32
    %dma_wait3A_185 = arith.constant 0 : i32
    %dma_wait3A_186 = tpu.memref_slice %arg4[%select_n3A, %dma_wait3A_180, %select_n3A_75, %dma_wait3A_184, %dma_wait3A_185] : memref<100x8x128x8x128xf32, #tpu.memory_space<hbm>> -> memref<1x1x1x8x128xf32, #tpu.memory_space<hbm>>
    %dma_wait3A_187 = tpu.memref_squeeze %dma_wait3A_186 : memref<1x1x1x8x128xf32, #tpu.memory_space<hbm>> -> memref<8x128xf32, #tpu.memory_space<hbm>>
    %dma_wait3A_188 = arith.constant 0 : i32
    %dma_wait3A_189 = arith.constant 0 : i32
    %dma_wait3A_190 = tpu.memref_slice %arg4[%select_n3A, %dma_wait3A_180, %select_n3A_75, %dma_wait3A_188, %dma_wait3A_189] : memref<100x8x128x8x128xf32, #tpu.memory_space<hbm>> -> memref<1x1x1x8x128xf32, #tpu.memory_space<hbm>>
    %dma_wait3A_191 = tpu.memref_squeeze %dma_wait3A_190 : memref<1x1x1x8x128xf32, #tpu.memory_space<hbm>> -> memref<8x128xf32, #tpu.memory_space<hbm>>
    %dma_wait3A_192 = arith.constant 56 : i32
    %dma_wait3A_193 = arith.constant 0 : i32
    %dma_wait3A_194 = tpu.memref_slice %arg10[%dma_wait3A_192, %dma_wait3A_193] : memref<64x129xf32, #tpu.memory_space<vmem>> -> memref<8x128xf32, #tpu.memory_space<vmem>>
    tpu.wait_dma2 semaphore(%arg18 : memref<!tpu.dma_semaphore, #tpu.memory_space<semaphore_mem>>) src(%dma_wait3A_194 : memref<8x128xf32, #tpu.memory_space<vmem>>) dst(%dma_wait3A_191 : memref<8x128xf32, #tpu.memory_space<hbm>>)
    %add3A_195 = arith.constant 400 : i32
    %add3A_196 = arith.addi %mul3A_2, %add3A_195 : i32
    %sub3A_197 = arith.constant 4 : i32
    %sub3A_198 = arith.subi %add3A_196, %sub3A_197 : i32
    %add3A_199 = arith.constant 1 : i32
    %add3A_200 = arith.addi %sub3A_198, %add3A_199 : i32
    %jit3A_201 = arith.constant 128 : i32
    %div3A_202 = arith.divsi %add3A_200, %jit3A_201 : i32
    %sign3A_203 = arith.constant 0 : i32
    %sign3A_204 = arith.cmpi sgt, %add3A_200, %sign3A_203 : i32
    %sign3A_205 = arith.extui %sign3A_204 : i1 to i32
    %sign3A_206 = arith.constant 0 : i32
    %sign3A_207 = arith.cmpi slt, %add3A_200, %sign3A_206 : i32
    %sign3A_208 = arith.extui %sign3A_207 : i1 to i32
    %sign3A_209 = arith.subi %sign3A_205, %sign3A_208 : i32
    %sign3A_210 = arith.constant 0 : i32
    %sign3A_211 = arith.cmpi sgt, %jit3A_201, %sign3A_210 : i32
    %sign3A_212 = arith.extui %sign3A_211 : i1 to i32
    %sign3A_213 = arith.constant 0 : i32
    %sign3A_214 = arith.cmpi slt, %jit3A_201, %sign3A_213 : i32
    %sign3A_215 = arith.extui %sign3A_214 : i1 to i32
    %sign3A_216 = arith.subi %sign3A_212, %sign3A_215 : i32
    %ne3A_217 = arith.cmpi ne, %sign3A_209, %sign3A_216 : i32
    %rem3A_218 = arith.remsi %add3A_200, %jit3A_201 : i32
    %ne3A_219 = arith.constant 0 : i32
    %ne3A_220 = arith.cmpi ne, %rem3A_218, %ne3A_219 : i32
    %and3A_221 = arith.andi %ne3A_217, %ne3A_220 : i1
    %sub3A_222 = arith.constant 1 : i32
    %sub3A_223 = arith.subi %div3A_202, %sub3A_222 : i32
    %select_n3A_224 = arith.select %and3A_221, %sub3A_223, %div3A_202 : i32
    %jit3A_225 = arith.constant 128 : i32
    %eq3A_226 = arith.constant 0 : i32
    %eq3A_227 = arith.cmpi eq, %jit3A_225, %eq3A_226 : i32
    %jit3A_228 = arith.constant 1 : i32
    %select_n3A_229 = arith.select %eq3A_227, %jit3A_228, %jit3A_225 : i32
    %rem3A_230 = arith.remsi %add3A_200, %select_n3A_229 : i32
    %ne3A_231 = arith.constant 0 : i32
    %ne3A_232 = arith.cmpi ne, %rem3A_230, %ne3A_231 : i32
    %lt3A_233 = arith.constant 0 : i32
    %lt3A_234 = arith.cmpi slt, %rem3A_230, %lt3A_233 : i32
    %lt3A_235 = arith.constant 0 : i32
    %lt3A_236 = arith.cmpi slt, %select_n3A_229, %lt3A_235 : i32
    %ne3A_237 = arith.xori %lt3A_234, %lt3A_236 : i1
    %and3A_238 = arith.andi %ne3A_237, %ne3A_232 : i1
    %add3A_239 = arith.addi %rem3A_230, %select_n3A_229 : i32
    %select_n3A_240 = arith.select %and3A_238, %add3A_239, %rem3A_230 : i32
    %dma_wait3A_241 = arith.constant 0 : i32
    %dma_wait3A_242 = arith.constant 0 : i32
    %dma_wait3A_243 = arith.constant 0 : i32
    %dma_wait3A_244 = tpu.memref_slice %arg11[%dma_wait3A_242, %dma_wait3A_243] : memref<64x129xf32, #tpu.memory_space<vmem>> -> memref<8x128xf32, #tpu.memory_space<vmem>>
    %dma_wait3A_245 = arith.constant 0 : i32
    %dma_wait3A_246 = arith.constant 0 : i32
    %dma_wait3A_247 = tpu.memref_slice %arg4[%select_n3A_224, %dma_wait3A_241, %select_n3A_240, %dma_wait3A_245, %dma_wait3A_246] : memref<100x8x128x8x128xf32, #tpu.memory_space<hbm>> -> memref<1x1x1x8x128xf32, #tpu.memory_space<hbm>>
    %dma_wait3A_248 = tpu.memref_squeeze %dma_wait3A_247 : memref<1x1x1x8x128xf32, #tpu.memory_space<hbm>> -> memref<8x128xf32, #tpu.memory_space<hbm>>
    %dma_wait3A_249 = arith.constant 0 : i32
    %dma_wait3A_250 = arith.constant 0 : i32
    %dma_wait3A_251 = tpu.memref_slice %arg4[%select_n3A_224, %dma_wait3A_241, %select_n3A_240, %dma_wait3A_249, %dma_wait3A_250] : memref<100x8x128x8x128xf32, #tpu.memory_space<hbm>> -> memref<1x1x1x8x128xf32, #tpu.memory_space<hbm>>
    %dma_wait3A_252 = tpu.memref_squeeze %dma_wait3A_251 : memref<1x1x1x8x128xf32, #tpu.memory_space<hbm>> -> memref<8x128xf32, #tpu.memory_space<hbm>>
    %dma_wait3A_253 = arith.constant 0 : i32
    %dma_wait3A_254 = arith.constant 0 : i32
    %dma_wait3A_255 = tpu.memref_slice %arg11[%dma_wait3A_253, %dma_wait3A_254] : memref<64x129xf32, #tpu.memory_space<vmem>> -> memref<8x128xf32, #tpu.memory_space<vmem>>
    tpu.wait_dma2 semaphore(%arg19 : memref<!tpu.dma_semaphore, #tpu.memory_space<semaphore_mem>>) src(%dma_wait3A_255 : memref<8x128xf32, #tpu.memory_space<vmem>>) dst(%dma_wait3A_252 : memref<8x128xf32, #tpu.memory_space<hbm>>)
    %dma_wait3A_256 = arith.constant 1 : i32
    %dma_wait3A_257 = arith.constant 8 : i32
    %dma_wait3A_258 = arith.constant 0 : i32
    %dma_wait3A_259 = tpu.memref_slice %arg11[%dma_wait3A_257, %dma_wait3A_258] : memref<64x129xf32, #tpu.memory_space<vmem>> -> memref<8x128xf32, #tpu.memory_space<vmem>>
    %dma_wait3A_260 = arith.constant 0 : i32
    %dma_wait3A_261 = arith.constant 0 : i32
    %dma_wait3A_262 = tpu.memref_slice %arg4[%select_n3A_224, %dma_wait3A_256, %select_n3A_240, %dma_wait3A_260, %dma_wait3A_261] : memref<100x8x128x8x128xf32, #tpu.memory_space<hbm>> -> memref<1x1x1x8x128xf32, #tpu.memory_space<hbm>>
    %dma_wait3A_263 = tpu.memref_squeeze %dma_wait3A_262 : memref<1x1x1x8x128xf32, #tpu.memory_space<hbm>> -> memref<8x128xf32, #tpu.memory_space<hbm>>
    %dma_wait3A_264 = arith.constant 0 : i32
    %dma_wait3A_265 = arith.constant 0 : i32
    %dma_wait3A_266 = tpu.memref_slice %arg4[%select_n3A_224, %dma_wait3A_256, %select_n3A_240, %dma_wait3A_264, %dma_wait3A_265] : memref<100x8x128x8x128xf32, #tpu.memory_space<hbm>> -> memref<1x1x1x8x128xf32, #tpu.memory_space<hbm>>
    %dma_wait3A_267 = tpu.memref_squeeze %dma_wait3A_266 : memref<1x1x1x8x128xf32, #tpu.memory_space<hbm>> -> memref<8x128xf32, #tpu.memory_space<hbm>>
    %dma_wait3A_268 = arith.constant 8 : i32
    %dma_wait3A_269 = arith.constant 0 : i32
    %dma_wait3A_270 = tpu.memref_slice %arg11[%dma_wait3A_268, %dma_wait3A_269] : memref<64x129xf32, #tpu.memory_space<vmem>> -> memref<8x128xf32, #tpu.memory_space<vmem>>
    tpu.wait_dma2 semaphore(%arg19 : memref<!tpu.dma_semaphore, #tpu.memory_space<semaphore_mem>>) src(%dma_wait3A_270 : memref<8x128xf32, #tpu.memory_space<vmem>>) dst(%dma_wait3A_267 : memref<8x128xf32, #tpu.memory_space<hbm>>)
    %dma_wait3A_271 = arith.constant 2 : i32
    %dma_wait3A_272 = arith.constant 16 : i32
    %dma_wait3A_273 = arith.constant 0 : i32
    %dma_wait3A_274 = tpu.memref_slice %arg11[%dma_wait3A_272, %dma_wait3A_273] : memref<64x129xf32, #tpu.memory_space<vmem>> -> memref<8x128xf32, #tpu.memory_space<vmem>>
    %dma_wait3A_275 = arith.constant 0 : i32
    %dma_wait3A_276 = arith.constant 0 : i32
    %dma_wait3A_277 = tpu.memref_slice %arg4[%select_n3A_224, %dma_wait3A_271, %select_n3A_240, %dma_wait3A_275, %dma_wait3A_276] : memref<100x8x128x8x128xf32, #tpu.memory_space<hbm>> -> memref<1x1x1x8x128xf32, #tpu.memory_space<hbm>>
    %dma_wait3A_278 = tpu.memref_squeeze %dma_wait3A_277 : memref<1x1x1x8x128xf32, #tpu.memory_space<hbm>> -> memref<8x128xf32, #tpu.memory_space<hbm>>
    %dma_wait3A_279 = arith.constant 0 : i32
    %dma_wait3A_280 = arith.constant 0 : i32
    %dma_wait3A_281 = tpu.memref_slice %arg4[%select_n3A_224, %dma_wait3A_271, %select_n3A_240, %dma_wait3A_279, %dma_wait3A_280] : memref<100x8x128x8x128xf32, #tpu.memory_space<hbm>> -> memref<1x1x1x8x128xf32, #tpu.memory_space<hbm>>
    %dma_wait3A_282 = tpu.memref_squeeze %dma_wait3A_281 : memref<1x1x1x8x128xf32, #tpu.memory_space<hbm>> -> memref<8x128xf32, #tpu.memory_space<hbm>>
    %dma_wait3A_283 = arith.constant 16 : i32
    %dma_wait3A_284 = arith.constant 0 : i32
    %dma_wait3A_285 = tpu.memref_slice %arg11[%dma_wait3A_283, %dma_wait3A_284] : memref<64x129xf32, #tpu.memory_space<vmem>> -> memref<8x128xf32, #tpu.memory_space<vmem>>
    tpu.wait_dma2 semaphore(%arg19 : memref<!tpu.dma_semaphore, #tpu.memory_space<semaphore_mem>>) src(%dma_wait3A_285 : memref<8x128xf32, #tpu.memory_space<vmem>>) dst(%dma_wait3A_282 : memref<8x128xf32, #tpu.memory_space<hbm>>)
    %dma_wait3A_286 = arith.constant 3 : i32
    %dma_wait3A_287 = arith.constant 24 : i32
    %dma_wait3A_288 = arith.constant 0 : i32
    %dma_wait3A_289 = tpu.memref_slice %arg11[%dma_wait3A_287, %dma_wait3A_288] : memref<64x129xf32, #tpu.memory_space<vmem>> -> memref<8x128xf32, #tpu.memory_space<vmem>>
    %dma_wait3A_290 = arith.constant 0 : i32
    %dma_wait3A_291 = arith.constant 0 : i32
    %dma_wait3A_292 = tpu.memref_slice %arg4[%select_n3A_224, %dma_wait3A_286, %select_n3A_240, %dma_wait3A_290, %dma_wait3A_291] : memref<100x8x128x8x128xf32, #tpu.memory_space<hbm>> -> memref<1x1x1x8x128xf32, #tpu.memory_space<hbm>>
    %dma_wait3A_293 = tpu.memref_squeeze %dma_wait3A_292 : memref<1x1x1x8x128xf32, #tpu.memory_space<hbm>> -> memref<8x128xf32, #tpu.memory_space<hbm>>
    %dma_wait3A_294 = arith.constant 0 : i32
    %dma_wait3A_295 = arith.constant 0 : i32
    %dma_wait3A_296 = tpu.memref_slice %arg4[%select_n3A_224, %dma_wait3A_286, %select_n3A_240, %dma_wait3A_294, %dma_wait3A_295] : memref<100x8x128x8x128xf32, #tpu.memory_space<hbm>> -> memref<1x1x1x8x128xf32, #tpu.memory_space<hbm>>
    %dma_wait3A_297 = tpu.memref_squeeze %dma_wait3A_296 : memref<1x1x1x8x128xf32, #tpu.memory_space<hbm>> -> memref<8x128xf32, #tpu.memory_space<hbm>>
    %dma_wait3A_298 = arith.constant 24 : i32
    %dma_wait3A_299 = arith.constant 0 : i32
    %dma_wait3A_300 = tpu.memref_slice %arg11[%dma_wait3A_298, %dma_wait3A_299] : memref<64x129xf32, #tpu.memory_space<vmem>> -> memref<8x128xf32, #tpu.memory_space<vmem>>
    tpu.wait_dma2 semaphore(%arg19 : memref<!tpu.dma_semaphore, #tpu.memory_space<semaphore_mem>>) src(%dma_wait3A_300 : memref<8x128xf32, #tpu.memory_space<vmem>>) dst(%dma_wait3A_297 : memref<8x128xf32, #tpu.memory_space<hbm>>)
    %dma_wait3A_301 = arith.constant 4 : i32
    %dma_wait3A_302 = arith.constant 32 : i32
    %dma_wait3A_303 = arith.constant 0 : i32
    %dma_wait3A_304 = tpu.memref_slice %arg11[%dma_wait3A_302, %dma_wait3A_303] : memref<64x129xf32, #tpu.memory_space<vmem>> -> memref<8x128xf32, #tpu.memory_space<vmem>>
    %dma_wait3A_305 = arith.constant 0 : i32
    %dma_wait3A_306 = arith.constant 0 : i32
    %dma_wait3A_307 = tpu.memref_slice %arg4[%select_n3A_224, %dma_wait3A_301, %select_n3A_240, %dma_wait3A_305, %dma_wait3A_306] : memref<100x8x128x8x128xf32, #tpu.memory_space<hbm>> -> memref<1x1x1x8x128xf32, #tpu.memory_space<hbm>>
    %dma_wait3A_308 = tpu.memref_squeeze %dma_wait3A_307 : memref<1x1x1x8x128xf32, #tpu.memory_space<hbm>> -> memref<8x128xf32, #tpu.memory_space<hbm>>
    %dma_wait3A_309 = arith.constant 0 : i32
    %dma_wait3A_310 = arith.constant 0 : i32
    %dma_wait3A_311 = tpu.memref_slice %arg4[%select_n3A_224, %dma_wait3A_301, %select_n3A_240, %dma_wait3A_309, %dma_wait3A_310] : memref<100x8x128x8x128xf32, #tpu.memory_space<hbm>> -> memref<1x1x1x8x128xf32, #tpu.memory_space<hbm>>
    %dma_wait3A_312 = tpu.memref_squeeze %dma_wait3A_311 : memref<1x1x1x8x128xf32, #tpu.memory_space<hbm>> -> memref<8x128xf32, #tpu.memory_space<hbm>>
    %dma_wait3A_313 = arith.constant 32 : i32
    %dma_wait3A_314 = arith.constant 0 : i32
    %dma_wait3A_315 = tpu.memref_slice %arg11[%dma_wait3A_313, %dma_wait3A_314] : memref<64x129xf32, #tpu.memory_space<vmem>> -> memref<8x128xf32, #tpu.memory_space<vmem>>
    tpu.wait_dma2 semaphore(%arg19 : memref<!tpu.dma_semaphore, #tpu.memory_space<semaphore_mem>>) src(%dma_wait3A_315 : memref<8x128xf32, #tpu.memory_space<vmem>>) dst(%dma_wait3A_312 : memref<8x128xf32, #tpu.memory_space<hbm>>)
    %dma_wait3A_316 = arith.constant 5 : i32
    %dma_wait3A_317 = arith.constant 40 : i32
    %dma_wait3A_318 = arith.constant 0 : i32
    %dma_wait3A_319 = tpu.memref_slice %arg11[%dma_wait3A_317, %dma_wait3A_318] : memref<64x129xf32, #tpu.memory_space<vmem>> -> memref<8x128xf32, #tpu.memory_space<vmem>>
    %dma_wait3A_320 = arith.constant 0 : i32
    %dma_wait3A_321 = arith.constant 0 : i32
    %dma_wait3A_322 = tpu.memref_slice %arg4[%select_n3A_224, %dma_wait3A_316, %select_n3A_240, %dma_wait3A_320, %dma_wait3A_321] : memref<100x8x128x8x128xf32, #tpu.memory_space<hbm>> -> memref<1x1x1x8x128xf32, #tpu.memory_space<hbm>>
    %dma_wait3A_323 = tpu.memref_squeeze %dma_wait3A_322 : memref<1x1x1x8x128xf32, #tpu.memory_space<hbm>> -> memref<8x128xf32, #tpu.memory_space<hbm>>
    %dma_wait3A_324 = arith.constant 0 : i32
    %dma_wait3A_325 = arith.constant 0 : i32
    %dma_wait3A_326 = tpu.memref_slice %arg4[%select_n3A_224, %dma_wait3A_316, %select_n3A_240, %dma_wait3A_324, %dma_wait3A_325] : memref<100x8x128x8x128xf32, #tpu.memory_space<hbm>> -> memref<1x1x1x8x128xf32, #tpu.memory_space<hbm>>
    %dma_wait3A_327 = tpu.memref_squeeze %dma_wait3A_326 : memref<1x1x1x8x128xf32, #tpu.memory_space<hbm>> -> memref<8x128xf32, #tpu.memory_space<hbm>>
    %dma_wait3A_328 = arith.constant 40 : i32
    %dma_wait3A_329 = arith.constant 0 : i32
    %dma_wait3A_330 = tpu.memref_slice %arg11[%dma_wait3A_328, %dma_wait3A_329] : memref<64x129xf32, #tpu.memory_space<vmem>> -> memref<8x128xf32, #tpu.memory_space<vmem>>
    tpu.wait_dma2 semaphore(%arg19 : memref<!tpu.dma_semaphore, #tpu.memory_space<semaphore_mem>>) src(%dma_wait3A_330 : memref<8x128xf32, #tpu.memory_space<vmem>>) dst(%dma_wait3A_327 : memref<8x128xf32, #tpu.memory_space<hbm>>)
    %dma_wait3A_331 = arith.constant 6 : i32
    %dma_wait3A_332 = arith.constant 48 : i32
    %dma_wait3A_333 = arith.constant 0 : i32
    %dma_wait3A_334 = tpu.memref_slice %arg11[%dma_wait3A_332, %dma_wait3A_333] : memref<64x129xf32, #tpu.memory_space<vmem>> -> memref<8x128xf32, #tpu.memory_space<vmem>>
    %dma_wait3A_335 = arith.constant 0 : i32
    %dma_wait3A_336 = arith.constant 0 : i32
    %dma_wait3A_337 = tpu.memref_slice %arg4[%select_n3A_224, %dma_wait3A_331, %select_n3A_240, %dma_wait3A_335, %dma_wait3A_336] : memref<100x8x128x8x128xf32, #tpu.memory_space<hbm>> -> memref<1x1x1x8x128xf32, #tpu.memory_space<hbm>>
    %dma_wait3A_338 = tpu.memref_squeeze %dma_wait3A_337 : memref<1x1x1x8x128xf32, #tpu.memory_space<hbm>> -> memref<8x128xf32, #tpu.memory_space<hbm>>
    %dma_wait3A_339 = arith.constant 0 : i32
    %dma_wait3A_340 = arith.constant 0 : i32
    %dma_wait3A_341 = tpu.memref_slice %arg4[%select_n3A_224, %dma_wait3A_331, %select_n3A_240, %dma_wait3A_339, %dma_wait3A_340] : memref<100x8x128x8x128xf32, #tpu.memory_space<hbm>> -> memref<1x1x1x8x128xf32, #tpu.memory_space<hbm>>
    %dma_wait3A_342 = tpu.memref_squeeze %dma_wait3A_341 : memref<1x1x1x8x128xf32, #tpu.memory_space<hbm>> -> memref<8x128xf32, #tpu.memory_space<hbm>>
    %dma_wait3A_343 = arith.constant 48 : i32
    %dma_wait3A_344 = arith.constant 0 : i32
    %dma_wait3A_345 = tpu.memref_slice %arg11[%dma_wait3A_343, %dma_wait3A_344] : memref<64x129xf32, #tpu.memory_space<vmem>> -> memref<8x128xf32, #tpu.memory_space<vmem>>
    tpu.wait_dma2 semaphore(%arg19 : memref<!tpu.dma_semaphore, #tpu.memory_space<semaphore_mem>>) src(%dma_wait3A_345 : memref<8x128xf32, #tpu.memory_space<vmem>>) dst(%dma_wait3A_342 : memref<8x128xf32, #tpu.memory_space<hbm>>)
    %dma_wait3A_346 = arith.constant 7 : i32
    %dma_wait3A_347 = arith.constant 56 : i32
    %dma_wait3A_348 = arith.constant 0 : i32
    %dma_wait3A_349 = tpu.memref_slice %arg11[%dma_wait3A_347, %dma_wait3A_348] : memref<64x129xf32, #tpu.memory_space<vmem>> -> memref<8x128xf32, #tpu.memory_space<vmem>>
    %dma_wait3A_350 = arith.constant 0 : i32
    %dma_wait3A_351 = arith.constant 0 : i32
    %dma_wait3A_352 = tpu.memref_slice %arg4[%select_n3A_224, %dma_wait3A_346, %select_n3A_240, %dma_wait3A_350, %dma_wait3A_351] : memref<100x8x128x8x128xf32, #tpu.memory_space<hbm>> -> memref<1x1x1x8x128xf32, #tpu.memory_space<hbm>>
    %dma_wait3A_353 = tpu.memref_squeeze %dma_wait3A_352 : memref<1x1x1x8x128xf32, #tpu.memory_space<hbm>> -> memref<8x128xf32, #tpu.memory_space<hbm>>
    %dma_wait3A_354 = arith.constant 0 : i32
    %dma_wait3A_355 = arith.constant 0 : i32
    %dma_wait3A_356 = tpu.memref_slice %arg4[%select_n3A_224, %dma_wait3A_346, %select_n3A_240, %dma_wait3A_354, %dma_wait3A_355] : memref<100x8x128x8x128xf32, #tpu.memory_space<hbm>> -> memref<1x1x1x8x128xf32, #tpu.memory_space<hbm>>
    %dma_wait3A_357 = tpu.memref_squeeze %dma_wait3A_356 : memref<1x1x1x8x128xf32, #tpu.memory_space<hbm>> -> memref<8x128xf32, #tpu.memory_space<hbm>>
    %dma_wait3A_358 = arith.constant 56 : i32
    %dma_wait3A_359 = arith.constant 0 : i32
    %dma_wait3A_360 = tpu.memref_slice %arg11[%dma_wait3A_358, %dma_wait3A_359] : memref<64x129xf32, #tpu.memory_space<vmem>> -> memref<8x128xf32, #tpu.memory_space<vmem>>
    tpu.wait_dma2 semaphore(%arg19 : memref<!tpu.dma_semaphore, #tpu.memory_space<semaphore_mem>>) src(%dma_wait3A_360 : memref<8x128xf32, #tpu.memory_space<vmem>>) dst(%dma_wait3A_357 : memref<8x128xf32, #tpu.memory_space<hbm>>)
    %add3A_361 = arith.constant 400 : i32
    %add3A_362 = arith.addi %mul3A_2, %add3A_361 : i32
    %sub3A_363 = arith.constant 4 : i32
    %sub3A_364 = arith.subi %add3A_362, %sub3A_363 : i32
    %add3A_365 = arith.constant 2 : i32
    %add3A_366 = arith.addi %sub3A_364, %add3A_365 : i32
    %jit3A_367 = arith.constant 128 : i32
    %div3A_368 = arith.divsi %add3A_366, %jit3A_367 : i32
    %sign3A_369 = arith.constant 0 : i32
    %sign3A_370 = arith.cmpi sgt, %add3A_366, %sign3A_369 : i32
    %sign3A_371 = arith.extui %sign3A_370 : i1 to i32
    %sign3A_372 = arith.constant 0 : i32
    %sign3A_373 = arith.cmpi slt, %add3A_366, %sign3A_372 : i32
    %sign3A_374 = arith.extui %sign3A_373 : i1 to i32
    %sign3A_375 = arith.subi %sign3A_371, %sign3A_374 : i32
    %sign3A_376 = arith.constant 0 : i32
    %sign3A_377 = arith.cmpi sgt, %jit3A_367, %sign3A_376 : i32
    %sign3A_378 = arith.extui %sign3A_377 : i1 to i32
    %sign3A_379 = arith.constant 0 : i32
    %sign3A_380 = arith.cmpi slt, %jit3A_367, %sign3A_379 : i32
    %sign3A_381 = arith.extui %sign3A_380 : i1 to i32
    %sign3A_382 = arith.subi %sign3A_378, %sign3A_381 : i32
    %ne3A_383 = arith.cmpi ne, %sign3A_375, %sign3A_382 : i32
    %rem3A_384 = arith.remsi %add3A_366, %jit3A_367 : i32
    %ne3A_385 = arith.constant 0 : i32
    %ne3A_386 = arith.cmpi ne, %rem3A_384, %ne3A_385 : i32
    %and3A_387 = arith.andi %ne3A_383, %ne3A_386 : i1
    %sub3A_388 = arith.constant 1 : i32
    %sub3A_389 = arith.subi %div3A_368, %sub3A_388 : i32
    %select_n3A_390 = arith.select %and3A_387, %sub3A_389, %div3A_368 : i32
    %jit3A_391 = arith.constant 128 : i32
    %eq3A_392 = arith.constant 0 : i32
    %eq3A_393 = arith.cmpi eq, %jit3A_391, %eq3A_392 : i32
    %jit3A_394 = arith.constant 1 : i32
    %select_n3A_395 = arith.select %eq3A_393, %jit3A_394, %jit3A_391 : i32
    %rem3A_396 = arith.remsi %add3A_366, %select_n3A_395 : i32
    %ne3A_397 = arith.constant 0 : i32
    %ne3A_398 = arith.cmpi ne, %rem3A_396, %ne3A_397 : i32
    %lt3A_399 = arith.constant 0 : i32
    %lt3A_400 = arith.cmpi slt, %rem3A_396, %lt3A_399 : i32
    %lt3A_401 = arith.constant 0 : i32
    %lt3A_402 = arith.cmpi slt, %select_n3A_395, %lt3A_401 : i32
    %ne3A_403 = arith.xori %lt3A_400, %lt3A_402 : i1
    %and3A_404 = arith.andi %ne3A_403, %ne3A_398 : i1
    %add3A_405 = arith.addi %rem3A_396, %select_n3A_395 : i32
    %select_n3A_406 = arith.select %and3A_404, %add3A_405, %rem3A_396 : i32
    %dma_wait3A_407 = arith.constant 0 : i32
    %dma_wait3A_408 = arith.constant 0 : i32
    %dma_wait3A_409 = arith.constant 0 : i32
    %dma_wait3A_410 = tpu.memref_slice %arg12[%dma_wait3A_408, %dma_wait3A_409] : memref<64x129xf32, #tpu.memory_space<vmem>> -> memref<8x128xf32, #tpu.memory_space<vmem>>
    %dma_wait3A_411 = arith.constant 0 : i32
    %dma_wait3A_412 = arith.constant 0 : i32
    %dma_wait3A_413 = tpu.memref_slice %arg4[%select_n3A_390, %dma_wait3A_407, %select_n3A_406, %dma_wait3A_411, %dma_wait3A_412] : memref<100x8x128x8x128xf32, #tpu.memory_space<hbm>> -> memref<1x1x1x8x128xf32, #tpu.memory_space<hbm>>
    %dma_wait3A_414 = tpu.memref_squeeze %dma_wait3A_413 : memref<1x1x1x8x128xf32, #tpu.memory_space<hbm>> -> memref<8x128xf32, #tpu.memory_space<hbm>>
    %dma_wait3A_415 = arith.constant 0 : i32
    %dma_wait3A_416 = arith.constant 0 : i32
    %dma_wait3A_417 = tpu.memref_slice %arg4[%select_n3A_390, %dma_wait3A_407, %select_n3A_406, %dma_wait3A_415, %dma_wait3A_416] : memref<100x8x128x8x128xf32, #tpu.memory_space<hbm>> -> memref<1x1x1x8x128xf32, #tpu.memory_space<hbm>>
    %dma_wait3A_418 = tpu.memref_squeeze %dma_wait3A_417 : memref<1x1x1x8x128xf32, #tpu.memory_space<hbm>> -> memref<8x128xf32, #tpu.memory_space<hbm>>
    %dma_wait3A_419 = arith.constant 0 : i32
    %dma_wait3A_420 = arith.constant 0 : i32
    %dma_wait3A_421 = tpu.memref_slice %arg12[%dma_wait3A_419, %dma_wait3A_420] : memref<64x129xf32, #tpu.memory_space<vmem>> -> memref<8x128xf32, #tpu.memory_space<vmem>>
    tpu.wait_dma2 semaphore(%arg20 : memref<!tpu.dma_semaphore, #tpu.memory_space<semaphore_mem>>) src(%dma_wait3A_421 : memref<8x128xf32, #tpu.memory_space<vmem>>) dst(%dma_wait3A_418 : memref<8x128xf32, #tpu.memory_space<hbm>>)
    %dma_wait3A_422 = arith.constant 1 : i32
    %dma_wait3A_423 = arith.constant 8 : i32
    %dma_wait3A_424 = arith.constant 0 : i32
    %dma_wait3A_425 = tpu.memref_slice %arg12[%dma_wait3A_423, %dma_wait3A_424] : memref<64x129xf32, #tpu.memory_space<vmem>> -> memref<8x128xf32, #tpu.memory_space<vmem>>
    %dma_wait3A_426 = arith.constant 0 : i32
    %dma_wait3A_427 = arith.constant 0 : i32
    %dma_wait3A_428 = tpu.memref_slice %arg4[%select_n3A_390, %dma_wait3A_422, %select_n3A_406, %dma_wait3A_426, %dma_wait3A_427] : memref<100x8x128x8x128xf32, #tpu.memory_space<hbm>> -> memref<1x1x1x8x128xf32, #tpu.memory_space<hbm>>
    %dma_wait3A_429 = tpu.memref_squeeze %dma_wait3A_428 : memref<1x1x1x8x128xf32, #tpu.memory_space<hbm>> -> memref<8x128xf32, #tpu.memory_space<hbm>>
    %dma_wait3A_430 = arith.constant 0 : i32
    %dma_wait3A_431 = arith.constant 0 : i32
    %dma_wait3A_432 = tpu.memref_slice %arg4[%select_n3A_390, %dma_wait3A_422, %select_n3A_406, %dma_wait3A_430, %dma_wait3A_431] : memref<100x8x128x8x128xf32, #tpu.memory_space<hbm>> -> memref<1x1x1x8x128xf32, #tpu.memory_space<hbm>>
    %dma_wait3A_433 = tpu.memref_squeeze %dma_wait3A_432 : memref<1x1x1x8x128xf32, #tpu.memory_space<hbm>> -> memref<8x128xf32, #tpu.memory_space<hbm>>
    %dma_wait3A_434 = arith.constant 8 : i32
    %dma_wait3A_435 = arith.constant 0 : i32
    %dma_wait3A_436 = tpu.memref_slice %arg12[%dma_wait3A_434, %dma_wait3A_435] : memref<64x129xf32, #tpu.memory_space<vmem>> -> memref<8x128xf32, #tpu.memory_space<vmem>>
    tpu.wait_dma2 semaphore(%arg20 : memref<!tpu.dma_semaphore, #tpu.memory_space<semaphore_mem>>) src(%dma_wait3A_436 : memref<8x128xf32, #tpu.memory_space<vmem>>) dst(%dma_wait3A_433 : memref<8x128xf32, #tpu.memory_space<hbm>>)
    %dma_wait3A_437 = arith.constant 2 : i32
    %dma_wait3A_438 = arith.constant 16 : i32
    %dma_wait3A_439 = arith.constant 0 : i32
    %dma_wait3A_440 = tpu.memref_slice %arg12[%dma_wait3A_438, %dma_wait3A_439] : memref<64x129xf32, #tpu.memory_space<vmem>> -> memref<8x128xf32, #tpu.memory_space<vmem>>
    %dma_wait3A_441 = arith.constant 0 : i32
    %dma_wait3A_442 = arith.constant 0 : i32
    %dma_wait3A_443 = tpu.memref_slice %arg4[%select_n3A_390, %dma_wait3A_437, %select_n3A_406, %dma_wait3A_441, %dma_wait3A_442] : memref<100x8x128x8x128xf32, #tpu.memory_space<hbm>> -> memref<1x1x1x8x128xf32, #tpu.memory_space<hbm>>
    %dma_wait3A_444 = tpu.memref_squeeze %dma_wait3A_443 : memref<1x1x1x8x128xf32, #tpu.memory_space<hbm>> -> memref<8x128xf32, #tpu.memory_space<hbm>>
    %dma_wait3A_445 = arith.constant 0 : i32
    %dma_wait3A_446 = arith.constant 0 : i32
    %dma_wait3A_447 = tpu.memref_slice %arg4[%select_n3A_390, %dma_wait3A_437, %select_n3A_406, %dma_wait3A_445, %dma_wait3A_446] : memref<100x8x128x8x128xf32, #tpu.memory_space<hbm>> -> memref<1x1x1x8x128xf32, #tpu.memory_space<hbm>>
    %dma_wait3A_448 = tpu.memref_squeeze %dma_wait3A_447 : memref<1x1x1x8x128xf32, #tpu.memory_space<hbm>> -> memref<8x128xf32, #tpu.memory_space<hbm>>
    %dma_wait3A_449 = arith.constant 16 : i32
    %dma_wait3A_450 = arith.constant 0 : i32
    %dma_wait3A_451 = tpu.memref_slice %arg12[%dma_wait3A_449, %dma_wait3A_450] : memref<64x129xf32, #tpu.memory_space<vmem>> -> memref<8x128xf32, #tpu.memory_space<vmem>>
    tpu.wait_dma2 semaphore(%arg20 : memref<!tpu.dma_semaphore, #tpu.memory_space<semaphore_mem>>) src(%dma_wait3A_451 : memref<8x128xf32, #tpu.memory_space<vmem>>) dst(%dma_wait3A_448 : memref<8x128xf32, #tpu.memory_space<hbm>>)
    %dma_wait3A_452 = arith.constant 3 : i32
    %dma_wait3A_453 = arith.constant 24 : i32
    %dma_wait3A_454 = arith.constant 0 : i32
    %dma_wait3A_455 = tpu.memref_slice %arg12[%dma_wait3A_453, %dma_wait3A_454] : memref<64x129xf32, #tpu.memory_space<vmem>> -> memref<8x128xf32, #tpu.memory_space<vmem>>
    %dma_wait3A_456 = arith.constant 0 : i32
    %dma_wait3A_457 = arith.constant 0 : i32
    %dma_wait3A_458 = tpu.memref_slice %arg4[%select_n3A_390, %dma_wait3A_452, %select_n3A_406, %dma_wait3A_456, %dma_wait3A_457] : memref<100x8x128x8x128xf32, #tpu.memory_space<hbm>> -> memref<1x1x1x8x128xf32, #tpu.memory_space<hbm>>
    %dma_wait3A_459 = tpu.memref_squeeze %dma_wait3A_458 : memref<1x1x1x8x128xf32, #tpu.memory_space<hbm>> -> memref<8x128xf32, #tpu.memory_space<hbm>>
    %dma_wait3A_460 = arith.constant 0 : i32
    %dma_wait3A_461 = arith.constant 0 : i32
    %dma_wait3A_462 = tpu.memref_slice %arg4[%select_n3A_390, %dma_wait3A_452, %select_n3A_406, %dma_wait3A_460, %dma_wait3A_461] : memref<100x8x128x8x128xf32, #tpu.memory_space<hbm>> -> memref<1x1x1x8x128xf32, #tpu.memory_space<hbm>>
    %dma_wait3A_463 = tpu.memref_squeeze %dma_wait3A_462 : memref<1x1x1x8x128xf32, #tpu.memory_space<hbm>> -> memref<8x128xf32, #tpu.memory_space<hbm>>
    %dma_wait3A_464 = arith.constant 24 : i32
    %dma_wait3A_465 = arith.constant 0 : i32
    %dma_wait3A_466 = tpu.memref_slice %arg12[%dma_wait3A_464, %dma_wait3A_465] : memref<64x129xf32, #tpu.memory_space<vmem>> -> memref<8x128xf32, #tpu.memory_space<vmem>>
    tpu.wait_dma2 semaphore(%arg20 : memref<!tpu.dma_semaphore, #tpu.memory_space<semaphore_mem>>) src(%dma_wait3A_466 : memref<8x128xf32, #tpu.memory_space<vmem>>) dst(%dma_wait3A_463 : memref<8x128xf32, #tpu.memory_space<hbm>>)
    %dma_wait3A_467 = arith.constant 4 : i32
    %dma_wait3A_468 = arith.constant 32 : i32
    %dma_wait3A_469 = arith.constant 0 : i32
    %dma_wait3A_470 = tpu.memref_slice %arg12[%dma_wait3A_468, %dma_wait3A_469] : memref<64x129xf32, #tpu.memory_space<vmem>> -> memref<8x128xf32, #tpu.memory_space<vmem>>
    %dma_wait3A_471 = arith.constant 0 : i32
    %dma_wait3A_472 = arith.constant 0 : i32
    %dma_wait3A_473 = tpu.memref_slice %arg4[%select_n3A_390, %dma_wait3A_467, %select_n3A_406, %dma_wait3A_471, %dma_wait3A_472] : memref<100x8x128x8x128xf32, #tpu.memory_space<hbm>> -> memref<1x1x1x8x128xf32, #tpu.memory_space<hbm>>
    %dma_wait3A_474 = tpu.memref_squeeze %dma_wait3A_473 : memref<1x1x1x8x128xf32, #tpu.memory_space<hbm>> -> memref<8x128xf32, #tpu.memory_space<hbm>>
    %dma_wait3A_475 = arith.constant 0 : i32
    %dma_wait3A_476 = arith.constant 0 : i32
    %dma_wait3A_477 = tpu.memref_slice %arg4[%select_n3A_390, %dma_wait3A_467, %select_n3A_406, %dma_wait3A_475, %dma_wait3A_476] : memref<100x8x128x8x128xf32, #tpu.memory_space<hbm>> -> memref<1x1x1x8x128xf32, #tpu.memory_space<hbm>>
    %dma_wait3A_478 = tpu.memref_squeeze %dma_wait3A_477 : memref<1x1x1x8x128xf32, #tpu.memory_space<hbm>> -> memref<8x128xf32, #tpu.memory_space<hbm>>
    %dma_wait3A_479 = arith.constant 32 : i32
    %dma_wait3A_480 = arith.constant 0 : i32
    %dma_wait3A_481 = tpu.memref_slice %arg12[%dma_wait3A_479, %dma_wait3A_480] : memref<64x129xf32, #tpu.memory_space<vmem>> -> memref<8x128xf32, #tpu.memory_space<vmem>>
    tpu.wait_dma2 semaphore(%arg20 : memref<!tpu.dma_semaphore, #tpu.memory_space<semaphore_mem>>) src(%dma_wait3A_481 : memref<8x128xf32, #tpu.memory_space<vmem>>) dst(%dma_wait3A_478 : memref<8x128xf32, #tpu.memory_space<hbm>>)
    %dma_wait3A_482 = arith.constant 5 : i32
    %dma_wait3A_483 = arith.constant 40 : i32
    %dma_wait3A_484 = arith.constant 0 : i32
    %dma_wait3A_485 = tpu.memref_slice %arg12[%dma_wait3A_483, %dma_wait3A_484] : memref<64x129xf32, #tpu.memory_space<vmem>> -> memref<8x128xf32, #tpu.memory_space<vmem>>
    %dma_wait3A_486 = arith.constant 0 : i32
    %dma_wait3A_487 = arith.constant 0 : i32
    %dma_wait3A_488 = tpu.memref_slice %arg4[%select_n3A_390, %dma_wait3A_482, %select_n3A_406, %dma_wait3A_486, %dma_wait3A_487] : memref<100x8x128x8x128xf32, #tpu.memory_space<hbm>> -> memref<1x1x1x8x128xf32, #tpu.memory_space<hbm>>
    %dma_wait3A_489 = tpu.memref_squeeze %dma_wait3A_488 : memref<1x1x1x8x128xf32, #tpu.memory_space<hbm>> -> memref<8x128xf32, #tpu.memory_space<hbm>>
    %dma_wait3A_490 = arith.constant 0 : i32
    %dma_wait3A_491 = arith.constant 0 : i32
    %dma_wait3A_492 = tpu.memref_slice %arg4[%select_n3A_390, %dma_wait3A_482, %select_n3A_406, %dma_wait3A_490, %dma_wait3A_491] : memref<100x8x128x8x128xf32, #tpu.memory_space<hbm>> -> memref<1x1x1x8x128xf32, #tpu.memory_space<hbm>>
    %dma_wait3A_493 = tpu.memref_squeeze %dma_wait3A_492 : memref<1x1x1x8x128xf32, #tpu.memory_space<hbm>> -> memref<8x128xf32, #tpu.memory_space<hbm>>
    %dma_wait3A_494 = arith.constant 40 : i32
    %dma_wait3A_495 = arith.constant 0 : i32
    %dma_wait3A_496 = tpu.memref_slice %arg12[%dma_wait3A_494, %dma_wait3A_495] : memref<64x129xf32, #tpu.memory_space<vmem>> -> memref<8x128xf32, #tpu.memory_space<vmem>>
    tpu.wait_dma2 semaphore(%arg20 : memref<!tpu.dma_semaphore, #tpu.memory_space<semaphore_mem>>) src(%dma_wait3A_496 : memref<8x128xf32, #tpu.memory_space<vmem>>) dst(%dma_wait3A_493 : memref<8x128xf32, #tpu.memory_space<hbm>>)
    %dma_wait3A_497 = arith.constant 6 : i32
    %dma_wait3A_498 = arith.constant 48 : i32
    %dma_wait3A_499 = arith.constant 0 : i32
    %dma_wait3A_500 = tpu.memref_slice %arg12[%dma_wait3A_498, %dma_wait3A_499] : memref<64x129xf32, #tpu.memory_space<vmem>> -> memref<8x128xf32, #tpu.memory_space<vmem>>
    %dma_wait3A_501 = arith.constant 0 : i32
    %dma_wait3A_502 = arith.constant 0 : i32
    %dma_wait3A_503 = tpu.memref_slice %arg4[%select_n3A_390, %dma_wait3A_497, %select_n3A_406, %dma_wait3A_501, %dma_wait3A_502] : memref<100x8x128x8x128xf32, #tpu.memory_space<hbm>> -> memref<1x1x1x8x128xf32, #tpu.memory_space<hbm>>
    %dma_wait3A_504 = tpu.memref_squeeze %dma_wait3A_503 : memref<1x1x1x8x128xf32, #tpu.memory_space<hbm>> -> memref<8x128xf32, #tpu.memory_space<hbm>>
    %dma_wait3A_505 = arith.constant 0 : i32
    %dma_wait3A_506 = arith.constant 0 : i32
    %dma_wait3A_507 = tpu.memref_slice %arg4[%select_n3A_390, %dma_wait3A_497, %select_n3A_406, %dma_wait3A_505, %dma_wait3A_506] : memref<100x8x128x8x128xf32, #tpu.memory_space<hbm>> -> memref<1x1x1x8x128xf32, #tpu.memory_space<hbm>>
    %dma_wait3A_508 = tpu.memref_squeeze %dma_wait3A_507 : memref<1x1x1x8x128xf32, #tpu.memory_space<hbm>> -> memref<8x128xf32, #tpu.memory_space<hbm>>
    %dma_wait3A_509 = arith.constant 48 : i32
    %dma_wait3A_510 = arith.constant 0 : i32
    %dma_wait3A_511 = tpu.memref_slice %arg12[%dma_wait3A_509, %dma_wait3A_510] : memref<64x129xf32, #tpu.memory_space<vmem>> -> memref<8x128xf32, #tpu.memory_space<vmem>>
    tpu.wait_dma2 semaphore(%arg20 : memref<!tpu.dma_semaphore, #tpu.memory_space<semaphore_mem>>) src(%dma_wait3A_511 : memref<8x128xf32, #tpu.memory_space<vmem>>) dst(%dma_wait3A_508 : memref<8x128xf32, #tpu.memory_space<hbm>>)
    %dma_wait3A_512 = arith.constant 7 : i32
    %dma_wait3A_513 = arith.constant 56 : i32
    %dma_wait3A_514 = arith.constant 0 : i32
    %dma_wait3A_515 = tpu.memref_slice %arg12[%dma_wait3A_513, %dma_wait3A_514] : memref<64x129xf32, #tpu.memory_space<vmem>> -> memref<8x128xf32, #tpu.memory_space<vmem>>
    %dma_wait3A_516 = arith.constant 0 : i32
    %dma_wait3A_517 = arith.constant 0 : i32
    %dma_wait3A_518 = tpu.memref_slice %arg4[%select_n3A_390, %dma_wait3A_512, %select_n3A_406, %dma_wait3A_516, %dma_wait3A_517] : memref<100x8x128x8x128xf32, #tpu.memory_space<hbm>> -> memref<1x1x1x8x128xf32, #tpu.memory_space<hbm>>
    %dma_wait3A_519 = tpu.memref_squeeze %dma_wait3A_518 : memref<1x1x1x8x128xf32, #tpu.memory_space<hbm>> -> memref<8x128xf32, #tpu.memory_space<hbm>>
    %dma_wait3A_520 = arith.constant 0 : i32
    %dma_wait3A_521 = arith.constant 0 : i32
    %dma_wait3A_522 = tpu.memref_slice %arg4[%select_n3A_390, %dma_wait3A_512, %select_n3A_406, %dma_wait3A_520, %dma_wait3A_521] : memref<100x8x128x8x128xf32, #tpu.memory_space<hbm>> -> memref<1x1x1x8x128xf32, #tpu.memory_space<hbm>>
    %dma_wait3A_523 = tpu.memref_squeeze %dma_wait3A_522 : memref<1x1x1x8x128xf32, #tpu.memory_space<hbm>> -> memref<8x128xf32, #tpu.memory_space<hbm>>
    %dma_wait3A_524 = arith.constant 56 : i32
    %dma_wait3A_525 = arith.constant 0 : i32
    %dma_wait3A_526 = tpu.memref_slice %arg12[%dma_wait3A_524, %dma_wait3A_525] : memref<64x129xf32, #tpu.memory_space<vmem>> -> memref<8x128xf32, #tpu.memory_space<vmem>>
    tpu.wait_dma2 semaphore(%arg20 : memref<!tpu.dma_semaphore, #tpu.memory_space<semaphore_mem>>) src(%dma_wait3A_526 : memref<8x128xf32, #tpu.memory_space<vmem>>) dst(%dma_wait3A_523 : memref<8x128xf32, #tpu.memory_space<hbm>>)
    %add3A_527 = arith.constant 400 : i32
    %add3A_528 = arith.addi %mul3A_2, %add3A_527 : i32
    %sub3A_529 = arith.constant 4 : i32
    %sub3A_530 = arith.subi %add3A_528, %sub3A_529 : i32
    %add3A_531 = arith.constant 3 : i32
    %add3A_532 = arith.addi %sub3A_530, %add3A_531 : i32
    %jit3A_533 = arith.constant 128 : i32
    %div3A_534 = arith.divsi %add3A_532, %jit3A_533 : i32
    %sign3A_535 = arith.constant 0 : i32
    %sign3A_536 = arith.cmpi sgt, %add3A_532, %sign3A_535 : i32
    %sign3A_537 = arith.extui %sign3A_536 : i1 to i32
    %sign3A_538 = arith.constant 0 : i32
    %sign3A_539 = arith.cmpi slt, %add3A_532, %sign3A_538 : i32
    %sign3A_540 = arith.extui %sign3A_539 : i1 to i32
    %sign3A_541 = arith.subi %sign3A_537, %sign3A_540 : i32
    %sign3A_542 = arith.constant 0 : i32
    %sign3A_543 = arith.cmpi sgt, %jit3A_533, %sign3A_542 : i32
    %sign3A_544 = arith.extui %sign3A_543 : i1 to i32
    %sign3A_545 = arith.constant 0 : i32
    %sign3A_546 = arith.cmpi slt, %jit3A_533, %sign3A_545 : i32
    %sign3A_547 = arith.extui %sign3A_546 : i1 to i32
    %sign3A_548 = arith.subi %sign3A_544, %sign3A_547 : i32
    %ne3A_549 = arith.cmpi ne, %sign3A_541, %sign3A_548 : i32
    %rem3A_550 = arith.remsi %add3A_532, %jit3A_533 : i32
    %ne3A_551 = arith.constant 0 : i32
    %ne3A_552 = arith.cmpi ne, %rem3A_550, %ne3A_551 : i32
    %and3A_553 = arith.andi %ne3A_549, %ne3A_552 : i1
    %sub3A_554 = arith.constant 1 : i32
    %sub3A_555 = arith.subi %div3A_534, %sub3A_554 : i32
    %select_n3A_556 = arith.select %and3A_553, %sub3A_555, %div3A_534 : i32
    %jit3A_557 = arith.constant 128 : i32
    %eq3A_558 = arith.constant 0 : i32
    %eq3A_559 = arith.cmpi eq, %jit3A_557, %eq3A_558 : i32
    %jit3A_560 = arith.constant 1 : i32
    %select_n3A_561 = arith.select %eq3A_559, %jit3A_560, %jit3A_557 : i32
    %rem3A_562 = arith.remsi %add3A_532, %select_n3A_561 : i32
    %ne3A_563 = arith.constant 0 : i32
    %ne3A_564 = arith.cmpi ne, %rem3A_562, %ne3A_563 : i32
    %lt3A_565 = arith.constant 0 : i32
    %lt3A_566 = arith.cmpi slt, %rem3A_562, %lt3A_565 : i32
    %lt3A_567 = arith.constant 0 : i32
    %lt3A_568 = arith.cmpi slt, %select_n3A_561, %lt3A_567 : i32
    %ne3A_569 = arith.xori %lt3A_566, %lt3A_568 : i1
    %and3A_570 = arith.andi %ne3A_569, %ne3A_564 : i1
    %add3A_571 = arith.addi %rem3A_562, %select_n3A_561 : i32
    %select_n3A_572 = arith.select %and3A_570, %add3A_571, %rem3A_562 : i32
    %dma_wait3A_573 = arith.constant 0 : i32
    %dma_wait3A_574 = arith.constant 0 : i32
    %dma_wait3A_575 = arith.constant 0 : i32
    %dma_wait3A_576 = tpu.memref_slice %arg13[%dma_wait3A_574, %dma_wait3A_575] : memref<64x129xf32, #tpu.memory_space<vmem>> -> memref<8x128xf32, #tpu.memory_space<vmem>>
    %dma_wait3A_577 = arith.constant 0 : i32
    %dma_wait3A_578 = arith.constant 0 : i32
    %dma_wait3A_579 = tpu.memref_slice %arg4[%select_n3A_556, %dma_wait3A_573, %select_n3A_572, %dma_wait3A_577, %dma_wait3A_578] : memref<100x8x128x8x128xf32, #tpu.memory_space<hbm>> -> memref<1x1x1x8x128xf32, #tpu.memory_space<hbm>>
    %dma_wait3A_580 = tpu.memref_squeeze %dma_wait3A_579 : memref<1x1x1x8x128xf32, #tpu.memory_space<hbm>> -> memref<8x128xf32, #tpu.memory_space<hbm>>
    %dma_wait3A_581 = arith.constant 0 : i32
    %dma_wait3A_582 = arith.constant 0 : i32
    %dma_wait3A_583 = tpu.memref_slice %arg4[%select_n3A_556, %dma_wait3A_573, %select_n3A_572, %dma_wait3A_581, %dma_wait3A_582] : memref<100x8x128x8x128xf32, #tpu.memory_space<hbm>> -> memref<1x1x1x8x128xf32, #tpu.memory_space<hbm>>
    %dma_wait3A_584 = tpu.memref_squeeze %dma_wait3A_583 : memref<1x1x1x8x128xf32, #tpu.memory_space<hbm>> -> memref<8x128xf32, #tpu.memory_space<hbm>>
    %dma_wait3A_585 = arith.constant 0 : i32
    %dma_wait3A_586 = arith.constant 0 : i32
    %dma_wait3A_587 = tpu.memref_slice %arg13[%dma_wait3A_585, %dma_wait3A_586] : memref<64x129xf32, #tpu.memory_space<vmem>> -> memref<8x128xf32, #tpu.memory_space<vmem>>
    tpu.wait_dma2 semaphore(%arg21 : memref<!tpu.dma_semaphore, #tpu.memory_space<semaphore_mem>>) src(%dma_wait3A_587 : memref<8x128xf32, #tpu.memory_space<vmem>>) dst(%dma_wait3A_584 : memref<8x128xf32, #tpu.memory_space<hbm>>)
    %dma_wait3A_588 = arith.constant 1 : i32
    %dma_wait3A_589 = arith.constant 8 : i32
    %dma_wait3A_590 = arith.constant 0 : i32
    %dma_wait3A_591 = tpu.memref_slice %arg13[%dma_wait3A_589, %dma_wait3A_590] : memref<64x129xf32, #tpu.memory_space<vmem>> -> memref<8x128xf32, #tpu.memory_space<vmem>>
    %dma_wait3A_592 = arith.constant 0 : i32
    %dma_wait3A_593 = arith.constant 0 : i32
    %dma_wait3A_594 = tpu.memref_slice %arg4[%select_n3A_556, %dma_wait3A_588, %select_n3A_572, %dma_wait3A_592, %dma_wait3A_593] : memref<100x8x128x8x128xf32, #tpu.memory_space<hbm>> -> memref<1x1x1x8x128xf32, #tpu.memory_space<hbm>>
    %dma_wait3A_595 = tpu.memref_squeeze %dma_wait3A_594 : memref<1x1x1x8x128xf32, #tpu.memory_space<hbm>> -> memref<8x128xf32, #tpu.memory_space<hbm>>
    %dma_wait3A_596 = arith.constant 0 : i32
    %dma_wait3A_597 = arith.constant 0 : i32
    %dma_wait3A_598 = tpu.memref_slice %arg4[%select_n3A_556, %dma_wait3A_588, %select_n3A_572, %dma_wait3A_596, %dma_wait3A_597] : memref<100x8x128x8x128xf32, #tpu.memory_space<hbm>> -> memref<1x1x1x8x128xf32, #tpu.memory_space<hbm>>
    %dma_wait3A_599 = tpu.memref_squeeze %dma_wait3A_598 : memref<1x1x1x8x128xf32, #tpu.memory_space<hbm>> -> memref<8x128xf32, #tpu.memory_space<hbm>>
    %dma_wait3A_600 = arith.constant 8 : i32
    %dma_wait3A_601 = arith.constant 0 : i32
    %dma_wait3A_602 = tpu.memref_slice %arg13[%dma_wait3A_600, %dma_wait3A_601] : memref<64x129xf32, #tpu.memory_space<vmem>> -> memref<8x128xf32, #tpu.memory_space<vmem>>
    tpu.wait_dma2 semaphore(%arg21 : memref<!tpu.dma_semaphore, #tpu.memory_space<semaphore_mem>>) src(%dma_wait3A_602 : memref<8x128xf32, #tpu.memory_space<vmem>>) dst(%dma_wait3A_599 : memref<8x128xf32, #tpu.memory_space<hbm>>)
    %dma_wait3A_603 = arith.constant 2 : i32
    %dma_wait3A_604 = arith.constant 16 : i32
    %dma_wait3A_605 = arith.constant 0 : i32
    %dma_wait3A_606 = tpu.memref_slice %arg13[%dma_wait3A_604, %dma_wait3A_605] : memref<64x129xf32, #tpu.memory_space<vmem>> -> memref<8x128xf32, #tpu.memory_space<vmem>>
    %dma_wait3A_607 = arith.constant 0 : i32
    %dma_wait3A_608 = arith.constant 0 : i32
    %dma_wait3A_609 = tpu.memref_slice %arg4[%select_n3A_556, %dma_wait3A_603, %select_n3A_572, %dma_wait3A_607, %dma_wait3A_608] : memref<100x8x128x8x128xf32, #tpu.memory_space<hbm>> -> memref<1x1x1x8x128xf32, #tpu.memory_space<hbm>>
    %dma_wait3A_610 = tpu.memref_squeeze %dma_wait3A_609 : memref<1x1x1x8x128xf32, #tpu.memory_space<hbm>> -> memref<8x128xf32, #tpu.memory_space<hbm>>
    %dma_wait3A_611 = arith.constant 0 : i32
    %dma_wait3A_612 = arith.constant 0 : i32
    %dma_wait3A_613 = tpu.memref_slice %arg4[%select_n3A_556, %dma_wait3A_603, %select_n3A_572, %dma_wait3A_611, %dma_wait3A_612] : memref<100x8x128x8x128xf32, #tpu.memory_space<hbm>> -> memref<1x1x1x8x128xf32, #tpu.memory_space<hbm>>
    %dma_wait3A_614 = tpu.memref_squeeze %dma_wait3A_613 : memref<1x1x1x8x128xf32, #tpu.memory_space<hbm>> -> memref<8x128xf32, #tpu.memory_space<hbm>>
    %dma_wait3A_615 = arith.constant 16 : i32
    %dma_wait3A_616 = arith.constant 0 : i32
    %dma_wait3A_617 = tpu.memref_slice %arg13[%dma_wait3A_615, %dma_wait3A_616] : memref<64x129xf32, #tpu.memory_space<vmem>> -> memref<8x128xf32, #tpu.memory_space<vmem>>
    tpu.wait_dma2 semaphore(%arg21 : memref<!tpu.dma_semaphore, #tpu.memory_space<semaphore_mem>>) src(%dma_wait3A_617 : memref<8x128xf32, #tpu.memory_space<vmem>>) dst(%dma_wait3A_614 : memref<8x128xf32, #tpu.memory_space<hbm>>)
    %dma_wait3A_618 = arith.constant 3 : i32
    %dma_wait3A_619 = arith.constant 24 : i32
    %dma_wait3A_620 = arith.constant 0 : i32
    %dma_wait3A_621 = tpu.memref_slice %arg13[%dma_wait3A_619, %dma_wait3A_620] : memref<64x129xf32, #tpu.memory_space<vmem>> -> memref<8x128xf32, #tpu.memory_space<vmem>>
    %dma_wait3A_622 = arith.constant 0 : i32
    %dma_wait3A_623 = arith.constant 0 : i32
    %dma_wait3A_624 = tpu.memref_slice %arg4[%select_n3A_556, %dma_wait3A_618, %select_n3A_572, %dma_wait3A_622, %dma_wait3A_623] : memref<100x8x128x8x128xf32, #tpu.memory_space<hbm>> -> memref<1x1x1x8x128xf32, #tpu.memory_space<hbm>>
    %dma_wait3A_625 = tpu.memref_squeeze %dma_wait3A_624 : memref<1x1x1x8x128xf32, #tpu.memory_space<hbm>> -> memref<8x128xf32, #tpu.memory_space<hbm>>
    %dma_wait3A_626 = arith.constant 0 : i32
    %dma_wait3A_627 = arith.constant 0 : i32
    %dma_wait3A_628 = tpu.memref_slice %arg4[%select_n3A_556, %dma_wait3A_618, %select_n3A_572, %dma_wait3A_626, %dma_wait3A_627] : memref<100x8x128x8x128xf32, #tpu.memory_space<hbm>> -> memref<1x1x1x8x128xf32, #tpu.memory_space<hbm>>
    %dma_wait3A_629 = tpu.memref_squeeze %dma_wait3A_628 : memref<1x1x1x8x128xf32, #tpu.memory_space<hbm>> -> memref<8x128xf32, #tpu.memory_space<hbm>>
    %dma_wait3A_630 = arith.constant 24 : i32
    %dma_wait3A_631 = arith.constant 0 : i32
    %dma_wait3A_632 = tpu.memref_slice %arg13[%dma_wait3A_630, %dma_wait3A_631] : memref<64x129xf32, #tpu.memory_space<vmem>> -> memref<8x128xf32, #tpu.memory_space<vmem>>
    tpu.wait_dma2 semaphore(%arg21 : memref<!tpu.dma_semaphore, #tpu.memory_space<semaphore_mem>>) src(%dma_wait3A_632 : memref<8x128xf32, #tpu.memory_space<vmem>>) dst(%dma_wait3A_629 : memref<8x128xf32, #tpu.memory_space<hbm>>)
    %dma_wait3A_633 = arith.constant 4 : i32
    %dma_wait3A_634 = arith.constant 32 : i32
    %dma_wait3A_635 = arith.constant 0 : i32
    %dma_wait3A_636 = tpu.memref_slice %arg13[%dma_wait3A_634, %dma_wait3A_635] : memref<64x129xf32, #tpu.memory_space<vmem>> -> memref<8x128xf32, #tpu.memory_space<vmem>>
    %dma_wait3A_637 = arith.constant 0 : i32
    %dma_wait3A_638 = arith.constant 0 : i32
    %dma_wait3A_639 = tpu.memref_slice %arg4[%select_n3A_556, %dma_wait3A_633, %select_n3A_572, %dma_wait3A_637, %dma_wait3A_638] : memref<100x8x128x8x128xf32, #tpu.memory_space<hbm>> -> memref<1x1x1x8x128xf32, #tpu.memory_space<hbm>>
    %dma_wait3A_640 = tpu.memref_squeeze %dma_wait3A_639 : memref<1x1x1x8x128xf32, #tpu.memory_space<hbm>> -> memref<8x128xf32, #tpu.memory_space<hbm>>
    %dma_wait3A_641 = arith.constant 0 : i32
    %dma_wait3A_642 = arith.constant 0 : i32
    %dma_wait3A_643 = tpu.memref_slice %arg4[%select_n3A_556, %dma_wait3A_633, %select_n3A_572, %dma_wait3A_641, %dma_wait3A_642] : memref<100x8x128x8x128xf32, #tpu.memory_space<hbm>> -> memref<1x1x1x8x128xf32, #tpu.memory_space<hbm>>
    %dma_wait3A_644 = tpu.memref_squeeze %dma_wait3A_643 : memref<1x1x1x8x128xf32, #tpu.memory_space<hbm>> -> memref<8x128xf32, #tpu.memory_space<hbm>>
    %dma_wait3A_645 = arith.constant 32 : i32
    %dma_wait3A_646 = arith.constant 0 : i32
    %dma_wait3A_647 = tpu.memref_slice %arg13[%dma_wait3A_645, %dma_wait3A_646] : memref<64x129xf32, #tpu.memory_space<vmem>> -> memref<8x128xf32, #tpu.memory_space<vmem>>
    tpu.wait_dma2 semaphore(%arg21 : memref<!tpu.dma_semaphore, #tpu.memory_space<semaphore_mem>>) src(%dma_wait3A_647 : memref<8x128xf32, #tpu.memory_space<vmem>>) dst(%dma_wait3A_644 : memref<8x128xf32, #tpu.memory_space<hbm>>)
    %dma_wait3A_648 = arith.constant 5 : i32
    %dma_wait3A_649 = arith.constant 40 : i32
    %dma_wait3A_650 = arith.constant 0 : i32
    %dma_wait3A_651 = tpu.memref_slice %arg13[%dma_wait3A_649, %dma_wait3A_650] : memref<64x129xf32, #tpu.memory_space<vmem>> -> memref<8x128xf32, #tpu.memory_space<vmem>>
    %dma_wait3A_652 = arith.constant 0 : i32
    %dma_wait3A_653 = arith.constant 0 : i32
    %dma_wait3A_654 = tpu.memref_slice %arg4[%select_n3A_556, %dma_wait3A_648, %select_n3A_572, %dma_wait3A_652, %dma_wait3A_653] : memref<100x8x128x8x128xf32, #tpu.memory_space<hbm>> -> memref<1x1x1x8x128xf32, #tpu.memory_space<hbm>>
    %dma_wait3A_655 = tpu.memref_squeeze %dma_wait3A_654 : memref<1x1x1x8x128xf32, #tpu.memory_space<hbm>> -> memref<8x128xf32, #tpu.memory_space<hbm>>
    %dma_wait3A_656 = arith.constant 0 : i32
    %dma_wait3A_657 = arith.constant 0 : i32
    %dma_wait3A_658 = tpu.memref_slice %arg4[%select_n3A_556, %dma_wait3A_648, %select_n3A_572, %dma_wait3A_656, %dma_wait3A_657] : memref<100x8x128x8x128xf32, #tpu.memory_space<hbm>> -> memref<1x1x1x8x128xf32, #tpu.memory_space<hbm>>
    %dma_wait3A_659 = tpu.memref_squeeze %dma_wait3A_658 : memref<1x1x1x8x128xf32, #tpu.memory_space<hbm>> -> memref<8x128xf32, #tpu.memory_space<hbm>>
    %dma_wait3A_660 = arith.constant 40 : i32
    %dma_wait3A_661 = arith.constant 0 : i32
    %dma_wait3A_662 = tpu.memref_slice %arg13[%dma_wait3A_660, %dma_wait3A_661] : memref<64x129xf32, #tpu.memory_space<vmem>> -> memref<8x128xf32, #tpu.memory_space<vmem>>
    tpu.wait_dma2 semaphore(%arg21 : memref<!tpu.dma_semaphore, #tpu.memory_space<semaphore_mem>>) src(%dma_wait3A_662 : memref<8x128xf32, #tpu.memory_space<vmem>>) dst(%dma_wait3A_659 : memref<8x128xf32, #tpu.memory_space<hbm>>)
    %dma_wait3A_663 = arith.constant 6 : i32
    %dma_wait3A_664 = arith.constant 48 : i32
    %dma_wait3A_665 = arith.constant 0 : i32
    %dma_wait3A_666 = tpu.memref_slice %arg13[%dma_wait3A_664, %dma_wait3A_665] : memref<64x129xf32, #tpu.memory_space<vmem>> -> memref<8x128xf32, #tpu.memory_space<vmem>>
    %dma_wait3A_667 = arith.constant 0 : i32
    %dma_wait3A_668 = arith.constant 0 : i32
    %dma_wait3A_669 = tpu.memref_slice %arg4[%select_n3A_556, %dma_wait3A_663, %select_n3A_572, %dma_wait3A_667, %dma_wait3A_668] : memref<100x8x128x8x128xf32, #tpu.memory_space<hbm>> -> memref<1x1x1x8x128xf32, #tpu.memory_space<hbm>>
    %dma_wait3A_670 = tpu.memref_squeeze %dma_wait3A_669 : memref<1x1x1x8x128xf32, #tpu.memory_space<hbm>> -> memref<8x128xf32, #tpu.memory_space<hbm>>
    %dma_wait3A_671 = arith.constant 0 : i32
    %dma_wait3A_672 = arith.constant 0 : i32
    %dma_wait3A_673 = tpu.memref_slice %arg4[%select_n3A_556, %dma_wait3A_663, %select_n3A_572, %dma_wait3A_671, %dma_wait3A_672] : memref<100x8x128x8x128xf32, #tpu.memory_space<hbm>> -> memref<1x1x1x8x128xf32, #tpu.memory_space<hbm>>
    %dma_wait3A_674 = tpu.memref_squeeze %dma_wait3A_673 : memref<1x1x1x8x128xf32, #tpu.memory_space<hbm>> -> memref<8x128xf32, #tpu.memory_space<hbm>>
    %dma_wait3A_675 = arith.constant 48 : i32
    %dma_wait3A_676 = arith.constant 0 : i32
    %dma_wait3A_677 = tpu.memref_slice %arg13[%dma_wait3A_675, %dma_wait3A_676] : memref<64x129xf32, #tpu.memory_space<vmem>> -> memref<8x128xf32, #tpu.memory_space<vmem>>
    tpu.wait_dma2 semaphore(%arg21 : memref<!tpu.dma_semaphore, #tpu.memory_space<semaphore_mem>>) src(%dma_wait3A_677 : memref<8x128xf32, #tpu.memory_space<vmem>>) dst(%dma_wait3A_674 : memref<8x128xf32, #tpu.memory_space<hbm>>)
    %dma_wait3A_678 = arith.constant 7 : i32
    %dma_wait3A_679 = arith.constant 56 : i32
    %dma_wait3A_680 = arith.constant 0 : i32
    %dma_wait3A_681 = tpu.memref_slice %arg13[%dma_wait3A_679, %dma_wait3A_680] : memref<64x129xf32, #tpu.memory_space<vmem>> -> memref<8x128xf32, #tpu.memory_space<vmem>>
    %dma_wait3A_682 = arith.constant 0 : i32
    %dma_wait3A_683 = arith.constant 0 : i32
    %dma_wait3A_684 = tpu.memref_slice %arg4[%select_n3A_556, %dma_wait3A_678, %select_n3A_572, %dma_wait3A_682, %dma_wait3A_683] : memref<100x8x128x8x128xf32, #tpu.memory_space<hbm>> -> memref<1x1x1x8x128xf32, #tpu.memory_space<hbm>>
    %dma_wait3A_685 = tpu.memref_squeeze %dma_wait3A_684 : memref<1x1x1x8x128xf32, #tpu.memory_space<hbm>> -> memref<8x128xf32, #tpu.memory_space<hbm>>
    %dma_wait3A_686 = arith.constant 0 : i32
    %dma_wait3A_687 = arith.constant 0 : i32
    %dma_wait3A_688 = tpu.memref_slice %arg4[%select_n3A_556, %dma_wait3A_678, %select_n3A_572, %dma_wait3A_686, %dma_wait3A_687] : memref<100x8x128x8x128xf32, #tpu.memory_space<hbm>> -> memref<1x1x1x8x128xf32, #tpu.memory_space<hbm>>
    %dma_wait3A_689 = tpu.memref_squeeze %dma_wait3A_688 : memref<1x1x1x8x128xf32, #tpu.memory_space<hbm>> -> memref<8x128xf32, #tpu.memory_space<hbm>>
    %dma_wait3A_690 = arith.constant 56 : i32
    %dma_wait3A_691 = arith.constant 0 : i32
    %dma_wait3A_692 = tpu.memref_slice %arg13[%dma_wait3A_690, %dma_wait3A_691] : memref<64x129xf32, #tpu.memory_space<vmem>> -> memref<8x128xf32, #tpu.memory_space<vmem>>
    tpu.wait_dma2 semaphore(%arg21 : memref<!tpu.dma_semaphore, #tpu.memory_space<semaphore_mem>>) src(%dma_wait3A_692 : memref<8x128xf32, #tpu.memory_space<vmem>>) dst(%dma_wait3A_689 : memref<8x128xf32, #tpu.memory_space<hbm>>)
    return
  }
}

</mosaic_0001>

<sc_bundles>
// kernel: kernel.3.cloned.1.call-start
scs
__scs_entry_jumppad:
0x0: {  	(pc) =	sbr.rel $0x88, $3  }
0x1: {  	(tag) =	ssettag $0x0;
	lr =	simm.s32 $0x1  }
0x2: {  	[smem:$0x3F9F] =	sst lr;
	_ =	strace $0xD0000000  }
0x3: {  	_ = 	snop  }
0x4: {  	_ = 	snop  }
0x5: {  	_ = 	snop  }
0x6: {  	_ = 	snop  }
0x7: {  	_ = 	snop  }
__scs_overlays_trampoline_lowered:
0x8: {  	[smem:$0x3FAE] =	sst s0  }
0x9: {  	[smem:$0x3FAF] =	sst s1  }
0xa: {  	[smem:$0x3FB0] =	sst s2  }
0xb: {  	[smem:$0x3FB1] =	sst s3  }
0xc: {  	[smem:$0x3FB2] =	sst s4  }
0xd: {  	[smem:$0x3FB3] =	sst s5  }
0xe: {  	[smem:$0x3FB4] =	sst s6  }
0xf: {  	[smem:$0x3FB5] =	sst s7  }
0x10: {  	[smem:$0x3FB6] =	sst s8  }
0x11: {  	[smem:$0x3FB7] =	sst s9;
	s0 =	simm.s32 @!p0 $0x0  }
0x12: {  	s1 =	sld [smem:$0x3F9D];
	s0 =	simm.s32 @p0 $0x1  }
0x13: {  	[smem:$0x3FB8] =	sst s0;
	s0 =	simm.s32 @!p1 $0x0  }
0x14: {  	s2 =	sld [smem:$0x3F9C];
	s0 =	simm.s32 @p1 $0x1  }
0x15: {  	[smem:$0x3FB9] =	sst s0;
	s0 =	simm.s32 @!p2 $0x0  }
0x16: {  	s3 =	sld [smem:$0x3FDB];
	s0 =	simm.s32 @p2 $0x1  }
0x17: {  	s4 =	simm.s32 $0x1BF5;
	[smem:$0x3FBB] =	sst s0  }
0x18: {  	s0 =	sld [smem:$0x3F9E];
	_ =	swait.ge [sflag:s4], $0x0  }
0x19: {  	s7 =	sld [smem:$0x3F9F]  }
0x1a: {  	s8 =	sadd.s32 $0xFFFFE003, lr  }
0x1b: {  	s9 =	sadd.s32 $0xFFFFFEF7, lr;
	s5 =	simm.s32 $0xFFFFFFFF;
	p2 =	slt.u32 s8, $0xFFFFF086  }
0x1c: {  	p1 =	slt.u32 s9, $0xF7A;
	s5 =	simm.s32 @!p2 $0x0  }
0x1d: {  	s5 =	simm.s32 @p1 $0x1;
	p0 =	seq.s32 s7, s2  }
0x1e: {  	s7 =	smul.u32 @!p0 $0xF7A, s2;
	p2 =	seq.s32 @!p0 s5, $0x0  }
0x1f: {  	s9 =	smul.u32 $0xF7A, s1;
	s8 =	simm.s32 @!p0 $0x1BF5;
	p2 =	por !p2, p0  }
0x20: {  	[sflag:s8] =	ssyncset.s32 @!p0 $0xFFFFF086;
	s6 =	sadd.s32 @!p0 s3, s7;
	s7 =	simm.s32 @!p0 $0x108  }
0x21: {  	s3 =	sadd.s32 s3, s9;
	s6 =	sadd.s32 @!p0 $0x88, s6;
	s7 =	simm.s32 @p2 $0x1082  }
0x22: {  	[simem:s7], [sflag:s8] =	dma.local @!p0 [hbm:s6], $0xF7A  }
0x23: {  	s9 =	sor.u32 $0xD0000000, s2;
	s6 =	simm.s32 $0x108;
	_ =	swait.ge @!p0 [sflag:s8], $0x0  }
0x24: {  	s3 =	sadd.s32 $0x88, s3;
	s6 =	simm.s32 @!p1 $0x1082;
	[sflag:s4] =	ssyncset.s32 $0xFFFFF086  }
0x25: {  	[simem:s6], [sflag:s4] =	dma.local [hbm:s3], $0xF7A  }
0x26: {  	[smem:$0x3F9F] =	sst s1;
	(tag) =	ssettag s2;
	_ =	strace s9  }
0x27: {  	s1 =	sld [smem:$0x3FAF]  }
0x28: {  	s2 =	sld [smem:$0x3FB0]  }
0x29: {  	s4 =	sld [smem:$0x3FB2]  }
0x2a: {  	p0 =	seq.s32 s5, $0x0;
	s5 =	sld [smem:$0x3FB3]  }
0x2b: {  	s6 =	sld [smem:$0x3FB4]  }
0x2c: {  	s7 =	sld [smem:$0x3FB5]  }
0x2d: {  	s3 =	simm.s32 $0x108;
	s8 =	sld [smem:$0x3FB6]  }
0x2e: {  	s3 =	simm.s32 @!p0 $0x1082;
	s9 =	sld [smem:$0x3FB7]  }
0x2f: {  	lr =	sadd.s32 s0, s3;
	s0 =	sld [smem:$0x3FAE]  }
0x30: {  	s3 =	sld [smem:$0x3FB1]  }
0x31: {  	[smem:$0x3FBA] =	sst s10  }
0x32: {  	s10 =	sld [smem:$0x3FB8];
	_ =	sdelay $0x3  }
0x33: {  	p0 =	seq.s32 s10, $0x1;
	s10 =	sld [smem:$0x3FBA];
	_ =	sdelay $0x3  }
0x34: {  	[smem:$0x3FBA] =	sst s10  }
0x35: {  	s10 =	sld [smem:$0x3FB9];
	_ =	sdelay $0x3  }
0x36: {  	p1 =	seq.s32 s10, $0x1;
	s10 =	sld [smem:$0x3FBA];
	_ =	sdelay $0x3  }
0x37: {  	[smem:$0x3FBA] =	sst s10  }
0x38: {  	s10 =	sld [smem:$0x3FBB]  }
0x39: {  	_ = 	snop;
	(pc) =	sbr.ind lr, $3  }
0x3a: {  	_ = 	snop  }
0x3b: {  	_ = 	snop  }
0x3c: {  	p2 =	seq.s32 s10, $0x1;
	s10 =	sld [smem:$0x3FBA]  }
0x3d: {  	_ =	shalt  }
0x3e: {  	_ =	shalt  }
0x3f: {  	_ =	shalt  }
0x40: {  	_ =	shalt  }
0x41: {  	_ =	shalt  }
0x42: {  	_ =	shalt  }
0x43: {  	_ =	shalt  }
0x44: {  	_ =	shalt  }
0x45: {  	_ =	shalt  }
0x46: {  	_ =	shalt  }
0x47: {  	_ =	shalt  }
0x48: {  	_ =	shalt  }
0x49: {  	_ =	shalt  }
0x4a: {  	_ =	shalt  }
0x4b: {  	_ =	shalt  }
0x4c: {  	_ =	shalt  }
0x4d: {  	_ =	shalt  }
0x4e: {  	_ =	shalt  }
0x4f: {  	_ =	shalt  }
0x50: {  	_ =	shalt  }
0x51: {  	_ =	shalt  }
0x52: {  	_ =	shalt  }
0x53: {  	_ =	shalt  }
0x54: {  	_ =	shalt  }
0x55: {  	_ =	shalt  }
0x56: {  	_ =	shalt  }
0x57: {  	_ =	shalt  }
0x58: {  	_ =	shalt  }
0x59: {  	_ =	shalt  }
0x5a: {  	_ =	shalt  }
0x5b: {  	_ =	shalt  }
0x5c: {  	_ =	shalt  }
0x5d: {  	_ =	shalt  }
0x5e: {  	_ =	shalt  }
0x5f: {  	_ =	shalt  }
0x60: {  	_ =	shalt  }
0x61: {  	_ =	shalt  }
0x62: {  	_ =	shalt  }
0x63: {  	_ =	shalt  }
0x64: {  	_ =	shalt  }
0x65: {  	_ =	shalt  }
0x66: {  	_ =	shalt  }
0x67: {  	_ =	shalt  }
0x68: {  	_ =	shalt  }
0x69: {  	_ =	shalt  }
0x6a: {  	_ =	shalt  }
0x6b: {  	_ =	shalt  }
0x6c: {  	_ =	shalt  }
0x6d: {  	_ =	shalt  }
0x6e: {  	_ =	shalt  }
0x6f: {  	_ =	shalt  }
0x70: {  	_ =	shalt  }
0x71: {  	_ =	shalt  }
0x72: {  	_ =	shalt  }
0x73: {  	_ =	shalt  }
0x74: {  	_ =	shalt  }
0x75: {  	_ =	shalt  }
0x76: {  	_ =	shalt  }
0x77: {  	_ =	shalt  }
0x78: {  	_ =	shalt  }
0x79: {  	_ =	shalt  }
0x7a: {  	_ =	shalt  }
0x7b: {  	_ =	shalt  }
0x7c: {  	_ =	shalt  }
0x7d: {  	_ =	shalt  }
0x7e: {  	_ =	shalt  }
0x7f: {  	_ =	shalt  }
0x80: {  	_ =	shalt  }
0x81: {  	_ =	shalt  }
0x82: {  	_ =	shalt  }
0x83: {  	_ =	shalt  }
0x84: {  	_ =	shalt  }
0x85: {  	_ =	shalt  }
0x86: {  	_ =	shalt  }
0x87: {  	_ =	shalt  }
.Lfunc_end0:
.L_simem_size_0:
called_computation_lowered:
.L_overlay_start_0:
0x88: {  	s2 =	sld [smem:$0x3FD9]  }
0x89: {  	s3 =	sld [smem:$0x3FFE];
	_ =	sdelay $0x1  }
0x8a: {  	s1 =	srdreg.scid  }
0x8b: {  	s0 =	sand.u32 $0x1, s1  }
0x8c: {  	s17 =	sshll.u32 s0, $0xA;
	s2 =	sadd.s32 s3, s2  }
0x8d: {  	s2 =	sadd.s32 s2, s17  }
0x8e: {  	[smem:$0x3FC6] =	sst s2  }
0x8f: {  	_ = 	snop  }
0x90: {  	s2 =	sld [smem:$0x3FD0];
	(tm) =	ssettm $0x1  }
0x91: {  	s18 =	sld [smem:$0x3FFB];
	_ =	sdelay $0x3  }
0x92: {  	_ =	strace s18  }
0x93: {  	s3 =	sld [smem:$0x3FFC];
	_ =	sdelay $0x3  }
0x94: {  	_ =	strace s3  }
0x95: {  	s3 =	sld [smem:$0x3FFD];
	_ =	sdelay $0x3  }
0x96: {  	_ =	strace s3  }
0x97: {  	_ =	strace $0x8FFFFFFF  }
0x98: {  	s19 =	sld [smem:$0x3FDB];
	_ =	sdelay $0x1  }
0x99: {  	s4 =	simm.s32 $_scs_section_size  }
0x9a: {  	s5 =	simm.s32 $_size__tile_overlayer_lowered;
	s6 =	simm.s32 $_tile_overlayer_lowered  }
0x9b: {  	s22 =	simm.s32 $0x1BFF;
	s21 =	sshll.u32 s6, $0x1;
	s3 =	sadd.s32 s4, s19  }
0x9c: {  	s7 =	simm.s32 $0x0;
	s20 =	sshll.u32 s5, $0x1;
	s5 =	sadd.s32 s21, s3  }
0x9d: {  	[timem:s7], [sflag:s22] =	dma.local [hbm:s5], s20  }
0x9e: {  	_ =	swait.ge [sflag:s22], s20  }
0x9f: {  	s4 =	ssub.s32 $0x0, s20;
	[sflag:s22] =	ssyncset.done $0x0  }
0xa0: {  	[sflag:s22] =	ssyncadd.s32 s4;
	_ =	sdelay $0x1  }
0xa1: {  	s23 =	simm.s32 $0x1B8B  }
0xa2: {  	_ =	swait.ge [sflag:s23], $0x1  }
0xa3: {  	[sflag:s23] =	ssyncset.done $0x0  }
0xa4: {  	s25 =	simm.s32 $0x1B8E;
	s24 =	sld [smem:$0x3FFE];
	[sflag:s23] =	ssyncadd.s32 $0xFFFFFFFF  }
0xa5: {  	s26 =	simm.s32 $execute0_lowered;
	[smem:$0x3FD2] =	sst s25  }
0xa6: {  	s5 =	sshll.u32 s26, $0x1;
	_ =	strace $0x80000046;
	[dreg:$0x1] =	wrdreg $0xFFFFFFFF  }
0xa7: {  	s28 =	simm.s32 $_size_execute0_lowered;
	s3 =	sadd.s32 s3, s5;
	[dreg:$0x0] =	wrdreg $0x0  }
0xa8: {  	s5 =	sshll.u32 s28, $0x1;
	[dreg:$0x2] =	wrdreg s3  }
0xa9: {  	[dreg:$0x3] =	wrdreg s5  }
0xaa: {  	[dreg:$0x4] =	wrdreg $0xC0  }
0xab: {  	_ =	task [dreg:s7], $0x5FFFF  }
0xac: {  	[dreg:$0x1] =	wrdreg $0xFFFFFFFF  }
0xad: {  	[dreg:$0x0] =	wrdreg $0x60  }
0xae: {  	[dreg:$0x2] =	wrdreg s24  }
0xaf: {  	[dreg:$0x3] =	wrdreg s2  }
0xb0: {  	[dreg:$0x4] =	wrdreg $0x9  }
0xb1: {  	_ =	task.clear_ibuf [dreg:s7], $0x5FFFF;
	_ =	strace $0x90000046  }
0xb2: {  	s29 =	simm.s32 $0x9;
	_ =	strace $0x80000048  }
0xb3: {  	_ =	swait.ge [sflag:s29], $0x1  }
0xb4: {  	[sflag:s29] =	ssyncadd.s32 $0xFFFFFFFF  }
0xb5: {  	_ =	strace $0x90000048  }
0xb6: {  	_ =	sfence  }
0xb7: {  	s30 =	sld [smem:$0x0];
	_ =	sdelay $0x2  }
0xb8: {  	s31 =	sshll.u32 s1, $0xD;
	s1 =	sshrl.u32 s1, $0x2  }
0xb9: {  	s3 =	sand.u32 $0x4000, s31;
	s1 =	sadd.s32 s1, s30  }
0xba: {  	s0 =	sor.u32 s3, s0;
	s1 =	sshll.u32 s1, $0x11  }
0xbb: {  	s0 =	sor.u32 s1, s0  }
0xbc: {  	s0 =	sadd.s32 $0x8F2B, s0  }
0xbd: {  	[sflag:s0] =	ssyncadd.remote.s32 $0x1  }
0xbe: {  	_ =	sfence.sel $0xFFFF  }
0xbf: {  	[dreg:$0x0] =	wrdreg $0xFFFFFFFF;
	(pc) =	sbr.abs _section_cstart, $3  }
0xc0: {  	[dreg:$0x1] =	wrdreg $0xFFFFFFFF  }
0xc1: {  	_ =	task.clear_ibuf [dreg:s7], $0x2FFFF;
	_ =	strace $0x9FFFFFFF  }
0xc2: {  	(tm) =	ssettm $0x7FFFFFFF  }
0xc3: {  	_ =	shalt  }
tec
execute0_lowered:
.L_overlay_start_1:
0x0: {  	(tag) =	ssettag $0x1  }
0x1: {  	s0 =	srdreg.scid  }
0x2: {  	s2 =	stileid.u32;
	s1 =	rddreg [dreg:$0x0];
	v0 =	vlaneseq.u32  }
0x3: {  	s16 =	simm.s32 $0x80;
	s23 =	simm.s32 $0x1;
	s24 =	simm.s32 $0x14800;
	v0 =	vmul.u32 $0x88, v0  }
0x4: {  	s21 =	simm.s32 $0x2;
	s25 =	simm.s32 $0x3;
	s26 =	simm.s32 $0x18C00;
	v1 =	vimm.s32 $0x0;
	vm0 =	vcmask $0x300  }
0x5: {  	s15 =	simm.s32 $0x4;
	s22 =	simm.s32 $0x1AE00;
	s17 =	simm.s32 $0x1C010;
	v1 =	vsel vm0, $0x3, v1;
	v2 =	vadd.s32 $0x880, v0  }
0x6: {  	s18 =	simm.s32 $0x1C098;
	s0 =	sand.u32 $0x1, s0;
	s3 =	sshll.u32 s2, $0x1;
	v3 =	vadd.s32 $0x1100, v0;
	v4 =	vadd.s32 $0x1980, v0;
	v5 =	vor.u32 $0x1, v0  }
0x7: {  	s19 =	simm.s32 $0x0;
	s2 =	rddreg [dreg:$0x1];
	s5 =	sor.u32 s0, s3;
	v6 =	vadd.s32 $0x881, v0;
	v7 =	vadd.s32 $0x1101, v0;
	v8 =	vadd.s32 $0x1981, v0  }
0x8: {  	s3 =	simm.s32 $0x0;
	s0 =	ssub.s32 $0x2, s0;
	s8 =	sadd.s32 $0x8000, s2;
	v9 =	vor.u32 $0x2, v0;
	v10 =	vadd.s32 $0x882, v0;
	v11 =	vadd.s32 $0x1102, v0  }
0x9: {  	s9 =	sadd.s32 $0xC000, s2;
	s10 =	sadd.s32 $0x10000, s2;
	s11 =	sadd.s32 $0x14000, s2;
	v12 =	vadd.s32 $0x1982, v0;
	v13 =	vor.u32 $0x3, v0;
	v14 =	vadd.s32 $0x883, v0  }
0xa: {  	s12 =	sadd.s32 $0x18000, s2;
	s13 =	sadd.s32 $0x1C000, s2;
	s4 =	smul.u32 $0x1900, s5;
	v15 =	vadd.s32 $0x1103, v0;
	v16 =	vadd.s32 $0x1983, v0;
	v17 =	vor.u32 $0x4, v0  }
.Ltmp0:
0xb: {  	[smem:$0x7FF] =	sst s3;
	s7 =	sshrl.u32 s0, $0x1;
	v18 =	vadd.s32 $0x884, v0;
	v19 =	vadd.s32 $0x1104, v0;
	v20 =	vadd.s32 $0x1984, v0;
	(pc) =	sbr.rel .LBB2_1-.Ltmp0, $4  }
0xc: {  	s5 =	smul.u32 $0x190, s5;
	v21 =	vor.u32 $0x5, v0;
	v22 =	vadd.s32 $0x885, v0;
	v23 =	vadd.s32 $0x1105, v0;
	_ =	strace $0x80000047;
	s0 =	ssub.s32 s0, s7  }
0xd: {  	v24 =	vadd.s32 $0x1985, v0;
	v25 =	vor.u32 $0x6, v0;
	v26 =	vadd.s32 $0x886, v0;
	s7 =	sadd.s32 $0x4000, s2;
	s6 =	sadd.s32 s4, s1;
	s0 =	smax.u32 s0, $0x1  }
0xe: {  	v27 =	vadd.s32 $0x1106, v0;
	v28 =	vadd.s32 $0x1986, v0;
	v29 =	vor.u32 $0x7, v0;
	s4 =	sadd.s32 $0xF42A00, s1;
	s31 =	sadd.s32 $0x600, s6;
	[dreg:$0x4] =	wrdreg s0  }
0xf: {  	v30 =	vadd.s32 $0x887, v0;
	v31 =	vadd.s32 $0x1107, v0;
	v32 =	vadd.s32 $0x1987, v0;
	s6 =	simm.s32 $0x16A00;
	s0 =	simm.s32 $0x1BF88;
	[dreg:$0x3] =	wrdreg s31  }
.LBB2_12:
0x10: {  	s1 =	simm.s32 $0x5  }
0x11: {  	_ =	swait.ge [sflag:s1], $0x400  }
0x12: {  	[sflag:s1] =	ssyncset.done $0x0  }
0x13: {  	[sflag:s1] =	ssyncadd.s32 $0xFFFFFC00  }
0x14: {  	_ =	swait.ge [sflag:s1], $0x400  }
0x15: {  	[sflag:s1] =	ssyncset.done $0x0  }
0x16: {  	[sflag:s1] =	ssyncadd.s32 $0xFFFFFC00  }
0x17: {  	_ =	swait.ge [sflag:s1], $0x400  }
0x18: {  	[sflag:s1] =	ssyncset.done $0x0  }
0x19: {  	[sflag:s1] =	ssyncadd.s32 $0xFFFFFC00  }
0x1a: {  	_ =	swait.ge [sflag:s1], $0x400  }
0x1b: {  	[sflag:s1] =	ssyncset.done $0x0  }
0x1c: {  	[sflag:s1] =	ssyncadd.s32 $0xFFFFFC00  }
0x1d: {  	_ =	swait.ge [sflag:s1], $0x400  }
0x1e: {  	[sflag:s1] =	ssyncset.done $0x0  }
0x1f: {  	[sflag:s1] =	ssyncadd.s32 $0xFFFFFC00  }
0x20: {  	_ =	swait.ge [sflag:s1], $0x400  }
0x21: {  	[sflag:s1] =	ssyncset.done $0x0  }
0x22: {  	[sflag:s1] =	ssyncadd.s32 $0xFFFFFC00  }
0x23: {  	_ =	swait.ge [sflag:s1], $0x400  }
0x24: {  	[sflag:s1] =	ssyncset.done $0x0  }
0x25: {  	[sflag:s1] =	ssyncadd.s32 $0xFFFFFC00  }
0x26: {  	_ =	swait.ge [sflag:s1], $0x400  }
0x27: {  	[sflag:s1] =	ssyncset.done $0x0  }
0x28: {  	s29 =	simm.s32 $0x6;
	[sflag:s1] =	ssyncadd.s32 $0xFFFFFC00  }
0x29: {  	_ =	swait.ge [sflag:s29], $0x400  }
0x2a: {  	[sflag:s29] =	ssyncset.done $0x0  }
0x2b: {  	[sflag:s29] =	ssyncadd.s32 $0xFFFFFC00  }
0x2c: {  	_ =	swait.ge [sflag:s29], $0x400  }
0x2d: {  	[sflag:s29] =	ssyncset.done $0x0  }
0x2e: {  	[sflag:s29] =	ssyncadd.s32 $0xFFFFFC00  }
0x2f: {  	_ =	swait.ge [sflag:s29], $0x400  }
0x30: {  	[sflag:s29] =	ssyncset.done $0x0  }
0x31: {  	[sflag:s29] =	ssyncadd.s32 $0xFFFFFC00  }
0x32: {  	_ =	swait.ge [sflag:s29], $0x400  }
0x33: {  	[sflag:s29] =	ssyncset.done $0x0  }
0x34: {  	[sflag:s29] =	ssyncadd.s32 $0xFFFFFC00  }
0x35: {  	_ =	swait.ge [sflag:s29], $0x400  }
0x36: {  	[sflag:s29] =	ssyncset.done $0x0  }
0x37: {  	[sflag:s29] =	ssyncadd.s32 $0xFFFFFC00  }
0x38: {  	_ =	swait.ge [sflag:s29], $0x400  }
0x39: {  	[sflag:s29] =	ssyncset.done $0x0  }
0x3a: {  	[sflag:s29] =	ssyncadd.s32 $0xFFFFFC00  }
0x3b: {  	_ =	swait.ge [sflag:s29], $0x400  }
0x3c: {  	[sflag:s29] =	ssyncset.done $0x0  }
0x3d: {  	[sflag:s29] =	ssyncadd.s32 $0xFFFFFC00  }
0x3e: {  	_ =	swait.ge [sflag:s29], $0x400  }
0x3f: {  	[sflag:s29] =	ssyncset.done $0x0  }
0x40: {  	s30 =	simm.s32 $0x7;
	[sflag:s29] =	ssyncadd.s32 $0xFFFFFC00  }
0x41: {  	_ =	swait.ge [sflag:s30], $0x400  }
0x42: {  	[sflag:s30] =	ssyncset.done $0x0  }
0x43: {  	[sflag:s30] =	ssyncadd.s32 $0xFFFFFC00  }
0x44: {  	_ =	swait.ge [sflag:s30], $0x400  }
0x45: {  	[sflag:s30] =	ssyncset.done $0x0  }
0x46: {  	[sflag:s30] =	ssyncadd.s32 $0xFFFFFC00  }
0x47: {  	_ =	swait.ge [sflag:s30], $0x400  }
0x48: {  	[sflag:s30] =	ssyncset.done $0x0  }
0x49: {  	[sflag:s30] =	ssyncadd.s32 $0xFFFFFC00  }
0x4a: {  	_ =	swait.ge [sflag:s30], $0x400  }
0x4b: {  	[sflag:s30] =	ssyncset.done $0x0  }
0x4c: {  	[sflag:s30] =	ssyncadd.s32 $0xFFFFFC00  }
0x4d: {  	_ =	swait.ge [sflag:s30], $0x400  }
0x4e: {  	[sflag:s30] =	ssyncset.done $0x0  }
0x4f: {  	[sflag:s30] =	ssyncadd.s32 $0xFFFFFC00  }
0x50: {  	_ =	swait.ge [sflag:s30], $0x400  }
0x51: {  	[sflag:s30] =	ssyncset.done $0x0  }
0x52: {  	[sflag:s30] =	ssyncadd.s32 $0xFFFFFC00  }
0x53: {  	_ =	swait.ge [sflag:s30], $0x400  }
0x54: {  	[sflag:s30] =	ssyncset.done $0x0  }
0x55: {  	[sflag:s30] =	ssyncadd.s32 $0xFFFFFC00  }
0x56: {  	_ =	swait.ge [sflag:s30], $0x400  }
0x57: {  	[sflag:s30] =	ssyncset.done $0x0  }
0x58: {  	s14 =	simm.s32 $0x8;
	[sflag:s30] =	ssyncadd.s32 $0xFFFFFC00  }
0x59: {  	_ =	swait.ge [sflag:s14], $0x400  }
0x5a: {  	[sflag:s14] =	ssyncset.done $0x0  }
0x5b: {  	[sflag:s14] =	ssyncadd.s32 $0xFFFFFC00  }
0x5c: {  	_ =	swait.ge [sflag:s14], $0x400  }
0x5d: {  	[sflag:s14] =	ssyncset.done $0x0  }
0x5e: {  	[sflag:s14] =	ssyncadd.s32 $0xFFFFFC00  }
0x5f: {  	_ =	swait.ge [sflag:s14], $0x400  }
0x60: {  	[sflag:s14] =	ssyncset.done $0x0  }
0x61: {  	[sflag:s14] =	ssyncadd.s32 $0xFFFFFC00  }
0x62: {  	_ =	swait.ge [sflag:s14], $0x400  }
0x63: {  	[sflag:s14] =	ssyncset.done $0x0  }
0x64: {  	[sflag:s14] =	ssyncadd.s32 $0xFFFFFC00  }
0x65: {  	_ =	swait.ge [sflag:s14], $0x400  }
0x66: {  	[sflag:s14] =	ssyncset.done $0x0  }
0x67: {  	[sflag:s14] =	ssyncadd.s32 $0xFFFFFC00  }
0x68: {  	_ =	swait.ge [sflag:s14], $0x400  }
0x69: {  	[sflag:s14] =	ssyncset.done $0x0  }
0x6a: {  	[sflag:s14] =	ssyncadd.s32 $0xFFFFFC00  }
0x6b: {  	_ =	swait.ge [sflag:s14], $0x400  }
0x6c: {  	[sflag:s14] =	ssyncset.done $0x0  }
0x6d: {  	[sflag:s14] =	ssyncadd.s32 $0xFFFFFC00  }
0x6e: {  	_ =	swait.ge [sflag:s14], $0x400  }
0x6f: {  	s19 =	rddreg [dreg:$0x5]  }
0x70: {  	s31 =	rddreg [dreg:$0x4];
	s19 =	sadd.s32 $0x1, s19  }
0x71: {  	p0 =	sne.s32 s19, s31  }
.Ltmp1:
0x72: {  	_ = 	snop;
	(pc) =	sbr.rel @!p0 .LBB2_13-.Ltmp1, $3  }
0x73: {  	_ =	sdelay $0x1  }
0x74: {  	[sflag:s14] =	ssyncset.done $0x0  }
0x75: {  	[sflag:s14] =	ssyncadd.s32 $0xFFFFFC00  }
.LBB2_1:
0x76: {  	[dreg:$0x5] =	wrdreg s19  }
0x77: {  	s1 =	rddreg [dreg:$0x3];
	s19 =	simm.s32 $0x9  }
0x78: {  	[tilespmem:s3], [sflag:$0x9] =	stream.linear.gather [hbm4b:s1+s3], $0xC800, $0x38;
	[tilespmem:$0x1D000] =	vst v63  }
0x79: {  	_ =	swait.ge [sflag:s19], $0xC800  }
0x7a: {  	[sflag:s19] =	ssyncset.done $0x0  }
0x7b: {  	s20 =	simm.s32 $0xC800;
	[sflag:s19] =	ssyncadd.s32 $0xFFFF3800  }
0x7c: {  	[tilespmem:s20], [sflag:$0x1] =	stream.indirect.gather [hbm4b:s4+s16], $0x40, s3, s16, $0xb8;
	[tilespmem:$0x1D000] =	vst v63  }
0x7d: {  	s28 =	simm.s32 $0xE800  }
0x7e: {  	[tilespmem:s28], [sflag:$0x2] =	stream.indirect.gather [hbm4b:s4+s16], $0x40, s16, s16, $0xb8;
	[tilespmem:$0x1D000] =	vst v63  }
0x7f: {  	s29 =	simm.s32 $0x100;
	s14 =	simm.s32 $0x10800  }
0x80: {  	[tilespmem:s14], [sflag:$0x3] =	stream.indirect.gather [hbm4b:s4+s16], $0x40, s29, s16, $0xb8;
	[tilespmem:$0x1D000] =	vst v63  }
0x81: {  	s30 =	simm.s32 $0x180;
	s31 =	simm.s32 $0x12800;
	s19 =	simm.s32 $0x0  }
0x82: {  	[tilespmem:s31], [sflag:$0x4] =	stream.indirect.gather [hbm4b:s4+s16], $0x40, s30, s16, $0xb8;
	[tilespmem:$0x1D000] =	vst v63  }
.LBB2_2:
0x83: {  	_ =	swait.ge [sflag:s23], $0x2000  }
0x84: {  	p0 =	seq.s32 s19, $0x0;
	[sflag:s23] =	ssyncset.done $0x0  }
0x85: {  	s14 =	simm.s32 @!p0 $0x5;
	[sflag:s23] =	ssyncadd.s32 $0xFFFFE000  }
0x86: {  	_ =	swait.ge @!p0 [sflag:s14], $0x400  }
0x87: {  	[sflag:s14] =	ssyncset.done @!p0 $0x0  }
0x88: {  	[sflag:s14] =	ssyncadd.s32 @!p0 $0xFFFFFC00  }
0x89: {  	_ =	swait.ge @!p0 [sflag:s14], $0x400  }
0x8a: {  	[sflag:s14] =	ssyncset.done @!p0 $0x0  }
0x8b: {  	[sflag:s14] =	ssyncadd.s32 @!p0 $0xFFFFFC00  }
0x8c: {  	_ =	swait.ge @!p0 [sflag:s14], $0x400  }
0x8d: {  	[sflag:s14] =	ssyncset.done @!p0 $0x0  }
0x8e: {  	[sflag:s14] =	ssyncadd.s32 @!p0 $0xFFFFFC00  }
0x8f: {  	_ =	swait.ge @!p0 [sflag:s14], $0x400  }
0x90: {  	[sflag:s14] =	ssyncset.done @!p0 $0x0  }
0x91: {  	[sflag:s14] =	ssyncadd.s32 @!p0 $0xFFFFFC00  }
0x92: {  	_ =	swait.ge @!p0 [sflag:s14], $0x400  }
0x93: {  	[sflag:s14] =	ssyncset.done @!p0 $0x0  }
0x94: {  	[sflag:s14] =	ssyncadd.s32 @!p0 $0xFFFFFC00  }
0x95: {  	_ =	swait.ge @!p0 [sflag:s14], $0x400  }
0x96: {  	[sflag:s14] =	ssyncset.done @!p0 $0x0  }
0x97: {  	[sflag:s14] =	ssyncadd.s32 @!p0 $0xFFFFFC00  }
0x98: {  	s20 =	simm.s32 $0x0;
	_ =	swait.ge @!p0 [sflag:s14], $0x400  }
0x99: {  	v33 =	vmov s20;
	[sflag:s14] =	ssyncset.done @!p0 $0x0  }
0x9a: {  	v33 =	vshrl.u32 v33, $0x3;
	[sflag:s14] =	ssyncadd.s32 @!p0 $0xFFFFFC00  }
0x9b: {  	v33 =	vshll.u32 v33, v1;
	_ =	swait.ge @!p0 [sflag:s14], $0x400  }
0x9c: {  	v33 =	vbroadcast v33, $0x0;
	[sflag:s14] =	ssyncset.done @!p0 $0x0  }
0x9d: {  	s28 =	simm.s32 $0xC900;
	[sflag:s14] =	ssyncadd.s32 @!p0 $0xFFFFFC00  }
0x9e: {  	v35 =	vadd.s32 v0, v33;
	v34 =	vld [tilespmem:s28+$0xFFFFFF00];
	_ =	sdelay $0x4  }
0x9f: {  	[tilespmem:v35+s24+$0x0] =	vst.idx.msk $0xffff, v34  }
0xa0: {  	v56 =	vadd.s32 v2, v33;
	v34 =	vld [tilespmem:s28+$0xFFFFFF10];
	_ =	sdelay $0x4  }
0xa1: {  	[tilespmem:v56+s24+$0x0] =	vst.idx.msk $0xffff, v34  }
0xa2: {  	v57 =	vadd.s32 v3, v33;
	v34 =	vld [tilespmem:s28+$0xFFFFFF20];
	_ =	sdelay $0x4  }
0xa3: {  	[tilespmem:v57+s24+$0x0] =	vst.idx.msk $0xffff, v34  }
0xa4: {  	s31 =	simm.s32 $0x1;
	v33 =	vadd.s32 v4, v33;
	v34 =	vld [tilespmem:s28+$0xFFFFFF30]  }
0xa5: {  	v58 =	vmov s31  }
0xa6: {  	v35 =	vshrl.u32 v58, $0x3  }
0xa7: {  	v35 =	vshll.u32 v35, v1  }
0xa8: {  	v35 =	vbroadcast v35, $0x0  }
0xa9: {  	[tilespmem:v33+s24+$0x0] =	vst.idx.msk $0xffff, v34  }
0xaa: {  	v59 =	vadd.s32 v5, v35;
	v33 =	vld [tilespmem:s28+$0xFFFFFF40];
	_ =	sdelay $0x4  }
0xab: {  	[tilespmem:v59+s24+$0x0] =	vst.idx.msk $0xffff, v33  }
0xac: {  	v60 =	vadd.s32 v6, v35;
	v33 =	vld [tilespmem:s28+$0xFFFFFF50];
	_ =	sdelay $0x4  }
0xad: {  	[tilespmem:v60+s24+$0x0] =	vst.idx.msk $0xffff, v33  }
0xae: {  	v61 =	vadd.s32 v7, v35;
	v33 =	vld [tilespmem:s28+$0xFFFFFF60];
	_ =	sdelay $0x4  }
0xaf: {  	[tilespmem:v61+s24+$0x0] =	vst.idx.msk $0xffff, v33  }
0xb0: {  	s1 =	simm.s32 $0x2;
	v62 =	vadd.s32 v8, v35;
	v33 =	vld [tilespmem:s28+$0xFFFFFF70]  }
0xb1: {  	v63 =	vmov s1  }
0xb2: {  	v35 =	vshrl.u32 v63, $0x3  }
0xb3: {  	v35 =	vshll.u32 v35, v1  }
0xb4: {  	v35 =	vbroadcast v35, $0x0  }
0xb5: {  	[tilespmem:v62+s24+$0x0] =	vst.idx.msk $0xffff, v33  }
0xb6: {  	v36 =	vadd.s32 v9, v35;
	v33 =	vld [tilespmem:s28+$0xFFFFFF80];
	_ =	sdelay $0x4  }
0xb7: {  	[tilespmem:v36+s24+$0x0] =	vst.idx.msk $0xffff, v33  }
0xb8: {  	v37 =	vadd.s32 v10, v35;
	v33 =	vld [tilespmem:s28+$0xFFFFFF90];
	_ =	sdelay $0x4  }
0xb9: {  	[tilespmem:v37+s24+$0x0] =	vst.idx.msk $0xffff, v33  }
0xba: {  	v38 =	vadd.s32 v11, v35;
	v33 =	vld [tilespmem:s28+$0xFFFFFFA0];
	_ =	sdelay $0x4  }
0xbb: {  	[tilespmem:v38+s24+$0x0] =	vst.idx.msk $0xffff, v33  }
0xbc: {  	s20 =	simm.s32 $0x3;
	v39 =	vadd.s32 v12, v35;
	v33 =	vld [tilespmem:s28+$0xFFFFFFB0]  }
0xbd: {  	v40 =	vmov s20  }
0xbe: {  	v35 =	vshrl.u32 v40, $0x3  }
0xbf: {  	v35 =	vshll.u32 v35, v1  }
0xc0: {  	v35 =	vbroadcast v35, $0x0  }
0xc1: {  	[tilespmem:v39+s24+$0x0] =	vst.idx.msk $0xffff, v33  }
0xc2: {  	v41 =	vadd.s32 v13, v35;
	v33 =	vld [tilespmem:s28+$0xFFFFFFC0];
	_ =	sdelay $0x4  }
0xc3: {  	[tilespmem:v41+s24+$0x0] =	vst.idx.msk $0xffff, v33  }
0xc4: {  	v42 =	vadd.s32 v14, v35;
	v33 =	vld [tilespmem:s28+$0xFFFFFFD0];
	_ =	sdelay $0x4  }
0xc5: {  	[tilespmem:v42+s24+$0x0] =	vst.idx.msk $0xffff, v33  }
0xc6: {  	v43 =	vadd.s32 v15, v35;
	v33 =	vld [tilespmem:s28+$0xFFFFFFE0];
	_ =	sdelay $0x4  }
0xc7: {  	[tilespmem:v43+s24+$0x0] =	vst.idx.msk $0xffff, v33  }
0xc8: {  	s31 =	simm.s32 $0x4;
	v44 =	vadd.s32 v16, v35;
	v33 =	vld [tilespmem:s28+$0xFFFFFFF0]  }
0xc9: {  	v45 =	vmov s31  }
0xca: {  	v35 =	vshrl.u32 v45, $0x3  }
0xcb: {  	v35 =	vshll.u32 v35, v1  }
0xcc: {  	v35 =	vbroadcast v35, $0x0  }
0xcd: {  	[tilespmem:v44+s24+$0x0] =	vst.idx.msk $0xffff, v33  }
0xce: {  	v46 =	vadd.s32 v17, v35;
	v33 =	vld [tilespmem:s28+$0x0];
	_ =	sdelay $0x4  }
0xcf: {  	[tilespmem:v46+s24+$0x0] =	vst.idx.msk $0xffff, v33  }
0xd0: {  	v47 =	vadd.s32 v18, v35;
	v33 =	vld [tilespmem:s28+$0x10];
	_ =	sdelay $0x4  }
0xd1: {  	[tilespmem:v47+s24+$0x0] =	vst.idx.msk $0xffff, v33  }
0xd2: {  	v48 =	vadd.s32 v19, v35;
	v33 =	vld [tilespmem:s28+$0x20];
	_ =	sdelay $0x4  }
0xd3: {  	[tilespmem:v48+s24+$0x0] =	vst.idx.msk $0xffff, v33  }
0xd4: {  	s1 =	simm.s32 $0x5;
	v49 =	vadd.s32 v20, v35;
	v33 =	vld [tilespmem:s28+$0x30]  }
0xd5: {  	v50 =	vmov s1  }
0xd6: {  	v35 =	vshrl.u32 v50, $0x3  }
0xd7: {  	v35 =	vshll.u32 v35, v1  }
0xd8: {  	v35 =	vbroadcast v35, $0x0  }
0xd9: {  	[tilespmem:v49+s24+$0x0] =	vst.idx.msk $0xffff, v33  }
0xda: {  	v51 =	vadd.s32 v21, v35;
	v33 =	vld [tilespmem:s28+$0x40];
	_ =	sdelay $0x4  }
0xdb: {  	[tilespmem:v51+s24+$0x0] =	vst.idx.msk $0xffff, v33  }
0xdc: {  	v52 =	vadd.s32 v22, v35;
	v33 =	vld [tilespmem:s28+$0x50];
	_ =	sdelay $0x4  }
0xdd: {  	[tilespmem:v52+s24+$0x0] =	vst.idx.msk $0xffff, v33  }
0xde: {  	v53 =	vadd.s32 v23, v35;
	v33 =	vld [tilespmem:s28+$0x60];
	_ =	sdelay $0x4  }
0xdf: {  	[tilespmem:v53+s24+$0x0] =	vst.idx.msk $0xffff, v33  }
0xe0: {  	s20 =	simm.s32 $0x6;
	v54 =	vadd.s32 v24, v35;
	v33 =	vld [tilespmem:s28+$0x70]  }
0xe1: {  	v55 =	vmov s20  }
0xe2: {  	v35 =	vshrl.u32 v55, $0x3  }
0xe3: {  	v35 =	vshll.u32 v35, v1  }
0xe4: {  	v35 =	vbroadcast v35, $0x0  }
0xe5: {  	[tilespmem:v54+s24+$0x0] =	vst.idx.msk $0xffff, v33  }
0xe6: {  	v56 =	vadd.s32 v25, v35;
	v33 =	vld [tilespmem:s28+$0x80];
	_ =	sdelay $0x4  }
0xe7: {  	[tilespmem:v56+s24+$0x0] =	vst.idx.msk $0xffff, v33  }
0xe8: {  	v57 =	vadd.s32 v26, v35;
	v33 =	vld [tilespmem:s28+$0x90];
	_ =	sdelay $0x4  }
0xe9: {  	[tilespmem:v57+s24+$0x0] =	vst.idx.msk $0xffff, v33  }
0xea: {  	v58 =	vadd.s32 v27, v35;
	v33 =	vld [tilespmem:s28+$0xA0];
	_ =	sdelay $0x4  }
0xeb: {  	[tilespmem:v58+s24+$0x0] =	vst.idx.msk $0xffff, v33  }
0xec: {  	s31 =	simm.s32 $0x7;
	v59 =	vadd.s32 v28, v35;
	v33 =	vld [tilespmem:s28+$0xB0]  }
0xed: {  	v60 =	vmov s31  }
0xee: {  	v35 =	vshrl.u32 v60, $0x3  }
0xef: {  	v35 =	vshll.u32 v35, v1  }
0xf0: {  	v35 =	vbroadcast v35, $0x0  }
0xf1: {  	[tilespmem:v59+s24+$0x0] =	vst.idx.msk $0xffff, v33  }
0xf2: {  	v61 =	vadd.s32 v29, v35;
	v33 =	vld [tilespmem:s28+$0xC0];
	_ =	sdelay $0x4  }
0xf3: {  	[tilespmem:v61+s24+$0x0] =	vst.idx.msk $0xffff, v33  }
0xf4: {  	v62 =	vadd.s32 v30, v35;
	v33 =	vld [tilespmem:s28+$0xD0];
	_ =	sdelay $0x4  }
0xf5: {  	[tilespmem:v62+s24+$0x0] =	vst.idx.msk $0xffff, v33  }
0xf6: {  	v63 =	vadd.s32 v31, v35;
	v33 =	vld [tilespmem:s28+$0xE0];
	_ =	sdelay $0x4  }
0xf7: {  	[tilespmem:v63+s24+$0x0] =	vst.idx.msk $0xffff, v33  }
0xf8: {  	s29 =	simm.s32 $0x8;
	s20 =	sshll.u32 s19, $0x2;
	v34 =	vadd.s32 v32, v35;
	v33 =	vld [tilespmem:s28+$0xF0]  }
0xf9: {  	s30 =	simm.s32 $0x10;
	s14 =	sadd.s32 s5, s20;
	v35 =	vmov s29  }
.LBB2_3:
0xfa: {  	p1 =	slt.u32 s30, $0x78;
	v35 =	vshrl.u32 v35, $0x3  }
0xfb: {  	v35 =	vshll.u32 v35, v1  }
0xfc: {  	v35 =	vbroadcast v35, $0x0  }
0xfd: {  	s28 =	sadd.s32 $0x200, s28;
	[tilespmem:v34+s24+$0x0] =	vst.idx.msk $0xffff, v33  }
0xfe: {  	v33 =	vld [tilespmem:s28+$0xFFFFFF00];
	v34 =	vadd.s32 v0, v35;
	_ =	sdelay $0x4  }
0xff: {  	[tilespmem:v34+s24+$0x0] =	vst.idx.msk $0xffff, v33  }
0x100: {  	v34 =	vadd.s32 v2, v35;
	v33 =	vld [tilespmem:s28+$0xFFFFFF10];
	_ =	sdelay $0x4  }
0x101: {  	[tilespmem:v34+s24+$0x0] =	vst.idx.msk $0xffff, v33  }
0x102: {  	v34 =	vadd.s32 v3, v35;
	v33 =	vld [tilespmem:s28+$0xFFFFFF20];
	_ =	sdelay $0x4  }
0x103: {  	[tilespmem:v34+s24+$0x0] =	vst.idx.msk $0xffff, v33  }
0x104: {  	s31 =	sadd.s32 $0x1, s29;
	v34 =	vadd.s32 v4, v35;
	v33 =	vld [tilespmem:s28+$0xFFFFFF30]  }
0x105: {  	v35 =	vmov s31  }
0x106: {  	v35 =	vshrl.u32 v35, $0x3  }
0x107: {  	v35 =	vshll.u32 v35, v1  }
0x108: {  	v35 =	vbroadcast v35, $0x0  }
0x109: {  	[tilespmem:v34+s24+$0x0] =	vst.idx.msk $0xffff, v33  }
0x10a: {  	v34 =	vadd.s32 v5, v35;
	v33 =	vld [tilespmem:s28+$0xFFFFFF40];
	_ =	sdelay $0x4  }
0x10b: {  	[tilespmem:v34+s24+$0x0] =	vst.idx.msk $0xffff, v33  }
0x10c: {  	v34 =	vadd.s32 v6, v35;
	v33 =	vld [tilespmem:s28+$0xFFFFFF50];
	_ =	sdelay $0x4  }
0x10d: {  	[tilespmem:v34+s24+$0x0] =	vst.idx.msk $0xffff, v33  }
0x10e: {  	v34 =	vadd.s32 v7, v35;
	v33 =	vld [tilespmem:s28+$0xFFFFFF60];
	_ =	sdelay $0x4  }
0x10f: {  	[tilespmem:v34+s24+$0x0] =	vst.idx.msk $0xffff, v33  }
0x110: {  	s31 =	sadd.s32 $0x2, s29;
	v34 =	vadd.s32 v8, v35;
	v33 =	vld [tilespmem:s28+$0xFFFFFF70]  }
0x111: {  	v35 =	vmov s31  }
0x112: {  	v35 =	vshrl.u32 v35, $0x3  }
0x113: {  	v35 =	vshll.u32 v35, v1  }
0x114: {  	v35 =	vbroadcast v35, $0x0  }
0x115: {  	[tilespmem:v34+s24+$0x0] =	vst.idx.msk $0xffff, v33  }
0x116: {  	v34 =	vadd.s32 v9, v35;
	v33 =	vld [tilespmem:s28+$0xFFFFFF80];
	_ =	sdelay $0x4  }
0x117: {  	[tilespmem:v34+s24+$0x0] =	vst.idx.msk $0xffff, v33  }
0x118: {  	v34 =	vadd.s32 v10, v35;
	v33 =	vld [tilespmem:s28+$0xFFFFFF90];
	_ =	sdelay $0x4  }
0x119: {  	[tilespmem:v34+s24+$0x0] =	vst.idx.msk $0xffff, v33  }
0x11a: {  	v34 =	vadd.s32 v11, v35;
	v33 =	vld [tilespmem:s28+$0xFFFFFFA0];
	_ =	sdelay $0x4  }
0x11b: {  	[tilespmem:v34+s24+$0x0] =	vst.idx.msk $0xffff, v33  }
0x11c: {  	s31 =	sadd.s32 $0x3, s29;
	v34 =	vadd.s32 v12, v35;
	v33 =	vld [tilespmem:s28+$0xFFFFFFB0]  }
0x11d: {  	v35 =	vmov s31  }
0x11e: {  	v35 =	vshrl.u32 v35, $0x3  }
0x11f: {  	v35 =	vshll.u32 v35, v1  }
0x120: {  	v35 =	vbroadcast v35, $0x0  }
0x121: {  	[tilespmem:v34+s24+$0x0] =	vst.idx.msk $0xffff, v33  }
0x122: {  	v34 =	vadd.s32 v13, v35;
	v33 =	vld [tilespmem:s28+$0xFFFFFFC0];
	_ =	sdelay $0x4  }
0x123: {  	[tilespmem:v34+s24+$0x0] =	vst.idx.msk $0xffff, v33  }
0x124: {  	v34 =	vadd.s32 v14, v35;
	v33 =	vld [tilespmem:s28+$0xFFFFFFD0];
	_ =	sdelay $0x4  }
0x125: {  	[tilespmem:v34+s24+$0x0] =	vst.idx.msk $0xffff, v33  }
0x126: {  	v34 =	vadd.s32 v15, v35;
	v33 =	vld [tilespmem:s28+$0xFFFFFFE0];
	_ =	sdelay $0x4  }
0x127: {  	[tilespmem:v34+s24+$0x0] =	vst.idx.msk $0xffff, v33  }
0x128: {  	s31 =	sadd.s32 $0x4, s29;
	v34 =	vadd.s32 v16, v35;
	v33 =	vld [tilespmem:s28+$0xFFFFFFF0]  }
0x129: {  	v35 =	vmov s31  }
0x12a: {  	v35 =	vshrl.u32 v35, $0x3  }
0x12b: {  	v35 =	vshll.u32 v35, v1  }
0x12c: {  	v35 =	vbroadcast v35, $0x0  }
0x12d: {  	[tilespmem:v34+s24+$0x0] =	vst.idx.msk $0xffff, v33  }
0x12e: {  	v34 =	vadd.s32 v17, v35;
	v33 =	vld [tilespmem:s28+$0x0];
	_ =	sdelay $0x4  }
0x12f: {  	[tilespmem:v34+s24+$0x0] =	vst.idx.msk $0xffff, v33  }
0x130: {  	v34 =	vadd.s32 v18, v35;
	v33 =	vld [tilespmem:s28+$0x10];
	_ =	sdelay $0x4  }
0x131: {  	[tilespmem:v34+s24+$0x0] =	vst.idx.msk $0xffff, v33  }
0x132: {  	v34 =	vadd.s32 v19, v35;
	v33 =	vld [tilespmem:s28+$0x20];
	_ =	sdelay $0x4  }
0x133: {  	[tilespmem:v34+s24+$0x0] =	vst.idx.msk $0xffff, v33  }
0x134: {  	s31 =	sadd.s32 $0x5, s29;
	v34 =	vadd.s32 v20, v35;
	v33 =	vld [tilespmem:s28+$0x30]  }
0x135: {  	v35 =	vmov s31  }
0x136: {  	v35 =	vshrl.u32 v35, $0x3  }
0x137: {  	v35 =	vshll.u32 v35, v1  }
0x138: {  	v35 =	vbroadcast v35, $0x0  }
0x139: {  	[tilespmem:v34+s24+$0x0] =	vst.idx.msk $0xffff, v33  }
0x13a: {  	v34 =	vadd.s32 v21, v35;
	v33 =	vld [tilespmem:s28+$0x40];
	_ =	sdelay $0x4  }
0x13b: {  	[tilespmem:v34+s24+$0x0] =	vst.idx.msk $0xffff, v33  }
0x13c: {  	v34 =	vadd.s32 v22, v35;
	v33 =	vld [tilespmem:s28+$0x50];
	_ =	sdelay $0x4  }
0x13d: {  	[tilespmem:v34+s24+$0x0] =	vst.idx.msk $0xffff, v33  }
0x13e: {  	v34 =	vadd.s32 v23, v35;
	v33 =	vld [tilespmem:s28+$0x60];
	_ =	sdelay $0x4  }
0x13f: {  	[tilespmem:v34+s24+$0x0] =	vst.idx.msk $0xffff, v33  }
0x140: {  	s31 =	sadd.s32 $0x6, s29;
	v34 =	vadd.s32 v24, v35;
	v33 =	vld [tilespmem:s28+$0x70]  }
0x141: {  	v35 =	vmov s31  }
0x142: {  	v35 =	vshrl.u32 v35, $0x3  }
0x143: {  	v35 =	vshll.u32 v35, v1  }
0x144: {  	v35 =	vbroadcast v35, $0x0  }
0x145: {  	[tilespmem:v34+s24+$0x0] =	vst.idx.msk $0xffff, v33  }
0x146: {  	v34 =	vadd.s32 v25, v35;
	v33 =	vld [tilespmem:s28+$0x80];
	_ =	sdelay $0x4  }
0x147: {  	[tilespmem:v34+s24+$0x0] =	vst.idx.msk $0xffff, v33  }
0x148: {  	v34 =	vadd.s32 v26, v35;
	v33 =	vld [tilespmem:s28+$0x90];
	_ =	sdelay $0x4  }
0x149: {  	[tilespmem:v34+s24+$0x0] =	vst.idx.msk $0xffff, v33  }
0x14a: {  	v34 =	vadd.s32 v27, v35;
	v33 =	vld [tilespmem:s28+$0xA0];
	_ =	sdelay $0x4  }
0x14b: {  	[tilespmem:v34+s24+$0x0] =	vst.idx.msk $0xffff, v33  }
0x14c: {  	s31 =	sadd.s32 $0x7, s29;
	s29 =	smov.u32 s30;
	v34 =	vadd.s32 v28, v35;
	v33 =	vld [tilespmem:s28+$0xB0]  }
0x14d: {  	v35 =	vmov s31  }
0x14e: {  	v35 =	vshrl.u32 v35, $0x3  }
0x14f: {  	v35 =	vshll.u32 v35, v1  }
0x150: {  	v35 =	vbroadcast v35, $0x0  }
0x151: {  	[tilespmem:v34+s24+$0x0] =	vst.idx.msk $0xffff, v33  }
0x152: {  	v34 =	vadd.s32 v29, v35;
	v33 =	vld [tilespmem:s28+$0xC0];
	_ =	sdelay $0x4  }
0x153: {  	[tilespmem:v34+s24+$0x0] =	vst.idx.msk $0xffff, v33  }
0x154: {  	v34 =	vadd.s32 v30, v35;
	v33 =	vld [tilespmem:s28+$0xD0];
	_ =	sdelay $0x4  }
0x155: {  	[tilespmem:v34+s24+$0x0] =	vst.idx.msk $0xffff, v33  }
0x156: {  	v34 =	vadd.s32 v31, v35;
	v33 =	vld [tilespmem:s28+$0xE0];
	_ =	sdelay $0x2  }
.Ltmp2:
0x157: {  	(pc) =	sbr.rel @p1 .LBB2_3-.Ltmp2, $4  }
0x158: {  	_ = 	snop  }
0x159: {  	[tilespmem:v34+s24+$0x0] =	vst.idx.msk $0xffff, v33  }
0x15a: {  	v34 =	vadd.s32 v32, v35;
	v33 =	vld [tilespmem:s28+$0xF0]  }
0x15b: {  	s30 =	sadd.s32 $0x8, s30;
	v35 =	vmov s29  }
0x15c: {  	_ = 	snop  }
0x15d: {  	v35 =	vshrl.u32 v35, $0x3  }
0x15e: {  	v35 =	vshll.u32 v35, v1  }
0x15f: {  	v35 =	vbroadcast v35, $0x0  }
0x160: {  	s28 =	sadd.s32 $0x200, s28;
	[tilespmem:v34+s24+$0x0] =	vst.idx.msk $0xffff, v33  }
0x161: {  	v33 =	vld [tilespmem:s28+$0xFFFFFF00];
	v42 =	vadd.s32 v0, v35;
	_ =	sdelay $0x4  }
0x162: {  	[tilespmem:v42+s24+$0x0] =	vst.idx.msk $0xffff, v33  }
0x163: {  	v43 =	vadd.s32 v2, v35;
	v33 =	vld [tilespmem:s28+$0xFFFFFF10];
	_ =	sdelay $0x4  }
0x164: {  	[tilespmem:v43+s24+$0x0] =	vst.idx.msk $0xffff, v33  }
0x165: {  	v44 =	vadd.s32 v3, v35;
	v33 =	vld [tilespmem:s28+$0xFFFFFF20];
	_ =	sdelay $0x4  }
0x166: {  	[tilespmem:v44+s24+$0x0] =	vst.idx.msk $0xffff, v33  }
0x167: {  	s30 =	sadd.s32 $0x1, s29;
	v45 =	vadd.s32 v4, v35;
	v33 =	vld [tilespmem:s28+$0xFFFFFF30]  }
0x168: {  	v46 =	vmov s30  }
0x169: {  	v35 =	vshrl.u32 v46, $0x3  }
0x16a: {  	v35 =	vshll.u32 v35, v1  }
0x16b: {  	v35 =	vbroadcast v35, $0x0  }
0x16c: {  	[tilespmem:v45+s24+$0x0] =	vst.idx.msk $0xffff, v33  }
0x16d: {  	v47 =	vadd.s32 v5, v35;
	v33 =	vld [tilespmem:s28+$0xFFFFFF40];
	_ =	sdelay $0x4  }
0x16e: {  	[tilespmem:v47+s24+$0x0] =	vst.idx.msk $0xffff, v33  }
0x16f: {  	v48 =	vadd.s32 v6, v35;
	v33 =	vld [tilespmem:s28+$0xFFFFFF50];
	_ =	sdelay $0x4  }
0x170: {  	[tilespmem:v48+s24+$0x0] =	vst.idx.msk $0xffff, v33  }
0x171: {  	v49 =	vadd.s32 v7, v35;
	v33 =	vld [tilespmem:s28+$0xFFFFFF60];
	_ =	sdelay $0x4  }
0x172: {  	[tilespmem:v49+s24+$0x0] =	vst.idx.msk $0xffff, v33  }
0x173: {  	s30 =	sadd.s32 $0x2, s29;
	v50 =	vadd.s32 v8, v35;
	v33 =	vld [tilespmem:s28+$0xFFFFFF70]  }
0x174: {  	v51 =	vmov s30  }
0x175: {  	v35 =	vshrl.u32 v51, $0x3  }
0x176: {  	v35 =	vshll.u32 v35, v1  }
0x177: {  	v35 =	vbroadcast v35, $0x0  }
0x178: {  	[tilespmem:v50+s24+$0x0] =	vst.idx.msk $0xffff, v33  }
0x179: {  	v52 =	vadd.s32 v9, v35;
	v33 =	vld [tilespmem:s28+$0xFFFFFF80];
	_ =	sdelay $0x4  }
0x17a: {  	[tilespmem:v52+s24+$0x0] =	vst.idx.msk $0xffff, v33  }
0x17b: {  	v53 =	vadd.s32 v10, v35;
	v33 =	vld [tilespmem:s28+$0xFFFFFF90];
	_ =	sdelay $0x4  }
0x17c: {  	[tilespmem:v53+s24+$0x0] =	vst.idx.msk $0xffff, v33  }
0x17d: {  	v54 =	vadd.s32 v11, v35;
	v33 =	vld [tilespmem:s28+$0xFFFFFFA0];
	_ =	sdelay $0x4  }
0x17e: {  	[tilespmem:v54+s24+$0x0] =	vst.idx.msk $0xffff, v33  }
0x17f: {  	s30 =	sadd.s32 $0x3, s29;
	v55 =	vadd.s32 v12, v35;
	v33 =	vld [tilespmem:s28+$0xFFFFFFB0]  }
0x180: {  	v56 =	vmov s30  }
0x181: {  	v35 =	vshrl.u32 v56, $0x3  }
0x182: {  	v35 =	vshll.u32 v35, v1  }
0x183: {  	v35 =	vbroadcast v35, $0x0  }
0x184: {  	[tilespmem:v55+s24+$0x0] =	vst.idx.msk $0xffff, v33  }
0x185: {  	v57 =	vadd.s32 v13, v35;
	v33 =	vld [tilespmem:s28+$0xFFFFFFC0];
	_ =	sdelay $0x4  }
0x186: {  	[tilespmem:v57+s24+$0x0] =	vst.idx.msk $0xffff, v33  }
0x187: {  	v58 =	vadd.s32 v14, v35;
	v33 =	vld [tilespmem:s28+$0xFFFFFFD0];
	_ =	sdelay $0x4  }
0x188: {  	[tilespmem:v58+s24+$0x0] =	vst.idx.msk $0xffff, v33  }
0x189: {  	v59 =	vadd.s32 v15, v35;
	v33 =	vld [tilespmem:s28+$0xFFFFFFE0];
	_ =	sdelay $0x4  }
0x18a: {  	[tilespmem:v59+s24+$0x0] =	vst.idx.msk $0xffff, v33  }
0x18b: {  	s30 =	sadd.s32 $0x4, s29;
	v60 =	vadd.s32 v16, v35;
	v33 =	vld [tilespmem:s28+$0xFFFFFFF0]  }
0x18c: {  	v61 =	vmov s30  }
0x18d: {  	v35 =	vshrl.u32 v61, $0x3  }
0x18e: {  	v35 =	vshll.u32 v35, v1  }
0x18f: {  	v35 =	vbroadcast v35, $0x0  }
0x190: {  	[tilespmem:v60+s24+$0x0] =	vst.idx.msk $0xffff, v33  }
0x191: {  	v62 =	vadd.s32 v17, v35;
	v33 =	vld [tilespmem:s28+$0x0];
	_ =	sdelay $0x4  }
0x192: {  	[tilespmem:v62+s24+$0x0] =	vst.idx.msk $0xffff, v33  }
0x193: {  	v63 =	vadd.s32 v18, v35;
	v33 =	vld [tilespmem:s28+$0x10];
	_ =	sdelay $0x4  }
0x194: {  	[tilespmem:v63+s24+$0x0] =	vst.idx.msk $0xffff, v33  }
0x195: {  	v36 =	vadd.s32 v19, v35;
	v33 =	vld [tilespmem:s28+$0x20];
	_ =	sdelay $0x4  }
0x196: {  	[tilespmem:v36+s24+$0x0] =	vst.idx.msk $0xffff, v33  }
0x197: {  	s30 =	sadd.s32 $0x5, s29;
	v37 =	vadd.s32 v20, v35;
	v33 =	vld [tilespmem:s28+$0x30]  }
0x198: {  	v38 =	vmov s30  }
0x199: {  	v35 =	vshrl.u32 v38, $0x3  }
0x19a: {  	v35 =	vshll.u32 v35, v1  }
0x19b: {  	v35 =	vbroadcast v35, $0x0  }
0x19c: {  	[tilespmem:v37+s24+$0x0] =	vst.idx.msk $0xffff, v33  }
0x19d: {  	v39 =	vadd.s32 v21, v35;
	v33 =	vld [tilespmem:s28+$0x40];
	_ =	sdelay $0x4  }
0x19e: {  	[tilespmem:v39+s24+$0x0] =	vst.idx.msk $0xffff, v33  }
0x19f: {  	v40 =	vadd.s32 v22, v35;
	v33 =	vld [tilespmem:s28+$0x50];
	_ =	sdelay $0x4  }
0x1a0: {  	[tilespmem:v40+s24+$0x0] =	vst.idx.msk $0xffff, v33  }
0x1a1: {  	v41 =	vadd.s32 v23, v35;
	v33 =	vld [tilespmem:s28+$0x60];
	_ =	sdelay $0x4  }
0x1a2: {  	[tilespmem:v41+s24+$0x0] =	vst.idx.msk $0xffff, v33  }
0x1a3: {  	s30 =	sadd.s32 $0x6, s29;
	v42 =	vadd.s32 v24, v35;
	v33 =	vld [tilespmem:s28+$0x70]  }
0x1a4: {  	v43 =	vmov s30  }
0x1a5: {  	v35 =	vshrl.u32 v43, $0x3  }
0x1a6: {  	v35 =	vshll.u32 v35, v1  }
0x1a7: {  	v35 =	vbroadcast v35, $0x0  }
0x1a8: {  	[tilespmem:v42+s24+$0x0] =	vst.idx.msk $0xffff, v33  }
0x1a9: {  	v44 =	vadd.s32 v25, v35;
	v33 =	vld [tilespmem:s28+$0x80];
	_ =	sdelay $0x4  }
0x1aa: {  	[tilespmem:v44+s24+$0x0] =	vst.idx.msk $0xffff, v33  }
0x1ab: {  	v45 =	vadd.s32 v26, v35;
	v33 =	vld [tilespmem:s28+$0x90];
	_ =	sdelay $0x4  }
0x1ac: {  	[tilespmem:v45+s24+$0x0] =	vst.idx.msk $0xffff, v33  }
0x1ad: {  	v46 =	vadd.s32 v27, v35;
	v33 =	vld [tilespmem:s28+$0xA0];
	_ =	sdelay $0x4  }
0x1ae: {  	[tilespmem:v46+s24+$0x0] =	vst.idx.msk $0xffff, v33  }
0x1af: {  	s29 =	sadd.s32 $0x7, s29;
	v47 =	vadd.s32 v28, v35;
	v33 =	vld [tilespmem:s28+$0xB0]  }
0x1b0: {  	v48 =	vmov s29  }
0x1b1: {  	v35 =	vshrl.u32 v48, $0x3  }
0x1b2: {  	v35 =	vshll.u32 v35, v1  }
0x1b3: {  	v35 =	vbroadcast v35, $0x0  }
0x1b4: {  	[tilespmem:v47+s24+$0x0] =	vst.idx.msk $0xffff, v33  }
0x1b5: {  	v49 =	vadd.s32 v29, v35;
	v33 =	vld [tilespmem:s28+$0xC0];
	_ =	sdelay $0x4  }
0x1b6: {  	[tilespmem:v49+s24+$0x0] =	vst.idx.msk $0xffff, v33  }
0x1b7: {  	v50 =	vadd.s32 v30, v35;
	v33 =	vld [tilespmem:s28+$0xD0];
	_ =	sdelay $0x4  }
0x1b8: {  	[tilespmem:v50+s24+$0x0] =	vst.idx.msk $0xffff, v33  }
0x1b9: {  	v51 =	vadd.s32 v31, v35;
	v33 =	vld [tilespmem:s28+$0xE0];
	_ =	sdelay $0x4  }
0x1ba: {  	[tilespmem:v51+s24+$0x0] =	vst.idx.msk $0xffff, v33  }
0x1bb: {  	v52 =	vadd.s32 v32, v35;
	v33 =	vld [tilespmem:s28+$0xF0];
	_ =	sdelay $0x1  }
0x1bc: {  	s1 =	sshll.u32 s14, $0x7;
	s28 =	sshll.u32 s14, $0xA  }
0x1bd: {  	s14 =	sand.u32 $0x3E00, s1;
	s28 =	sand.u32 $0xFFE0000, s28  }
0x1be: {  	s14 =	sor.u32 s14, s28  }
0x1bf: {  	s28 =	sadd.s32 s2, s14;
	[tilespmem:v52+s24+$0x0] =	vst.idx.msk $0xffff, v33  }
0x1c0: {  	[hbm4b:s28+s3] =	stream.linear.scatter [tilespmem:s24], [sflag:$0x5], $0x80, $0x38;
	[tilespmem:$0x1D000] =	vst v63  }
0x1c1: {  	s1 =	simm.s32 $0x14888;
	s29 =	sadd.s32 $0x10, s28  }
0x1c2: {  	[hbm4b:s29+s3] =	stream.linear.scatter [tilespmem:s1], [sflag:$0x5], $0x80, $0x38;
	[tilespmem:$0x1D000] =	vst v63  }
0x1c3: {  	s29 =	sadd.s32 $0x20, s28;
	s1 =	simm.s32 $0x14910  }
0x1c4: {  	[hbm4b:s29+s3] =	stream.linear.scatter [tilespmem:s1], [sflag:$0x5], $0x80, $0x38;
	[tilespmem:$0x1D000] =	vst v63  }
0x1c5: {  	s29 =	sadd.s32 $0x30, s28;
	s1 =	simm.s32 $0x14998  }
0x1c6: {  	[hbm4b:s29+s3] =	stream.linear.scatter [tilespmem:s1], [sflag:$0x5], $0x80, $0x38;
	[tilespmem:$0x1D000] =	vst v63  }
0x1c7: {  	s29 =	sadd.s32 $0x40, s28;
	s1 =	simm.s32 $0x14A20  }
0x1c8: {  	[hbm4b:s29+s3] =	stream.linear.scatter [tilespmem:s1], [sflag:$0x5], $0x80, $0x38;
	[tilespmem:$0x1D000] =	vst v63  }
0x1c9: {  	s29 =	sadd.s32 $0x50, s28;
	s1 =	simm.s32 $0x14AA8  }
0x1ca: {  	[hbm4b:s29+s3] =	stream.linear.scatter [tilespmem:s1], [sflag:$0x5], $0x80, $0x38;
	[tilespmem:$0x1D000] =	vst v63  }
0x1cb: {  	s29 =	sadd.s32 $0x60, s28;
	s1 =	simm.s32 $0x14B30  }
0x1cc: {  	[hbm4b:s29+s3] =	stream.linear.scatter [tilespmem:s1], [sflag:$0x5], $0x80, $0x38;
	[tilespmem:$0x1D000] =	vst v63  }
0x1cd: {  	s28 =	sadd.s32 $0x70, s28;
	s1 =	simm.s32 $0x14BB8  }
0x1ce: {  	[hbm4b:s28+s3] =	stream.linear.scatter [tilespmem:s1], [sflag:$0x5], $0x80, $0x38;
	[tilespmem:$0x1D000] =	vst v63  }
0x1cf: {  	s28 =	sadd.s32 s14, s7;
	s1 =	simm.s32 $0x14C40  }
0x1d0: {  	[hbm4b:s28+s3] =	stream.linear.scatter [tilespmem:s1], [sflag:$0x5], $0x80, $0x38;
	[tilespmem:$0x1D000] =	vst v63  }
0x1d1: {  	s29 =	sadd.s32 $0x10, s28;
	s1 =	simm.s32 $0x14CC8  }
0x1d2: {  	[hbm4b:s29+s3] =	stream.linear.scatter [tilespmem:s1], [sflag:$0x5], $0x80, $0x38;
	[tilespmem:$0x1D000] =	vst v63  }
0x1d3: {  	s29 =	sadd.s32 $0x20, s28;
	s1 =	simm.s32 $0x14D50  }
0x1d4: {  	[hbm4b:s29+s3] =	stream.linear.scatter [tilespmem:s1], [sflag:$0x5], $0x80, $0x38;
	[tilespmem:$0x1D000] =	vst v63  }
0x1d5: {  	s29 =	sadd.s32 $0x30, s28;
	s1 =	simm.s32 $0x14DD8  }
0x1d6: {  	[hbm4b:s29+s3] =	stream.linear.scatter [tilespmem:s1], [sflag:$0x5], $0x80, $0x38;
	[tilespmem:$0x1D000] =	vst v63  }
0x1d7: {  	s29 =	sadd.s32 $0x40, s28;
	s1 =	simm.s32 $0x14E60  }
0x1d8: {  	[hbm4b:s29+s3] =	stream.linear.scatter [tilespmem:s1], [sflag:$0x5], $0x80, $0x38;
	[tilespmem:$0x1D000] =	vst v63  }
0x1d9: {  	s29 =	sadd.s32 $0x50, s28;
	s1 =	simm.s32 $0x14EE8  }
0x1da: {  	[hbm4b:s29+s3] =	stream.linear.scatter [tilespmem:s1], [sflag:$0x5], $0x80, $0x38;
	[tilespmem:$0x1D000] =	vst v63  }
0x1db: {  	s29 =	sadd.s32 $0x60, s28;
	s1 =	simm.s32 $0x14F70  }
0x1dc: {  	[hbm4b:s29+s3] =	stream.linear.scatter [tilespmem:s1], [sflag:$0x5], $0x80, $0x38;
	[tilespmem:$0x1D000] =	vst v63  }
0x1dd: {  	s28 =	sadd.s32 $0x70, s28;
	s1 =	simm.s32 $0x14FF8  }
0x1de: {  	[hbm4b:s28+s3] =	stream.linear.scatter [tilespmem:s1], [sflag:$0x5], $0x80, $0x38;
	[tilespmem:$0x1D000] =	vst v63  }
0x1df: {  	s28 =	sadd.s32 s14, s8;
	s1 =	simm.s32 $0x15080  }
0x1e0: {  	[hbm4b:s28+s3] =	stream.linear.scatter [tilespmem:s1], [sflag:$0x5], $0x80, $0x38;
	[tilespmem:$0x1D000] =	vst v63  }
0x1e1: {  	s29 =	sadd.s32 $0x10, s28;
	s1 =	simm.s32 $0x15108  }
0x1e2: {  	[hbm4b:s29+s3] =	stream.linear.scatter [tilespmem:s1], [sflag:$0x5], $0x80, $0x38;
	[tilespmem:$0x1D000] =	vst v63  }
0x1e3: {  	s29 =	sadd.s32 $0x20, s28;
	s1 =	simm.s32 $0x15190  }
0x1e4: {  	[hbm4b:s29+s3] =	stream.linear.scatter [tilespmem:s1], [sflag:$0x5], $0x80, $0x38;
	[tilespmem:$0x1D000] =	vst v63  }
0x1e5: {  	s29 =	sadd.s32 $0x30, s28;
	s1 =	simm.s32 $0x15218  }
0x1e6: {  	[hbm4b:s29+s3] =	stream.linear.scatter [tilespmem:s1], [sflag:$0x5], $0x80, $0x38;
	[tilespmem:$0x1D000] =	vst v63  }
0x1e7: {  	s29 =	sadd.s32 $0x40, s28;
	s1 =	simm.s32 $0x152A0  }
0x1e8: {  	[hbm4b:s29+s3] =	stream.linear.scatter [tilespmem:s1], [sflag:$0x5], $0x80, $0x38;
	[tilespmem:$0x1D000] =	vst v63  }
0x1e9: {  	s29 =	sadd.s32 $0x50, s28;
	s1 =	simm.s32 $0x15328  }
0x1ea: {  	[hbm4b:s29+s3] =	stream.linear.scatter [tilespmem:s1], [sflag:$0x5], $0x80, $0x38;
	[tilespmem:$0x1D000] =	vst v63  }
0x1eb: {  	s29 =	sadd.s32 $0x60, s28;
	s1 =	simm.s32 $0x153B0  }
0x1ec: {  	[hbm4b:s29+s3] =	stream.linear.scatter [tilespmem:s1], [sflag:$0x5], $0x80, $0x38;
	[tilespmem:$0x1D000] =	vst v63  }
0x1ed: {  	s28 =	sadd.s32 $0x70, s28;
	s1 =	simm.s32 $0x15438  }
0x1ee: {  	[hbm4b:s28+s3] =	stream.linear.scatter [tilespmem:s1], [sflag:$0x5], $0x80, $0x38;
	[tilespmem:$0x1D000] =	vst v63  }
0x1ef: {  	s28 =	sadd.s32 s14, s9;
	s1 =	simm.s32 $0x154C0  }
0x1f0: {  	[hbm4b:s28+s3] =	stream.linear.scatter [tilespmem:s1], [sflag:$0x5], $0x80, $0x38;
	[tilespmem:$0x1D000] =	vst v63  }
0x1f1: {  	s29 =	sadd.s32 $0x10, s28;
	s1 =	simm.s32 $0x15548  }
0x1f2: {  	[hbm4b:s29+s3] =	stream.linear.scatter [tilespmem:s1], [sflag:$0x5], $0x80, $0x38;
	[tilespmem:$0x1D000] =	vst v63  }
0x1f3: {  	s29 =	sadd.s32 $0x20, s28;
	s1 =	simm.s32 $0x155D0  }
0x1f4: {  	[hbm4b:s29+s3] =	stream.linear.scatter [tilespmem:s1], [sflag:$0x5], $0x80, $0x38;
	[tilespmem:$0x1D000] =	vst v63  }
0x1f5: {  	s29 =	sadd.s32 $0x30, s28;
	s1 =	simm.s32 $0x15658  }
0x1f6: {  	[hbm4b:s29+s3] =	stream.linear.scatter [tilespmem:s1], [sflag:$0x5], $0x80, $0x38;
	[tilespmem:$0x1D000] =	vst v63  }
0x1f7: {  	s29 =	sadd.s32 $0x40, s28;
	s1 =	simm.s32 $0x156E0  }
0x1f8: {  	[hbm4b:s29+s3] =	stream.linear.scatter [tilespmem:s1], [sflag:$0x5], $0x80, $0x38;
	[tilespmem:$0x1D000] =	vst v63  }
0x1f9: {  	s29 =	sadd.s32 $0x50, s28;
	s1 =	simm.s32 $0x15768  }
0x1fa: {  	[hbm4b:s29+s3] =	stream.linear.scatter [tilespmem:s1], [sflag:$0x5], $0x80, $0x38;
	[tilespmem:$0x1D000] =	vst v63  }
0x1fb: {  	s29 =	sadd.s32 $0x60, s28;
	s1 =	simm.s32 $0x157F0  }
0x1fc: {  	[hbm4b:s29+s3] =	stream.linear.scatter [tilespmem:s1], [sflag:$0x5], $0x80, $0x38;
	[tilespmem:$0x1D000] =	vst v63  }
0x1fd: {  	s28 =	sadd.s32 $0x70, s28;
	s1 =	simm.s32 $0x15878  }
0x1fe: {  	[hbm4b:s28+s3] =	stream.linear.scatter [tilespmem:s1], [sflag:$0x5], $0x80, $0x38;
	[tilespmem:$0x1D000] =	vst v63  }
0x1ff: {  	s28 =	sadd.s32 s14, s10;
	s1 =	simm.s32 $0x15900  }
0x200: {  	[hbm4b:s28+s3] =	stream.linear.scatter [tilespmem:s1], [sflag:$0x5], $0x80, $0x38;
	[tilespmem:$0x1D000] =	vst v63  }
0x201: {  	s29 =	sadd.s32 $0x10, s28;
	s1 =	simm.s32 $0x15988  }
0x202: {  	[hbm4b:s29+s3] =	stream.linear.scatter [tilespmem:s1], [sflag:$0x5], $0x80, $0x38;
	[tilespmem:$0x1D000] =	vst v63  }
0x203: {  	s29 =	sadd.s32 $0x20, s28;
	s1 =	simm.s32 $0x15A10  }
0x204: {  	[hbm4b:s29+s3] =	stream.linear.scatter [tilespmem:s1], [sflag:$0x5], $0x80, $0x38;
	[tilespmem:$0x1D000] =	vst v63  }
0x205: {  	s29 =	sadd.s32 $0x30, s28;
	s1 =	simm.s32 $0x15A98  }
0x206: {  	[hbm4b:s29+s3] =	stream.linear.scatter [tilespmem:s1], [sflag:$0x5], $0x80, $0x38;
	[tilespmem:$0x1D000] =	vst v63  }
0x207: {  	s29 =	sadd.s32 $0x40, s28;
	s1 =	simm.s32 $0x15B20  }
0x208: {  	[hbm4b:s29+s3] =	stream.linear.scatter [tilespmem:s1], [sflag:$0x5], $0x80, $0x38;
	[tilespmem:$0x1D000] =	vst v63  }
0x209: {  	s29 =	sadd.s32 $0x50, s28;
	s1 =	simm.s32 $0x15BA8  }
0x20a: {  	[hbm4b:s29+s3] =	stream.linear.scatter [tilespmem:s1], [sflag:$0x5], $0x80, $0x38;
	[tilespmem:$0x1D000] =	vst v63  }
0x20b: {  	s29 =	sadd.s32 $0x60, s28;
	s1 =	simm.s32 $0x15C30  }
0x20c: {  	[hbm4b:s29+s3] =	stream.linear.scatter [tilespmem:s1], [sflag:$0x5], $0x80, $0x38;
	[tilespmem:$0x1D000] =	vst v63  }
0x20d: {  	s28 =	sadd.s32 $0x70, s28;
	s1 =	simm.s32 $0x15CB8  }
0x20e: {  	[hbm4b:s28+s3] =	stream.linear.scatter [tilespmem:s1], [sflag:$0x5], $0x80, $0x38;
	[tilespmem:$0x1D000] =	vst v63  }
0x20f: {  	s28 =	sadd.s32 s14, s11;
	s1 =	simm.s32 $0x15D40  }
0x210: {  	[hbm4b:s28+s3] =	stream.linear.scatter [tilespmem:s1], [sflag:$0x5], $0x80, $0x38;
	[tilespmem:$0x1D000] =	vst v63  }
0x211: {  	s29 =	sadd.s32 $0x10, s28;
	s1 =	simm.s32 $0x15DC8  }
0x212: {  	[hbm4b:s29+s3] =	stream.linear.scatter [tilespmem:s1], [sflag:$0x5], $0x80, $0x38;
	[tilespmem:$0x1D000] =	vst v63  }
0x213: {  	s29 =	sadd.s32 $0x20, s28;
	s1 =	simm.s32 $0x15E50  }
0x214: {  	[hbm4b:s29+s3] =	stream.linear.scatter [tilespmem:s1], [sflag:$0x5], $0x80, $0x38;
	[tilespmem:$0x1D000] =	vst v63  }
0x215: {  	s29 =	sadd.s32 $0x30, s28;
	s1 =	simm.s32 $0x15ED8  }
0x216: {  	[hbm4b:s29+s3] =	stream.linear.scatter [tilespmem:s1], [sflag:$0x5], $0x80, $0x38;
	[tilespmem:$0x1D000] =	vst v63  }
0x217: {  	s29 =	sadd.s32 $0x40, s28;
	s1 =	simm.s32 $0x15F60  }
0x218: {  	[hbm4b:s29+s3] =	stream.linear.scatter [tilespmem:s1], [sflag:$0x5], $0x80, $0x38;
	[tilespmem:$0x1D000] =	vst v63  }
0x219: {  	s29 =	sadd.s32 $0x50, s28;
	s1 =	simm.s32 $0x15FE8  }
0x21a: {  	[hbm4b:s29+s3] =	stream.linear.scatter [tilespmem:s1], [sflag:$0x5], $0x80, $0x38;
	[tilespmem:$0x1D000] =	vst v63  }
0x21b: {  	s29 =	sadd.s32 $0x60, s28;
	s1 =	simm.s32 $0x16070  }
0x21c: {  	[hbm4b:s29+s3] =	stream.linear.scatter [tilespmem:s1], [sflag:$0x5], $0x80, $0x38;
	[tilespmem:$0x1D000] =	vst v63  }
0x21d: {  	s28 =	sadd.s32 $0x70, s28;
	s1 =	simm.s32 $0x160F8  }
0x21e: {  	[hbm4b:s28+s3] =	stream.linear.scatter [tilespmem:s1], [sflag:$0x5], $0x80, $0x38;
	[tilespmem:$0x1D000] =	vst v63  }
0x21f: {  	s28 =	sadd.s32 s14, s12;
	s1 =	simm.s32 $0x16180  }
0x220: {  	[hbm4b:s28+s3] =	stream.linear.scatter [tilespmem:s1], [sflag:$0x5], $0x80, $0x38;
	[tilespmem:$0x1D000] =	vst v63  }
0x221: {  	s29 =	sadd.s32 $0x10, s28;
	s1 =	simm.s32 $0x16208  }
0x222: {  	[hbm4b:s29+s3] =	stream.linear.scatter [tilespmem:s1], [sflag:$0x5], $0x80, $0x38;
	[tilespmem:$0x1D000] =	vst v63  }
0x223: {  	s29 =	sadd.s32 $0x20, s28;
	s1 =	simm.s32 $0x16290  }
0x224: {  	[hbm4b:s29+s3] =	stream.linear.scatter [tilespmem:s1], [sflag:$0x5], $0x80, $0x38;
	[tilespmem:$0x1D000] =	vst v63  }
0x225: {  	s29 =	sadd.s32 $0x30, s28;
	s1 =	simm.s32 $0x16318  }
0x226: {  	[hbm4b:s29+s3] =	stream.linear.scatter [tilespmem:s1], [sflag:$0x5], $0x80, $0x38;
	[tilespmem:$0x1D000] =	vst v63  }
0x227: {  	s29 =	sadd.s32 $0x40, s28;
	s1 =	simm.s32 $0x163A0  }
0x228: {  	[hbm4b:s29+s3] =	stream.linear.scatter [tilespmem:s1], [sflag:$0x5], $0x80, $0x38;
	[tilespmem:$0x1D000] =	vst v63  }
0x229: {  	s29 =	sadd.s32 $0x50, s28;
	s1 =	simm.s32 $0x16428  }
0x22a: {  	[hbm4b:s29+s3] =	stream.linear.scatter [tilespmem:s1], [sflag:$0x5], $0x80, $0x38;
	[tilespmem:$0x1D000] =	vst v63  }
0x22b: {  	s29 =	sadd.s32 $0x60, s28;
	s1 =	simm.s32 $0x164B0  }
0x22c: {  	[hbm4b:s29+s3] =	stream.linear.scatter [tilespmem:s1], [sflag:$0x5], $0x80, $0x38;
	[tilespmem:$0x1D000] =	vst v63  }
0x22d: {  	s28 =	sadd.s32 $0x70, s28;
	s1 =	simm.s32 $0x16538  }
0x22e: {  	[hbm4b:s28+s3] =	stream.linear.scatter [tilespmem:s1], [sflag:$0x5], $0x80, $0x38;
	[tilespmem:$0x1D000] =	vst v63  }
0x22f: {  	s14 =	sadd.s32 s14, s13;
	s1 =	simm.s32 $0x165C0  }
0x230: {  	[hbm4b:s14+s3] =	stream.linear.scatter [tilespmem:s1], [sflag:$0x5], $0x80, $0x38;
	[tilespmem:$0x1D000] =	vst v63  }
0x231: {  	s28 =	sadd.s32 $0x10, s14;
	s1 =	simm.s32 $0x16648  }
0x232: {  	[hbm4b:s28+s3] =	stream.linear.scatter [tilespmem:s1], [sflag:$0x5], $0x80, $0x38;
	[tilespmem:$0x1D000] =	vst v63  }
0x233: {  	s28 =	sadd.s32 $0x20, s14;
	s1 =	simm.s32 $0x166D0  }
0x234: {  	[hbm4b:s28+s3] =	stream.linear.scatter [tilespmem:s1], [sflag:$0x5], $0x80, $0x38;
	[tilespmem:$0x1D000] =	vst v63  }
0x235: {  	s28 =	sadd.s32 $0x30, s14;
	s1 =	simm.s32 $0x16758  }
0x236: {  	[hbm4b:s28+s3] =	stream.linear.scatter [tilespmem:s1], [sflag:$0x5], $0x80, $0x38;
	[tilespmem:$0x1D000] =	vst v63  }
0x237: {  	s28 =	sadd.s32 $0x40, s14;
	s1 =	simm.s32 $0x167E0  }
0x238: {  	[hbm4b:s28+s3] =	stream.linear.scatter [tilespmem:s1], [sflag:$0x5], $0x80, $0x38;
	[tilespmem:$0x1D000] =	vst v63  }
0x239: {  	s28 =	sadd.s32 $0x50, s14;
	s1 =	simm.s32 $0x16868  }
0x23a: {  	[hbm4b:s28+s3] =	stream.linear.scatter [tilespmem:s1], [sflag:$0x5], $0x80, $0x38;
	[tilespmem:$0x1D000] =	vst v63  }
0x23b: {  	s28 =	sadd.s32 $0x60, s14;
	s1 =	simm.s32 $0x168F0  }
0x23c: {  	[hbm4b:s28+s3] =	stream.linear.scatter [tilespmem:s1], [sflag:$0x5], $0x80, $0x38;
	[tilespmem:$0x1D000] =	vst v63  }
0x23d: {  	p1 =	seq.s32 s19, $0x63;
	s14 =	sadd.s32 $0x70, s14;
	s1 =	simm.s32 $0x16978  }
0x23e: {  	[hbm4b:s14+s3] =	stream.linear.scatter [tilespmem:s1], [sflag:$0x5], $0x80, $0x38;
	[tilespmem:$0x1D000] =	vst v63  }
0x23f: {  	s14 =	sshll.u32 @!p1 s19, $0x9  }
0x240: {  	s14 =	sand.u32 @!p1 $0x3FFFFE00, s14  }
0x241: {  	s30 =	simm.s32 @!p1 $0xC800;
	s29 =	simm.s32 @!p1 $0x80;
	s28 =	sadd.s32 @!p1 $0x200, s14  }
0x242: {  	[tilespmem:s30], [sflag:$0x1] =	stream.indirect.gather @!p1 [hbm4b:s4+s29], $0x40, s28, s29, $0xb8;
	[tilespmem:$0x1D000] =	vst v63  }
0x243: {  	_ =	swait.ge [sflag:s21], $0x2000  }
0x244: {  	[sflag:s21] =	ssyncset.done $0x0  }
0x245: {  	s28 =	simm.s32 @!p0 $0x6;
	[sflag:s21] =	ssyncadd.s32 $0xFFFFE000  }
0x246: {  	_ =	swait.ge @!p0 [sflag:s28], $0x400  }
0x247: {  	[sflag:s28] =	ssyncset.done @!p0 $0x0  }
0x248: {  	[sflag:s28] =	ssyncadd.s32 @!p0 $0xFFFFFC00  }
0x249: {  	_ =	swait.ge @!p0 [sflag:s28], $0x400  }
0x24a: {  	[sflag:s28] =	ssyncset.done @!p0 $0x0  }
0x24b: {  	[sflag:s28] =	ssyncadd.s32 @!p0 $0xFFFFFC00  }
0x24c: {  	_ =	swait.ge @!p0 [sflag:s28], $0x400  }
0x24d: {  	[sflag:s28] =	ssyncset.done @!p0 $0x0  }
0x24e: {  	[sflag:s28] =	ssyncadd.s32 @!p0 $0xFFFFFC00  }
0x24f: {  	_ =	swait.ge @!p0 [sflag:s28], $0x400  }
0x250: {  	[sflag:s28] =	ssyncset.done @!p0 $0x0  }
0x251: {  	[sflag:s28] =	ssyncadd.s32 @!p0 $0xFFFFFC00  }
0x252: {  	_ =	swait.ge @!p0 [sflag:s28], $0x400  }
0x253: {  	[sflag:s28] =	ssyncset.done @!p0 $0x0  }
0x254: {  	[sflag:s28] =	ssyncadd.s32 @!p0 $0xFFFFFC00  }
0x255: {  	_ =	swait.ge @!p0 [sflag:s28], $0x400  }
0x256: {  	[sflag:s28] =	ssyncset.done @!p0 $0x0  }
0x257: {  	[sflag:s28] =	ssyncadd.s32 @!p0 $0xFFFFFC00  }
0x258: {  	s29 =	simm.s32 $0x0;
	_ =	swait.ge @!p0 [sflag:s28], $0x400  }
0x259: {  	v53 =	vmov s29;
	[sflag:s28] =	ssyncset.done @!p0 $0x0  }
0x25a: {  	v33 =	vshrl.u32 v53, $0x3;
	[sflag:s28] =	ssyncadd.s32 @!p0 $0xFFFFFC00  }
0x25b: {  	v33 =	vshll.u32 v33, v1;
	_ =	swait.ge @!p0 [sflag:s28], $0x400  }
0x25c: {  	v33 =	vbroadcast v33, $0x0;
	[sflag:s28] =	ssyncset.done @!p0 $0x0  }
0x25d: {  	s29 =	simm.s32 $0xE900;
	[sflag:s28] =	ssyncadd.s32 @!p0 $0xFFFFFC00  }
0x25e: {  	v55 =	vadd.s32 v0, v33;
	v54 =	vld [tilespmem:s29+$0xFFFFFF00];
	_ =	sdelay $0x4  }
0x25f: {  	[tilespmem:v55+s6+$0x0] =	vst.idx.msk $0xffff, v54  }
0x260: {  	v56 =	vadd.s32 v2, v33;
	v34 =	vld [tilespmem:s29+$0xFFFFFF10];
	_ =	sdelay $0x4  }
0x261: {  	[tilespmem:v56+s6+$0x0] =	vst.idx.msk $0xffff, v34  }
0x262: {  	v57 =	vadd.s32 v3, v33;
	v34 =	vld [tilespmem:s29+$0xFFFFFF20];
	_ =	sdelay $0x4  }
0x263: {  	[tilespmem:v57+s6+$0x0] =	vst.idx.msk $0xffff, v34  }
0x264: {  	v33 =	vadd.s32 v4, v33;
	s28 =	simm.s32 $0x1;
	v34 =	vld [tilespmem:s29+$0xFFFFFF30]  }
0x265: {  	v58 =	vmov s28  }
0x266: {  	v35 =	vshrl.u32 v58, $0x3  }
0x267: {  	v35 =	vshll.u32 v35, v1  }
0x268: {  	v35 =	vbroadcast v35, $0x0  }
0x269: {  	[tilespmem:v33+s6+$0x0] =	vst.idx.msk $0xffff, v34  }
0x26a: {  	v59 =	vadd.s32 v5, v35;
	v33 =	vld [tilespmem:s29+$0xFFFFFF40];
	_ =	sdelay $0x4  }
0x26b: {  	[tilespmem:v59+s6+$0x0] =	vst.idx.msk $0xffff, v33  }
0x26c: {  	v60 =	vadd.s32 v6, v35;
	v33 =	vld [tilespmem:s29+$0xFFFFFF50];
	_ =	sdelay $0x4  }
0x26d: {  	[tilespmem:v60+s6+$0x0] =	vst.idx.msk $0xffff, v33  }
0x26e: {  	v61 =	vadd.s32 v7, v35;
	v33 =	vld [tilespmem:s29+$0xFFFFFF60];
	_ =	sdelay $0x4  }
0x26f: {  	[tilespmem:v61+s6+$0x0] =	vst.idx.msk $0xffff, v33  }
0x270: {  	s28 =	simm.s32 $0x2;
	v62 =	vadd.s32 v8, v35;
	v33 =	vld [tilespmem:s29+$0xFFFFFF70]  }
0x271: {  	v63 =	vmov s28  }
0x272: {  	v35 =	vshrl.u32 v63, $0x3  }
0x273: {  	v35 =	vshll.u32 v35, v1  }
0x274: {  	v35 =	vbroadcast v35, $0x0  }
0x275: {  	[tilespmem:v62+s6+$0x0] =	vst.idx.msk $0xffff, v33  }
0x276: {  	v36 =	vadd.s32 v9, v35;
	v33 =	vld [tilespmem:s29+$0xFFFFFF80];
	_ =	sdelay $0x4  }
0x277: {  	[tilespmem:v36+s6+$0x0] =	vst.idx.msk $0xffff, v33  }
0x278: {  	v37 =	vadd.s32 v10, v35;
	v33 =	vld [tilespmem:s29+$0xFFFFFF90];
	_ =	sdelay $0x4  }
0x279: {  	[tilespmem:v37+s6+$0x0] =	vst.idx.msk $0xffff, v33  }
0x27a: {  	v38 =	vadd.s32 v11, v35;
	v33 =	vld [tilespmem:s29+$0xFFFFFFA0];
	_ =	sdelay $0x4  }
0x27b: {  	[tilespmem:v38+s6+$0x0] =	vst.idx.msk $0xffff, v33  }
0x27c: {  	s28 =	simm.s32 $0x3;
	v39 =	vadd.s32 v12, v35;
	v33 =	vld [tilespmem:s29+$0xFFFFFFB0]  }
0x27d: {  	v40 =	vmov s28  }
0x27e: {  	v35 =	vshrl.u32 v40, $0x3  }
0x27f: {  	v35 =	vshll.u32 v35, v1  }
0x280: {  	v35 =	vbroadcast v35, $0x0  }
0x281: {  	[tilespmem:v39+s6+$0x0] =	vst.idx.msk $0xffff, v33  }
0x282: {  	v41 =	vadd.s32 v13, v35;
	v33 =	vld [tilespmem:s29+$0xFFFFFFC0];
	_ =	sdelay $0x4  }
0x283: {  	[tilespmem:v41+s6+$0x0] =	vst.idx.msk $0xffff, v33  }
0x284: {  	v42 =	vadd.s32 v14, v35;
	v33 =	vld [tilespmem:s29+$0xFFFFFFD0];
	_ =	sdelay $0x4  }
0x285: {  	[tilespmem:v42+s6+$0x0] =	vst.idx.msk $0xffff, v33  }
0x286: {  	v43 =	vadd.s32 v15, v35;
	v33 =	vld [tilespmem:s29+$0xFFFFFFE0];
	_ =	sdelay $0x4  }
0x287: {  	[tilespmem:v43+s6+$0x0] =	vst.idx.msk $0xffff, v33  }
0x288: {  	s28 =	simm.s32 $0x4;
	v44 =	vadd.s32 v16, v35;
	v33 =	vld [tilespmem:s29+$0xFFFFFFF0]  }
0x289: {  	v45 =	vmov s28  }
0x28a: {  	v35 =	vshrl.u32 v45, $0x3  }
0x28b: {  	v35 =	vshll.u32 v35, v1  }
0x28c: {  	v35 =	vbroadcast v35, $0x0  }
0x28d: {  	[tilespmem:v44+s6+$0x0] =	vst.idx.msk $0xffff, v33  }
0x28e: {  	v46 =	vadd.s32 v17, v35;
	v33 =	vld [tilespmem:s29+$0x0];
	_ =	sdelay $0x4  }
0x28f: {  	[tilespmem:v46+s6+$0x0] =	vst.idx.msk $0xffff, v33  }
0x290: {  	v47 =	vadd.s32 v18, v35;
	v33 =	vld [tilespmem:s29+$0x10];
	_ =	sdelay $0x4  }
0x291: {  	[tilespmem:v47+s6+$0x0] =	vst.idx.msk $0xffff, v33  }
0x292: {  	v48 =	vadd.s32 v19, v35;
	v33 =	vld [tilespmem:s29+$0x20];
	_ =	sdelay $0x4  }
0x293: {  	[tilespmem:v48+s6+$0x0] =	vst.idx.msk $0xffff, v33  }
0x294: {  	s28 =	simm.s32 $0x5;
	v49 =	vadd.s32 v20, v35;
	v33 =	vld [tilespmem:s29+$0x30]  }
0x295: {  	v50 =	vmov s28  }
0x296: {  	v35 =	vshrl.u32 v50, $0x3  }
0x297: {  	v35 =	vshll.u32 v35, v1  }
0x298: {  	v35 =	vbroadcast v35, $0x0  }
0x299: {  	[tilespmem:v49+s6+$0x0] =	vst.idx.msk $0xffff, v33  }
0x29a: {  	v51 =	vadd.s32 v21, v35;
	v33 =	vld [tilespmem:s29+$0x40];
	_ =	sdelay $0x4  }
0x29b: {  	[tilespmem:v51+s6+$0x0] =	vst.idx.msk $0xffff, v33  }
0x29c: {  	v52 =	vadd.s32 v22, v35;
	v33 =	vld [tilespmem:s29+$0x50];
	_ =	sdelay $0x4  }
0x29d: {  	[tilespmem:v52+s6+$0x0] =	vst.idx.msk $0xffff, v33  }
0x29e: {  	v53 =	vadd.s32 v23, v35;
	v33 =	vld [tilespmem:s29+$0x60];
	_ =	sdelay $0x4  }
0x29f: {  	[tilespmem:v53+s6+$0x0] =	vst.idx.msk $0xffff, v33  }
0x2a0: {  	s28 =	simm.s32 $0x6;
	v54 =	vadd.s32 v24, v35;
	v33 =	vld [tilespmem:s29+$0x70]  }
0x2a1: {  	v55 =	vmov s28  }
0x2a2: {  	v35 =	vshrl.u32 v55, $0x3  }
0x2a3: {  	v35 =	vshll.u32 v35, v1  }
0x2a4: {  	v35 =	vbroadcast v35, $0x0  }
0x2a5: {  	[tilespmem:v54+s6+$0x0] =	vst.idx.msk $0xffff, v33  }
0x2a6: {  	v56 =	vadd.s32 v25, v35;
	v33 =	vld [tilespmem:s29+$0x80];
	_ =	sdelay $0x4  }
0x2a7: {  	[tilespmem:v56+s6+$0x0] =	vst.idx.msk $0xffff, v33  }
0x2a8: {  	v57 =	vadd.s32 v26, v35;
	v33 =	vld [tilespmem:s29+$0x90];
	_ =	sdelay $0x4  }
0x2a9: {  	[tilespmem:v57+s6+$0x0] =	vst.idx.msk $0xffff, v33  }
0x2aa: {  	v58 =	vadd.s32 v27, v35;
	v33 =	vld [tilespmem:s29+$0xA0];
	_ =	sdelay $0x4  }
0x2ab: {  	[tilespmem:v58+s6+$0x0] =	vst.idx.msk $0xffff, v33  }
0x2ac: {  	s28 =	simm.s32 $0x7;
	v59 =	vadd.s32 v28, v35;
	v33 =	vld [tilespmem:s29+$0xB0]  }
0x2ad: {  	v60 =	vmov s28  }
0x2ae: {  	v35 =	vshrl.u32 v60, $0x3  }
0x2af: {  	v35 =	vshll.u32 v35, v1  }
0x2b0: {  	v35 =	vbroadcast v35, $0x0  }
0x2b1: {  	[tilespmem:v59+s6+$0x0] =	vst.idx.msk $0xffff, v33  }
0x2b2: {  	v61 =	vadd.s32 v29, v35;
	v33 =	vld [tilespmem:s29+$0xC0];
	_ =	sdelay $0x4  }
0x2b3: {  	[tilespmem:v61+s6+$0x0] =	vst.idx.msk $0xffff, v33  }
0x2b4: {  	v62 =	vadd.s32 v30, v35;
	v33 =	vld [tilespmem:s29+$0xD0];
	_ =	sdelay $0x4  }
0x2b5: {  	[tilespmem:v62+s6+$0x0] =	vst.idx.msk $0xffff, v33  }
0x2b6: {  	v63 =	vadd.s32 v31, v35;
	v33 =	vld [tilespmem:s29+$0xE0];
	_ =	sdelay $0x4  }
0x2b7: {  	[tilespmem:v63+s6+$0x0] =	vst.idx.msk $0xffff, v33  }
0x2b8: {  	s20 =	sadd.s32 s20, s5;
	s30 =	simm.s32 $0x8;
	v34 =	vadd.s32 v32, v35;
	v33 =	vld [tilespmem:s29+$0xF0]  }
0x2b9: {  	s31 =	simm.s32 $0x10;
	s28 =	sadd.s32 $0x1, s20;
	v35 =	vmov s30  }
.LBB2_5:
0x2ba: {  	p2 =	slt.u32 s31, $0x78;
	v35 =	vshrl.u32 v35, $0x3  }
0x2bb: {  	v35 =	vshll.u32 v35, v1  }
0x2bc: {  	v35 =	vbroadcast v35, $0x0  }
0x2bd: {  	s29 =	sadd.s32 $0x200, s29;
	[tilespmem:v34+s6+$0x0] =	vst.idx.msk $0xffff, v33  }
0x2be: {  	v33 =	vld [tilespmem:s29+$0xFFFFFF00];
	v34 =	vadd.s32 v0, v35;
	_ =	sdelay $0x4  }
0x2bf: {  	[tilespmem:v34+s6+$0x0] =	vst.idx.msk $0xffff, v33  }
0x2c0: {  	v34 =	vadd.s32 v2, v35;
	v33 =	vld [tilespmem:s29+$0xFFFFFF10];
	_ =	sdelay $0x4  }
0x2c1: {  	[tilespmem:v34+s6+$0x0] =	vst.idx.msk $0xffff, v33  }
0x2c2: {  	v34 =	vadd.s32 v3, v35;
	v33 =	vld [tilespmem:s29+$0xFFFFFF20];
	_ =	sdelay $0x4  }
0x2c3: {  	[tilespmem:v34+s6+$0x0] =	vst.idx.msk $0xffff, v33  }
0x2c4: {  	s1 =	sadd.s32 $0x1, s30;
	v34 =	vadd.s32 v4, v35;
	v33 =	vld [tilespmem:s29+$0xFFFFFF30]  }
0x2c5: {  	v35 =	vmov s1  }
0x2c6: {  	v35 =	vshrl.u32 v35, $0x3  }
0x2c7: {  	v35 =	vshll.u32 v35, v1  }
0x2c8: {  	v35 =	vbroadcast v35, $0x0  }
0x2c9: {  	[tilespmem:v34+s6+$0x0] =	vst.idx.msk $0xffff, v33  }
0x2ca: {  	v34 =	vadd.s32 v5, v35;
	v33 =	vld [tilespmem:s29+$0xFFFFFF40];
	_ =	sdelay $0x4  }
0x2cb: {  	[tilespmem:v34+s6+$0x0] =	vst.idx.msk $0xffff, v33  }
0x2cc: {  	v34 =	vadd.s32 v6, v35;
	v33 =	vld [tilespmem:s29+$0xFFFFFF50];
	_ =	sdelay $0x4  }
0x2cd: {  	[tilespmem:v34+s6+$0x0] =	vst.idx.msk $0xffff, v33  }
0x2ce: {  	v34 =	vadd.s32 v7, v35;
	v33 =	vld [tilespmem:s29+$0xFFFFFF60];
	_ =	sdelay $0x4  }
0x2cf: {  	[tilespmem:v34+s6+$0x0] =	vst.idx.msk $0xffff, v33  }
0x2d0: {  	s1 =	sadd.s32 $0x2, s30;
	v34 =	vadd.s32 v8, v35;
	v33 =	vld [tilespmem:s29+$0xFFFFFF70]  }
0x2d1: {  	v35 =	vmov s1  }
0x2d2: {  	v35 =	vshrl.u32 v35, $0x3  }
0x2d3: {  	v35 =	vshll.u32 v35, v1  }
0x2d4: {  	v35 =	vbroadcast v35, $0x0  }
0x2d5: {  	[tilespmem:v34+s6+$0x0] =	vst.idx.msk $0xffff, v33  }
0x2d6: {  	v34 =	vadd.s32 v9, v35;
	v33 =	vld [tilespmem:s29+$0xFFFFFF80];
	_ =	sdelay $0x4  }
0x2d7: {  	[tilespmem:v34+s6+$0x0] =	vst.idx.msk $0xffff, v33  }
0x2d8: {  	v34 =	vadd.s32 v10, v35;
	v33 =	vld [tilespmem:s29+$0xFFFFFF90];
	_ =	sdelay $0x4  }
0x2d9: {  	[tilespmem:v34+s6+$0x0] =	vst.idx.msk $0xffff, v33  }
0x2da: {  	v34 =	vadd.s32 v11, v35;
	v33 =	vld [tilespmem:s29+$0xFFFFFFA0];
	_ =	sdelay $0x4  }
0x2db: {  	[tilespmem:v34+s6+$0x0] =	vst.idx.msk $0xffff, v33  }
0x2dc: {  	s1 =	sadd.s32 $0x3, s30;
	v34 =	vadd.s32 v12, v35;
	v33 =	vld [tilespmem:s29+$0xFFFFFFB0]  }
0x2dd: {  	v35 =	vmov s1  }
0x2de: {  	v35 =	vshrl.u32 v35, $0x3  }
0x2df: {  	v35 =	vshll.u32 v35, v1  }
0x2e0: {  	v35 =	vbroadcast v35, $0x0  }
0x2e1: {  	[tilespmem:v34+s6+$0x0] =	vst.idx.msk $0xffff, v33  }
0x2e2: {  	v34 =	vadd.s32 v13, v35;
	v33 =	vld [tilespmem:s29+$0xFFFFFFC0];
	_ =	sdelay $0x4  }
0x2e3: {  	[tilespmem:v34+s6+$0x0] =	vst.idx.msk $0xffff, v33  }
0x2e4: {  	v34 =	vadd.s32 v14, v35;
	v33 =	vld [tilespmem:s29+$0xFFFFFFD0];
	_ =	sdelay $0x4  }
0x2e5: {  	[tilespmem:v34+s6+$0x0] =	vst.idx.msk $0xffff, v33  }
0x2e6: {  	v34 =	vadd.s32 v15, v35;
	v33 =	vld [tilespmem:s29+$0xFFFFFFE0];
	_ =	sdelay $0x4  }
0x2e7: {  	[tilespmem:v34+s6+$0x0] =	vst.idx.msk $0xffff, v33  }
0x2e8: {  	s1 =	sadd.s32 $0x4, s30;
	v34 =	vadd.s32 v16, v35;
	v33 =	vld [tilespmem:s29+$0xFFFFFFF0]  }
0x2e9: {  	v35 =	vmov s1  }
0x2ea: {  	v35 =	vshrl.u32 v35, $0x3  }
0x2eb: {  	v35 =	vshll.u32 v35, v1  }
0x2ec: {  	v35 =	vbroadcast v35, $0x0  }
0x2ed: {  	[tilespmem:v34+s6+$0x0] =	vst.idx.msk $0xffff, v33  }
0x2ee: {  	v34 =	vadd.s32 v17, v35;
	v33 =	vld [tilespmem:s29+$0x0];
	_ =	sdelay $0x4  }
0x2ef: {  	[tilespmem:v34+s6+$0x0] =	vst.idx.msk $0xffff, v33  }
0x2f0: {  	v34 =	vadd.s32 v18, v35;
	v33 =	vld [tilespmem:s29+$0x10];
	_ =	sdelay $0x4  }
0x2f1: {  	[tilespmem:v34+s6+$0x0] =	vst.idx.msk $0xffff, v33  }
0x2f2: {  	v34 =	vadd.s32 v19, v35;
	v33 =	vld [tilespmem:s29+$0x20];
	_ =	sdelay $0x4  }
0x2f3: {  	[tilespmem:v34+s6+$0x0] =	vst.idx.msk $0xffff, v33  }
0x2f4: {  	s1 =	sadd.s32 $0x5, s30;
	v34 =	vadd.s32 v20, v35;
	v33 =	vld [tilespmem:s29+$0x30]  }
0x2f5: {  	v35 =	vmov s1  }
0x2f6: {  	v35 =	vshrl.u32 v35, $0x3  }
0x2f7: {  	v35 =	vshll.u32 v35, v1  }
0x2f8: {  	v35 =	vbroadcast v35, $0x0  }
0x2f9: {  	[tilespmem:v34+s6+$0x0] =	vst.idx.msk $0xffff, v33  }
0x2fa: {  	v34 =	vadd.s32 v21, v35;
	v33 =	vld [tilespmem:s29+$0x40];
	_ =	sdelay $0x4  }
0x2fb: {  	[tilespmem:v34+s6+$0x0] =	vst.idx.msk $0xffff, v33  }
0x2fc: {  	v34 =	vadd.s32 v22, v35;
	v33 =	vld [tilespmem:s29+$0x50];
	_ =	sdelay $0x4  }
0x2fd: {  	[tilespmem:v34+s6+$0x0] =	vst.idx.msk $0xffff, v33  }
0x2fe: {  	v34 =	vadd.s32 v23, v35;
	v33 =	vld [tilespmem:s29+$0x60];
	_ =	sdelay $0x4  }
0x2ff: {  	[tilespmem:v34+s6+$0x0] =	vst.idx.msk $0xffff, v33  }
0x300: {  	s1 =	sadd.s32 $0x6, s30;
	v34 =	vadd.s32 v24, v35;
	v33 =	vld [tilespmem:s29+$0x70]  }
0x301: {  	v35 =	vmov s1  }
0x302: {  	v35 =	vshrl.u32 v35, $0x3  }
0x303: {  	v35 =	vshll.u32 v35, v1  }
0x304: {  	v35 =	vbroadcast v35, $0x0  }
0x305: {  	[tilespmem:v34+s6+$0x0] =	vst.idx.msk $0xffff, v33  }
0x306: {  	v34 =	vadd.s32 v25, v35;
	v33 =	vld [tilespmem:s29+$0x80];
	_ =	sdelay $0x4  }
0x307: {  	[tilespmem:v34+s6+$0x0] =	vst.idx.msk $0xffff, v33  }
0x308: {  	v34 =	vadd.s32 v26, v35;
	v33 =	vld [tilespmem:s29+$0x90];
	_ =	sdelay $0x4  }
0x309: {  	[tilespmem:v34+s6+$0x0] =	vst.idx.msk $0xffff, v33  }
0x30a: {  	v34 =	vadd.s32 v27, v35;
	v33 =	vld [tilespmem:s29+$0xA0];
	_ =	sdelay $0x4  }
0x30b: {  	[tilespmem:v34+s6+$0x0] =	vst.idx.msk $0xffff, v33  }
0x30c: {  	s1 =	sadd.s32 $0x7, s30;
	s30 =	smov.u32 s31;
	v34 =	vadd.s32 v28, v35;
	v33 =	vld [tilespmem:s29+$0xB0]  }
0x30d: {  	v35 =	vmov s1  }
0x30e: {  	v35 =	vshrl.u32 v35, $0x3  }
0x30f: {  	v35 =	vshll.u32 v35, v1  }
0x310: {  	v35 =	vbroadcast v35, $0x0  }
0x311: {  	[tilespmem:v34+s6+$0x0] =	vst.idx.msk $0xffff, v33  }
0x312: {  	v34 =	vadd.s32 v29, v35;
	v33 =	vld [tilespmem:s29+$0xC0];
	_ =	sdelay $0x4  }
0x313: {  	[tilespmem:v34+s6+$0x0] =	vst.idx.msk $0xffff, v33  }
0x314: {  	v34 =	vadd.s32 v30, v35;
	v33 =	vld [tilespmem:s29+$0xD0];
	_ =	sdelay $0x4  }
0x315: {  	[tilespmem:v34+s6+$0x0] =	vst.idx.msk $0xffff, v33  }
0x316: {  	v34 =	vadd.s32 v31, v35;
	v33 =	vld [tilespmem:s29+$0xE0];
	_ =	sdelay $0x2  }
.Ltmp3:
0x317: {  	(pc) =	sbr.rel @p2 .LBB2_5-.Ltmp3, $4  }
0x318: {  	_ = 	snop  }
0x319: {  	[tilespmem:v34+s6+$0x0] =	vst.idx.msk $0xffff, v33  }
0x31a: {  	v34 =	vadd.s32 v32, v35;
	v33 =	vld [tilespmem:s29+$0xF0]  }
0x31b: {  	s31 =	sadd.s32 $0x8, s31;
	v35 =	vmov s30  }
0x31c: {  	_ = 	snop  }
0x31d: {  	v35 =	vshrl.u32 v35, $0x3  }
0x31e: {  	v35 =	vshll.u32 v35, v1  }
0x31f: {  	v35 =	vbroadcast v35, $0x0  }
0x320: {  	s29 =	sadd.s32 $0x200, s29;
	[tilespmem:v34+s6+$0x0] =	vst.idx.msk $0xffff, v33  }
0x321: {  	v33 =	vld [tilespmem:s29+$0xFFFFFF00];
	v42 =	vadd.s32 v0, v35;
	_ =	sdelay $0x4  }
0x322: {  	[tilespmem:v42+s6+$0x0] =	vst.idx.msk $0xffff, v33  }
0x323: {  	v43 =	vadd.s32 v2, v35;
	v33 =	vld [tilespmem:s29+$0xFFFFFF10];
	_ =	sdelay $0x4  }
0x324: {  	[tilespmem:v43+s6+$0x0] =	vst.idx.msk $0xffff, v33  }
0x325: {  	v44 =	vadd.s32 v3, v35;
	v33 =	vld [tilespmem:s29+$0xFFFFFF20];
	_ =	sdelay $0x4  }
0x326: {  	[tilespmem:v44+s6+$0x0] =	vst.idx.msk $0xffff, v33  }
0x327: {  	s1 =	sadd.s32 $0x1, s30;
	v45 =	vadd.s32 v4, v35;
	v33 =	vld [tilespmem:s29+$0xFFFFFF30]  }
0x328: {  	v46 =	vmov s1  }
0x329: {  	v35 =	vshrl.u32 v46, $0x3  }
0x32a: {  	v35 =	vshll.u32 v35, v1  }
0x32b: {  	v35 =	vbroadcast v35, $0x0  }
0x32c: {  	[tilespmem:v45+s6+$0x0] =	vst.idx.msk $0xffff, v33  }
0x32d: {  	v47 =	vadd.s32 v5, v35;
	v33 =	vld [tilespmem:s29+$0xFFFFFF40];
	_ =	sdelay $0x4  }
0x32e: {  	[tilespmem:v47+s6+$0x0] =	vst.idx.msk $0xffff, v33  }
0x32f: {  	v48 =	vadd.s32 v6, v35;
	v33 =	vld [tilespmem:s29+$0xFFFFFF50];
	_ =	sdelay $0x4  }
0x330: {  	[tilespmem:v48+s6+$0x0] =	vst.idx.msk $0xffff, v33  }
0x331: {  	v49 =	vadd.s32 v7, v35;
	v33 =	vld [tilespmem:s29+$0xFFFFFF60];
	_ =	sdelay $0x4  }
0x332: {  	[tilespmem:v49+s6+$0x0] =	vst.idx.msk $0xffff, v33  }
0x333: {  	s1 =	sadd.s32 $0x2, s30;
	v50 =	vadd.s32 v8, v35;
	v33 =	vld [tilespmem:s29+$0xFFFFFF70]  }
0x334: {  	v51 =	vmov s1  }
0x335: {  	v35 =	vshrl.u32 v51, $0x3  }
0x336: {  	v35 =	vshll.u32 v35, v1  }
0x337: {  	v35 =	vbroadcast v35, $0x0  }
0x338: {  	[tilespmem:v50+s6+$0x0] =	vst.idx.msk $0xffff, v33  }
0x339: {  	v52 =	vadd.s32 v9, v35;
	v33 =	vld [tilespmem:s29+$0xFFFFFF80];
	_ =	sdelay $0x4  }
0x33a: {  	[tilespmem:v52+s6+$0x0] =	vst.idx.msk $0xffff, v33  }
0x33b: {  	v53 =	vadd.s32 v10, v35;
	v33 =	vld [tilespmem:s29+$0xFFFFFF90];
	_ =	sdelay $0x4  }
0x33c: {  	[tilespmem:v53+s6+$0x0] =	vst.idx.msk $0xffff, v33  }
0x33d: {  	v54 =	vadd.s32 v11, v35;
	v33 =	vld [tilespmem:s29+$0xFFFFFFA0];
	_ =	sdelay $0x4  }
0x33e: {  	[tilespmem:v54+s6+$0x0] =	vst.idx.msk $0xffff, v33  }
0x33f: {  	s1 =	sadd.s32 $0x3, s30;
	v55 =	vadd.s32 v12, v35;
	v33 =	vld [tilespmem:s29+$0xFFFFFFB0]  }
0x340: {  	v56 =	vmov s1  }
0x341: {  	v35 =	vshrl.u32 v56, $0x3  }
0x342: {  	v35 =	vshll.u32 v35, v1  }
0x343: {  	v35 =	vbroadcast v35, $0x0  }
0x344: {  	[tilespmem:v55+s6+$0x0] =	vst.idx.msk $0xffff, v33  }
0x345: {  	v57 =	vadd.s32 v13, v35;
	v33 =	vld [tilespmem:s29+$0xFFFFFFC0];
	_ =	sdelay $0x4  }
0x346: {  	[tilespmem:v57+s6+$0x0] =	vst.idx.msk $0xffff, v33  }
0x347: {  	v58 =	vadd.s32 v14, v35;
	v33 =	vld [tilespmem:s29+$0xFFFFFFD0];
	_ =	sdelay $0x4  }
0x348: {  	[tilespmem:v58+s6+$0x0] =	vst.idx.msk $0xffff, v33  }
0x349: {  	v59 =	vadd.s32 v15, v35;
	v33 =	vld [tilespmem:s29+$0xFFFFFFE0];
	_ =	sdelay $0x4  }
0x34a: {  	[tilespmem:v59+s6+$0x0] =	vst.idx.msk $0xffff, v33  }
0x34b: {  	s1 =	sadd.s32 $0x4, s30;
	v60 =	vadd.s32 v16, v35;
	v33 =	vld [tilespmem:s29+$0xFFFFFFF0]  }
0x34c: {  	v61 =	vmov s1  }
0x34d: {  	v35 =	vshrl.u32 v61, $0x3  }
0x34e: {  	v35 =	vshll.u32 v35, v1  }
0x34f: {  	v35 =	vbroadcast v35, $0x0  }
0x350: {  	[tilespmem:v60+s6+$0x0] =	vst.idx.msk $0xffff, v33  }
0x351: {  	v62 =	vadd.s32 v17, v35;
	v33 =	vld [tilespmem:s29+$0x0];
	_ =	sdelay $0x4  }
0x352: {  	[tilespmem:v62+s6+$0x0] =	vst.idx.msk $0xffff, v33  }
0x353: {  	v63 =	vadd.s32 v18, v35;
	v33 =	vld [tilespmem:s29+$0x10];
	_ =	sdelay $0x4  }
0x354: {  	[tilespmem:v63+s6+$0x0] =	vst.idx.msk $0xffff, v33  }
0x355: {  	v36 =	vadd.s32 v19, v35;
	v33 =	vld [tilespmem:s29+$0x20];
	_ =	sdelay $0x4  }
0x356: {  	[tilespmem:v36+s6+$0x0] =	vst.idx.msk $0xffff, v33  }
0x357: {  	s1 =	sadd.s32 $0x5, s30;
	v37 =	vadd.s32 v20, v35;
	v33 =	vld [tilespmem:s29+$0x30]  }
0x358: {  	v38 =	vmov s1  }
0x359: {  	v35 =	vshrl.u32 v38, $0x3  }
0x35a: {  	v35 =	vshll.u32 v35, v1  }
0x35b: {  	v35 =	vbroadcast v35, $0x0  }
0x35c: {  	[tilespmem:v37+s6+$0x0] =	vst.idx.msk $0xffff, v33  }
0x35d: {  	v39 =	vadd.s32 v21, v35;
	v33 =	vld [tilespmem:s29+$0x40];
	_ =	sdelay $0x4  }
0x35e: {  	[tilespmem:v39+s6+$0x0] =	vst.idx.msk $0xffff, v33  }
0x35f: {  	v40 =	vadd.s32 v22, v35;
	v33 =	vld [tilespmem:s29+$0x50];
	_ =	sdelay $0x4  }
0x360: {  	[tilespmem:v40+s6+$0x0] =	vst.idx.msk $0xffff, v33  }
0x361: {  	v41 =	vadd.s32 v23, v35;
	v33 =	vld [tilespmem:s29+$0x60];
	_ =	sdelay $0x4  }
0x362: {  	[tilespmem:v41+s6+$0x0] =	vst.idx.msk $0xffff, v33  }
0x363: {  	s1 =	sadd.s32 $0x6, s30;
	v42 =	vadd.s32 v24, v35;
	v33 =	vld [tilespmem:s29+$0x70]  }
0x364: {  	v43 =	vmov s1  }
0x365: {  	v35 =	vshrl.u32 v43, $0x3  }
0x366: {  	v35 =	vshll.u32 v35, v1  }
0x367: {  	v35 =	vbroadcast v35, $0x0  }
0x368: {  	[tilespmem:v42+s6+$0x0] =	vst.idx.msk $0xffff, v33  }
0x369: {  	v44 =	vadd.s32 v25, v35;
	v33 =	vld [tilespmem:s29+$0x80];
	_ =	sdelay $0x4  }
0x36a: {  	[tilespmem:v44+s6+$0x0] =	vst.idx.msk $0xffff, v33  }
0x36b: {  	v45 =	vadd.s32 v26, v35;
	v33 =	vld [tilespmem:s29+$0x90];
	_ =	sdelay $0x4  }
0x36c: {  	[tilespmem:v45+s6+$0x0] =	vst.idx.msk $0xffff, v33  }
0x36d: {  	v46 =	vadd.s32 v27, v35;
	v33 =	vld [tilespmem:s29+$0xA0];
	_ =	sdelay $0x4  }
0x36e: {  	[tilespmem:v46+s6+$0x0] =	vst.idx.msk $0xffff, v33  }
0x36f: {  	s1 =	sadd.s32 $0x7, s30;
	v47 =	vadd.s32 v28, v35;
	v33 =	vld [tilespmem:s29+$0xB0]  }
0x370: {  	v48 =	vmov s1  }
0x371: {  	v35 =	vshrl.u32 v48, $0x3  }
0x372: {  	v35 =	vshll.u32 v35, v1  }
0x373: {  	v35 =	vbroadcast v35, $0x0  }
0x374: {  	[tilespmem:v47+s6+$0x0] =	vst.idx.msk $0xffff, v33  }
0x375: {  	v49 =	vadd.s32 v29, v35;
	v33 =	vld [tilespmem:s29+$0xC0];
	_ =	sdelay $0x4  }
0x376: {  	[tilespmem:v49+s6+$0x0] =	vst.idx.msk $0xffff, v33  }
0x377: {  	v50 =	vadd.s32 v30, v35;
	v33 =	vld [tilespmem:s29+$0xD0];
	_ =	sdelay $0x4  }
0x378: {  	[tilespmem:v50+s6+$0x0] =	vst.idx.msk $0xffff, v33  }
0x379: {  	v51 =	vadd.s32 v31, v35;
	v33 =	vld [tilespmem:s29+$0xE0];
	_ =	sdelay $0x4  }
0x37a: {  	[tilespmem:v51+s6+$0x0] =	vst.idx.msk $0xffff, v33  }
0x37b: {  	v52 =	vadd.s32 v32, v35;
	v33 =	vld [tilespmem:s29+$0xF0];
	_ =	sdelay $0x1  }
0x37c: {  	s1 =	sshll.u32 s28, $0xA;
	s28 =	sshll.u32 s28, $0x7  }
0x37d: {  	s1 =	sand.u32 $0xFFE0000, s1;
	s28 =	sand.u32 $0x3E80, s28  }
0x37e: {  	s28 =	sor.u32 s28, s1  }
0x37f: {  	s1 =	sadd.s32 s2, s28;
	[tilespmem:v52+s6+$0x0] =	vst.idx.msk $0xffff, v33  }
0x380: {  	[hbm4b:s1+s3] =	stream.linear.scatter [tilespmem:s6], [sflag:$0x6], $0x80, $0x38;
	[tilespmem:$0x1D000] =	vst v63  }
0x381: {  	s30 =	simm.s32 $0x16A88;
	s29 =	sadd.s32 $0x10, s1  }
0x382: {  	[hbm4b:s29+s3] =	stream.linear.scatter [tilespmem:s30], [sflag:$0x6], $0x80, $0x38;
	[tilespmem:$0x1D000] =	vst v63  }
0x383: {  	s29 =	sadd.s32 $0x20, s1;
	s30 =	simm.s32 $0x16B10  }
0x384: {  	[hbm4b:s29+s3] =	stream.linear.scatter [tilespmem:s30], [sflag:$0x6], $0x80, $0x38;
	[tilespmem:$0x1D000] =	vst v63  }
0x385: {  	s29 =	sadd.s32 $0x30, s1;
	s30 =	simm.s32 $0x16B98  }
0x386: {  	[hbm4b:s29+s3] =	stream.linear.scatter [tilespmem:s30], [sflag:$0x6], $0x80, $0x38;
	[tilespmem:$0x1D000] =	vst v63  }
0x387: {  	s29 =	sadd.s32 $0x40, s1;
	s30 =	simm.s32 $0x16C20  }
0x388: {  	[hbm4b:s29+s3] =	stream.linear.scatter [tilespmem:s30], [sflag:$0x6], $0x80, $0x38;
	[tilespmem:$0x1D000] =	vst v63  }
0x389: {  	s29 =	sadd.s32 $0x50, s1;
	s30 =	simm.s32 $0x16CA8  }
0x38a: {  	[hbm4b:s29+s3] =	stream.linear.scatter [tilespmem:s30], [sflag:$0x6], $0x80, $0x38;
	[tilespmem:$0x1D000] =	vst v63  }
0x38b: {  	s29 =	sadd.s32 $0x60, s1;
	s30 =	simm.s32 $0x16D30  }
0x38c: {  	[hbm4b:s29+s3] =	stream.linear.scatter [tilespmem:s30], [sflag:$0x6], $0x80, $0x38;
	[tilespmem:$0x1D000] =	vst v63  }
0x38d: {  	s1 =	sadd.s32 $0x70, s1;
	s29 =	simm.s32 $0x16DB8  }
0x38e: {  	[hbm4b:s1+s3] =	stream.linear.scatter [tilespmem:s29], [sflag:$0x6], $0x80, $0x38;
	[tilespmem:$0x1D000] =	vst v63  }
0x38f: {  	s1 =	sadd.s32 s28, s7;
	s29 =	simm.s32 $0x16E40  }
0x390: {  	[hbm4b:s1+s3] =	stream.linear.scatter [tilespmem:s29], [sflag:$0x6], $0x80, $0x38;
	[tilespmem:$0x1D000] =	vst v63  }
0x391: {  	s30 =	simm.s32 $0x16EC8;
	s29 =	sadd.s32 $0x10, s1  }
0x392: {  	[hbm4b:s29+s3] =	stream.linear.scatter [tilespmem:s30], [sflag:$0x6], $0x80, $0x38;
	[tilespmem:$0x1D000] =	vst v63  }
0x393: {  	s29 =	sadd.s32 $0x20, s1;
	s30 =	simm.s32 $0x16F50  }
0x394: {  	[hbm4b:s29+s3] =	stream.linear.scatter [tilespmem:s30], [sflag:$0x6], $0x80, $0x38;
	[tilespmem:$0x1D000] =	vst v63  }
0x395: {  	s29 =	sadd.s32 $0x30, s1;
	s30 =	simm.s32 $0x16FD8  }
0x396: {  	[hbm4b:s29+s3] =	stream.linear.scatter [tilespmem:s30], [sflag:$0x6], $0x80, $0x38;
	[tilespmem:$0x1D000] =	vst v63  }
0x397: {  	s29 =	sadd.s32 $0x40, s1;
	s30 =	simm.s32 $0x17060  }
0x398: {  	[hbm4b:s29+s3] =	stream.linear.scatter [tilespmem:s30], [sflag:$0x6], $0x80, $0x38;
	[tilespmem:$0x1D000] =	vst v63  }
0x399: {  	s29 =	sadd.s32 $0x50, s1;
	s30 =	simm.s32 $0x170E8  }
0x39a: {  	[hbm4b:s29+s3] =	stream.linear.scatter [tilespmem:s30], [sflag:$0x6], $0x80, $0x38;
	[tilespmem:$0x1D000] =	vst v63  }
0x39b: {  	s29 =	sadd.s32 $0x60, s1;
	s30 =	simm.s32 $0x17170  }
0x39c: {  	[hbm4b:s29+s3] =	stream.linear.scatter [tilespmem:s30], [sflag:$0x6], $0x80, $0x38;
	[tilespmem:$0x1D000] =	vst v63  }
0x39d: {  	s1 =	sadd.s32 $0x70, s1;
	s29 =	simm.s32 $0x171F8  }
0x39e: {  	[hbm4b:s1+s3] =	stream.linear.scatter [tilespmem:s29], [sflag:$0x6], $0x80, $0x38;
	[tilespmem:$0x1D000] =	vst v63  }
0x39f: {  	s1 =	sadd.s32 s28, s8;
	s29 =	simm.s32 $0x17280  }
0x3a0: {  	[hbm4b:s1+s3] =	stream.linear.scatter [tilespmem:s29], [sflag:$0x6], $0x80, $0x38;
	[tilespmem:$0x1D000] =	vst v63  }
0x3a1: {  	s30 =	simm.s32 $0x17308;
	s29 =	sadd.s32 $0x10, s1  }
0x3a2: {  	[hbm4b:s29+s3] =	stream.linear.scatter [tilespmem:s30], [sflag:$0x6], $0x80, $0x38;
	[tilespmem:$0x1D000] =	vst v63  }
0x3a3: {  	s29 =	sadd.s32 $0x20, s1;
	s30 =	simm.s32 $0x17390  }
0x3a4: {  	[hbm4b:s29+s3] =	stream.linear.scatter [tilespmem:s30], [sflag:$0x6], $0x80, $0x38;
	[tilespmem:$0x1D000] =	vst v63  }
0x3a5: {  	s29 =	sadd.s32 $0x30, s1;
	s30 =	simm.s32 $0x17418  }
0x3a6: {  	[hbm4b:s29+s3] =	stream.linear.scatter [tilespmem:s30], [sflag:$0x6], $0x80, $0x38;
	[tilespmem:$0x1D000] =	vst v63  }
0x3a7: {  	s29 =	sadd.s32 $0x40, s1;
	s30 =	simm.s32 $0x174A0  }
0x3a8: {  	[hbm4b:s29+s3] =	stream.linear.scatter [tilespmem:s30], [sflag:$0x6], $0x80, $0x38;
	[tilespmem:$0x1D000] =	vst v63  }
0x3a9: {  	s29 =	sadd.s32 $0x50, s1;
	s30 =	simm.s32 $0x17528  }
0x3aa: {  	[hbm4b:s29+s3] =	stream.linear.scatter [tilespmem:s30], [sflag:$0x6], $0x80, $0x38;
	[tilespmem:$0x1D000] =	vst v63  }
0x3ab: {  	s29 =	sadd.s32 $0x60, s1;
	s30 =	simm.s32 $0x175B0  }
0x3ac: {  	[hbm4b:s29+s3] =	stream.linear.scatter [tilespmem:s30], [sflag:$0x6], $0x80, $0x38;
	[tilespmem:$0x1D000] =	vst v63  }
0x3ad: {  	s1 =	sadd.s32 $0x70, s1;
	s29 =	simm.s32 $0x17638  }
0x3ae: {  	[hbm4b:s1+s3] =	stream.linear.scatter [tilespmem:s29], [sflag:$0x6], $0x80, $0x38;
	[tilespmem:$0x1D000] =	vst v63  }
0x3af: {  	s1 =	sadd.s32 s28, s9;
	s29 =	simm.s32 $0x176C0  }
0x3b0: {  	[hbm4b:s1+s3] =	stream.linear.scatter [tilespmem:s29], [sflag:$0x6], $0x80, $0x38;
	[tilespmem:$0x1D000] =	vst v63  }
0x3b1: {  	s30 =	simm.s32 $0x17748;
	s29 =	sadd.s32 $0x10, s1  }
0x3b2: {  	[hbm4b:s29+s3] =	stream.linear.scatter [tilespmem:s30], [sflag:$0x6], $0x80, $0x38;
	[tilespmem:$0x1D000] =	vst v63  }
0x3b3: {  	s29 =	sadd.s32 $0x20, s1;
	s30 =	simm.s32 $0x177D0  }
0x3b4: {  	[hbm4b:s29+s3] =	stream.linear.scatter [tilespmem:s30], [sflag:$0x6], $0x80, $0x38;
	[tilespmem:$0x1D000] =	vst v63  }
0x3b5: {  	s29 =	sadd.s32 $0x30, s1;
	s30 =	simm.s32 $0x17858  }
0x3b6: {  	[hbm4b:s29+s3] =	stream.linear.scatter [tilespmem:s30], [sflag:$0x6], $0x80, $0x38;
	[tilespmem:$0x1D000] =	vst v63  }
0x3b7: {  	s29 =	sadd.s32 $0x40, s1;
	s30 =	simm.s32 $0x178E0  }
0x3b8: {  	[hbm4b:s29+s3] =	stream.linear.scatter [tilespmem:s30], [sflag:$0x6], $0x80, $0x38;
	[tilespmem:$0x1D000] =	vst v63  }
0x3b9: {  	s29 =	sadd.s32 $0x50, s1;
	s30 =	simm.s32 $0x17968  }
0x3ba: {  	[hbm4b:s29+s3] =	stream.linear.scatter [tilespmem:s30], [sflag:$0x6], $0x80, $0x38;
	[tilespmem:$0x1D000] =	vst v63  }
0x3bb: {  	s29 =	sadd.s32 $0x60, s1;
	s30 =	simm.s32 $0x179F0  }
0x3bc: {  	[hbm4b:s29+s3] =	stream.linear.scatter [tilespmem:s30], [sflag:$0x6], $0x80, $0x38;
	[tilespmem:$0x1D000] =	vst v63  }
0x3bd: {  	s1 =	sadd.s32 $0x70, s1;
	s29 =	simm.s32 $0x17A78  }
0x3be: {  	[hbm4b:s1+s3] =	stream.linear.scatter [tilespmem:s29], [sflag:$0x6], $0x80, $0x38;
	[tilespmem:$0x1D000] =	vst v63  }
0x3bf: {  	s1 =	sadd.s32 s28, s10;
	s29 =	simm.s32 $0x17B00  }
0x3c0: {  	[hbm4b:s1+s3] =	stream.linear.scatter [tilespmem:s29], [sflag:$0x6], $0x80, $0x38;
	[tilespmem:$0x1D000] =	vst v63  }
0x3c1: {  	s30 =	simm.s32 $0x17B88;
	s29 =	sadd.s32 $0x10, s1  }
0x3c2: {  	[hbm4b:s29+s3] =	stream.linear.scatter [tilespmem:s30], [sflag:$0x6], $0x80, $0x38;
	[tilespmem:$0x1D000] =	vst v63  }
0x3c3: {  	s29 =	sadd.s32 $0x20, s1;
	s30 =	simm.s32 $0x17C10  }
0x3c4: {  	[hbm4b:s29+s3] =	stream.linear.scatter [tilespmem:s30], [sflag:$0x6], $0x80, $0x38;
	[tilespmem:$0x1D000] =	vst v63  }
0x3c5: {  	s29 =	sadd.s32 $0x30, s1;
	s30 =	simm.s32 $0x17C98  }
0x3c6: {  	[hbm4b:s29+s3] =	stream.linear.scatter [tilespmem:s30], [sflag:$0x6], $0x80, $0x38;
	[tilespmem:$0x1D000] =	vst v63  }
0x3c7: {  	s29 =	sadd.s32 $0x40, s1;
	s30 =	simm.s32 $0x17D20  }
0x3c8: {  	[hbm4b:s29+s3] =	stream.linear.scatter [tilespmem:s30], [sflag:$0x6], $0x80, $0x38;
	[tilespmem:$0x1D000] =	vst v63  }
0x3c9: {  	s29 =	sadd.s32 $0x50, s1;
	s30 =	simm.s32 $0x17DA8  }
0x3ca: {  	[hbm4b:s29+s3] =	stream.linear.scatter [tilespmem:s30], [sflag:$0x6], $0x80, $0x38;
	[tilespmem:$0x1D000] =	vst v63  }
0x3cb: {  	s29 =	sadd.s32 $0x60, s1;
	s30 =	simm.s32 $0x17E30  }
0x3cc: {  	[hbm4b:s29+s3] =	stream.linear.scatter [tilespmem:s30], [sflag:$0x6], $0x80, $0x38;
	[tilespmem:$0x1D000] =	vst v63  }
0x3cd: {  	s1 =	sadd.s32 $0x70, s1;
	s29 =	simm.s32 $0x17EB8  }
0x3ce: {  	[hbm4b:s1+s3] =	stream.linear.scatter [tilespmem:s29], [sflag:$0x6], $0x80, $0x38;
	[tilespmem:$0x1D000] =	vst v63  }
0x3cf: {  	s1 =	sadd.s32 s28, s11;
	s29 =	simm.s32 $0x17F40  }
0x3d0: {  	[hbm4b:s1+s3] =	stream.linear.scatter [tilespmem:s29], [sflag:$0x6], $0x80, $0x38;
	[tilespmem:$0x1D000] =	vst v63  }
0x3d1: {  	s30 =	simm.s32 $0x17FC8;
	s29 =	sadd.s32 $0x10, s1  }
0x3d2: {  	[hbm4b:s29+s3] =	stream.linear.scatter [tilespmem:s30], [sflag:$0x6], $0x80, $0x38;
	[tilespmem:$0x1D000] =	vst v63  }
0x3d3: {  	s29 =	sadd.s32 $0x20, s1;
	s30 =	simm.s32 $0x18050  }
0x3d4: {  	[hbm4b:s29+s3] =	stream.linear.scatter [tilespmem:s30], [sflag:$0x6], $0x80, $0x38;
	[tilespmem:$0x1D000] =	vst v63  }
0x3d5: {  	s29 =	sadd.s32 $0x30, s1;
	s30 =	simm.s32 $0x180D8  }
0x3d6: {  	[hbm4b:s29+s3] =	stream.linear.scatter [tilespmem:s30], [sflag:$0x6], $0x80, $0x38;
	[tilespmem:$0x1D000] =	vst v63  }
0x3d7: {  	s29 =	sadd.s32 $0x40, s1;
	s30 =	simm.s32 $0x18160  }
0x3d8: {  	[hbm4b:s29+s3] =	stream.linear.scatter [tilespmem:s30], [sflag:$0x6], $0x80, $0x38;
	[tilespmem:$0x1D000] =	vst v63  }
0x3d9: {  	s29 =	sadd.s32 $0x50, s1;
	s30 =	simm.s32 $0x181E8  }
0x3da: {  	[hbm4b:s29+s3] =	stream.linear.scatter [tilespmem:s30], [sflag:$0x6], $0x80, $0x38;
	[tilespmem:$0x1D000] =	vst v63  }
0x3db: {  	s29 =	sadd.s32 $0x60, s1;
	s30 =	simm.s32 $0x18270  }
0x3dc: {  	[hbm4b:s29+s3] =	stream.linear.scatter [tilespmem:s30], [sflag:$0x6], $0x80, $0x38;
	[tilespmem:$0x1D000] =	vst v63  }
0x3dd: {  	s1 =	sadd.s32 $0x70, s1;
	s29 =	simm.s32 $0x182F8  }
0x3de: {  	[hbm4b:s1+s3] =	stream.linear.scatter [tilespmem:s29], [sflag:$0x6], $0x80, $0x38;
	[tilespmem:$0x1D000] =	vst v63  }
0x3df: {  	s1 =	sadd.s32 s28, s12;
	s29 =	simm.s32 $0x18380  }
0x3e0: {  	[hbm4b:s1+s3] =	stream.linear.scatter [tilespmem:s29], [sflag:$0x6], $0x80, $0x38;
	[tilespmem:$0x1D000] =	vst v63  }
0x3e1: {  	s30 =	simm.s32 $0x18408;
	s29 =	sadd.s32 $0x10, s1  }
0x3e2: {  	[hbm4b:s29+s3] =	stream.linear.scatter [tilespmem:s30], [sflag:$0x6], $0x80, $0x38;
	[tilespmem:$0x1D000] =	vst v63  }
0x3e3: {  	s29 =	sadd.s32 $0x20, s1;
	s30 =	simm.s32 $0x18490  }
0x3e4: {  	[hbm4b:s29+s3] =	stream.linear.scatter [tilespmem:s30], [sflag:$0x6], $0x80, $0x38;
	[tilespmem:$0x1D000] =	vst v63  }
0x3e5: {  	s29 =	sadd.s32 $0x30, s1;
	s30 =	simm.s32 $0x18518  }
0x3e6: {  	[hbm4b:s29+s3] =	stream.linear.scatter [tilespmem:s30], [sflag:$0x6], $0x80, $0x38;
	[tilespmem:$0x1D000] =	vst v63  }
0x3e7: {  	s29 =	sadd.s32 $0x40, s1;
	s30 =	simm.s32 $0x185A0  }
0x3e8: {  	[hbm4b:s29+s3] =	stream.linear.scatter [tilespmem:s30], [sflag:$0x6], $0x80, $0x38;
	[tilespmem:$0x1D000] =	vst v63  }
0x3e9: {  	s29 =	sadd.s32 $0x50, s1;
	s30 =	simm.s32 $0x18628  }
0x3ea: {  	[hbm4b:s29+s3] =	stream.linear.scatter [tilespmem:s30], [sflag:$0x6], $0x80, $0x38;
	[tilespmem:$0x1D000] =	vst v63  }
0x3eb: {  	s29 =	sadd.s32 $0x60, s1;
	s30 =	simm.s32 $0x186B0  }
0x3ec: {  	[hbm4b:s29+s3] =	stream.linear.scatter [tilespmem:s30], [sflag:$0x6], $0x80, $0x38;
	[tilespmem:$0x1D000] =	vst v63  }
0x3ed: {  	s1 =	sadd.s32 $0x70, s1;
	s29 =	simm.s32 $0x18738  }
0x3ee: {  	[hbm4b:s1+s3] =	stream.linear.scatter [tilespmem:s29], [sflag:$0x6], $0x80, $0x38;
	[tilespmem:$0x1D000] =	vst v63  }
0x3ef: {  	s1 =	sadd.s32 s28, s13;
	s28 =	simm.s32 $0x187C0  }
0x3f0: {  	[hbm4b:s1+s3] =	stream.linear.scatter [tilespmem:s28], [sflag:$0x6], $0x80, $0x38;
	[tilespmem:$0x1D000] =	vst v63  }
0x3f1: {  	s29 =	simm.s32 $0x18848;
	s28 =	sadd.s32 $0x10, s1  }
0x3f2: {  	[hbm4b:s28+s3] =	stream.linear.scatter [tilespmem:s29], [sflag:$0x6], $0x80, $0x38;
	[tilespmem:$0x1D000] =	vst v63  }
0x3f3: {  	s28 =	sadd.s32 $0x20, s1;
	s29 =	simm.s32 $0x188D0  }
0x3f4: {  	[hbm4b:s28+s3] =	stream.linear.scatter [tilespmem:s29], [sflag:$0x6], $0x80, $0x38;
	[tilespmem:$0x1D000] =	vst v63  }
0x3f5: {  	s28 =	sadd.s32 $0x30, s1;
	s29 =	simm.s32 $0x18958  }
0x3f6: {  	[hbm4b:s28+s3] =	stream.linear.scatter [tilespmem:s29], [sflag:$0x6], $0x80, $0x38;
	[tilespmem:$0x1D000] =	vst v63  }
0x3f7: {  	s28 =	sadd.s32 $0x40, s1;
	s29 =	simm.s32 $0x189E0  }
0x3f8: {  	[hbm4b:s28+s3] =	stream.linear.scatter [tilespmem:s29], [sflag:$0x6], $0x80, $0x38;
	[tilespmem:$0x1D000] =	vst v63  }
0x3f9: {  	s28 =	sadd.s32 $0x50, s1;
	s29 =	simm.s32 $0x18A68  }
0x3fa: {  	[hbm4b:s28+s3] =	stream.linear.scatter [tilespmem:s29], [sflag:$0x6], $0x80, $0x38;
	[tilespmem:$0x1D000] =	vst v63  }
0x3fb: {  	s28 =	sadd.s32 $0x60, s1;
	s29 =	simm.s32 $0x18AF0  }
0x3fc: {  	[hbm4b:s28+s3] =	stream.linear.scatter [tilespmem:s29], [sflag:$0x6], $0x80, $0x38;
	[tilespmem:$0x1D000] =	vst v63  }
0x3fd: {  	s1 =	sadd.s32 $0x70, s1;
	s28 =	simm.s32 $0x18B78  }
0x3fe: {  	[hbm4b:s1+s3] =	stream.linear.scatter [tilespmem:s28], [sflag:$0x6], $0x80, $0x38;
	[tilespmem:$0x1D000] =	vst v63  }
0x3ff: {  	s29 =	simm.s32 @!p1 $0xE800;
	s1 =	sadd.s32 @!p1 $0x280, s14;
	s28 =	simm.s32 @!p1 $0x80  }
0x400: {  	[tilespmem:s29], [sflag:$0x2] =	stream.indirect.gather @!p1 [hbm4b:s4+s28], $0x40, s1, s28, $0xb8;
	[tilespmem:$0x1D000] =	vst v63  }
0x401: {  	_ =	swait.ge [sflag:s25], $0x2000  }
0x402: {  	[sflag:s25] =	ssyncset.done $0x0  }
0x403: {  	s1 =	simm.s32 @!p0 $0x7;
	[sflag:s25] =	ssyncadd.s32 $0xFFFFE000  }
0x404: {  	_ =	swait.ge @!p0 [sflag:s1], $0x400  }
0x405: {  	[sflag:s1] =	ssyncset.done @!p0 $0x0  }
0x406: {  	[sflag:s1] =	ssyncadd.s32 @!p0 $0xFFFFFC00  }
0x407: {  	_ =	swait.ge @!p0 [sflag:s1], $0x400  }
0x408: {  	[sflag:s1] =	ssyncset.done @!p0 $0x0  }
0x409: {  	[sflag:s1] =	ssyncadd.s32 @!p0 $0xFFFFFC00  }
0x40a: {  	_ =	swait.ge @!p0 [sflag:s1], $0x400  }
0x40b: {  	[sflag:s1] =	ssyncset.done @!p0 $0x0  }
0x40c: {  	[sflag:s1] =	ssyncadd.s32 @!p0 $0xFFFFFC00  }
0x40d: {  	_ =	swait.ge @!p0 [sflag:s1], $0x400  }
0x40e: {  	[sflag:s1] =	ssyncset.done @!p0 $0x0  }
0x40f: {  	[sflag:s1] =	ssyncadd.s32 @!p0 $0xFFFFFC00  }
0x410: {  	_ =	swait.ge @!p0 [sflag:s1], $0x400  }
0x411: {  	[sflag:s1] =	ssyncset.done @!p0 $0x0  }
0x412: {  	[sflag:s1] =	ssyncadd.s32 @!p0 $0xFFFFFC00  }
0x413: {  	_ =	swait.ge @!p0 [sflag:s1], $0x400  }
0x414: {  	[sflag:s1] =	ssyncset.done @!p0 $0x0  }
0x415: {  	[sflag:s1] =	ssyncadd.s32 @!p0 $0xFFFFFC00  }
0x416: {  	s28 =	simm.s32 $0x0;
	_ =	swait.ge @!p0 [sflag:s1], $0x400  }
0x417: {  	v53 =	vmov s28;
	[sflag:s1] =	ssyncset.done @!p0 $0x0  }
0x418: {  	v33 =	vshrl.u32 v53, $0x3;
	[sflag:s1] =	ssyncadd.s32 @!p0 $0xFFFFFC00  }
0x419: {  	v33 =	vshll.u32 v33, v1;
	_ =	swait.ge @!p0 [sflag:s1], $0x400  }
0x41a: {  	v33 =	vbroadcast v33, $0x0;
	[sflag:s1] =	ssyncset.done @!p0 $0x0  }
0x41b: {  	s29 =	simm.s32 $0x10900;
	[sflag:s1] =	ssyncadd.s32 @!p0 $0xFFFFFC00  }
0x41c: {  	v55 =	vadd.s32 v0, v33;
	v54 =	vld [tilespmem:s29+$0xFFFFFF00];
	_ =	sdelay $0x4  }
0x41d: {  	[tilespmem:v55+s26+$0x0] =	vst.idx.msk $0xffff, v54  }
0x41e: {  	v56 =	vadd.s32 v2, v33;
	v34 =	vld [tilespmem:s29+$0xFFFFFF10];
	_ =	sdelay $0x4  }
0x41f: {  	[tilespmem:v56+s26+$0x0] =	vst.idx.msk $0xffff, v34  }
0x420: {  	v57 =	vadd.s32 v3, v33;
	v34 =	vld [tilespmem:s29+$0xFFFFFF20];
	_ =	sdelay $0x4  }
0x421: {  	[tilespmem:v57+s26+$0x0] =	vst.idx.msk $0xffff, v34  }
0x422: {  	v33 =	vadd.s32 v4, v33;
	s1 =	simm.s32 $0x1;
	v34 =	vld [tilespmem:s29+$0xFFFFFF30]  }
0x423: {  	v58 =	vmov s1  }
0x424: {  	v35 =	vshrl.u32 v58, $0x3  }
0x425: {  	v35 =	vshll.u32 v35, v1  }
0x426: {  	v35 =	vbroadcast v35, $0x0  }
0x427: {  	[tilespmem:v33+s26+$0x0] =	vst.idx.msk $0xffff, v34  }
0x428: {  	v59 =	vadd.s32 v5, v35;
	v33 =	vld [tilespmem:s29+$0xFFFFFF40];
	_ =	sdelay $0x4  }
0x429: {  	[tilespmem:v59+s26+$0x0] =	vst.idx.msk $0xffff, v33  }
0x42a: {  	v60 =	vadd.s32 v6, v35;
	v33 =	vld [tilespmem:s29+$0xFFFFFF50];
	_ =	sdelay $0x4  }
0x42b: {  	[tilespmem:v60+s26+$0x0] =	vst.idx.msk $0xffff, v33  }
0x42c: {  	v61 =	vadd.s32 v7, v35;
	v33 =	vld [tilespmem:s29+$0xFFFFFF60];
	_ =	sdelay $0x4  }
0x42d: {  	[tilespmem:v61+s26+$0x0] =	vst.idx.msk $0xffff, v33  }
0x42e: {  	s1 =	simm.s32 $0x2;
	v62 =	vadd.s32 v8, v35;
	v33 =	vld [tilespmem:s29+$0xFFFFFF70]  }
0x42f: {  	v63 =	vmov s1  }
0x430: {  	v35 =	vshrl.u32 v63, $0x3  }
0x431: {  	v35 =	vshll.u32 v35, v1  }
0x432: {  	v35 =	vbroadcast v35, $0x0  }
0x433: {  	[tilespmem:v62+s26+$0x0] =	vst.idx.msk $0xffff, v33  }
0x434: {  	v36 =	vadd.s32 v9, v35;
	v33 =	vld [tilespmem:s29+$0xFFFFFF80];
	_ =	sdelay $0x4  }
0x435: {  	[tilespmem:v36+s26+$0x0] =	vst.idx.msk $0xffff, v33  }
0x436: {  	v37 =	vadd.s32 v10, v35;
	v33 =	vld [tilespmem:s29+$0xFFFFFF90];
	_ =	sdelay $0x4  }
0x437: {  	[tilespmem:v37+s26+$0x0] =	vst.idx.msk $0xffff, v33  }
0x438: {  	v38 =	vadd.s32 v11, v35;
	v33 =	vld [tilespmem:s29+$0xFFFFFFA0];
	_ =	sdelay $0x4  }
0x439: {  	[tilespmem:v38+s26+$0x0] =	vst.idx.msk $0xffff, v33  }
0x43a: {  	s1 =	simm.s32 $0x3;
	v39 =	vadd.s32 v12, v35;
	v33 =	vld [tilespmem:s29+$0xFFFFFFB0]  }
0x43b: {  	v40 =	vmov s1  }
0x43c: {  	v35 =	vshrl.u32 v40, $0x3  }
0x43d: {  	v35 =	vshll.u32 v35, v1  }
0x43e: {  	v35 =	vbroadcast v35, $0x0  }
0x43f: {  	[tilespmem:v39+s26+$0x0] =	vst.idx.msk $0xffff, v33  }
0x440: {  	v41 =	vadd.s32 v13, v35;
	v33 =	vld [tilespmem:s29+$0xFFFFFFC0];
	_ =	sdelay $0x4  }
0x441: {  	[tilespmem:v41+s26+$0x0] =	vst.idx.msk $0xffff, v33  }
0x442: {  	v42 =	vadd.s32 v14, v35;
	v33 =	vld [tilespmem:s29+$0xFFFFFFD0];
	_ =	sdelay $0x4  }
0x443: {  	[tilespmem:v42+s26+$0x0] =	vst.idx.msk $0xffff, v33  }
0x444: {  	v43 =	vadd.s32 v15, v35;
	v33 =	vld [tilespmem:s29+$0xFFFFFFE0];
	_ =	sdelay $0x4  }
0x445: {  	[tilespmem:v43+s26+$0x0] =	vst.idx.msk $0xffff, v33  }
0x446: {  	s1 =	simm.s32 $0x4;
	v44 =	vadd.s32 v16, v35;
	v33 =	vld [tilespmem:s29+$0xFFFFFFF0]  }
0x447: {  	v45 =	vmov s1  }
0x448: {  	v35 =	vshrl.u32 v45, $0x3  }
0x449: {  	v35 =	vshll.u32 v35, v1  }
0x44a: {  	v35 =	vbroadcast v35, $0x0  }
0x44b: {  	[tilespmem:v44+s26+$0x0] =	vst.idx.msk $0xffff, v33  }
0x44c: {  	v46 =	vadd.s32 v17, v35;
	v33 =	vld [tilespmem:s29+$0x0];
	_ =	sdelay $0x4  }
0x44d: {  	[tilespmem:v46+s26+$0x0] =	vst.idx.msk $0xffff, v33  }
0x44e: {  	v47 =	vadd.s32 v18, v35;
	v33 =	vld [tilespmem:s29+$0x10];
	_ =	sdelay $0x4  }
0x44f: {  	[tilespmem:v47+s26+$0x0] =	vst.idx.msk $0xffff, v33  }
0x450: {  	v48 =	vadd.s32 v19, v35;
	v33 =	vld [tilespmem:s29+$0x20];
	_ =	sdelay $0x4  }
0x451: {  	[tilespmem:v48+s26+$0x0] =	vst.idx.msk $0xffff, v33  }
0x452: {  	s1 =	simm.s32 $0x5;
	v49 =	vadd.s32 v20, v35;
	v33 =	vld [tilespmem:s29+$0x30]  }
0x453: {  	v50 =	vmov s1  }
0x454: {  	v35 =	vshrl.u32 v50, $0x3  }
0x455: {  	v35 =	vshll.u32 v35, v1  }
0x456: {  	v35 =	vbroadcast v35, $0x0  }
0x457: {  	[tilespmem:v49+s26+$0x0] =	vst.idx.msk $0xffff, v33  }
0x458: {  	v51 =	vadd.s32 v21, v35;
	v33 =	vld [tilespmem:s29+$0x40];
	_ =	sdelay $0x4  }
0x459: {  	[tilespmem:v51+s26+$0x0] =	vst.idx.msk $0xffff, v33  }
0x45a: {  	v52 =	vadd.s32 v22, v35;
	v33 =	vld [tilespmem:s29+$0x50];
	_ =	sdelay $0x4  }
0x45b: {  	[tilespmem:v52+s26+$0x0] =	vst.idx.msk $0xffff, v33  }
0x45c: {  	v53 =	vadd.s32 v23, v35;
	v33 =	vld [tilespmem:s29+$0x60];
	_ =	sdelay $0x4  }
0x45d: {  	[tilespmem:v53+s26+$0x0] =	vst.idx.msk $0xffff, v33  }
0x45e: {  	s1 =	simm.s32 $0x6;
	v54 =	vadd.s32 v24, v35;
	v33 =	vld [tilespmem:s29+$0x70]  }
0x45f: {  	v55 =	vmov s1  }
0x460: {  	v35 =	vshrl.u32 v55, $0x3  }
0x461: {  	v35 =	vshll.u32 v35, v1  }
0x462: {  	v35 =	vbroadcast v35, $0x0  }
0x463: {  	[tilespmem:v54+s26+$0x0] =	vst.idx.msk $0xffff, v33  }
0x464: {  	v56 =	vadd.s32 v25, v35;
	v33 =	vld [tilespmem:s29+$0x80];
	_ =	sdelay $0x4  }
0x465: {  	[tilespmem:v56+s26+$0x0] =	vst.idx.msk $0xffff, v33  }
0x466: {  	v57 =	vadd.s32 v26, v35;
	v33 =	vld [tilespmem:s29+$0x90];
	_ =	sdelay $0x4  }
0x467: {  	[tilespmem:v57+s26+$0x0] =	vst.idx.msk $0xffff, v33  }
0x468: {  	v58 =	vadd.s32 v27, v35;
	v33 =	vld [tilespmem:s29+$0xA0];
	_ =	sdelay $0x4  }
0x469: {  	[tilespmem:v58+s26+$0x0] =	vst.idx.msk $0xffff, v33  }
0x46a: {  	s1 =	simm.s32 $0x7;
	v59 =	vadd.s32 v28, v35;
	v33 =	vld [tilespmem:s29+$0xB0]  }
0x46b: {  	v60 =	vmov s1  }
0x46c: {  	v35 =	vshrl.u32 v60, $0x3  }
0x46d: {  	v35 =	vshll.u32 v35, v1  }
0x46e: {  	v35 =	vbroadcast v35, $0x0  }
0x46f: {  	[tilespmem:v59+s26+$0x0] =	vst.idx.msk $0xffff, v33  }
0x470: {  	v61 =	vadd.s32 v29, v35;
	v33 =	vld [tilespmem:s29+$0xC0];
	_ =	sdelay $0x4  }
0x471: {  	[tilespmem:v61+s26+$0x0] =	vst.idx.msk $0xffff, v33  }
0x472: {  	v62 =	vadd.s32 v30, v35;
	v33 =	vld [tilespmem:s29+$0xD0];
	_ =	sdelay $0x4  }
0x473: {  	[tilespmem:v62+s26+$0x0] =	vst.idx.msk $0xffff, v33  }
0x474: {  	v63 =	vadd.s32 v31, v35;
	v33 =	vld [tilespmem:s29+$0xE0];
	_ =	sdelay $0x4  }
0x475: {  	[tilespmem:v63+s26+$0x0] =	vst.idx.msk $0xffff, v33  }
0x476: {  	s30 =	simm.s32 $0x8;
	v34 =	vadd.s32 v32, v35;
	v33 =	vld [tilespmem:s29+$0xF0]  }
0x477: {  	s31 =	simm.s32 $0x10;
	s28 =	sadd.s32 $0x2, s20;
	v35 =	vmov s30  }
.LBB2_7:
0x478: {  	p2 =	slt.u32 s31, $0x78;
	v35 =	vshrl.u32 v35, $0x3  }
0x479: {  	v35 =	vshll.u32 v35, v1  }
0x47a: {  	v35 =	vbroadcast v35, $0x0  }
0x47b: {  	s29 =	sadd.s32 $0x200, s29;
	[tilespmem:v34+s26+$0x0] =	vst.idx.msk $0xffff, v33  }
0x47c: {  	v33 =	vld [tilespmem:s29+$0xFFFFFF00];
	v34 =	vadd.s32 v0, v35;
	_ =	sdelay $0x4  }
0x47d: {  	[tilespmem:v34+s26+$0x0] =	vst.idx.msk $0xffff, v33  }
0x47e: {  	v34 =	vadd.s32 v2, v35;
	v33 =	vld [tilespmem:s29+$0xFFFFFF10];
	_ =	sdelay $0x4  }
0x47f: {  	[tilespmem:v34+s26+$0x0] =	vst.idx.msk $0xffff, v33  }
0x480: {  	v34 =	vadd.s32 v3, v35;
	v33 =	vld [tilespmem:s29+$0xFFFFFF20];
	_ =	sdelay $0x4  }
0x481: {  	[tilespmem:v34+s26+$0x0] =	vst.idx.msk $0xffff, v33  }
0x482: {  	s1 =	sadd.s32 $0x1, s30;
	v34 =	vadd.s32 v4, v35;
	v33 =	vld [tilespmem:s29+$0xFFFFFF30]  }
0x483: {  	v35 =	vmov s1  }
0x484: {  	v35 =	vshrl.u32 v35, $0x3  }
0x485: {  	v35 =	vshll.u32 v35, v1  }
0x486: {  	v35 =	vbroadcast v35, $0x0  }
0x487: {  	[tilespmem:v34+s26+$0x0] =	vst.idx.msk $0xffff, v33  }
0x488: {  	v34 =	vadd.s32 v5, v35;
	v33 =	vld [tilespmem:s29+$0xFFFFFF40];
	_ =	sdelay $0x4  }
0x489: {  	[tilespmem:v34+s26+$0x0] =	vst.idx.msk $0xffff, v33  }
0x48a: {  	v34 =	vadd.s32 v6, v35;
	v33 =	vld [tilespmem:s29+$0xFFFFFF50];
	_ =	sdelay $0x4  }
0x48b: {  	[tilespmem:v34+s26+$0x0] =	vst.idx.msk $0xffff, v33  }
0x48c: {  	v34 =	vadd.s32 v7, v35;
	v33 =	vld [tilespmem:s29+$0xFFFFFF60];
	_ =	sdelay $0x4  }
0x48d: {  	[tilespmem:v34+s26+$0x0] =	vst.idx.msk $0xffff, v33  }
0x48e: {  	s1 =	sadd.s32 $0x2, s30;
	v34 =	vadd.s32 v8, v35;
	v33 =	vld [tilespmem:s29+$0xFFFFFF70]  }
0x48f: {  	v35 =	vmov s1  }
0x490: {  	v35 =	vshrl.u32 v35, $0x3  }
0x491: {  	v35 =	vshll.u32 v35, v1  }
0x492: {  	v35 =	vbroadcast v35, $0x0  }
0x493: {  	[tilespmem:v34+s26+$0x0] =	vst.idx.msk $0xffff, v33  }
0x494: {  	v34 =	vadd.s32 v9, v35;
	v33 =	vld [tilespmem:s29+$0xFFFFFF80];
	_ =	sdelay $0x4  }
0x495: {  	[tilespmem:v34+s26+$0x0] =	vst.idx.msk $0xffff, v33  }
0x496: {  	v34 =	vadd.s32 v10, v35;
	v33 =	vld [tilespmem:s29+$0xFFFFFF90];
	_ =	sdelay $0x4  }
0x497: {  	[tilespmem:v34+s26+$0x0] =	vst.idx.msk $0xffff, v33  }
0x498: {  	v34 =	vadd.s32 v11, v35;
	v33 =	vld [tilespmem:s29+$0xFFFFFFA0];
	_ =	sdelay $0x4  }
0x499: {  	[tilespmem:v34+s26+$0x0] =	vst.idx.msk $0xffff, v33  }
0x49a: {  	s1 =	sadd.s32 $0x3, s30;
	v34 =	vadd.s32 v12, v35;
	v33 =	vld [tilespmem:s29+$0xFFFFFFB0]  }
0x49b: {  	v35 =	vmov s1  }
0x49c: {  	v35 =	vshrl.u32 v35, $0x3  }
0x49d: {  	v35 =	vshll.u32 v35, v1  }
0x49e: {  	v35 =	vbroadcast v35, $0x0  }
0x49f: {  	[tilespmem:v34+s26+$0x0] =	vst.idx.msk $0xffff, v33  }
0x4a0: {  	v34 =	vadd.s32 v13, v35;
	v33 =	vld [tilespmem:s29+$0xFFFFFFC0];
	_ =	sdelay $0x4  }
0x4a1: {  	[tilespmem:v34+s26+$0x0] =	vst.idx.msk $0xffff, v33  }
0x4a2: {  	v34 =	vadd.s32 v14, v35;
	v33 =	vld [tilespmem:s29+$0xFFFFFFD0];
	_ =	sdelay $0x4  }
0x4a3: {  	[tilespmem:v34+s26+$0x0] =	vst.idx.msk $0xffff, v33  }
0x4a4: {  	v34 =	vadd.s32 v15, v35;
	v33 =	vld [tilespmem:s29+$0xFFFFFFE0];
	_ =	sdelay $0x4  }
0x4a5: {  	[tilespmem:v34+s26+$0x0] =	vst.idx.msk $0xffff, v33  }
0x4a6: {  	s1 =	sadd.s32 $0x4, s30;
	v34 =	vadd.s32 v16, v35;
	v33 =	vld [tilespmem:s29+$0xFFFFFFF0]  }
0x4a7: {  	v35 =	vmov s1  }
0x4a8: {  	v35 =	vshrl.u32 v35, $0x3  }
0x4a9: {  	v35 =	vshll.u32 v35, v1  }
0x4aa: {  	v35 =	vbroadcast v35, $0x0  }
0x4ab: {  	[tilespmem:v34+s26+$0x0] =	vst.idx.msk $0xffff, v33  }
0x4ac: {  	v34 =	vadd.s32 v17, v35;
	v33 =	vld [tilespmem:s29+$0x0];
	_ =	sdelay $0x4  }
0x4ad: {  	[tilespmem:v34+s26+$0x0] =	vst.idx.msk $0xffff, v33  }
0x4ae: {  	v34 =	vadd.s32 v18, v35;
	v33 =	vld [tilespmem:s29+$0x10];
	_ =	sdelay $0x4  }
0x4af: {  	[tilespmem:v34+s26+$0x0] =	vst.idx.msk $0xffff, v33  }
0x4b0: {  	v34 =	vadd.s32 v19, v35;
	v33 =	vld [tilespmem:s29+$0x20];
	_ =	sdelay $0x4  }
0x4b1: {  	[tilespmem:v34+s26+$0x0] =	vst.idx.msk $0xffff, v33  }
0x4b2: {  	s1 =	sadd.s32 $0x5, s30;
	v34 =	vadd.s32 v20, v35;
	v33 =	vld [tilespmem:s29+$0x30]  }
0x4b3: {  	v35 =	vmov s1  }
0x4b4: {  	v35 =	vshrl.u32 v35, $0x3  }
0x4b5: {  	v35 =	vshll.u32 v35, v1  }
0x4b6: {  	v35 =	vbroadcast v35, $0x0  }
0x4b7: {  	[tilespmem:v34+s26+$0x0] =	vst.idx.msk $0xffff, v33  }
0x4b8: {  	v34 =	vadd.s32 v21, v35;
	v33 =	vld [tilespmem:s29+$0x40];
	_ =	sdelay $0x4  }
0x4b9: {  	[tilespmem:v34+s26+$0x0] =	vst.idx.msk $0xffff, v33  }
0x4ba: {  	v34 =	vadd.s32 v22, v35;
	v33 =	vld [tilespmem:s29+$0x50];
	_ =	sdelay $0x4  }
0x4bb: {  	[tilespmem:v34+s26+$0x0] =	vst.idx.msk $0xffff, v33  }
0x4bc: {  	v34 =	vadd.s32 v23, v35;
	v33 =	vld [tilespmem:s29+$0x60];
	_ =	sdelay $0x4  }
0x4bd: {  	[tilespmem:v34+s26+$0x0] =	vst.idx.msk $0xffff, v33  }
0x4be: {  	s1 =	sadd.s32 $0x6, s30;
	v34 =	vadd.s32 v24, v35;
	v33 =	vld [tilespmem:s29+$0x70]  }
0x4bf: {  	v35 =	vmov s1  }
0x4c0: {  	v35 =	vshrl.u32 v35, $0x3  }
0x4c1: {  	v35 =	vshll.u32 v35, v1  }
0x4c2: {  	v35 =	vbroadcast v35, $0x0  }
0x4c3: {  	[tilespmem:v34+s26+$0x0] =	vst.idx.msk $0xffff, v33  }
0x4c4: {  	v34 =	vadd.s32 v25, v35;
	v33 =	vld [tilespmem:s29+$0x80];
	_ =	sdelay $0x4  }
0x4c5: {  	[tilespmem:v34+s26+$0x0] =	vst.idx.msk $0xffff, v33  }
0x4c6: {  	v34 =	vadd.s32 v26, v35;
	v33 =	vld [tilespmem:s29+$0x90];
	_ =	sdelay $0x4  }
0x4c7: {  	[tilespmem:v34+s26+$0x0] =	vst.idx.msk $0xffff, v33  }
0x4c8: {  	v34 =	vadd.s32 v27, v35;
	v33 =	vld [tilespmem:s29+$0xA0];
	_ =	sdelay $0x4  }
0x4c9: {  	[tilespmem:v34+s26+$0x0] =	vst.idx.msk $0xffff, v33  }
0x4ca: {  	s1 =	sadd.s32 $0x7, s30;
	s30 =	smov.u32 s31;
	v34 =	vadd.s32 v28, v35;
	v33 =	vld [tilespmem:s29+$0xB0]  }
0x4cb: {  	v35 =	vmov s1  }
0x4cc: {  	v35 =	vshrl.u32 v35, $0x3  }
0x4cd: {  	v35 =	vshll.u32 v35, v1  }
0x4ce: {  	v35 =	vbroadcast v35, $0x0  }
0x4cf: {  	[tilespmem:v34+s26+$0x0] =	vst.idx.msk $0xffff, v33  }
0x4d0: {  	v34 =	vadd.s32 v29, v35;
	v33 =	vld [tilespmem:s29+$0xC0];
	_ =	sdelay $0x4  }
0x4d1: {  	[tilespmem:v34+s26+$0x0] =	vst.idx.msk $0xffff, v33  }
0x4d2: {  	v34 =	vadd.s32 v30, v35;
	v33 =	vld [tilespmem:s29+$0xD0];
	_ =	sdelay $0x4  }
0x4d3: {  	[tilespmem:v34+s26+$0x0] =	vst.idx.msk $0xffff, v33  }
0x4d4: {  	v34 =	vadd.s32 v31, v35;
	v33 =	vld [tilespmem:s29+$0xE0];
	_ =	sdelay $0x2  }
.Ltmp4:
0x4d5: {  	(pc) =	sbr.rel @p2 .LBB2_7-.Ltmp4, $4  }
0x4d6: {  	_ = 	snop  }
0x4d7: {  	[tilespmem:v34+s26+$0x0] =	vst.idx.msk $0xffff, v33  }
0x4d8: {  	v34 =	vadd.s32 v32, v35;
	v33 =	vld [tilespmem:s29+$0xF0]  }
0x4d9: {  	s31 =	sadd.s32 $0x8, s31;
	v35 =	vmov s30  }
0x4da: {  	_ = 	snop  }
0x4db: {  	v35 =	vshrl.u32 v35, $0x3  }
0x4dc: {  	v35 =	vshll.u32 v35, v1  }
0x4dd: {  	v35 =	vbroadcast v35, $0x0  }
0x4de: {  	s29 =	sadd.s32 $0x200, s29;
	[tilespmem:v34+s26+$0x0] =	vst.idx.msk $0xffff, v33  }
0x4df: {  	v33 =	vld [tilespmem:s29+$0xFFFFFF00];
	v42 =	vadd.s32 v0, v35;
	_ =	sdelay $0x4  }
0x4e0: {  	[tilespmem:v42+s26+$0x0] =	vst.idx.msk $0xffff, v33  }
0x4e1: {  	v43 =	vadd.s32 v2, v35;
	v33 =	vld [tilespmem:s29+$0xFFFFFF10];
	_ =	sdelay $0x4  }
0x4e2: {  	[tilespmem:v43+s26+$0x0] =	vst.idx.msk $0xffff, v33  }
0x4e3: {  	v44 =	vadd.s32 v3, v35;
	v33 =	vld [tilespmem:s29+$0xFFFFFF20];
	_ =	sdelay $0x4  }
0x4e4: {  	[tilespmem:v44+s26+$0x0] =	vst.idx.msk $0xffff, v33  }
0x4e5: {  	s1 =	sadd.s32 $0x1, s30;
	v45 =	vadd.s32 v4, v35;
	v33 =	vld [tilespmem:s29+$0xFFFFFF30]  }
0x4e6: {  	v46 =	vmov s1  }
0x4e7: {  	v35 =	vshrl.u32 v46, $0x3  }
0x4e8: {  	v35 =	vshll.u32 v35, v1  }
0x4e9: {  	v35 =	vbroadcast v35, $0x0  }
0x4ea: {  	[tilespmem:v45+s26+$0x0] =	vst.idx.msk $0xffff, v33  }
0x4eb: {  	v47 =	vadd.s32 v5, v35;
	v33 =	vld [tilespmem:s29+$0xFFFFFF40];
	_ =	sdelay $0x4  }
0x4ec: {  	[tilespmem:v47+s26+$0x0] =	vst.idx.msk $0xffff, v33  }
0x4ed: {  	v48 =	vadd.s32 v6, v35;
	v33 =	vld [tilespmem:s29+$0xFFFFFF50];
	_ =	sdelay $0x4  }
0x4ee: {  	[tilespmem:v48+s26+$0x0] =	vst.idx.msk $0xffff, v33  }
0x4ef: {  	v49 =	vadd.s32 v7, v35;
	v33 =	vld [tilespmem:s29+$0xFFFFFF60];
	_ =	sdelay $0x4  }
0x4f0: {  	[tilespmem:v49+s26+$0x0] =	vst.idx.msk $0xffff, v33  }
0x4f1: {  	s31 =	sadd.s32 $0x2, s30;
	v50 =	vadd.s32 v8, v35;
	v33 =	vld [tilespmem:s29+$0xFFFFFF70]  }
0x4f2: {  	v51 =	vmov s31  }
0x4f3: {  	v35 =	vshrl.u32 v51, $0x3  }
0x4f4: {  	v35 =	vshll.u32 v35, v1  }
0x4f5: {  	v35 =	vbroadcast v35, $0x0  }
0x4f6: {  	[tilespmem:v50+s26+$0x0] =	vst.idx.msk $0xffff, v33  }
0x4f7: {  	v52 =	vadd.s32 v9, v35;
	v33 =	vld [tilespmem:s29+$0xFFFFFF80];
	_ =	sdelay $0x4  }
0x4f8: {  	[tilespmem:v52+s26+$0x0] =	vst.idx.msk $0xffff, v33  }
0x4f9: {  	v53 =	vadd.s32 v10, v35;
	v33 =	vld [tilespmem:s29+$0xFFFFFF90];
	_ =	sdelay $0x4  }
0x4fa: {  	[tilespmem:v53+s26+$0x0] =	vst.idx.msk $0xffff, v33  }
0x4fb: {  	v54 =	vadd.s32 v11, v35;
	v33 =	vld [tilespmem:s29+$0xFFFFFFA0];
	_ =	sdelay $0x4  }
0x4fc: {  	[tilespmem:v54+s26+$0x0] =	vst.idx.msk $0xffff, v33  }
0x4fd: {  	s31 =	sadd.s32 $0x3, s30;
	v55 =	vadd.s32 v12, v35;
	v33 =	vld [tilespmem:s29+$0xFFFFFFB0]  }
0x4fe: {  	v56 =	vmov s31  }
0x4ff: {  	v35 =	vshrl.u32 v56, $0x3  }
0x500: {  	v35 =	vshll.u32 v35, v1  }
0x501: {  	v35 =	vbroadcast v35, $0x0  }
0x502: {  	[tilespmem:v55+s26+$0x0] =	vst.idx.msk $0xffff, v33  }
0x503: {  	v57 =	vadd.s32 v13, v35;
	v33 =	vld [tilespmem:s29+$0xFFFFFFC0];
	_ =	sdelay $0x4  }
0x504: {  	[tilespmem:v57+s26+$0x0] =	vst.idx.msk $0xffff, v33  }
0x505: {  	v58 =	vadd.s32 v14, v35;
	v33 =	vld [tilespmem:s29+$0xFFFFFFD0];
	_ =	sdelay $0x4  }
0x506: {  	[tilespmem:v58+s26+$0x0] =	vst.idx.msk $0xffff, v33  }
0x507: {  	v59 =	vadd.s32 v15, v35;
	v33 =	vld [tilespmem:s29+$0xFFFFFFE0];
	_ =	sdelay $0x4  }
0x508: {  	[tilespmem:v59+s26+$0x0] =	vst.idx.msk $0xffff, v33  }
0x509: {  	s31 =	sadd.s32 $0x4, s30;
	v60 =	vadd.s32 v16, v35;
	v33 =	vld [tilespmem:s29+$0xFFFFFFF0]  }
0x50a: {  	v61 =	vmov s31  }
0x50b: {  	v35 =	vshrl.u32 v61, $0x3  }
0x50c: {  	v35 =	vshll.u32 v35, v1  }
0x50d: {  	v35 =	vbroadcast v35, $0x0  }
0x50e: {  	[tilespmem:v60+s26+$0x0] =	vst.idx.msk $0xffff, v33  }
0x50f: {  	v62 =	vadd.s32 v17, v35;
	v33 =	vld [tilespmem:s29+$0x0];
	_ =	sdelay $0x4  }
0x510: {  	[tilespmem:v62+s26+$0x0] =	vst.idx.msk $0xffff, v33  }
0x511: {  	v63 =	vadd.s32 v18, v35;
	v33 =	vld [tilespmem:s29+$0x10];
	_ =	sdelay $0x4  }
0x512: {  	[tilespmem:v63+s26+$0x0] =	vst.idx.msk $0xffff, v33  }
0x513: {  	v36 =	vadd.s32 v19, v35;
	v33 =	vld [tilespmem:s29+$0x20];
	_ =	sdelay $0x4  }
0x514: {  	[tilespmem:v36+s26+$0x0] =	vst.idx.msk $0xffff, v33  }
0x515: {  	s31 =	sadd.s32 $0x5, s30;
	v37 =	vadd.s32 v20, v35;
	v33 =	vld [tilespmem:s29+$0x30]  }
0x516: {  	v38 =	vmov s31  }
0x517: {  	v35 =	vshrl.u32 v38, $0x3  }
0x518: {  	v35 =	vshll.u32 v35, v1  }
0x519: {  	v35 =	vbroadcast v35, $0x0  }
0x51a: {  	[tilespmem:v37+s26+$0x0] =	vst.idx.msk $0xffff, v33  }
0x51b: {  	v39 =	vadd.s32 v21, v35;
	v33 =	vld [tilespmem:s29+$0x40];
	_ =	sdelay $0x4  }
0x51c: {  	[tilespmem:v39+s26+$0x0] =	vst.idx.msk $0xffff, v33  }
0x51d: {  	v40 =	vadd.s32 v22, v35;
	v33 =	vld [tilespmem:s29+$0x50];
	_ =	sdelay $0x4  }
0x51e: {  	[tilespmem:v40+s26+$0x0] =	vst.idx.msk $0xffff, v33  }
0x51f: {  	v41 =	vadd.s32 v23, v35;
	v33 =	vld [tilespmem:s29+$0x60];
	_ =	sdelay $0x4  }
0x520: {  	[tilespmem:v41+s26+$0x0] =	vst.idx.msk $0xffff, v33  }
0x521: {  	s31 =	sadd.s32 $0x6, s30;
	v42 =	vadd.s32 v24, v35;
	v33 =	vld [tilespmem:s29+$0x70]  }
0x522: {  	v43 =	vmov s31  }
0x523: {  	v35 =	vshrl.u32 v43, $0x3  }
0x524: {  	v35 =	vshll.u32 v35, v1  }
0x525: {  	v35 =	vbroadcast v35, $0x0  }
0x526: {  	[tilespmem:v42+s26+$0x0] =	vst.idx.msk $0xffff, v33  }
0x527: {  	v44 =	vadd.s32 v25, v35;
	v33 =	vld [tilespmem:s29+$0x80];
	_ =	sdelay $0x4  }
0x528: {  	[tilespmem:v44+s26+$0x0] =	vst.idx.msk $0xffff, v33  }
0x529: {  	v45 =	vadd.s32 v26, v35;
	v33 =	vld [tilespmem:s29+$0x90];
	_ =	sdelay $0x4  }
0x52a: {  	[tilespmem:v45+s26+$0x0] =	vst.idx.msk $0xffff, v33  }
0x52b: {  	v46 =	vadd.s32 v27, v35;
	v33 =	vld [tilespmem:s29+$0xA0];
	_ =	sdelay $0x4  }
0x52c: {  	[tilespmem:v46+s26+$0x0] =	vst.idx.msk $0xffff, v33  }
0x52d: {  	s31 =	sadd.s32 $0x7, s30;
	v47 =	vadd.s32 v28, v35;
	v33 =	vld [tilespmem:s29+$0xB0]  }
0x52e: {  	v48 =	vmov s31  }
0x52f: {  	v35 =	vshrl.u32 v48, $0x3  }
0x530: {  	v35 =	vshll.u32 v35, v1  }
0x531: {  	v35 =	vbroadcast v35, $0x0  }
0x532: {  	[tilespmem:v47+s26+$0x0] =	vst.idx.msk $0xffff, v33  }
0x533: {  	v49 =	vadd.s32 v29, v35;
	v33 =	vld [tilespmem:s29+$0xC0];
	_ =	sdelay $0x4  }
0x534: {  	[tilespmem:v49+s26+$0x0] =	vst.idx.msk $0xffff, v33  }
0x535: {  	v50 =	vadd.s32 v30, v35;
	v33 =	vld [tilespmem:s29+$0xD0];
	_ =	sdelay $0x4  }
0x536: {  	[tilespmem:v50+s26+$0x0] =	vst.idx.msk $0xffff, v33  }
0x537: {  	v51 =	vadd.s32 v31, v35;
	v33 =	vld [tilespmem:s29+$0xE0];
	_ =	sdelay $0x4  }
0x538: {  	[tilespmem:v51+s26+$0x0] =	vst.idx.msk $0xffff, v33  }
0x539: {  	v52 =	vadd.s32 v32, v35;
	v33 =	vld [tilespmem:s29+$0xF0];
	_ =	sdelay $0x1  }
0x53a: {  	s30 =	sshll.u32 s28, $0xA;
	s28 =	sshll.u32 s28, $0x7  }
0x53b: {  	s1 =	sand.u32 $0xFFE0000, s30;
	s28 =	sand.u32 $0x3F00, s28  }
0x53c: {  	s28 =	sor.u32 s28, s1  }
0x53d: {  	s1 =	sadd.s32 s2, s28;
	[tilespmem:v52+s26+$0x0] =	vst.idx.msk $0xffff, v33  }
0x53e: {  	[hbm4b:s1+s3] =	stream.linear.scatter [tilespmem:s26], [sflag:$0x7], $0x80, $0x38;
	[tilespmem:$0x1D000] =	vst v63  }
0x53f: {  	s31 =	simm.s32 $0x18C88;
	s29 =	sadd.s32 $0x10, s1  }
0x540: {  	[hbm4b:s29+s3] =	stream.linear.scatter [tilespmem:s31], [sflag:$0x7], $0x80, $0x38;
	[tilespmem:$0x1D000] =	vst v63  }
0x541: {  	s29 =	sadd.s32 $0x20, s1;
	s31 =	simm.s32 $0x18D10  }
0x542: {  	[hbm4b:s29+s3] =	stream.linear.scatter [tilespmem:s31], [sflag:$0x7], $0x80, $0x38;
	[tilespmem:$0x1D000] =	vst v63  }
0x543: {  	s29 =	sadd.s32 $0x30, s1;
	s31 =	simm.s32 $0x18D98  }
0x544: {  	[hbm4b:s29+s3] =	stream.linear.scatter [tilespmem:s31], [sflag:$0x7], $0x80, $0x38;
	[tilespmem:$0x1D000] =	vst v63  }
0x545: {  	s29 =	sadd.s32 $0x40, s1;
	s31 =	simm.s32 $0x18E20  }
0x546: {  	[hbm4b:s29+s3] =	stream.linear.scatter [tilespmem:s31], [sflag:$0x7], $0x80, $0x38;
	[tilespmem:$0x1D000] =	vst v63  }
0x547: {  	s29 =	sadd.s32 $0x50, s1;
	s31 =	simm.s32 $0x18EA8  }
0x548: {  	[hbm4b:s29+s3] =	stream.linear.scatter [tilespmem:s31], [sflag:$0x7], $0x80, $0x38;
	[tilespmem:$0x1D000] =	vst v63  }
0x549: {  	s29 =	sadd.s32 $0x60, s1;
	s31 =	simm.s32 $0x18F30  }
0x54a: {  	[hbm4b:s29+s3] =	stream.linear.scatter [tilespmem:s31], [sflag:$0x7], $0x80, $0x38;
	[tilespmem:$0x1D000] =	vst v63  }
0x54b: {  	s1 =	sadd.s32 $0x70, s1;
	s29 =	simm.s32 $0x18FB8  }
0x54c: {  	[hbm4b:s1+s3] =	stream.linear.scatter [tilespmem:s29], [sflag:$0x7], $0x80, $0x38;
	[tilespmem:$0x1D000] =	vst v63  }
0x54d: {  	s1 =	sadd.s32 s28, s7;
	s29 =	simm.s32 $0x19040  }
0x54e: {  	[hbm4b:s1+s3] =	stream.linear.scatter [tilespmem:s29], [sflag:$0x7], $0x80, $0x38;
	[tilespmem:$0x1D000] =	vst v63  }
0x54f: {  	s31 =	simm.s32 $0x190C8;
	s29 =	sadd.s32 $0x10, s1  }
0x550: {  	[hbm4b:s29+s3] =	stream.linear.scatter [tilespmem:s31], [sflag:$0x7], $0x80, $0x38;
	[tilespmem:$0x1D000] =	vst v63  }
0x551: {  	s29 =	sadd.s32 $0x20, s1;
	s31 =	simm.s32 $0x19150  }
0x552: {  	[hbm4b:s29+s3] =	stream.linear.scatter [tilespmem:s31], [sflag:$0x7], $0x80, $0x38;
	[tilespmem:$0x1D000] =	vst v63  }
0x553: {  	s29 =	sadd.s32 $0x30, s1;
	s31 =	simm.s32 $0x191D8  }
0x554: {  	[hbm4b:s29+s3] =	stream.linear.scatter [tilespmem:s31], [sflag:$0x7], $0x80, $0x38;
	[tilespmem:$0x1D000] =	vst v63  }
0x555: {  	s29 =	sadd.s32 $0x40, s1;
	s31 =	simm.s32 $0x19260  }
0x556: {  	[hbm4b:s29+s3] =	stream.linear.scatter [tilespmem:s31], [sflag:$0x7], $0x80, $0x38;
	[tilespmem:$0x1D000] =	vst v63  }
0x557: {  	s29 =	sadd.s32 $0x50, s1;
	s31 =	simm.s32 $0x192E8  }
0x558: {  	[hbm4b:s29+s3] =	stream.linear.scatter [tilespmem:s31], [sflag:$0x7], $0x80, $0x38;
	[tilespmem:$0x1D000] =	vst v63  }
0x559: {  	s29 =	sadd.s32 $0x60, s1;
	s31 =	simm.s32 $0x19370  }
0x55a: {  	[hbm4b:s29+s3] =	stream.linear.scatter [tilespmem:s31], [sflag:$0x7], $0x80, $0x38;
	[tilespmem:$0x1D000] =	vst v63  }
0x55b: {  	s1 =	sadd.s32 $0x70, s1;
	s29 =	simm.s32 $0x193F8  }
0x55c: {  	[hbm4b:s1+s3] =	stream.linear.scatter [tilespmem:s29], [sflag:$0x7], $0x80, $0x38;
	[tilespmem:$0x1D000] =	vst v63  }
0x55d: {  	s1 =	sadd.s32 s28, s8;
	s29 =	simm.s32 $0x19480  }
0x55e: {  	[hbm4b:s1+s3] =	stream.linear.scatter [tilespmem:s29], [sflag:$0x7], $0x80, $0x38;
	[tilespmem:$0x1D000] =	vst v63  }
0x55f: {  	s31 =	simm.s32 $0x19508;
	s29 =	sadd.s32 $0x10, s1  }
0x560: {  	[hbm4b:s29+s3] =	stream.linear.scatter [tilespmem:s31], [sflag:$0x7], $0x80, $0x38;
	[tilespmem:$0x1D000] =	vst v63  }
0x561: {  	s29 =	sadd.s32 $0x20, s1;
	s31 =	simm.s32 $0x19590  }
0x562: {  	[hbm4b:s29+s3] =	stream.linear.scatter [tilespmem:s31], [sflag:$0x7], $0x80, $0x38;
	[tilespmem:$0x1D000] =	vst v63  }
0x563: {  	s29 =	sadd.s32 $0x30, s1;
	s31 =	simm.s32 $0x19618  }
0x564: {  	[hbm4b:s29+s3] =	stream.linear.scatter [tilespmem:s31], [sflag:$0x7], $0x80, $0x38;
	[tilespmem:$0x1D000] =	vst v63  }
0x565: {  	s29 =	sadd.s32 $0x40, s1;
	s31 =	simm.s32 $0x196A0  }
0x566: {  	[hbm4b:s29+s3] =	stream.linear.scatter [tilespmem:s31], [sflag:$0x7], $0x80, $0x38;
	[tilespmem:$0x1D000] =	vst v63  }
0x567: {  	s29 =	sadd.s32 $0x50, s1;
	s31 =	simm.s32 $0x19728  }
0x568: {  	[hbm4b:s29+s3] =	stream.linear.scatter [tilespmem:s31], [sflag:$0x7], $0x80, $0x38;
	[tilespmem:$0x1D000] =	vst v63  }
0x569: {  	s29 =	sadd.s32 $0x60, s1;
	s31 =	simm.s32 $0x197B0  }
0x56a: {  	[hbm4b:s29+s3] =	stream.linear.scatter [tilespmem:s31], [sflag:$0x7], $0x80, $0x38;
	[tilespmem:$0x1D000] =	vst v63  }
0x56b: {  	s1 =	sadd.s32 $0x70, s1;
	s29 =	simm.s32 $0x19838  }
0x56c: {  	[hbm4b:s1+s3] =	stream.linear.scatter [tilespmem:s29], [sflag:$0x7], $0x80, $0x38;
	[tilespmem:$0x1D000] =	vst v63  }
0x56d: {  	s1 =	sadd.s32 s28, s9;
	s29 =	simm.s32 $0x198C0  }
0x56e: {  	[hbm4b:s1+s3] =	stream.linear.scatter [tilespmem:s29], [sflag:$0x7], $0x80, $0x38;
	[tilespmem:$0x1D000] =	vst v63  }
0x56f: {  	s31 =	simm.s32 $0x19948;
	s29 =	sadd.s32 $0x10, s1  }
0x570: {  	[hbm4b:s29+s3] =	stream.linear.scatter [tilespmem:s31], [sflag:$0x7], $0x80, $0x38;
	[tilespmem:$0x1D000] =	vst v63  }
0x571: {  	s29 =	sadd.s32 $0x20, s1;
	s31 =	simm.s32 $0x199D0  }
0x572: {  	[hbm4b:s29+s3] =	stream.linear.scatter [tilespmem:s31], [sflag:$0x7], $0x80, $0x38;
	[tilespmem:$0x1D000] =	vst v63  }
0x573: {  	s29 =	sadd.s32 $0x30, s1;
	s31 =	simm.s32 $0x19A58  }
0x574: {  	[hbm4b:s29+s3] =	stream.linear.scatter [tilespmem:s31], [sflag:$0x7], $0x80, $0x38;
	[tilespmem:$0x1D000] =	vst v63  }
0x575: {  	s29 =	sadd.s32 $0x40, s1;
	s31 =	simm.s32 $0x19AE0  }
0x576: {  	[hbm4b:s29+s3] =	stream.linear.scatter [tilespmem:s31], [sflag:$0x7], $0x80, $0x38;
	[tilespmem:$0x1D000] =	vst v63  }
0x577: {  	s29 =	sadd.s32 $0x50, s1;
	s31 =	simm.s32 $0x19B68  }
0x578: {  	[hbm4b:s29+s3] =	stream.linear.scatter [tilespmem:s31], [sflag:$0x7], $0x80, $0x38;
	[tilespmem:$0x1D000] =	vst v63  }
0x579: {  	s29 =	sadd.s32 $0x60, s1;
	s31 =	simm.s32 $0x19BF0  }
0x57a: {  	[hbm4b:s29+s3] =	stream.linear.scatter [tilespmem:s31], [sflag:$0x7], $0x80, $0x38;
	[tilespmem:$0x1D000] =	vst v63  }
0x57b: {  	s1 =	sadd.s32 $0x70, s1;
	s29 =	simm.s32 $0x19C78  }
0x57c: {  	[hbm4b:s1+s3] =	stream.linear.scatter [tilespmem:s29], [sflag:$0x7], $0x80, $0x38;
	[tilespmem:$0x1D000] =	vst v63  }
0x57d: {  	s1 =	sadd.s32 s28, s10;
	s29 =	simm.s32 $0x19D00  }
0x57e: {  	[hbm4b:s1+s3] =	stream.linear.scatter [tilespmem:s29], [sflag:$0x7], $0x80, $0x38;
	[tilespmem:$0x1D000] =	vst v63  }
0x57f: {  	s31 =	simm.s32 $0x19D88;
	s29 =	sadd.s32 $0x10, s1  }
0x580: {  	[hbm4b:s29+s3] =	stream.linear.scatter [tilespmem:s31], [sflag:$0x7], $0x80, $0x38;
	[tilespmem:$0x1D000] =	vst v63  }
0x581: {  	s29 =	sadd.s32 $0x20, s1;
	s31 =	simm.s32 $0x19E10  }
0x582: {  	[hbm4b:s29+s3] =	stream.linear.scatter [tilespmem:s31], [sflag:$0x7], $0x80, $0x38;
	[tilespmem:$0x1D000] =	vst v63  }
0x583: {  	s29 =	sadd.s32 $0x30, s1;
	s31 =	simm.s32 $0x19E98  }
0x584: {  	[hbm4b:s29+s3] =	stream.linear.scatter [tilespmem:s31], [sflag:$0x7], $0x80, $0x38;
	[tilespmem:$0x1D000] =	vst v63  }
0x585: {  	s29 =	sadd.s32 $0x40, s1;
	s31 =	simm.s32 $0x19F20  }
0x586: {  	[hbm4b:s29+s3] =	stream.linear.scatter [tilespmem:s31], [sflag:$0x7], $0x80, $0x38;
	[tilespmem:$0x1D000] =	vst v63  }
0x587: {  	s29 =	sadd.s32 $0x50, s1;
	s31 =	simm.s32 $0x19FA8  }
0x588: {  	[hbm4b:s29+s3] =	stream.linear.scatter [tilespmem:s31], [sflag:$0x7], $0x80, $0x38;
	[tilespmem:$0x1D000] =	vst v63  }
0x589: {  	s29 =	sadd.s32 $0x60, s1;
	s31 =	simm.s32 $0x1A030  }
0x58a: {  	[hbm4b:s29+s3] =	stream.linear.scatter [tilespmem:s31], [sflag:$0x7], $0x80, $0x38;
	[tilespmem:$0x1D000] =	vst v63  }
0x58b: {  	s1 =	sadd.s32 $0x70, s1;
	s29 =	simm.s32 $0x1A0B8  }
0x58c: {  	[hbm4b:s1+s3] =	stream.linear.scatter [tilespmem:s29], [sflag:$0x7], $0x80, $0x38;
	[tilespmem:$0x1D000] =	vst v63  }
0x58d: {  	s1 =	sadd.s32 s28, s11;
	s29 =	simm.s32 $0x1A140  }
0x58e: {  	[hbm4b:s1+s3] =	stream.linear.scatter [tilespmem:s29], [sflag:$0x7], $0x80, $0x38;
	[tilespmem:$0x1D000] =	vst v63  }
0x58f: {  	s31 =	simm.s32 $0x1A1C8;
	s29 =	sadd.s32 $0x10, s1  }
0x590: {  	[hbm4b:s29+s3] =	stream.linear.scatter [tilespmem:s31], [sflag:$0x7], $0x80, $0x38;
	[tilespmem:$0x1D000] =	vst v63  }
0x591: {  	s29 =	sadd.s32 $0x20, s1;
	s31 =	simm.s32 $0x1A250  }
0x592: {  	[hbm4b:s29+s3] =	stream.linear.scatter [tilespmem:s31], [sflag:$0x7], $0x80, $0x38;
	[tilespmem:$0x1D000] =	vst v63  }
0x593: {  	s29 =	sadd.s32 $0x30, s1;
	s31 =	simm.s32 $0x1A2D8  }
0x594: {  	[hbm4b:s29+s3] =	stream.linear.scatter [tilespmem:s31], [sflag:$0x7], $0x80, $0x38;
	[tilespmem:$0x1D000] =	vst v63  }
0x595: {  	s29 =	sadd.s32 $0x40, s1;
	s31 =	simm.s32 $0x1A360  }
0x596: {  	[hbm4b:s29+s3] =	stream.linear.scatter [tilespmem:s31], [sflag:$0x7], $0x80, $0x38;
	[tilespmem:$0x1D000] =	vst v63  }
0x597: {  	s29 =	sadd.s32 $0x50, s1;
	s31 =	simm.s32 $0x1A3E8  }
0x598: {  	[hbm4b:s29+s3] =	stream.linear.scatter [tilespmem:s31], [sflag:$0x7], $0x80, $0x38;
	[tilespmem:$0x1D000] =	vst v63  }
0x599: {  	s29 =	sadd.s32 $0x60, s1;
	s31 =	simm.s32 $0x1A470  }
0x59a: {  	[hbm4b:s29+s3] =	stream.linear.scatter [tilespmem:s31], [sflag:$0x7], $0x80, $0x38;
	[tilespmem:$0x1D000] =	vst v63  }
0x59b: {  	s1 =	sadd.s32 $0x70, s1;
	s29 =	simm.s32 $0x1A4F8  }
0x59c: {  	[hbm4b:s1+s3] =	stream.linear.scatter [tilespmem:s29], [sflag:$0x7], $0x80, $0x38;
	[tilespmem:$0x1D000] =	vst v63  }
0x59d: {  	s1 =	sadd.s32 s28, s12;
	s29 =	simm.s32 $0x1A580  }
0x59e: {  	[hbm4b:s1+s3] =	stream.linear.scatter [tilespmem:s29], [sflag:$0x7], $0x80, $0x38;
	[tilespmem:$0x1D000] =	vst v63  }
0x59f: {  	s31 =	simm.s32 $0x1A608;
	s29 =	sadd.s32 $0x10, s1  }
0x5a0: {  	[hbm4b:s29+s3] =	stream.linear.scatter [tilespmem:s31], [sflag:$0x7], $0x80, $0x38;
	[tilespmem:$0x1D000] =	vst v63  }
0x5a1: {  	s29 =	sadd.s32 $0x20, s1;
	s31 =	simm.s32 $0x1A690  }
0x5a2: {  	[hbm4b:s29+s3] =	stream.linear.scatter [tilespmem:s31], [sflag:$0x7], $0x80, $0x38;
	[tilespmem:$0x1D000] =	vst v63  }
0x5a3: {  	s29 =	sadd.s32 $0x30, s1;
	s31 =	simm.s32 $0x1A718  }
0x5a4: {  	[hbm4b:s29+s3] =	stream.linear.scatter [tilespmem:s31], [sflag:$0x7], $0x80, $0x38;
	[tilespmem:$0x1D000] =	vst v63  }
0x5a5: {  	s29 =	sadd.s32 $0x40, s1;
	s31 =	simm.s32 $0x1A7A0  }
0x5a6: {  	[hbm4b:s29+s3] =	stream.linear.scatter [tilespmem:s31], [sflag:$0x7], $0x80, $0x38;
	[tilespmem:$0x1D000] =	vst v63  }
0x5a7: {  	s29 =	sadd.s32 $0x50, s1;
	s31 =	simm.s32 $0x1A828  }
0x5a8: {  	[hbm4b:s29+s3] =	stream.linear.scatter [tilespmem:s31], [sflag:$0x7], $0x80, $0x38;
	[tilespmem:$0x1D000] =	vst v63  }
0x5a9: {  	s29 =	sadd.s32 $0x60, s1;
	s31 =	simm.s32 $0x1A8B0  }
0x5aa: {  	[hbm4b:s29+s3] =	stream.linear.scatter [tilespmem:s31], [sflag:$0x7], $0x80, $0x38;
	[tilespmem:$0x1D000] =	vst v63  }
0x5ab: {  	s1 =	sadd.s32 $0x70, s1;
	s29 =	simm.s32 $0x1A938  }
0x5ac: {  	[hbm4b:s1+s3] =	stream.linear.scatter [tilespmem:s29], [sflag:$0x7], $0x80, $0x38;
	[tilespmem:$0x1D000] =	vst v63  }
0x5ad: {  	s31 =	sadd.s32 s28, s13;
	s28 =	simm.s32 $0x1A9C0  }
0x5ae: {  	[hbm4b:s31+s3] =	stream.linear.scatter [tilespmem:s28], [sflag:$0x7], $0x80, $0x38;
	[tilespmem:$0x1D000] =	vst v63  }
0x5af: {  	s29 =	simm.s32 $0x1AA48;
	s28 =	sadd.s32 $0x10, s31  }
0x5b0: {  	[hbm4b:s28+s3] =	stream.linear.scatter [tilespmem:s29], [sflag:$0x7], $0x80, $0x38;
	[tilespmem:$0x1D000] =	vst v63  }
0x5b1: {  	s28 =	sadd.s32 $0x20, s31;
	s29 =	simm.s32 $0x1AAD0  }
0x5b2: {  	[hbm4b:s28+s3] =	stream.linear.scatter [tilespmem:s29], [sflag:$0x7], $0x80, $0x38;
	[tilespmem:$0x1D000] =	vst v63  }
0x5b3: {  	s28 =	sadd.s32 $0x30, s31;
	s29 =	simm.s32 $0x1AB58  }
0x5b4: {  	[hbm4b:s28+s3] =	stream.linear.scatter [tilespmem:s29], [sflag:$0x7], $0x80, $0x38;
	[tilespmem:$0x1D000] =	vst v63  }
0x5b5: {  	s28 =	sadd.s32 $0x40, s31;
	s29 =	simm.s32 $0x1ABE0  }
0x5b6: {  	[hbm4b:s28+s3] =	stream.linear.scatter [tilespmem:s29], [sflag:$0x7], $0x80, $0x38;
	[tilespmem:$0x1D000] =	vst v63  }
0x5b7: {  	s28 =	sadd.s32 $0x50, s31;
	s29 =	simm.s32 $0x1AC68  }
0x5b8: {  	[hbm4b:s28+s3] =	stream.linear.scatter [tilespmem:s29], [sflag:$0x7], $0x80, $0x38;
	[tilespmem:$0x1D000] =	vst v63  }
0x5b9: {  	s28 =	sadd.s32 $0x60, s31;
	s29 =	simm.s32 $0x1ACF0  }
0x5ba: {  	[hbm4b:s28+s3] =	stream.linear.scatter [tilespmem:s29], [sflag:$0x7], $0x80, $0x38;
	[tilespmem:$0x1D000] =	vst v63  }
0x5bb: {  	s1 =	sadd.s32 $0x70, s31;
	s28 =	simm.s32 $0x1AD78  }
0x5bc: {  	[hbm4b:s1+s3] =	stream.linear.scatter [tilespmem:s28], [sflag:$0x7], $0x80, $0x38;
	[tilespmem:$0x1D000] =	vst v63  }
0x5bd: {  	s1 =	sadd.s32 @!p1 $0x300, s14;
	s14 =	simm.s32 @!p1 $0x80;
	s28 =	simm.s32 @!p1 $0x10800  }
0x5be: {  	[tilespmem:s28], [sflag:$0x3] =	stream.indirect.gather @!p1 [hbm4b:s4+s14], $0x40, s1, s14, $0xb8;
	[tilespmem:$0x1D000] =	vst v63  }
0x5bf: {  	_ =	swait.ge [sflag:s15], $0x2000  }
0x5c0: {  	[sflag:s15] =	ssyncset.done $0x0  }
0x5c1: {  	s1 =	simm.s32 @!p0 $0x8;
	[sflag:s15] =	ssyncadd.s32 $0xFFFFE000  }
0x5c2: {  	_ =	swait.ge @!p0 [sflag:s1], $0x400  }
0x5c3: {  	[sflag:s1] =	ssyncset.done @!p0 $0x0  }
0x5c4: {  	[sflag:s1] =	ssyncadd.s32 @!p0 $0xFFFFFC00  }
0x5c5: {  	_ =	swait.ge @!p0 [sflag:s1], $0x400  }
0x5c6: {  	[sflag:s1] =	ssyncset.done @!p0 $0x0  }
0x5c7: {  	[sflag:s1] =	ssyncadd.s32 @!p0 $0xFFFFFC00  }
0x5c8: {  	_ =	swait.ge @!p0 [sflag:s1], $0x400  }
0x5c9: {  	[sflag:s1] =	ssyncset.done @!p0 $0x0  }
0x5ca: {  	[sflag:s1] =	ssyncadd.s32 @!p0 $0xFFFFFC00  }
0x5cb: {  	_ =	swait.ge @!p0 [sflag:s1], $0x400  }
0x5cc: {  	[sflag:s1] =	ssyncset.done @!p0 $0x0  }
0x5cd: {  	[sflag:s1] =	ssyncadd.s32 @!p0 $0xFFFFFC00  }
0x5ce: {  	_ =	swait.ge @!p0 [sflag:s1], $0x400  }
0x5cf: {  	[sflag:s1] =	ssyncset.done @!p0 $0x0  }
0x5d0: {  	[sflag:s1] =	ssyncadd.s32 @!p0 $0xFFFFFC00  }
0x5d1: {  	_ =	swait.ge @!p0 [sflag:s1], $0x400  }
0x5d2: {  	[sflag:s1] =	ssyncset.done @!p0 $0x0  }
0x5d3: {  	[sflag:s1] =	ssyncadd.s32 @!p0 $0xFFFFFC00  }
0x5d4: {  	s30 =	simm.s32 $0x0;
	_ =	swait.ge @!p0 [sflag:s1], $0x400  }
0x5d5: {  	v53 =	vmov s30;
	[sflag:s1] =	ssyncset.done @!p0 $0x0  }
0x5d6: {  	v33 =	vshrl.u32 v53, $0x3;
	[sflag:s1] =	ssyncadd.s32 @!p0 $0xFFFFFC00  }
0x5d7: {  	v33 =	vshll.u32 v33, v1;
	_ =	swait.ge @!p0 [sflag:s1], $0x400  }
0x5d8: {  	v33 =	vbroadcast v33, $0x0;
	[sflag:s1] =	ssyncset.done @!p0 $0x0  }
0x5d9: {  	s28 =	simm.s32 $0x12900;
	[sflag:s1] =	ssyncadd.s32 @!p0 $0xFFFFFC00  }
0x5da: {  	v55 =	vadd.s32 v0, v33;
	v54 =	vld [tilespmem:s28+$0xFFFFFF00];
	_ =	sdelay $0x4  }
0x5db: {  	[tilespmem:v55+s22+$0x0] =	vst.idx.msk $0xffff, v54  }
0x5dc: {  	v56 =	vadd.s32 v2, v33;
	v34 =	vld [tilespmem:s28+$0xFFFFFF10];
	_ =	sdelay $0x4  }
0x5dd: {  	[tilespmem:v56+s22+$0x0] =	vst.idx.msk $0xffff, v34  }
0x5de: {  	v57 =	vadd.s32 v3, v33;
	v34 =	vld [tilespmem:s28+$0xFFFFFF20];
	_ =	sdelay $0x4  }
0x5df: {  	[tilespmem:v57+s22+$0x0] =	vst.idx.msk $0xffff, v34  }
0x5e0: {  	v33 =	vadd.s32 v4, v33;
	s31 =	simm.s32 $0x1;
	v34 =	vld [tilespmem:s28+$0xFFFFFF30]  }
0x5e1: {  	v58 =	vmov s31  }
0x5e2: {  	v35 =	vshrl.u32 v58, $0x3  }
0x5e3: {  	v35 =	vshll.u32 v35, v1  }
0x5e4: {  	v35 =	vbroadcast v35, $0x0  }
0x5e5: {  	[tilespmem:v33+s22+$0x0] =	vst.idx.msk $0xffff, v34  }
0x5e6: {  	v59 =	vadd.s32 v5, v35;
	v33 =	vld [tilespmem:s28+$0xFFFFFF40];
	_ =	sdelay $0x4  }
0x5e7: {  	[tilespmem:v59+s22+$0x0] =	vst.idx.msk $0xffff, v33  }
0x5e8: {  	v60 =	vadd.s32 v6, v35;
	v33 =	vld [tilespmem:s28+$0xFFFFFF50];
	_ =	sdelay $0x4  }
0x5e9: {  	[tilespmem:v60+s22+$0x0] =	vst.idx.msk $0xffff, v33  }
0x5ea: {  	v61 =	vadd.s32 v7, v35;
	v33 =	vld [tilespmem:s28+$0xFFFFFF60];
	_ =	sdelay $0x4  }
0x5eb: {  	[tilespmem:v61+s22+$0x0] =	vst.idx.msk $0xffff, v33  }
0x5ec: {  	v62 =	vadd.s32 v8, v35;
	s14 =	simm.s32 $0x2;
	v33 =	vld [tilespmem:s28+$0xFFFFFF70]  }
0x5ed: {  	v63 =	vmov s14  }
0x5ee: {  	v35 =	vshrl.u32 v63, $0x3  }
0x5ef: {  	v35 =	vshll.u32 v35, v1  }
0x5f0: {  	v35 =	vbroadcast v35, $0x0  }
0x5f1: {  	[tilespmem:v62+s22+$0x0] =	vst.idx.msk $0xffff, v33  }
0x5f2: {  	v36 =	vadd.s32 v9, v35;
	v33 =	vld [tilespmem:s28+$0xFFFFFF80];
	_ =	sdelay $0x4  }
0x5f3: {  	[tilespmem:v36+s22+$0x0] =	vst.idx.msk $0xffff, v33  }
0x5f4: {  	v37 =	vadd.s32 v10, v35;
	v33 =	vld [tilespmem:s28+$0xFFFFFF90];
	_ =	sdelay $0x4  }
0x5f5: {  	[tilespmem:v37+s22+$0x0] =	vst.idx.msk $0xffff, v33  }
0x5f6: {  	v38 =	vadd.s32 v11, v35;
	v33 =	vld [tilespmem:s28+$0xFFFFFFA0];
	_ =	sdelay $0x4  }
0x5f7: {  	[tilespmem:v38+s22+$0x0] =	vst.idx.msk $0xffff, v33  }
0x5f8: {  	s30 =	simm.s32 $0x3;
	v39 =	vadd.s32 v12, v35;
	v33 =	vld [tilespmem:s28+$0xFFFFFFB0]  }
0x5f9: {  	v40 =	vmov s30  }
0x5fa: {  	v35 =	vshrl.u32 v40, $0x3  }
0x5fb: {  	v35 =	vshll.u32 v35, v1  }
0x5fc: {  	v35 =	vbroadcast v35, $0x0  }
0x5fd: {  	[tilespmem:v39+s22+$0x0] =	vst.idx.msk $0xffff, v33  }
0x5fe: {  	v41 =	vadd.s32 v13, v35;
	v33 =	vld [tilespmem:s28+$0xFFFFFFC0];
	_ =	sdelay $0x4  }
0x5ff: {  	[tilespmem:v41+s22+$0x0] =	vst.idx.msk $0xffff, v33  }
0x600: {  	v42 =	vadd.s32 v14, v35;
	v33 =	vld [tilespmem:s28+$0xFFFFFFD0];
	_ =	sdelay $0x4  }
0x601: {  	[tilespmem:v42+s22+$0x0] =	vst.idx.msk $0xffff, v33  }
0x602: {  	v43 =	vadd.s32 v15, v35;
	v33 =	vld [tilespmem:s28+$0xFFFFFFE0];
	_ =	sdelay $0x4  }
0x603: {  	[tilespmem:v43+s22+$0x0] =	vst.idx.msk $0xffff, v33  }
0x604: {  	s31 =	simm.s32 $0x4;
	v44 =	vadd.s32 v16, v35;
	v33 =	vld [tilespmem:s28+$0xFFFFFFF0]  }
0x605: {  	v45 =	vmov s31  }
0x606: {  	v35 =	vshrl.u32 v45, $0x3  }
0x607: {  	v35 =	vshll.u32 v35, v1  }
0x608: {  	v35 =	vbroadcast v35, $0x0  }
0x609: {  	[tilespmem:v44+s22+$0x0] =	vst.idx.msk $0xffff, v33  }
0x60a: {  	v46 =	vadd.s32 v17, v35;
	v33 =	vld [tilespmem:s28+$0x0];
	_ =	sdelay $0x4  }
0x60b: {  	[tilespmem:v46+s22+$0x0] =	vst.idx.msk $0xffff, v33  }
0x60c: {  	v47 =	vadd.s32 v18, v35;
	v33 =	vld [tilespmem:s28+$0x10];
	_ =	sdelay $0x4  }
0x60d: {  	[tilespmem:v47+s22+$0x0] =	vst.idx.msk $0xffff, v33  }
0x60e: {  	v48 =	vadd.s32 v19, v35;
	v33 =	vld [tilespmem:s28+$0x20];
	_ =	sdelay $0x4  }
0x60f: {  	[tilespmem:v48+s22+$0x0] =	vst.idx.msk $0xffff, v33  }
0x610: {  	s14 =	simm.s32 $0x5;
	v49 =	vadd.s32 v20, v35;
	v33 =	vld [tilespmem:s28+$0x30]  }
0x611: {  	v50 =	vmov s14  }
0x612: {  	v35 =	vshrl.u32 v50, $0x3  }
0x613: {  	v35 =	vshll.u32 v35, v1  }
0x614: {  	v35 =	vbroadcast v35, $0x0  }
0x615: {  	[tilespmem:v49+s22+$0x0] =	vst.idx.msk $0xffff, v33  }
0x616: {  	v51 =	vadd.s32 v21, v35;
	v33 =	vld [tilespmem:s28+$0x40];
	_ =	sdelay $0x4  }
0x617: {  	[tilespmem:v51+s22+$0x0] =	vst.idx.msk $0xffff, v33  }
0x618: {  	v52 =	vadd.s32 v22, v35;
	v33 =	vld [tilespmem:s28+$0x50];
	_ =	sdelay $0x4  }
0x619: {  	[tilespmem:v52+s22+$0x0] =	vst.idx.msk $0xffff, v33  }
0x61a: {  	v53 =	vadd.s32 v23, v35;
	v33 =	vld [tilespmem:s28+$0x60];
	_ =	sdelay $0x4  }
0x61b: {  	[tilespmem:v53+s22+$0x0] =	vst.idx.msk $0xffff, v33  }
0x61c: {  	s30 =	simm.s32 $0x6;
	v54 =	vadd.s32 v24, v35;
	v33 =	vld [tilespmem:s28+$0x70]  }
0x61d: {  	v55 =	vmov s30  }
0x61e: {  	v35 =	vshrl.u32 v55, $0x3  }
0x61f: {  	v35 =	vshll.u32 v35, v1  }
0x620: {  	v35 =	vbroadcast v35, $0x0  }
0x621: {  	[tilespmem:v54+s22+$0x0] =	vst.idx.msk $0xffff, v33  }
0x622: {  	v56 =	vadd.s32 v25, v35;
	v33 =	vld [tilespmem:s28+$0x80];
	_ =	sdelay $0x4  }
0x623: {  	[tilespmem:v56+s22+$0x0] =	vst.idx.msk $0xffff, v33  }
0x624: {  	v57 =	vadd.s32 v26, v35;
	v33 =	vld [tilespmem:s28+$0x90];
	_ =	sdelay $0x4  }
0x625: {  	[tilespmem:v57+s22+$0x0] =	vst.idx.msk $0xffff, v33  }
0x626: {  	v58 =	vadd.s32 v27, v35;
	v33 =	vld [tilespmem:s28+$0xA0];
	_ =	sdelay $0x4  }
0x627: {  	[tilespmem:v58+s22+$0x0] =	vst.idx.msk $0xffff, v33  }
0x628: {  	s31 =	simm.s32 $0x7;
	v59 =	vadd.s32 v28, v35;
	v33 =	vld [tilespmem:s28+$0xB0]  }
0x629: {  	v60 =	vmov s31  }
0x62a: {  	v35 =	vshrl.u32 v60, $0x3  }
0x62b: {  	v35 =	vshll.u32 v35, v1  }
0x62c: {  	v35 =	vbroadcast v35, $0x0  }
0x62d: {  	[tilespmem:v59+s22+$0x0] =	vst.idx.msk $0xffff, v33  }
0x62e: {  	v61 =	vadd.s32 v29, v35;
	v33 =	vld [tilespmem:s28+$0xC0];
	_ =	sdelay $0x4  }
0x62f: {  	[tilespmem:v61+s22+$0x0] =	vst.idx.msk $0xffff, v33  }
0x630: {  	v62 =	vadd.s32 v30, v35;
	v33 =	vld [tilespmem:s28+$0xD0];
	_ =	sdelay $0x4  }
0x631: {  	[tilespmem:v62+s22+$0x0] =	vst.idx.msk $0xffff, v33  }
0x632: {  	v63 =	vadd.s32 v31, v35;
	v33 =	vld [tilespmem:s28+$0xE0];
	_ =	sdelay $0x4  }
0x633: {  	[tilespmem:v63+s22+$0x0] =	vst.idx.msk $0xffff, v33  }
0x634: {  	s29 =	simm.s32 $0x8;
	v34 =	vadd.s32 v32, v35;
	v33 =	vld [tilespmem:s28+$0xF0]  }
0x635: {  	s14 =	sadd.s32 $0x3, s20;
	s20 =	simm.s32 $0x10;
	v35 =	vmov s29  }
.LBB2_9:
0x636: {  	p0 =	slt.u32 s20, $0x78;
	v35 =	vshrl.u32 v35, $0x3  }
0x637: {  	v35 =	vshll.u32 v35, v1  }
0x638: {  	v35 =	vbroadcast v35, $0x0  }
0x639: {  	s28 =	sadd.s32 $0x200, s28;
	[tilespmem:v34+s22+$0x0] =	vst.idx.msk $0xffff, v33  }
0x63a: {  	v33 =	vld [tilespmem:s28+$0xFFFFFF00];
	v34 =	vadd.s32 v0, v35;
	_ =	sdelay $0x4  }
0x63b: {  	[tilespmem:v34+s22+$0x0] =	vst.idx.msk $0xffff, v33  }
0x63c: {  	v34 =	vadd.s32 v2, v35;
	v33 =	vld [tilespmem:s28+$0xFFFFFF10];
	_ =	sdelay $0x4  }
0x63d: {  	[tilespmem:v34+s22+$0x0] =	vst.idx.msk $0xffff, v33  }
0x63e: {  	v34 =	vadd.s32 v3, v35;
	v33 =	vld [tilespmem:s28+$0xFFFFFF20];
	_ =	sdelay $0x4  }
0x63f: {  	[tilespmem:v34+s22+$0x0] =	vst.idx.msk $0xffff, v33  }
0x640: {  	s1 =	sadd.s32 $0x1, s29;
	v34 =	vadd.s32 v4, v35;
	v33 =	vld [tilespmem:s28+$0xFFFFFF30]  }
0x641: {  	v35 =	vmov s1  }
0x642: {  	v35 =	vshrl.u32 v35, $0x3  }
0x643: {  	v35 =	vshll.u32 v35, v1  }
0x644: {  	v35 =	vbroadcast v35, $0x0  }
0x645: {  	[tilespmem:v34+s22+$0x0] =	vst.idx.msk $0xffff, v33  }
0x646: {  	v34 =	vadd.s32 v5, v35;
	v33 =	vld [tilespmem:s28+$0xFFFFFF40];
	_ =	sdelay $0x4  }
0x647: {  	[tilespmem:v34+s22+$0x0] =	vst.idx.msk $0xffff, v33  }
0x648: {  	v34 =	vadd.s32 v6, v35;
	v33 =	vld [tilespmem:s28+$0xFFFFFF50];
	_ =	sdelay $0x4  }
0x649: {  	[tilespmem:v34+s22+$0x0] =	vst.idx.msk $0xffff, v33  }
0x64a: {  	v34 =	vadd.s32 v7, v35;
	v33 =	vld [tilespmem:s28+$0xFFFFFF60];
	_ =	sdelay $0x4  }
0x64b: {  	[tilespmem:v34+s22+$0x0] =	vst.idx.msk $0xffff, v33  }
0x64c: {  	s1 =	sadd.s32 $0x2, s29;
	v34 =	vadd.s32 v8, v35;
	v33 =	vld [tilespmem:s28+$0xFFFFFF70]  }
0x64d: {  	v35 =	vmov s1  }
0x64e: {  	v35 =	vshrl.u32 v35, $0x3  }
0x64f: {  	v35 =	vshll.u32 v35, v1  }
0x650: {  	v35 =	vbroadcast v35, $0x0  }
0x651: {  	[tilespmem:v34+s22+$0x0] =	vst.idx.msk $0xffff, v33  }
0x652: {  	v34 =	vadd.s32 v9, v35;
	v33 =	vld [tilespmem:s28+$0xFFFFFF80];
	_ =	sdelay $0x4  }
0x653: {  	[tilespmem:v34+s22+$0x0] =	vst.idx.msk $0xffff, v33  }
0x654: {  	v34 =	vadd.s32 v10, v35;
	v33 =	vld [tilespmem:s28+$0xFFFFFF90];
	_ =	sdelay $0x4  }
0x655: {  	[tilespmem:v34+s22+$0x0] =	vst.idx.msk $0xffff, v33  }
0x656: {  	v34 =	vadd.s32 v11, v35;
	v33 =	vld [tilespmem:s28+$0xFFFFFFA0];
	_ =	sdelay $0x4  }
0x657: {  	[tilespmem:v34+s22+$0x0] =	vst.idx.msk $0xffff, v33  }
0x658: {  	s1 =	sadd.s32 $0x3, s29;
	v34 =	vadd.s32 v12, v35;
	v33 =	vld [tilespmem:s28+$0xFFFFFFB0]  }
0x659: {  	v35 =	vmov s1  }
0x65a: {  	v35 =	vshrl.u32 v35, $0x3  }
0x65b: {  	v35 =	vshll.u32 v35, v1  }
0x65c: {  	v35 =	vbroadcast v35, $0x0  }
0x65d: {  	[tilespmem:v34+s22+$0x0] =	vst.idx.msk $0xffff, v33  }
0x65e: {  	v34 =	vadd.s32 v13, v35;
	v33 =	vld [tilespmem:s28+$0xFFFFFFC0];
	_ =	sdelay $0x4  }
0x65f: {  	[tilespmem:v34+s22+$0x0] =	vst.idx.msk $0xffff, v33  }
0x660: {  	v34 =	vadd.s32 v14, v35;
	v33 =	vld [tilespmem:s28+$0xFFFFFFD0];
	_ =	sdelay $0x4  }
0x661: {  	[tilespmem:v34+s22+$0x0] =	vst.idx.msk $0xffff, v33  }
0x662: {  	v34 =	vadd.s32 v15, v35;
	v33 =	vld [tilespmem:s28+$0xFFFFFFE0];
	_ =	sdelay $0x4  }
0x663: {  	[tilespmem:v34+s22+$0x0] =	vst.idx.msk $0xffff, v33  }
0x664: {  	s1 =	sadd.s32 $0x4, s29;
	v34 =	vadd.s32 v16, v35;
	v33 =	vld [tilespmem:s28+$0xFFFFFFF0]  }
0x665: {  	v35 =	vmov s1  }
0x666: {  	v35 =	vshrl.u32 v35, $0x3  }
0x667: {  	v35 =	vshll.u32 v35, v1  }
0x668: {  	v35 =	vbroadcast v35, $0x0  }
0x669: {  	[tilespmem:v34+s22+$0x0] =	vst.idx.msk $0xffff, v33  }
0x66a: {  	v34 =	vadd.s32 v17, v35;
	v33 =	vld [tilespmem:s28+$0x0];
	_ =	sdelay $0x4  }
0x66b: {  	[tilespmem:v34+s22+$0x0] =	vst.idx.msk $0xffff, v33  }
0x66c: {  	v34 =	vadd.s32 v18, v35;
	v33 =	vld [tilespmem:s28+$0x10];
	_ =	sdelay $0x4  }
0x66d: {  	[tilespmem:v34+s22+$0x0] =	vst.idx.msk $0xffff, v33  }
0x66e: {  	v34 =	vadd.s32 v19, v35;
	v33 =	vld [tilespmem:s28+$0x20];
	_ =	sdelay $0x4  }
0x66f: {  	[tilespmem:v34+s22+$0x0] =	vst.idx.msk $0xffff, v33  }
0x670: {  	s1 =	sadd.s32 $0x5, s29;
	v34 =	vadd.s32 v20, v35;
	v33 =	vld [tilespmem:s28+$0x30]  }
0x671: {  	v35 =	vmov s1  }
0x672: {  	v35 =	vshrl.u32 v35, $0x3  }
0x673: {  	v35 =	vshll.u32 v35, v1  }
0x674: {  	v35 =	vbroadcast v35, $0x0  }
0x675: {  	[tilespmem:v34+s22+$0x0] =	vst.idx.msk $0xffff, v33  }
0x676: {  	v34 =	vadd.s32 v21, v35;
	v33 =	vld [tilespmem:s28+$0x40];
	_ =	sdelay $0x4  }
0x677: {  	[tilespmem:v34+s22+$0x0] =	vst.idx.msk $0xffff, v33  }
0x678: {  	v34 =	vadd.s32 v22, v35;
	v33 =	vld [tilespmem:s28+$0x50];
	_ =	sdelay $0x4  }
0x679: {  	[tilespmem:v34+s22+$0x0] =	vst.idx.msk $0xffff, v33  }
0x67a: {  	v34 =	vadd.s32 v23, v35;
	v33 =	vld [tilespmem:s28+$0x60];
	_ =	sdelay $0x4  }
0x67b: {  	[tilespmem:v34+s22+$0x0] =	vst.idx.msk $0xffff, v33  }
0x67c: {  	s1 =	sadd.s32 $0x6, s29;
	v34 =	vadd.s32 v24, v35;
	v33 =	vld [tilespmem:s28+$0x70]  }
0x67d: {  	v35 =	vmov s1  }
0x67e: {  	v35 =	vshrl.u32 v35, $0x3  }
0x67f: {  	v35 =	vshll.u32 v35, v1  }
0x680: {  	v35 =	vbroadcast v35, $0x0  }
0x681: {  	[tilespmem:v34+s22+$0x0] =	vst.idx.msk $0xffff, v33  }
0x682: {  	v34 =	vadd.s32 v25, v35;
	v33 =	vld [tilespmem:s28+$0x80];
	_ =	sdelay $0x4  }
0x683: {  	[tilespmem:v34+s22+$0x0] =	vst.idx.msk $0xffff, v33  }
0x684: {  	v34 =	vadd.s32 v26, v35;
	v33 =	vld [tilespmem:s28+$0x90];
	_ =	sdelay $0x4  }
0x685: {  	[tilespmem:v34+s22+$0x0] =	vst.idx.msk $0xffff, v33  }
0x686: {  	v34 =	vadd.s32 v27, v35;
	v33 =	vld [tilespmem:s28+$0xA0];
	_ =	sdelay $0x4  }
0x687: {  	[tilespmem:v34+s22+$0x0] =	vst.idx.msk $0xffff, v33  }
0x688: {  	s1 =	sadd.s32 $0x7, s29;
	s29 =	smov.u32 s20;
	v34 =	vadd.s32 v28, v35;
	v33 =	vld [tilespmem:s28+$0xB0]  }
0x689: {  	v35 =	vmov s1  }
0x68a: {  	v35 =	vshrl.u32 v35, $0x3  }
0x68b: {  	v35 =	vshll.u32 v35, v1  }
0x68c: {  	v35 =	vbroadcast v35, $0x0  }
0x68d: {  	[tilespmem:v34+s22+$0x0] =	vst.idx.msk $0xffff, v33  }
0x68e: {  	v34 =	vadd.s32 v29, v35;
	v33 =	vld [tilespmem:s28+$0xC0];
	_ =	sdelay $0x4  }
0x68f: {  	[tilespmem:v34+s22+$0x0] =	vst.idx.msk $0xffff, v33  }
0x690: {  	v34 =	vadd.s32 v30, v35;
	v33 =	vld [tilespmem:s28+$0xD0];
	_ =	sdelay $0x4  }
0x691: {  	[tilespmem:v34+s22+$0x0] =	vst.idx.msk $0xffff, v33  }
0x692: {  	v34 =	vadd.s32 v31, v35;
	v33 =	vld [tilespmem:s28+$0xE0];
	_ =	sdelay $0x2  }
.Ltmp5:
0x693: {  	(pc) =	sbr.rel @p0 .LBB2_9-.Ltmp5, $4  }
0x694: {  	_ = 	snop  }
0x695: {  	[tilespmem:v34+s22+$0x0] =	vst.idx.msk $0xffff, v33  }
0x696: {  	v34 =	vadd.s32 v32, v35;
	v33 =	vld [tilespmem:s28+$0xF0]  }
0x697: {  	s20 =	sadd.s32 $0x8, s20;
	v35 =	vmov s29  }
0x698: {  	_ = 	snop  }
0x699: {  	v35 =	vshrl.u32 v35, $0x3  }
0x69a: {  	v35 =	vshll.u32 v35, v1  }
0x69b: {  	v35 =	vbroadcast v35, $0x0  }
0x69c: {  	s20 =	sadd.s32 $0x200, s28;
	[tilespmem:v34+s22+$0x0] =	vst.idx.msk $0xffff, v33  }
0x69d: {  	v33 =	vld [tilespmem:s20+$0xFFFFFF00];
	v53 =	vadd.s32 v0, v35;
	_ =	sdelay $0x4  }
0x69e: {  	[tilespmem:v53+s22+$0x0] =	vst.idx.msk $0xffff, v33  }
0x69f: {  	v54 =	vadd.s32 v2, v35;
	v33 =	vld [tilespmem:s20+$0xFFFFFF10];
	_ =	sdelay $0x4  }
0x6a0: {  	[tilespmem:v54+s22+$0x0] =	vst.idx.msk $0xffff, v33  }
0x6a1: {  	v55 =	vadd.s32 v3, v35;
	v33 =	vld [tilespmem:s20+$0xFFFFFF20];
	_ =	sdelay $0x4  }
0x6a2: {  	[tilespmem:v55+s22+$0x0] =	vst.idx.msk $0xffff, v33  }
0x6a3: {  	s1 =	sadd.s32 $0x1, s29;
	v56 =	vadd.s32 v4, v35;
	v33 =	vld [tilespmem:s20+$0xFFFFFF30]  }
0x6a4: {  	v57 =	vmov s1  }
0x6a5: {  	v35 =	vshrl.u32 v57, $0x3  }
0x6a6: {  	v35 =	vshll.u32 v35, v1  }
0x6a7: {  	v35 =	vbroadcast v35, $0x0  }
0x6a8: {  	[tilespmem:v56+s22+$0x0] =	vst.idx.msk $0xffff, v33  }
0x6a9: {  	v58 =	vadd.s32 v5, v35;
	v33 =	vld [tilespmem:s20+$0xFFFFFF40];
	_ =	sdelay $0x4  }
0x6aa: {  	[tilespmem:v58+s22+$0x0] =	vst.idx.msk $0xffff, v33  }
0x6ab: {  	v59 =	vadd.s32 v6, v35;
	v33 =	vld [tilespmem:s20+$0xFFFFFF50];
	_ =	sdelay $0x4  }
0x6ac: {  	[tilespmem:v59+s22+$0x0] =	vst.idx.msk $0xffff, v33  }
0x6ad: {  	v60 =	vadd.s32 v7, v35;
	v33 =	vld [tilespmem:s20+$0xFFFFFF60];
	_ =	sdelay $0x4  }
0x6ae: {  	[tilespmem:v60+s22+$0x0] =	vst.idx.msk $0xffff, v33  }
0x6af: {  	s28 =	sadd.s32 $0x2, s29;
	v61 =	vadd.s32 v8, v35;
	v33 =	vld [tilespmem:s20+$0xFFFFFF70]  }
0x6b0: {  	v62 =	vmov s28  }
0x6b1: {  	v35 =	vshrl.u32 v62, $0x3  }
0x6b2: {  	v35 =	vshll.u32 v35, v1  }
0x6b3: {  	v35 =	vbroadcast v35, $0x0  }
0x6b4: {  	[tilespmem:v61+s22+$0x0] =	vst.idx.msk $0xffff, v33  }
0x6b5: {  	v63 =	vadd.s32 v9, v35;
	v33 =	vld [tilespmem:s20+$0xFFFFFF80];
	_ =	sdelay $0x4  }
0x6b6: {  	[tilespmem:v63+s22+$0x0] =	vst.idx.msk $0xffff, v33  }
0x6b7: {  	v36 =	vadd.s32 v10, v35;
	v33 =	vld [tilespmem:s20+$0xFFFFFF90];
	_ =	sdelay $0x4  }
0x6b8: {  	[tilespmem:v36+s22+$0x0] =	vst.idx.msk $0xffff, v33  }
0x6b9: {  	v37 =	vadd.s32 v11, v35;
	v33 =	vld [tilespmem:s20+$0xFFFFFFA0];
	_ =	sdelay $0x4  }
0x6ba: {  	[tilespmem:v37+s22+$0x0] =	vst.idx.msk $0xffff, v33  }
0x6bb: {  	s30 =	sadd.s32 $0x3, s29;
	v38 =	vadd.s32 v12, v35;
	v33 =	vld [tilespmem:s20+$0xFFFFFFB0]  }
0x6bc: {  	v39 =	vmov s30  }
0x6bd: {  	v35 =	vshrl.u32 v39, $0x3  }
0x6be: {  	v35 =	vshll.u32 v35, v1  }
0x6bf: {  	v35 =	vbroadcast v35, $0x0  }
0x6c0: {  	[tilespmem:v38+s22+$0x0] =	vst.idx.msk $0xffff, v33  }
0x6c1: {  	v40 =	vadd.s32 v13, v35;
	v33 =	vld [tilespmem:s20+$0xFFFFFFC0];
	_ =	sdelay $0x4  }
0x6c2: {  	[tilespmem:v40+s22+$0x0] =	vst.idx.msk $0xffff, v33  }
0x6c3: {  	v41 =	vadd.s32 v14, v35;
	v33 =	vld [tilespmem:s20+$0xFFFFFFD0];
	_ =	sdelay $0x4  }
0x6c4: {  	[tilespmem:v41+s22+$0x0] =	vst.idx.msk $0xffff, v33  }
0x6c5: {  	v42 =	vadd.s32 v15, v35;
	v33 =	vld [tilespmem:s20+$0xFFFFFFE0];
	_ =	sdelay $0x4  }
0x6c6: {  	[tilespmem:v42+s22+$0x0] =	vst.idx.msk $0xffff, v33  }
0x6c7: {  	s31 =	sadd.s32 $0x4, s29;
	v43 =	vadd.s32 v16, v35;
	v33 =	vld [tilespmem:s20+$0xFFFFFFF0]  }
0x6c8: {  	v44 =	vmov s31  }
0x6c9: {  	v35 =	vshrl.u32 v44, $0x3  }
0x6ca: {  	v35 =	vshll.u32 v35, v1  }
0x6cb: {  	v35 =	vbroadcast v35, $0x0  }
0x6cc: {  	[tilespmem:v43+s22+$0x0] =	vst.idx.msk $0xffff, v33  }
0x6cd: {  	v45 =	vadd.s32 v17, v35;
	v33 =	vld [tilespmem:s20+$0x0];
	_ =	sdelay $0x4  }
0x6ce: {  	[tilespmem:v45+s22+$0x0] =	vst.idx.msk $0xffff, v33  }
0x6cf: {  	v46 =	vadd.s32 v18, v35;
	v33 =	vld [tilespmem:s20+$0x10];
	_ =	sdelay $0x4  }
0x6d0: {  	[tilespmem:v46+s22+$0x0] =	vst.idx.msk $0xffff, v33  }
0x6d1: {  	v47 =	vadd.s32 v19, v35;
	v33 =	vld [tilespmem:s20+$0x20];
	_ =	sdelay $0x4  }
0x6d2: {  	[tilespmem:v47+s22+$0x0] =	vst.idx.msk $0xffff, v33  }
0x6d3: {  	s28 =	sadd.s32 $0x5, s29;
	v48 =	vadd.s32 v20, v35;
	v33 =	vld [tilespmem:s20+$0x30]  }
0x6d4: {  	v49 =	vmov s28  }
0x6d5: {  	v35 =	vshrl.u32 v49, $0x3  }
0x6d6: {  	v35 =	vshll.u32 v35, v1  }
0x6d7: {  	v35 =	vbroadcast v35, $0x0  }
0x6d8: {  	[tilespmem:v48+s22+$0x0] =	vst.idx.msk $0xffff, v33  }
0x6d9: {  	v50 =	vadd.s32 v21, v35;
	v33 =	vld [tilespmem:s20+$0x40];
	_ =	sdelay $0x4  }
0x6da: {  	[tilespmem:v50+s22+$0x0] =	vst.idx.msk $0xffff, v33  }
0x6db: {  	v51 =	vadd.s32 v22, v35;
	v33 =	vld [tilespmem:s20+$0x50];
	_ =	sdelay $0x4  }
0x6dc: {  	[tilespmem:v51+s22+$0x0] =	vst.idx.msk $0xffff, v33  }
0x6dd: {  	v52 =	vadd.s32 v23, v35;
	v33 =	vld [tilespmem:s20+$0x60];
	_ =	sdelay $0x4  }
0x6de: {  	[tilespmem:v52+s22+$0x0] =	vst.idx.msk $0xffff, v33  }
0x6df: {  	s30 =	sadd.s32 $0x6, s29;
	v53 =	vadd.s32 v24, v35;
	v33 =	vld [tilespmem:s20+$0x70]  }
0x6e0: {  	v54 =	vmov s30  }
0x6e1: {  	v35 =	vshrl.u32 v54, $0x3  }
0x6e2: {  	v35 =	vshll.u32 v35, v1  }
0x6e3: {  	v35 =	vbroadcast v35, $0x0  }
0x6e4: {  	[tilespmem:v53+s22+$0x0] =	vst.idx.msk $0xffff, v33  }
0x6e5: {  	v55 =	vadd.s32 v25, v35;
	v33 =	vld [tilespmem:s20+$0x80];
	_ =	sdelay $0x4  }
0x6e6: {  	[tilespmem:v55+s22+$0x0] =	vst.idx.msk $0xffff, v33  }
0x6e7: {  	v56 =	vadd.s32 v26, v35;
	v33 =	vld [tilespmem:s20+$0x90];
	_ =	sdelay $0x4  }
0x6e8: {  	[tilespmem:v56+s22+$0x0] =	vst.idx.msk $0xffff, v33  }
0x6e9: {  	v57 =	vadd.s32 v27, v35;
	v33 =	vld [tilespmem:s20+$0xA0];
	_ =	sdelay $0x4  }
0x6ea: {  	[tilespmem:v57+s22+$0x0] =	vst.idx.msk $0xffff, v33  }
0x6eb: {  	s31 =	sadd.s32 $0x7, s29;
	v58 =	vadd.s32 v28, v35;
	v33 =	vld [tilespmem:s20+$0xB0]  }
0x6ec: {  	v59 =	vmov s31  }
0x6ed: {  	v35 =	vshrl.u32 v59, $0x3  }
0x6ee: {  	v35 =	vshll.u32 v35, v1  }
0x6ef: {  	v35 =	vbroadcast v35, $0x0  }
0x6f0: {  	[tilespmem:v58+s22+$0x0] =	vst.idx.msk $0xffff, v33  }
0x6f1: {  	v60 =	vadd.s32 v29, v35;
	v33 =	vld [tilespmem:s20+$0xC0];
	_ =	sdelay $0x4  }
0x6f2: {  	[tilespmem:v60+s22+$0x0] =	vst.idx.msk $0xffff, v33  }
0x6f3: {  	v61 =	vadd.s32 v30, v35;
	v33 =	vld [tilespmem:s20+$0xD0];
	_ =	sdelay $0x4  }
0x6f4: {  	[tilespmem:v61+s22+$0x0] =	vst.idx.msk $0xffff, v33  }
0x6f5: {  	v62 =	vadd.s32 v31, v35;
	v33 =	vld [tilespmem:s20+$0xE0];
	_ =	sdelay $0x4  }
0x6f6: {  	[tilespmem:v62+s22+$0x0] =	vst.idx.msk $0xffff, v33  }
0x6f7: {  	v63 =	vadd.s32 v32, v35;
	v33 =	vld [tilespmem:s20+$0xF0];
	_ =	sdelay $0x1  }
0x6f8: {  	s28 =	sshll.u32 s14, $0x7;
	s20 =	sshll.u32 s14, $0xA  }
0x6f9: {  	s14 =	sand.u32 $0x3F80, s28;
	s1 =	sand.u32 $0xFFE0000, s20  }
0x6fa: {  	s14 =	sor.u32 s14, s1  }
0x6fb: {  	s1 =	sadd.s32 s2, s14;
	[tilespmem:v63+s22+$0x0] =	vst.idx.msk $0xffff, v33  }
0x6fc: {  	[hbm4b:s1+s3] =	stream.linear.scatter [tilespmem:s22], [sflag:$0x8], $0x80, $0x38;
	[tilespmem:$0x1D000] =	vst v63  }
0x6fd: {  	s30 =	simm.s32 $0x1AE88;
	s29 =	sadd.s32 $0x10, s1  }
0x6fe: {  	[hbm4b:s29+s3] =	stream.linear.scatter [tilespmem:s30], [sflag:$0x8], $0x80, $0x38;
	[tilespmem:$0x1D000] =	vst v63  }
0x6ff: {  	s31 =	sadd.s32 $0x20, s1;
	s29 =	simm.s32 $0x1AF10  }
0x700: {  	[hbm4b:s31+s3] =	stream.linear.scatter [tilespmem:s29], [sflag:$0x8], $0x80, $0x38;
	[tilespmem:$0x1D000] =	vst v63  }
0x701: {  	s30 =	sadd.s32 $0x30, s1;
	s31 =	simm.s32 $0x1AF98  }
0x702: {  	[hbm4b:s30+s3] =	stream.linear.scatter [tilespmem:s31], [sflag:$0x8], $0x80, $0x38;
	[tilespmem:$0x1D000] =	vst v63  }
0x703: {  	s29 =	sadd.s32 $0x40, s1;
	s30 =	simm.s32 $0x1B020  }
0x704: {  	[hbm4b:s29+s3] =	stream.linear.scatter [tilespmem:s30], [sflag:$0x8], $0x80, $0x38;
	[tilespmem:$0x1D000] =	vst v63  }
0x705: {  	s31 =	sadd.s32 $0x50, s1;
	s29 =	simm.s32 $0x1B0A8  }
0x706: {  	[hbm4b:s31+s3] =	stream.linear.scatter [tilespmem:s29], [sflag:$0x8], $0x80, $0x38;
	[tilespmem:$0x1D000] =	vst v63  }
0x707: {  	s30 =	sadd.s32 $0x60, s1;
	s31 =	simm.s32 $0x1B130  }
0x708: {  	[hbm4b:s30+s3] =	stream.linear.scatter [tilespmem:s31], [sflag:$0x8], $0x80, $0x38;
	[tilespmem:$0x1D000] =	vst v63  }
0x709: {  	s1 =	sadd.s32 $0x70, s1;
	s29 =	simm.s32 $0x1B1B8  }
0x70a: {  	[hbm4b:s1+s3] =	stream.linear.scatter [tilespmem:s29], [sflag:$0x8], $0x80, $0x38;
	[tilespmem:$0x1D000] =	vst v63  }
0x70b: {  	s30 =	simm.s32 $0x1B240;
	s1 =	sadd.s32 s14, s7  }
0x70c: {  	[hbm4b:s1+s3] =	stream.linear.scatter [tilespmem:s30], [sflag:$0x8], $0x80, $0x38;
	[tilespmem:$0x1D000] =	vst v63  }
0x70d: {  	s29 =	simm.s32 $0x1B2C8;
	s31 =	sadd.s32 $0x10, s1  }
0x70e: {  	[hbm4b:s31+s3] =	stream.linear.scatter [tilespmem:s29], [sflag:$0x8], $0x80, $0x38;
	[tilespmem:$0x1D000] =	vst v63  }
0x70f: {  	s30 =	sadd.s32 $0x20, s1;
	s31 =	simm.s32 $0x1B350  }
0x710: {  	[hbm4b:s30+s3] =	stream.linear.scatter [tilespmem:s31], [sflag:$0x8], $0x80, $0x38;
	[tilespmem:$0x1D000] =	vst v63  }
0x711: {  	s29 =	sadd.s32 $0x30, s1;
	s30 =	simm.s32 $0x1B3D8  }
0x712: {  	[hbm4b:s29+s3] =	stream.linear.scatter [tilespmem:s30], [sflag:$0x8], $0x80, $0x38;
	[tilespmem:$0x1D000] =	vst v63  }
0x713: {  	s31 =	sadd.s32 $0x40, s1;
	s29 =	simm.s32 $0x1B460  }
0x714: {  	[hbm4b:s31+s3] =	stream.linear.scatter [tilespmem:s29], [sflag:$0x8], $0x80, $0x38;
	[tilespmem:$0x1D000] =	vst v63  }
0x715: {  	s30 =	sadd.s32 $0x50, s1;
	s31 =	simm.s32 $0x1B4E8  }
0x716: {  	[hbm4b:s30+s3] =	stream.linear.scatter [tilespmem:s31], [sflag:$0x8], $0x80, $0x38;
	[tilespmem:$0x1D000] =	vst v63  }
0x717: {  	s29 =	sadd.s32 $0x60, s1;
	s30 =	simm.s32 $0x1B570  }
0x718: {  	[hbm4b:s29+s3] =	stream.linear.scatter [tilespmem:s30], [sflag:$0x8], $0x80, $0x38;
	[tilespmem:$0x1D000] =	vst v63  }
0x719: {  	s1 =	sadd.s32 $0x70, s1;
	s31 =	simm.s32 $0x1B5F8  }
0x71a: {  	[hbm4b:s1+s3] =	stream.linear.scatter [tilespmem:s31], [sflag:$0x8], $0x80, $0x38;
	[tilespmem:$0x1D000] =	vst v63  }
0x71b: {  	s28 =	simm.s32 $0x1B680;
	s1 =	sadd.s32 s14, s8  }
0x71c: {  	[hbm4b:s1+s3] =	stream.linear.scatter [tilespmem:s28], [sflag:$0x8], $0x80, $0x38;
	[tilespmem:$0x1D000] =	vst v63  }
0x71d: {  	s30 =	simm.s32 $0x1B708;
	s29 =	sadd.s32 $0x10, s1  }
0x71e: {  	[hbm4b:s29+s3] =	stream.linear.scatter [tilespmem:s30], [sflag:$0x8], $0x80, $0x38;
	[tilespmem:$0x1D000] =	vst v63  }
0x71f: {  	s31 =	sadd.s32 $0x20, s1;
	s29 =	simm.s32 $0x1B790  }
0x720: {  	[hbm4b:s31+s3] =	stream.linear.scatter [tilespmem:s29], [sflag:$0x8], $0x80, $0x38;
	[tilespmem:$0x1D000] =	vst v63  }
0x721: {  	s30 =	sadd.s32 $0x30, s1;
	s31 =	simm.s32 $0x1B818  }
0x722: {  	[hbm4b:s30+s3] =	stream.linear.scatter [tilespmem:s31], [sflag:$0x8], $0x80, $0x38;
	[tilespmem:$0x1D000] =	vst v63  }
0x723: {  	s29 =	sadd.s32 $0x40, s1;
	s30 =	simm.s32 $0x1B8A0  }
0x724: {  	[hbm4b:s29+s3] =	stream.linear.scatter [tilespmem:s30], [sflag:$0x8], $0x80, $0x38;
	[tilespmem:$0x1D000] =	vst v63  }
0x725: {  	s31 =	sadd.s32 $0x50, s1;
	s29 =	simm.s32 $0x1B928  }
0x726: {  	[hbm4b:s31+s3] =	stream.linear.scatter [tilespmem:s29], [sflag:$0x8], $0x80, $0x38;
	[tilespmem:$0x1D000] =	vst v63  }
0x727: {  	s30 =	sadd.s32 $0x60, s1;
	s31 =	simm.s32 $0x1B9B0  }
0x728: {  	[hbm4b:s30+s3] =	stream.linear.scatter [tilespmem:s31], [sflag:$0x8], $0x80, $0x38;
	[tilespmem:$0x1D000] =	vst v63  }
0x729: {  	s28 =	simm.s32 $0x1BA38;
	s1 =	sadd.s32 $0x70, s1  }
0x72a: {  	[hbm4b:s1+s3] =	stream.linear.scatter [tilespmem:s28], [sflag:$0x8], $0x80, $0x38;
	[tilespmem:$0x1D000] =	vst v63  }
0x72b: {  	s29 =	simm.s32 $0x1BAC0;
	s1 =	sadd.s32 s14, s9  }
0x72c: {  	[hbm4b:s1+s3] =	stream.linear.scatter [tilespmem:s29], [sflag:$0x8], $0x80, $0x38;
	[tilespmem:$0x1D000] =	vst v63  }
0x72d: {  	s31 =	simm.s32 $0x1BB48;
	s30 =	sadd.s32 $0x10, s1  }
0x72e: {  	[hbm4b:s30+s3] =	stream.linear.scatter [tilespmem:s31], [sflag:$0x8], $0x80, $0x38;
	[tilespmem:$0x1D000] =	vst v63  }
0x72f: {  	s29 =	sadd.s32 $0x20, s1;
	s30 =	simm.s32 $0x1BBD0  }
0x730: {  	[hbm4b:s29+s3] =	stream.linear.scatter [tilespmem:s30], [sflag:$0x8], $0x80, $0x38;
	[tilespmem:$0x1D000] =	vst v63  }
0x731: {  	s31 =	sadd.s32 $0x30, s1;
	s29 =	simm.s32 $0x1BC58  }
0x732: {  	[hbm4b:s31+s3] =	stream.linear.scatter [tilespmem:s29], [sflag:$0x8], $0x80, $0x38;
	[tilespmem:$0x1D000] =	vst v63  }
0x733: {  	s30 =	sadd.s32 $0x40, s1;
	s31 =	simm.s32 $0x1BCE0  }
0x734: {  	[hbm4b:s30+s3] =	stream.linear.scatter [tilespmem:s31], [sflag:$0x8], $0x80, $0x38;
	[tilespmem:$0x1D000] =	vst v63  }
0x735: {  	s29 =	sadd.s32 $0x50, s1;
	s30 =	simm.s32 $0x1BD68  }
0x736: {  	[hbm4b:s29+s3] =	stream.linear.scatter [tilespmem:s30], [sflag:$0x8], $0x80, $0x38;
	[tilespmem:$0x1D000] =	vst v63  }
0x737: {  	s31 =	sadd.s32 $0x60, s1;
	s29 =	simm.s32 $0x1BDF0  }
0x738: {  	[hbm4b:s31+s3] =	stream.linear.scatter [tilespmem:s29], [sflag:$0x8], $0x80, $0x38;
	[tilespmem:$0x1D000] =	vst v63  }
0x739: {  	s1 =	sadd.s32 $0x70, s1;
	s30 =	simm.s32 $0x1BE78  }
0x73a: {  	[hbm4b:s1+s3] =	stream.linear.scatter [tilespmem:s30], [sflag:$0x8], $0x80, $0x38;
	[tilespmem:$0x1D000] =	vst v63  }
0x73b: {  	s31 =	simm.s32 $0x1BF00;
	s1 =	sadd.s32 s14, s10  }
0x73c: {  	[hbm4b:s1+s3] =	stream.linear.scatter [tilespmem:s31], [sflag:$0x8], $0x80, $0x38;
	[tilespmem:$0x1D000] =	vst v63  }
0x73d: {  	s28 =	sadd.s32 $0x10, s1  }
0x73e: {  	[hbm4b:s28+s3] =	stream.linear.scatter [tilespmem:s0], [sflag:$0x8], $0x80, $0x38;
	[tilespmem:$0x1D000] =	vst v63  }
0x73f: {  	s29 =	sadd.s32 $0x20, s1  }
0x740: {  	[hbm4b:s29+s3] =	stream.linear.scatter [tilespmem:s17], [sflag:$0x8], $0x80, $0x38;
	[tilespmem:$0x1D000] =	vst v63  }
0x741: {  	s30 =	sadd.s32 $0x30, s1  }
0x742: {  	[hbm4b:s30+s3] =	stream.linear.scatter [tilespmem:s18], [sflag:$0x8], $0x80, $0x38;
	[tilespmem:$0x1D000] =	vst v63  }
0x743: {  	s31 =	sadd.s32 $0x40, s1;
	s29 =	simm.s32 $0x1C120  }
0x744: {  	[hbm4b:s31+s3] =	stream.linear.scatter [tilespmem:s29], [sflag:$0x8], $0x80, $0x38;
	[tilespmem:$0x1D000] =	vst v63  }
0x745: {  	s30 =	sadd.s32 $0x50, s1;
	s31 =	simm.s32 $0x1C1A8  }
0x746: {  	[hbm4b:s30+s3] =	stream.linear.scatter [tilespmem:s31], [sflag:$0x8], $0x80, $0x38;
	[tilespmem:$0x1D000] =	vst v63  }
0x747: {  	s29 =	sadd.s32 $0x60, s1;
	s30 =	simm.s32 $0x1C230  }
0x748: {  	[hbm4b:s29+s3] =	stream.linear.scatter [tilespmem:s30], [sflag:$0x8], $0x80, $0x38;
	[tilespmem:$0x1D000] =	vst v63  }
0x749: {  	s1 =	sadd.s32 $0x70, s1;
	s31 =	simm.s32 $0x1C2B8  }
0x74a: {  	[hbm4b:s1+s3] =	stream.linear.scatter [tilespmem:s31], [sflag:$0x8], $0x80, $0x38;
	[tilespmem:$0x1D000] =	vst v63  }
0x74b: {  	s28 =	simm.s32 $0x1C340;
	s1 =	sadd.s32 s14, s11  }
0x74c: {  	[hbm4b:s1+s3] =	stream.linear.scatter [tilespmem:s28], [sflag:$0x8], $0x80, $0x38;
	[tilespmem:$0x1D000] =	vst v63  }
0x74d: {  	s30 =	simm.s32 $0x1C3C8;
	s29 =	sadd.s32 $0x10, s1  }
0x74e: {  	[hbm4b:s29+s3] =	stream.linear.scatter [tilespmem:s30], [sflag:$0x8], $0x80, $0x38;
	[tilespmem:$0x1D000] =	vst v63  }
0x74f: {  	s31 =	sadd.s32 $0x20, s1;
	s29 =	simm.s32 $0x1C450  }
0x750: {  	[hbm4b:s31+s3] =	stream.linear.scatter [tilespmem:s29], [sflag:$0x8], $0x80, $0x38;
	[tilespmem:$0x1D000] =	vst v63  }
0x751: {  	s30 =	sadd.s32 $0x30, s1;
	s31 =	simm.s32 $0x1C4D8  }
0x752: {  	[hbm4b:s30+s3] =	stream.linear.scatter [tilespmem:s31], [sflag:$0x8], $0x80, $0x38;
	[tilespmem:$0x1D000] =	vst v63  }
0x753: {  	s29 =	sadd.s32 $0x40, s1;
	s30 =	simm.s32 $0x1C560  }
0x754: {  	[hbm4b:s29+s3] =	stream.linear.scatter [tilespmem:s30], [sflag:$0x8], $0x80, $0x38;
	[tilespmem:$0x1D000] =	vst v63  }
0x755: {  	s31 =	sadd.s32 $0x50, s1;
	s29 =	simm.s32 $0x1C5E8  }
0x756: {  	[hbm4b:s31+s3] =	stream.linear.scatter [tilespmem:s29], [sflag:$0x8], $0x80, $0x38;
	[tilespmem:$0x1D000] =	vst v63  }
0x757: {  	s30 =	sadd.s32 $0x60, s1;
	s31 =	simm.s32 $0x1C670  }
0x758: {  	[hbm4b:s30+s3] =	stream.linear.scatter [tilespmem:s31], [sflag:$0x8], $0x80, $0x38;
	[tilespmem:$0x1D000] =	vst v63  }
0x759: {  	s1 =	sadd.s32 $0x70, s1;
	s29 =	simm.s32 $0x1C6F8  }
0x75a: {  	[hbm4b:s1+s3] =	stream.linear.scatter [tilespmem:s29], [sflag:$0x8], $0x80, $0x38;
	[tilespmem:$0x1D000] =	vst v63  }
0x75b: {  	s30 =	simm.s32 $0x1C780;
	s1 =	sadd.s32 s14, s12  }
0x75c: {  	[hbm4b:s1+s3] =	stream.linear.scatter [tilespmem:s30], [sflag:$0x8], $0x80, $0x38;
	[tilespmem:$0x1D000] =	vst v63  }
0x75d: {  	s29 =	simm.s32 $0x1C808;
	s31 =	sadd.s32 $0x10, s1  }
0x75e: {  	[hbm4b:s31+s3] =	stream.linear.scatter [tilespmem:s29], [sflag:$0x8], $0x80, $0x38;
	[tilespmem:$0x1D000] =	vst v63  }
0x75f: {  	s30 =	sadd.s32 $0x20, s1;
	s31 =	simm.s32 $0x1C890  }
0x760: {  	[hbm4b:s30+s3] =	stream.linear.scatter [tilespmem:s31], [sflag:$0x8], $0x80, $0x38;
	[tilespmem:$0x1D000] =	vst v63  }
0x761: {  	s29 =	sadd.s32 $0x30, s1;
	s30 =	simm.s32 $0x1C918  }
0x762: {  	[hbm4b:s29+s3] =	stream.linear.scatter [tilespmem:s30], [sflag:$0x8], $0x80, $0x38;
	[tilespmem:$0x1D000] =	vst v63  }
0x763: {  	s31 =	sadd.s32 $0x40, s1;
	s29 =	simm.s32 $0x1C9A0  }
0x764: {  	[hbm4b:s31+s3] =	stream.linear.scatter [tilespmem:s29], [sflag:$0x8], $0x80, $0x38;
	[tilespmem:$0x1D000] =	vst v63  }
0x765: {  	s30 =	sadd.s32 $0x50, s1;
	s31 =	simm.s32 $0x1CA28  }
0x766: {  	[hbm4b:s30+s3] =	stream.linear.scatter [tilespmem:s31], [sflag:$0x8], $0x80, $0x38;
	[tilespmem:$0x1D000] =	vst v63  }
0x767: {  	s29 =	sadd.s32 $0x60, s1;
	s30 =	simm.s32 $0x1CAB0  }
0x768: {  	[hbm4b:s29+s3] =	stream.linear.scatter [tilespmem:s30], [sflag:$0x8], $0x80, $0x38;
	[tilespmem:$0x1D000] =	vst v63  }
0x769: {  	s1 =	sadd.s32 $0x70, s1;
	s31 =	simm.s32 $0x1CB38  }
0x76a: {  	[hbm4b:s1+s3] =	stream.linear.scatter [tilespmem:s31], [sflag:$0x8], $0x80, $0x38;
	[tilespmem:$0x1D000] =	vst v63  }
0x76b: {  	s20 =	simm.s32 $0x1CBC0;
	s1 =	sadd.s32 s14, s13  }
0x76c: {  	[hbm4b:s1+s3] =	stream.linear.scatter [tilespmem:s20], [sflag:$0x8], $0x80, $0x38;
	[tilespmem:$0x1D000] =	vst v63  }
0x76d: {  	s29 =	simm.s32 $0x1CC48;
	s28 =	sadd.s32 $0x10, s1  }
0x76e: {  	[hbm4b:s28+s3] =	stream.linear.scatter [tilespmem:s29], [sflag:$0x8], $0x80, $0x38;
	[tilespmem:$0x1D000] =	vst v63  }
0x76f: {  	s31 =	simm.s32 $0x1CCD0;
	s30 =	sadd.s32 $0x20, s1  }
0x770: {  	[hbm4b:s30+s3] =	stream.linear.scatter [tilespmem:s31], [sflag:$0x8], $0x80, $0x38;
	[tilespmem:$0x1D000] =	vst v63  }
0x771: {  	s28 =	sadd.s32 $0x30, s1;
	s29 =	simm.s32 $0x1CD58  }
0x772: {  	[hbm4b:s28+s3] =	stream.linear.scatter [tilespmem:s29], [sflag:$0x8], $0x80, $0x38;
	[tilespmem:$0x1D000] =	vst v63  }
0x773: {  	s30 =	sadd.s32 $0x40, s1;
	s31 =	simm.s32 $0x1CDE0  }
0x774: {  	[hbm4b:s30+s3] =	stream.linear.scatter [tilespmem:s31], [sflag:$0x8], $0x80, $0x38;
	[tilespmem:$0x1D000] =	vst v63  }
0x775: {  	s20 =	sadd.s32 $0x50, s1;
	s28 =	simm.s32 $0x1CE68  }
0x776: {  	[hbm4b:s20+s3] =	stream.linear.scatter [tilespmem:s28], [sflag:$0x8], $0x80, $0x38;
	[tilespmem:$0x1D000] =	vst v63  }
.Ltmp6:
0x777: {  	_ = 	snop;
	(pc) =	sbr.rel @p1 .LBB2_12-.Ltmp6, $4  }
0x778: {  	s29 =	sadd.s32 $0x60, s1;
	s30 =	simm.s32 $0x1CEF0  }
0x779: {  	[hbm4b:s29+s3] =	stream.linear.scatter [tilespmem:s30], [sflag:$0x8], $0x80, $0x38;
	[tilespmem:$0x1D000] =	vst v63  }
0x77a: {  	s1 =	sadd.s32 $0x70, s1;
	s31 =	simm.s32 $0x1CF78  }
0x77b: {  	[hbm4b:s1+s3] =	stream.linear.scatter [tilespmem:s31], [sflag:$0x8], $0x80, $0x38;
	[tilespmem:$0x1D000] =	vst v63  }
.Ltmp7:
0x77c: {  	(pc) =	sbr.rel .LBB2_2-.Ltmp7, $4  }
0x77d: {  	s1 =	sshll.u32 s19, $0x9  }
0x77e: {  	s1 =	sand.u32 $0x3FFFFE00, s1  }
0x77f: {  	s14 =	simm.s32 $0x12800;
	s19 =	sadd.s32 $0x1, s19;
	s1 =	sadd.s32 $0x380, s1  }
0x780: {  	[tilespmem:s14], [sflag:$0x4] =	stream.indirect.gather [hbm4b:s4+s16], $0x40, s1, s16, $0xb8;
	[tilespmem:$0x1D000] =	vst v63  }
.LBB2_13:
0x781: {  	_ =	sfence.sel $0x180000  }
0x782: {  	[bflag:$0x0] =	sbarrier.arrive $0xFFFF  }
0x783: {  	_ =	strace $0x90000047  }
0x784: {  	s0 =	stileid.u32;
	[bflag:$0x2] =	sbarrier.arrive $0xFFFF  }
0x785: {  	p0 =	sne.s32 s0, $0x0;
	s0 =	rddreg [dreg:$0x2]  }
0x786: {  	s0 =	sadd.s32 @!p0 $0x100000, s0  }
0x787: {  	[sflag:s0] =	ssyncadd.tile.s32 @!p0 $0x1;
	_ =	shalt  }
.Lfunc_end2:
_tile_overlayer_lowered:
.L_overlay_start_2:
0x788: {  	(tag) =	ssettag $0x2  }
0x789: {  	s0 =	rddreg [dreg:$0x0];
	s2 =	stileid.u32  }
0x78a: {  	s1 =	rddreg [dreg:$0x1];
	p0 =	sne.s32 s2, $0x0  }
0x78b: {  	s3 =	rddreg [dreg:$0x2];
	[bflag:$0x3] =	sbarrier.arrive $0xFFFF;
	s2 =	simm.s32 @!p0 $0x1C09  }
0x78c: {  	[timem:s3], [sflag:s2] =	dma.local @!p0 [hbm:s0], s1  }
0x78d: {  	s0 =	simm.s32 @!p0 $0x9  }
0x78e: {  	_ =	swait.ge @!p0 [sflag:s0], s1  }
0x78f: {  	s1 =	ssub.s32 @!p0 $0x0, s1;
	[sflag:s0] =	ssyncset.done @!p0 $0x0  }
0x790: {  	[sflag:s0] =	ssyncadd.s32 @!p0 s1  }
0x791: {  	[bflag:$0x3] =	sbarrier.arrive $0xFFFF  }
0x792: {  	_ =	shalt  }

</sc_bundles>
